<compile_context>
chip_gen: v7x
topology: tpu7x:2x2x1
jax: 0.10.2.dev20260603
libtpu: 0.0.44.dev20260713+nightly
codegen_flags: <defaults>
</compile_context>

<pallas_src>
import functools
import jax
import jax.numpy as jnp
from jax import lax
from jax.experimental import pallas as pl
from jax.experimental.pallas import tpu as pltpu
from jax.experimental.pallas import tpu_sc as plsc

N_NODES = 100000
N_EDGES = 1600000
IN_CH = 128
HID = 32

GROUP = 12800
NPASS = 4
E_PAD = 1638400
PAD_N = E_PAD - N_EDGES
WIN = 2048
NDUMMY = 512
AGG_ROWS = 13312
CNT_ROWS = 102912
ROW_BLK = 2000

_MESH = plsc.VectorSubcoreMesh(core_axis_name="c", subcore_axis_name="s")



def _prep(dst_p):
    @functools.partial(
        pl.kernel,
        out_type=(
            jax.ShapeDtypeStruct((CNT_ROWS,), jnp.float32),
            jax.ShapeDtypeStruct((CNT_ROWS,), jnp.float32),
        ),
        mesh=_MESH,
        scratch_types=[
            pltpu.VMEM((WIN,), jnp.int32),
            pltpu.VMEM((WIN,), jnp.float32),
            pltpu.VMEM((6432,), jnp.float32),
            pltpu.VMEM_SHARED((CNT_ROWS,), jnp.float32),
        ],
        compiler_params=pltpu.CompilerParams(use_tc_tiling_on_sc=False, needs_layout_passes=False),
    )
    def k(dst_hbm, cnt0_hbm, cnt1_hbm, dst_v, ones_v, zc_v, cnt_sp):
        c = lax.axis_index("c")
        s = lax.axis_index("s")
        wid = c * 16 + s

        def fill(i, _):
            ones_v[pl.ds(i * 16, 16)] = jnp.full((16,), 1.0, jnp.float32)
            return 0
        lax.fori_loop(0, WIN // 16, fill, 0)

        def zz(i, _):
            zc_v[pl.ds(i * 16, 16)] = jnp.zeros((16,), jnp.float32)
            return 0
        lax.fori_loop(0, 6432 // 16, zz, 0)
        pltpu.sync_copy(zc_v, cnt_sp.at[pl.ds(s * 6432, 6432)])
        plsc.subcore_barrier()

        def win(w, _):
            base = wid * (E_PAD // 32) + w * WIN
            pltpu.sync_copy(dst_hbm.at[pl.ds(base, WIN)], dst_v)
            pltpu.sync_copy(ones_v, cnt_sp.at[dst_v], add=True)
            return 0
        lax.fori_loop(0, (E_PAD // 32) // WIN, win, 0)
        plsc.subcore_barrier()

        pltpu.sync_copy(cnt_sp.at[pl.ds(s * 6432, 6432)], zc_v)

        @pl.when(c == 0)
        def _():
            pltpu.sync_copy(zc_v, cnt0_hbm.at[pl.ds(s * 6432, 6432)])

        @pl.when(c == 1)
        def _():
            pltpu.sync_copy(zc_v, cnt1_hbm.at[pl.ds(s * 6432, 6432)])

    return k(dst_p)



def _conv(h, src_p, dst_p):
    @functools.partial(
        pl.kernel,
        out_type=jax.ShapeDtypeStruct((8 * GROUP, HID), jnp.float32),
        mesh=_MESH,
        scratch_types=[
            pltpu.VMEM((WIN,), jnp.int32),
            pltpu.VMEM((WIN,), jnp.int32),
            pltpu.VMEM((WIN,), jnp.int32),
            pltpu.VMEM((WIN,), jnp.int32),
            pltpu.VMEM((WIN, HID), jnp.float32),
            pltpu.VMEM((832, HID), jnp.float32),
            pltpu.VMEM_SHARED((AGG_ROWS, HID), jnp.float32),
            pltpu.SemaphoreType.DMA,
        ],
        compiler_params=pltpu.CompilerParams(use_tc_tiling_on_sc=False, needs_layout_passes=False),
    )
    def k(h_hbm, src_hbm, dst_hbm, agg_hbm,
          src_v, dst_v, psrc_v, pldst_v, rows_v, out_v, agg_sp, sem):
        c = lax.axis_index("c")
        s = lax.axis_index("s")
        lanes = lax.iota(jnp.int32, 16)
        pad_src = s * 128 + lanes * 8
        pad_ldst = GROUP + s * 32 + lanes

        def flush():
            pltpu.async_copy(h_hbm.at[psrc_v], rows_v, sem).wait()
            pltpu.sync_copy(rows_v, agg_sp.at[pldst_v], add=True)

        def pad_to(cnt, hi):
            m = lanes < hi - cnt
            idx = jnp.minimum(cnt + lanes, WIN - 1)
            plsc.store_scatter(psrc_v, [idx], pad_src, mask=m)
            plsc.store_scatter(pldst_v, [idx], pad_ldst, mask=m)

        for p in range(NPASS):
            qbase = (2 * p + c) * GROUP

            def z(i, _):
                out_v[i, pl.ds(0, 16)] = jnp.zeros((16,), jnp.float32)
                out_v[i, pl.ds(16, 16)] = jnp.zeros((16,), jnp.float32)
                return 0
            lax.fori_loop(0, 832, z, 0)
            pltpu.sync_copy(out_v, agg_sp.at[pl.ds(s * 832, 832)])
            plsc.subcore_barrier()

            def win(w, cnt):
                base = s * (E_PAD // 16) + w * WIN
                pltpu.sync_copy(src_hbm.at[pl.ds(base, WIN)], src_v)
                pltpu.sync_copy(dst_hbm.at[pl.ds(base, WIN)], dst_v)

                def grp(j, cnt):
                    d = dst_v[pl.ds(j * 16, 16)] - qbase
                    ok = jnp.logical_and(d >= 0, d < GROUP)
                    gc = plsc.all_reduce_population_count(ok)[0]
                    full = cnt > WIN - 16

                    @pl.when(full)
                    def _():
                        pad_to(cnt, jnp.int32(WIN))
                        flush()

                    cnt = jnp.where(full, 0, cnt)
                    sv = src_v[pl.ds(j * 16, 16)]
                    plsc.store_compressed(psrc_v.at[pl.ds(cnt, 16)], sv, mask=ok)
                    plsc.store_compressed(pldst_v.at[pl.ds(cnt, 16)], d, mask=ok)
                    return cnt + gc
                return lax.fori_loop(0, WIN // 16, grp, cnt)
            cnt = lax.fori_loop(0, (E_PAD // 16) // WIN, win, jnp.int32(0))

            def tail(i, cnt):
                pad_to(cnt, jnp.int32(WIN))
                return jnp.minimum(cnt + 16, WIN)
            lax.fori_loop(0, WIN // 16, tail, cnt)
            flush()
            plsc.subcore_barrier()

            ro = s * 800
            ob = (2 * p + c) * GROUP
            pltpu.sync_copy(agg_sp.at[pl.ds(ro, 800)],
                            out_v.at[pl.ds(0, 800)])
            pltpu.sync_copy(out_v.at[pl.ds(0, 800)],
                            agg_hbm.at[pl.ds(ob + ro, 800)])

            plsc.subcore_barrier()

    return k(h, src_p, dst_p)



def _mm_relu_body(x_ref, w_ref, b_ref, o_ref):
    o_ref[...] = jax.nn.relu(
        jnp.dot(x_ref[...], w_ref[...], preferred_element_type=jnp.float32)
        + b_ref[...]
    )


def _mm_relu(x, w, b):
    m, kk = x.shape
    n = w.shape[1]
    return pl.pallas_call(
        _mm_relu_body,
        grid=(m // ROW_BLK,),
        in_specs=[
            pl.BlockSpec((ROW_BLK, kk), lambda i: (i, 0)),
            pl.BlockSpec((kk, n), lambda i: (0, 0)),
            pl.BlockSpec((1, n), lambda i: (0, 0)),
        ],
        out_specs=pl.BlockSpec((ROW_BLK, n), lambda i: (i, 0)),
        out_shape=jax.ShapeDtypeStruct((m, n), jnp.float32),
    )(x, w, b.reshape(1, n))


def _combine_body(agg_ref, c0_ref, c1_ref, h_ref, wl_ref, wr_ref, b_ref,
                  o_ref):
    cnt = jnp.maximum(c0_ref[...] + c1_ref[...], 1.0)
    o_ref[...] = jax.nn.relu(
        jnp.dot(agg_ref[...] / cnt, wl_ref[...],
                preferred_element_type=jnp.float32)
        + jnp.dot(h_ref[...], wr_ref[...], preferred_element_type=jnp.float32)
        + b_ref[...]
    )


def _combine2_body(agg_ref, c0_ref, c1_ref, h_ref, wl_ref, wr_ref, b_ref,
                   w2_ref, b2_ref, o_ref):
    cnt = jnp.maximum(c0_ref[...] + c1_ref[...], 1.0)
    t = jax.nn.relu(
        jnp.dot(agg_ref[...] / cnt, wl_ref[...],
                preferred_element_type=jnp.float32)
        + jnp.dot(h_ref[...], wr_ref[...], preferred_element_type=jnp.float32)
        + b_ref[...]
    )
    o_ref[...] = jax.nn.relu(
        jnp.dot(t, w2_ref[...], preferred_element_type=jnp.float32)
        + b2_ref[...]
    )


def _combine(agg, c0, c1, h, wl, wr, b, w2=None, b2=None):
    m, n = h.shape
    fused = w2 is not None
    body = _combine2_body if fused else _combine_body
    specs = [
        pl.BlockSpec((ROW_BLK, n), lambda i: (i, 0)),
        pl.BlockSpec((ROW_BLK, 1), lambda i: (i, 0)),
        pl.BlockSpec((ROW_BLK, 1), lambda i: (i, 0)),
        pl.BlockSpec((ROW_BLK, n), lambda i: (i, 0)),
        pl.BlockSpec((n, n), lambda i: (0, 0)),
        pl.BlockSpec((n, n), lambda i: (0, 0)),
        pl.BlockSpec((1, n), lambda i: (0, 0)),
    ]
    args = [agg, c0, c1, h, wl, wr, b.reshape(1, n)]
    if fused:
        specs += [
            pl.BlockSpec((n, n), lambda i: (0, 0)),
            pl.BlockSpec((1, n), lambda i: (0, 0)),
        ]
        args += [w2, b2.reshape(1, n)]
    return pl.pallas_call(
        body,
        grid=(m // ROW_BLK,),
        in_specs=specs,
        out_specs=pl.BlockSpec((ROW_BLK, n), lambda i: (i, 0)),
        out_shape=jax.ShapeDtypeStruct((m, n), jnp.float32),
    )(*args)



def kernel(x, edge_index, W1, b1, W2, b2, Wl1, Wr1, bc1, Wl2, Wr2, bc2):
    src = edge_index[0].astype(jnp.int32)
    dst = edge_index[1].astype(jnp.int32)

    src_p = jnp.concatenate([src, jnp.zeros((PAD_N,), jnp.int32)])
    dst_p = jnp.concatenate(
        [dst, 8 * GROUP + (jnp.arange(PAD_N, dtype=jnp.int32) & 255)])

    cnt0, cnt1 = _prep(dst_p)
    c0 = cnt0[:N_NODES].reshape(N_NODES, 1)
    c1 = cnt1[:N_NODES].reshape(N_NODES, 1)

    h0 = _mm_relu(x, W1, b1)
    agg1 = _conv(h0, src_p, dst_p)[:N_NODES]
    h2 = _combine(agg1, c0, c1, h0, Wl1, Wr1, bc1, W2, b2)
    agg2 = _conv(h2, src_p, dst_p)[:N_NODES]
    return _combine(agg2, c0, c1, h2, Wl2, Wr2, bc2)

# --- scband reference (transcript-rebuilt; emitter-appended) ---
"""Pipeline reference for scband-hetero-node-encoder-19731079758358 (READ-ONLY COPY).

The authoritative reference and input builder live on the scoring server;
editing this copy changes nothing except your own understanding.
"""

import jax, jax.numpy as jnp
import numpy as np

N_NODES = 100000
N_EDGES = 1600000
IN_CH = 128
HID = 32


def _sage_conv(h, edge_index, Wl, Wr, b):
    # PyG-style SAGEConv with mean aggregation:
    #   out = lin_l(mean_{j in N(i)} h_j) + lin_r(h_i)
    src = edge_index[0]
    dst = edge_index[1]
    msgs = h[src]  # gather: [E, HID]
    agg = jax.ops.segment_sum(msgs, dst, num_segments=N_NODES)
    cnt = jax.ops.segment_sum(jnp.ones((msgs.shape[0], 1), dtype=h.dtype), dst, num_segments=N_NODES)
    mean = agg / jnp.maximum(cnt, 1.0)
    return mean @ Wl + h @ Wr + b


def setup_inputs(seed: int = 0) -> dict:
    key = jax.random.key(seed)
    ks = jax.random.split(key, 12)
    x = jax.random.normal(ks[0], (N_NODES, IN_CH), dtype=jnp.float32)
    edge_index = jax.random.randint(ks[1], (2, N_EDGES), 0, N_NODES, dtype=jnp.int64)
    s1 = 1.0 / np.sqrt(IN_CH)
    s2 = 1.0 / np.sqrt(HID)
    W1 = jax.random.uniform(ks[2], (IN_CH, HID), jnp.float32, -s1, s1)
    b1 = jax.random.uniform(ks[3], (HID,), jnp.float32, -s1, s1)
    W2 = jax.random.uniform(ks[4], (HID, HID), jnp.float32, -s2, s2)
    b2 = jax.random.uniform(ks[5], (HID,), jnp.float32, -s2, s2)
    Wl1 = jax.random.uniform(ks[6], (HID, HID), jnp.float32, -s2, s2)
    Wr1 = jax.random.uniform(ks[7], (HID, HID), jnp.float32, -s2, s2)
    bc1 = jax.random.uniform(ks[8], (HID,), jnp.float32, -s2, s2)
    Wl2 = jax.random.uniform(ks[9], (HID, HID), jnp.float32, -s2, s2)
    Wr2 = jax.random.uniform(ks[10], (HID, HID), jnp.float32, -s2, s2)
    bc2 = jax.random.uniform(ks[11], (HID,), jnp.float32, -s2, s2)
    return {"x": x, "edge_index": edge_index, "W1": W1, "b1": b1, "W2": W2, "b2": b2,
            "Wl1": Wl1, "Wr1": Wr1, "bc1": bc1, "Wl2": Wl2, "Wr2": Wr2, "bc2": bc2}


def reference(x, edge_index, W1, b1, W2, b2, Wl1, Wr1, bc1, Wl2, Wr2, bc2):
    h = jax.nn.relu(x @ W1 + b1)
    h = jax.nn.relu(_sage_conv(h, edge_index, Wl1, Wr1, bc1))
    h = jax.nn.relu(h @ W2 + b2)
    h = jax.nn.relu(_sage_conv(h, edge_index, Wl2, Wr2, bc2))
    return h

if __name__ == "__main__":
    import jax
    _d = setup_inputs()
    print(jax.jit(kernel)(*tuple(_d.values())))

</pallas_src>

<mosaic_0001>
#map = affine_map<(d0, d1) -> (0, 0)>
#map1 = affine_map<(d0, d1) -> (0)>
module attributes {stable_mosaic.version = 14 : i64} {
  func.func @k(%arg0: i32, %arg1: i32, %arg2: memref<100000x32xf32, #tpu.memory_space<hbm>>, %arg3: memref<1638400xi32, #tpu.memory_space<hbm>>, %arg4: memref<1638400xi32, #tpu.memory_space<hbm>>, %arg5: memref<102400x32xf32, #tpu.memory_space<hbm>>, %arg6: memref<2048xi32, #tpu.memory_space<vmem>>, %arg7: memref<2048xi32, #tpu.memory_space<vmem>>, %arg8: memref<2048xi32, #tpu.memory_space<vmem>>, %arg9: memref<2048xi32, #tpu.memory_space<vmem>>, %arg10: memref<2048x32xf32, #tpu.memory_space<vmem>>, %arg11: memref<832x32xf32, #tpu.memory_space<vmem>>, %arg12: memref<13312x32xf32, #tpu.memory_space<vmem_shared>>, %arg13: memref<!tpu.dma_semaphore, #tpu.memory_space<semaphore_mem>>) attributes {dimension_semantics = [#tpu.dimension_semantics<core_parallel>, #tpu.dimension_semantics<subcore_parallel>], iteration_bounds = array<i64: 2, 16>, scalar_prefetch = 0 : i64, scratch_operands = 8 : i64, tpu.core_type = #tpu.core_type<sc_vector_subcore>, window_params = [{transform_indices = #map}, {transform_indices = #map1}, {transform_indices = #map1}, {transform_indices = #map}]} {
    %iota3A = tpu.iota {dimensions = array<i32: 0>} : vector<16xi32>
    %mul3A = arith.constant 128 : i32
    %mul3A_0 = arith.muli %arg1, %mul3A : i32
    %mul3A_1 = arith.constant 8 : i32
    %mul3A_2 = vector.broadcast %mul3A_1 : i32 to vector<16xi32>
    %mul3A_3 = arith.muli %iota3A, %mul3A_2 : vector<16xi32>
    %add3A = vector.broadcast %mul3A_0 : i32 to vector<16xi32>
    %add3A_4 = arith.addi %add3A, %mul3A_3 : vector<16xi32>
    %mul3A_5 = arith.constant 32 : i32
    %mul3A_6 = arith.muli %arg1, %mul3A_5 : i32
    %add3A_7 = arith.constant 12800 : i32
    %add3A_8 = arith.addi %add3A_7, %mul3A_6 : i32
    %add3A_9 = vector.broadcast %add3A_8 : i32 to vector<16xi32>
    %add3A_10 = arith.addi %add3A_9, %iota3A : vector<16xi32>
    %add3A_11 = arith.constant 0 : i32
    %add3A_12 = arith.addi %add3A_11, %arg0 : i32
    %mul3A_13 = arith.constant 12800 : i32
    %mul3A_14 = arith.muli %add3A_12, %mul3A_13 : i32
    %scan3A = arith.constant 0 : i32
    %scan3A_15 = arith.constant 0 : i32
    %scan3A_16 = arith.constant 832 : i32
    %scan3A_17 = arith.addi %scan3A_15, %scan3A_16 : i32
    %scan3A_18 = arith.constant 1 : i32
    %scan3A_19 = scf.for %scan3A_175 = %scan3A_15 to %scan3A_17 step %scan3A_18 iter_args(%scan3A_176 = %scan3A) -> (i32)  : i32 {
      %broadcast_in_dim3A = arith.constant 0.000000e+00 : f32
      %broadcast_in_dim3A_177 = vector.broadcast %broadcast_in_dim3A : f32 to vector<16xf32>
      %swap3A = arith.index_cast %scan3A_175 : i32 to index
      %swap3A_178 = arith.constant 0 : index
      %swap3A_179 = tpu.vector_load %arg11[%swap3A, %swap3A_178] {strides = array<i32>} : memref<832x32xf32, #tpu.memory_space<vmem>>, vector<16xf32>,
      tpu.vector_store %arg11[%swap3A, %swap3A_178], %broadcast_in_dim3A_177 {strides = array<i32>} : memref<832x32xf32, #tpu.memory_space<vmem>>, vector<16xf32>,
      %broadcast_in_dim3A_180 = arith.constant 0.000000e+00 : f32
      %broadcast_in_dim3A_181 = vector.broadcast %broadcast_in_dim3A_180 : f32 to vector<16xf32>
      %swap3A_182 = arith.index_cast %scan3A_175 : i32 to index
      %swap3A_183 = arith.constant 16 : index
      %swap3A_184 = tpu.vector_load %arg11[%swap3A_182, %swap3A_183] {strides = array<i32>} : memref<832x32xf32, #tpu.memory_space<vmem>>, vector<16xf32>,
      tpu.vector_store %arg11[%swap3A_182, %swap3A_183], %broadcast_in_dim3A_181 {strides = array<i32>} : memref<832x32xf32, #tpu.memory_space<vmem>>, vector<16xf32>,
      %scan3A_185 = arith.constant 0 : i32
      scf.yield %scan3A_185 : i32
    }
    %scan3A_20 = arith.constant 832 : i32
    %mul3A_21 = arith.constant 832 : i32
    %mul3A_22 = arith.muli %arg1, %mul3A_21 : i32
    "tpu.region"() ({
      %run_scoped3A = tpu.sem_alloc : memref<!tpu.dma_semaphore, #tpu.memory_space<semaphore_mem>>
      %dma_start3A_175 = arith.constant 0 : i32
      %dma_start3A_176 = tpu.memref_slice %arg12[%mul3A_22, %dma_start3A_175] : memref<13312x32xf32, #tpu.memory_space<vmem_shared>> -> memref<832x32xf32, #tpu.memory_space<vmem_shared>>
      %dma_start3A_177 = arith.constant 0 : i32
      %dma_start3A_178 = tpu.memref_slice %arg12[%mul3A_22, %dma_start3A_177] : memref<13312x32xf32, #tpu.memory_space<vmem_shared>> -> memref<832x32xf32, #tpu.memory_space<vmem_shared>>
      tpu.enqueue_dma source(%arg11 : memref<832x32xf32, #tpu.memory_space<vmem>>) target(%dma_start3A_178 : memref<832x32xf32, #tpu.memory_space<vmem_shared>>) target_semaphore(%run_scoped3A : memref<!tpu.dma_semaphore, #tpu.memory_space<semaphore_mem>>)
      %dma_wait3A_179 = arith.constant 0 : i32
      %dma_wait3A_180 = tpu.memref_slice %arg12[%mul3A_22, %dma_wait3A_179] : memref<13312x32xf32, #tpu.memory_space<vmem_shared>> -> memref<832x32xf32, #tpu.memory_space<vmem_shared>>
      %dma_wait3A_181 = arith.constant 0 : i32
      %dma_wait3A_182 = tpu.memref_slice %arg12[%mul3A_22, %dma_wait3A_181] : memref<13312x32xf32, #tpu.memory_space<vmem_shared>> -> memref<832x32xf32, #tpu.memory_space<vmem_shared>>
      tpu.wait_dma2 semaphore(%run_scoped3A : memref<!tpu.dma_semaphore, #tpu.memory_space<semaphore_mem>>) src(%arg11 : memref<832x32xf32, #tpu.memory_space<vmem>>) dst(%dma_wait3A_182 : memref<832x32xf32, #tpu.memory_space<vmem_shared>>)
      tpu.yield
    }) : () -> ()
    %barrier3A = arith.constant 0 : index
    tpu.barrier barrier_id(%barrier3A)
    %scan3A_23 = arith.constant 0 : i32
    %scan3A_24 = arith.constant 0 : i32
    %scan3A_25 = arith.constant 50 : i32
    %scan3A_26 = arith.addi %scan3A_24, %scan3A_25 : i32
    %scan3A_27 = arith.constant 1 : i32
    %scan3A_28 = scf.for %scan3A_175 = %scan3A_24 to %scan3A_26 step %scan3A_27 iter_args(%scan3A_176 = %scan3A_23) -> (i32)  : i32 {
      %mul3A_177 = arith.constant 102400 : i32
      %mul3A_178 = arith.muli %arg1, %mul3A_177 : i32
      %mul3A_179 = arith.constant 2048 : i32
      %mul3A_180 = arith.muli %scan3A_175, %mul3A_179 : i32
      %add3A_181 = arith.addi %mul3A_178, %mul3A_180 : i32
      "tpu.region"() ({
        %run_scoped3A = tpu.sem_alloc : memref<!tpu.dma_semaphore, #tpu.memory_space<semaphore_mem>>
        %dma_start3A_188 = tpu.memref_slice %arg3[%add3A_181] : memref<1638400xi32, #tpu.memory_space<hbm>> -> memref<2048xi32, #tpu.memory_space<hbm>>
        %dma_start3A_189 = tpu.memref_slice %arg3[%add3A_181] : memref<1638400xi32, #tpu.memory_space<hbm>> -> memref<2048xi32, #tpu.memory_space<hbm>>
        tpu.enqueue_dma source(%dma_start3A_189 : memref<2048xi32, #tpu.memory_space<hbm>>) target(%arg6 : memref<2048xi32, #tpu.memory_space<vmem>>) target_semaphore(%run_scoped3A : memref<!tpu.dma_semaphore, #tpu.memory_space<semaphore_mem>>)
        %dma_wait3A_190 = tpu.memref_slice %arg3[%add3A_181] : memref<1638400xi32, #tpu.memory_space<hbm>> -> memref<2048xi32, #tpu.memory_space<hbm>>
        %dma_wait3A_191 = tpu.memref_slice %arg3[%add3A_181] : memref<1638400xi32, #tpu.memory_space<hbm>> -> memref<2048xi32, #tpu.memory_space<hbm>>
        tpu.wait_dma2 semaphore(%run_scoped3A : memref<!tpu.dma_semaphore, #tpu.memory_space<semaphore_mem>>) src(%dma_wait3A_191 : memref<2048xi32, #tpu.memory_space<hbm>>) dst(%arg6 : memref<2048xi32, #tpu.memory_space<vmem>>)
        tpu.yield
      }) : () -> ()
      "tpu.region"() ({
        %run_scoped3A = tpu.sem_alloc : memref<!tpu.dma_semaphore, #tpu.memory_space<semaphore_mem>>
        %dma_start3A_188 = tpu.memref_slice %arg4[%add3A_181] : memref<1638400xi32, #tpu.memory_space<hbm>> -> memref<2048xi32, #tpu.memory_space<hbm>>
        %dma_start3A_189 = tpu.memref_slice %arg4[%add3A_181] : memref<1638400xi32, #tpu.memory_space<hbm>> -> memref<2048xi32, #tpu.memory_space<hbm>>
        tpu.enqueue_dma source(%dma_start3A_189 : memref<2048xi32, #tpu.memory_space<hbm>>) target(%arg7 : memref<2048xi32, #tpu.memory_space<vmem>>) target_semaphore(%run_scoped3A : memref<!tpu.dma_semaphore, #tpu.memory_space<semaphore_mem>>)
        %dma_wait3A_190 = tpu.memref_slice %arg4[%add3A_181] : memref<1638400xi32, #tpu.memory_space<hbm>> -> memref<2048xi32, #tpu.memory_space<hbm>>
        %dma_wait3A_191 = tpu.memref_slice %arg4[%add3A_181] : memref<1638400xi32, #tpu.memory_space<hbm>> -> memref<2048xi32, #tpu.memory_space<hbm>>
        tpu.wait_dma2 semaphore(%run_scoped3A : memref<!tpu.dma_semaphore, #tpu.memory_space<semaphore_mem>>) src(%dma_wait3A_191 : memref<2048xi32, #tpu.memory_space<hbm>>) dst(%arg7 : memref<2048xi32, #tpu.memory_space<vmem>>)
        tpu.yield
      }) : () -> ()
      %scan3A_182 = arith.constant 0 : i32
      %scan3A_183 = arith.constant 128 : i32
      %scan3A_184 = arith.addi %scan3A_182, %scan3A_183 : i32
      %scan3A_185 = arith.constant 1 : i32
      %scan3A_186 = scf.for %scan3A_188 = %scan3A_182 to %scan3A_184 step %scan3A_185 iter_args(%scan3A_189 = %scan3A_176) -> (i32)  : i32 {
        %mul3A_190 = arith.constant 16 : i32
        %mul3A_191 = arith.muli %scan3A_188, %mul3A_190 : i32
        %get3A = arith.index_cast %mul3A_191 : i32 to index
        %get3A_192 = tpu.vector_load %arg7[%get3A] {strides = array<i32>} : memref<2048xi32, #tpu.memory_space<vmem>>, vector<16xi32>,
        %sub3A = vector.broadcast %mul3A_14 : i32 to vector<16xi32>
        %sub3A_193 = arith.subi %get3A_192, %sub3A : vector<16xi32>
        %ge3A = arith.constant 0 : i32
        %ge3A_194 = vector.broadcast %ge3A : i32 to vector<16xi32>
        %ge3A_195 = arith.cmpi sge, %sub3A_193, %ge3A_194 : vector<16xi32>
        %lt3A = arith.constant 12800 : i32
        %lt3A_196 = vector.broadcast %lt3A : i32 to vector<16xi32>
        %lt3A_197 = arith.cmpi slt, %sub3A_193, %lt3A_196 : vector<16xi32>
        %and3A = arith.andi %ge3A_195, %lt3A_197 : vector<16xi1>
        %all_reduce_population_count3A = tpu.all_reduce %and3A {dim = 0 : i64, kind = #tpu.reduction_kind<sum>} : vector<16xi1> -> vector<16xi32>
        %slice3A = vector.extract_strided_slice %all_reduce_population_count3A {offsets = [0], sizes = [1], strides = [1]} : vector<16xi32> to vector<1xi32>
        %squeeze3A = vector.extract %slice3A[0] : i32 from vector<1xi32>
        %gt3A = arith.constant 2032 : i32
        %gt3A_198 = arith.cmpi sgt, %scan3A_189, %gt3A : i32
        %convert_element_type3A = arith.extui %gt3A_198 : i1 to i32
        %cond3A = arith.constant 0 : i32
        %cond3A_199 = arith.cmpi ne, %convert_element_type3A, %cond3A : i32
        scf.if %cond3A_199 {
          %sub3A_208 = arith.constant 2048 : i32
          %sub3A_209 = arith.subi %sub3A_208, %scan3A_189 : i32
          %lt3A_210 = vector.broadcast %sub3A_209 : i32 to vector<16xi32>
          %lt3A_211 = arith.cmpi slt, %iota3A, %lt3A_210 : vector<16xi32>
          %add3A_212 = vector.broadcast %scan3A_189 : i32 to vector<16xi32>
          %add3A_213 = arith.addi %add3A_212, %iota3A : vector<16xi32>
          %min3A = arith.constant 2047 : i32
          %min3A_214 = vector.broadcast %min3A : i32 to vector<16xi32>
          %min3A_215 = arith.minsi %add3A_213, %min3A_214 : vector<16xi32>
          tpu.vector_store_idx %arg8[%min3A_215], %add3A_4 masked %lt3A_211 : memref<2048xi32, #tpu.memory_space<vmem>>[vector<16xi32>], vector<16xi32>, vector<16xi1>
          tpu.vector_store_idx %arg9[%min3A_215], %add3A_10 masked %lt3A_211 : memref<2048xi32, #tpu.memory_space<vmem>>[vector<16xi32>], vector<16xi32>, vector<16xi1>
          %dma_start3A_216 = arith.constant 0 : i32
          %dma_start3A_217 = arith.constant 0 : i32
          %dma_start3A_218 = tpu.memref_slice %arg2[%dma_start3A_216, %dma_start3A_217] : memref<100000x32xf32, #tpu.memory_space<hbm>> -> memref<100000x32xf32, #tpu.memory_space<hbm>>
          tpu.enqueue_indirect_dma source(%dma_start3A_218 : memref<100000x32xf32, #tpu.memory_space<hbm>>) target(%arg10 : memref<2048x32xf32, #tpu.memory_space<vmem>>) offsets(%arg8 : memref<2048xi32, #tpu.memory_space<vmem>>) semaphore(%arg13 : memref<!tpu.dma_semaphore, #tpu.memory_space<semaphore_mem>>)
          %dma_wait3A_219 = arith.constant 0 : i32
          %dma_wait3A_220 = arith.constant 0 : i32
          %dma_wait3A_221 = tpu.memref_slice %arg2[%dma_wait3A_219, %dma_wait3A_220] : memref<100000x32xf32, #tpu.memory_space<hbm>> -> memref<100000x32xf32, #tpu.memory_space<hbm>>
          tpu.wait_indirect_dma semaphore(%arg13 : memref<!tpu.dma_semaphore, #tpu.memory_space<semaphore_mem>>) src(%dma_wait3A_221 : memref<100000x32xf32, #tpu.memory_space<hbm>>) dst(%arg10 : memref<2048x32xf32, #tpu.memory_space<vmem>>)
          "tpu.region"() ({
            %run_scoped3A = tpu.sem_alloc : memref<!tpu.dma_semaphore, #tpu.memory_space<semaphore_mem>>
            %dma_start3A_222 = arith.constant 0 : i32
            %dma_start3A_223 = arith.constant 0 : i32
            %dma_start3A_224 = tpu.memref_slice %arg12[%dma_start3A_222, %dma_start3A_223] : memref<13312x32xf32, #tpu.memory_space<vmem_shared>> -> memref<13312x32xf32, #tpu.memory_space<vmem_shared>>
            tpu.enqueue_indirect_dma source(%arg10 : memref<2048x32xf32, #tpu.memory_space<vmem>>) target(%dma_start3A_224 : memref<13312x32xf32, #tpu.memory_space<vmem_shared>>) offsets(%arg9 : memref<2048xi32, #tpu.memory_space<vmem>>) semaphore(%run_scoped3A : memref<!tpu.dma_semaphore, #tpu.memory_space<semaphore_mem>>) {add = true}
            %dma_wait3A_225 = arith.constant 0 : i32
            %dma_wait3A_226 = arith.constant 0 : i32
            %dma_wait3A_227 = tpu.memref_slice %arg12[%dma_wait3A_225, %dma_wait3A_226] : memref<13312x32xf32, #tpu.memory_space<vmem_shared>> -> memref<13312x32xf32, #tpu.memory_space<vmem_shared>>
            tpu.wait_indirect_dma semaphore(%run_scoped3A : memref<!tpu.dma_semaphore, #tpu.memory_space<semaphore_mem>>) src(%arg10 : memref<2048x32xf32, #tpu.memory_space<vmem>>) dst(%dma_wait3A_227 : memref<13312x32xf32, #tpu.memory_space<vmem_shared>>)
            tpu.yield
          }) : () -> ()
        } else {
        }
        %jit3A = arith.constant 0 : i32
        %select_n3A = arith.select %gt3A_198, %jit3A, %scan3A_189 : i32
        %mul3A_200 = arith.constant 16 : i32
        %mul3A_201 = arith.muli %scan3A_188, %mul3A_200 : i32
        %get3A_202 = arith.index_cast %mul3A_201 : i32 to index
        %get3A_203 = tpu.vector_load %arg6[%get3A_202] {strides = array<i32>} : memref<2048xi32, #tpu.memory_space<vmem>>, vector<16xi32>,
        %swap3A = arith.index_cast %select_n3A : i32 to index
        %swap3A_204 = tpu.vector_load %arg8[%swap3A] masked %and3A {strides = array<i32>} : memref<2048xi32, #tpu.memory_space<vmem>>, vector<16xi32>, vector<16xi1>
        tpu.vector_store %arg8[%swap3A], %get3A_203 masked %and3A {strides = array<i32>} : memref<2048xi32, #tpu.memory_space<vmem>>, vector<16xi32>, vector<16xi1>
        %swap3A_205 = arith.index_cast %select_n3A : i32 to index
        %swap3A_206 = tpu.vector_load %arg9[%swap3A_205] masked %and3A {strides = array<i32>} : memref<2048xi32, #tpu.memory_space<vmem>>, vector<16xi32>, vector<16xi1>
        tpu.vector_store %arg9[%swap3A_205], %sub3A_193 masked %and3A {strides = array<i32>} : memref<2048xi32, #tpu.memory_space<vmem>>, vector<16xi32>, vector<16xi1>
        %add3A_207 = arith.addi %select_n3A, %squeeze3A : i32
        scf.yield %add3A_207 : i32
      }
      %scan3A_187 = arith.constant 128 : i32
      scf.yield %scan3A_186 : i32
    }
    %scan3A_29 = arith.constant 50 : i32
    %scan3A_30 = arith.constant 0 : i32
    %scan3A_31 = arith.constant 128 : i32
    %scan3A_32 = arith.addi %scan3A_30, %scan3A_31 : i32
    %scan3A_33 = arith.constant 1 : i32
    %scan3A_34 = scf.for %scan3A_175 = %scan3A_30 to %scan3A_32 step %scan3A_33 iter_args(%scan3A_176 = %scan3A_28) -> (i32)  : i32 {
      %sub3A = arith.constant 2048 : i32
      %sub3A_177 = arith.subi %sub3A, %scan3A_176 : i32
      %lt3A = vector.broadcast %sub3A_177 : i32 to vector<16xi32>
      %lt3A_178 = arith.cmpi slt, %iota3A, %lt3A : vector<16xi32>
      %add3A_179 = vector.broadcast %scan3A_176 : i32 to vector<16xi32>
      %add3A_180 = arith.addi %add3A_179, %iota3A : vector<16xi32>
      %min3A = arith.constant 2047 : i32
      %min3A_181 = vector.broadcast %min3A : i32 to vector<16xi32>
      %min3A_182 = arith.minsi %add3A_180, %min3A_181 : vector<16xi32>
      tpu.vector_store_idx %arg8[%min3A_182], %add3A_4 masked %lt3A_178 : memref<2048xi32, #tpu.memory_space<vmem>>[vector<16xi32>], vector<16xi32>, vector<16xi1>
      tpu.vector_store_idx %arg9[%min3A_182], %add3A_10 masked %lt3A_178 : memref<2048xi32, #tpu.memory_space<vmem>>[vector<16xi32>], vector<16xi32>, vector<16xi1>
      %add3A_183 = arith.constant 16 : i32
      %add3A_184 = arith.addi %scan3A_176, %add3A_183 : i32
      %min3A_185 = arith.constant 2048 : i32
      %min3A_186 = arith.minsi %add3A_184, %min3A_185 : i32
      scf.yield %min3A_186 : i32
    }
    %scan3A_35 = arith.constant 128 : i32
    %dma_start3A = arith.constant 0 : i32
    %dma_start3A_36 = arith.constant 0 : i32
    %dma_start3A_37 = tpu.memref_slice %arg2[%dma_start3A, %dma_start3A_36] : memref<100000x32xf32, #tpu.memory_space<hbm>> -> memref<100000x32xf32, #tpu.memory_space<hbm>>
    tpu.enqueue_indirect_dma source(%dma_start3A_37 : memref<100000x32xf32, #tpu.memory_space<hbm>>) target(%arg10 : memref<2048x32xf32, #tpu.memory_space<vmem>>) offsets(%arg8 : memref<2048xi32, #tpu.memory_space<vmem>>) semaphore(%arg13 : memref<!tpu.dma_semaphore, #tpu.memory_space<semaphore_mem>>)
    %dma_wait3A = arith.constant 0 : i32
    %dma_wait3A_38 = arith.constant 0 : i32
    %dma_wait3A_39 = tpu.memref_slice %arg2[%dma_wait3A, %dma_wait3A_38] : memref<100000x32xf32, #tpu.memory_space<hbm>> -> memref<100000x32xf32, #tpu.memory_space<hbm>>
    tpu.wait_indirect_dma semaphore(%arg13 : memref<!tpu.dma_semaphore, #tpu.memory_space<semaphore_mem>>) src(%dma_wait3A_39 : memref<100000x32xf32, #tpu.memory_space<hbm>>) dst(%arg10 : memref<2048x32xf32, #tpu.memory_space<vmem>>)
    "tpu.region"() ({
      %run_scoped3A = tpu.sem_alloc : memref<!tpu.dma_semaphore, #tpu.memory_space<semaphore_mem>>
      %dma_start3A_175 = arith.constant 0 : i32
      %dma_start3A_176 = arith.constant 0 : i32
      %dma_start3A_177 = tpu.memref_slice %arg12[%dma_start3A_175, %dma_start3A_176] : memref<13312x32xf32, #tpu.memory_space<vmem_shared>> -> memref<13312x32xf32, #tpu.memory_space<vmem_shared>>
      tpu.enqueue_indirect_dma source(%arg10 : memref<2048x32xf32, #tpu.memory_space<vmem>>) target(%dma_start3A_177 : memref<13312x32xf32, #tpu.memory_space<vmem_shared>>) offsets(%arg9 : memref<2048xi32, #tpu.memory_space<vmem>>) semaphore(%run_scoped3A : memref<!tpu.dma_semaphore, #tpu.memory_space<semaphore_mem>>) {add = true}
      %dma_wait3A_178 = arith.constant 0 : i32
      %dma_wait3A_179 = arith.constant 0 : i32
      %dma_wait3A_180 = tpu.memref_slice %arg12[%dma_wait3A_178, %dma_wait3A_179] : memref<13312x32xf32, #tpu.memory_space<vmem_shared>> -> memref<13312x32xf32, #tpu.memory_space<vmem_shared>>
      tpu.wait_indirect_dma semaphore(%run_scoped3A : memref<!tpu.dma_semaphore, #tpu.memory_space<semaphore_mem>>) src(%arg10 : memref<2048x32xf32, #tpu.memory_space<vmem>>) dst(%dma_wait3A_180 : memref<13312x32xf32, #tpu.memory_space<vmem_shared>>)
      tpu.yield
    }) : () -> ()
    %barrier3A_40 = arith.constant 0 : index
    tpu.barrier barrier_id(%barrier3A_40)
    %mul3A_41 = arith.constant 800 : i32
    %mul3A_42 = arith.muli %arg1, %mul3A_41 : i32
    %add3A_43 = arith.constant 0 : i32
    %add3A_44 = arith.addi %add3A_43, %arg0 : i32
    %mul3A_45 = arith.constant 12800 : i32
    %mul3A_46 = arith.muli %add3A_44, %mul3A_45 : i32
    "tpu.region"() ({
      %run_scoped3A = tpu.sem_alloc : memref<!tpu.dma_semaphore, #tpu.memory_space<semaphore_mem>>
      %dma_start3A_175 = arith.constant 0 : i32
      %dma_start3A_176 = arith.constant 0 : i32
      %dma_start3A_177 = tpu.memref_slice %arg11[%dma_start3A_175, %dma_start3A_176] : memref<832x32xf32, #tpu.memory_space<vmem>> -> memref<800x32xf32, #tpu.memory_space<vmem>>
      %dma_start3A_178 = arith.constant 0 : i32
      %dma_start3A_179 = tpu.memref_slice %arg12[%mul3A_42, %dma_start3A_178] : memref<13312x32xf32, #tpu.memory_space<vmem_shared>> -> memref<800x32xf32, #tpu.memory_space<vmem_shared>>
      %dma_start3A_180 = arith.constant 0 : i32
      %dma_start3A_181 = arith.constant 0 : i32
      %dma_start3A_182 = tpu.memref_slice %arg11[%dma_start3A_180, %dma_start3A_181] : memref<832x32xf32, #tpu.memory_space<vmem>> -> memref<800x32xf32, #tpu.memory_space<vmem>>
      %dma_start3A_183 = arith.constant 0 : i32
      %dma_start3A_184 = tpu.memref_slice %arg12[%mul3A_42, %dma_start3A_183] : memref<13312x32xf32, #tpu.memory_space<vmem_shared>> -> memref<800x32xf32, #tpu.memory_space<vmem_shared>>
      tpu.enqueue_dma source(%dma_start3A_184 : memref<800x32xf32, #tpu.memory_space<vmem_shared>>) target(%dma_start3A_182 : memref<800x32xf32, #tpu.memory_space<vmem>>) target_semaphore(%run_scoped3A : memref<!tpu.dma_semaphore, #tpu.memory_space<semaphore_mem>>)
      %dma_wait3A_185 = arith.constant 0 : i32
      %dma_wait3A_186 = arith.constant 0 : i32
      %dma_wait3A_187 = tpu.memref_slice %arg11[%dma_wait3A_185, %dma_wait3A_186] : memref<832x32xf32, #tpu.memory_space<vmem>> -> memref<800x32xf32, #tpu.memory_space<vmem>>
      %dma_wait3A_188 = arith.constant 0 : i32
      %dma_wait3A_189 = tpu.memref_slice %arg12[%mul3A_42, %dma_wait3A_188] : memref<13312x32xf32, #tpu.memory_space<vmem_shared>> -> memref<800x32xf32, #tpu.memory_space<vmem_shared>>
      %dma_wait3A_190 = arith.constant 0 : i32
      %dma_wait3A_191 = arith.constant 0 : i32
      %dma_wait3A_192 = tpu.memref_slice %arg11[%dma_wait3A_190, %dma_wait3A_191] : memref<832x32xf32, #tpu.memory_space<vmem>> -> memref<800x32xf32, #tpu.memory_space<vmem>>
      %dma_wait3A_193 = arith.constant 0 : i32
      %dma_wait3A_194 = tpu.memref_slice %arg12[%mul3A_42, %dma_wait3A_193] : memref<13312x32xf32, #tpu.memory_space<vmem_shared>> -> memref<800x32xf32, #tpu.memory_space<vmem_shared>>
      tpu.wait_dma2 semaphore(%run_scoped3A : memref<!tpu.dma_semaphore, #tpu.memory_space<semaphore_mem>>) src(%dma_wait3A_194 : memref<800x32xf32, #tpu.memory_space<vmem_shared>>) dst(%dma_wait3A_192 : memref<800x32xf32, #tpu.memory_space<vmem>>)
      tpu.yield
    }) : () -> ()
    %add3A_47 = arith.addi %mul3A_46, %mul3A_42 : i32
    "tpu.region"() ({
      %run_scoped3A = tpu.sem_alloc : memref<!tpu.dma_semaphore, #tpu.memory_space<semaphore_mem>>
      %dma_start3A_175 = arith.constant 0 : i32
      %dma_start3A_176 = arith.constant 0 : i32
      %dma_start3A_177 = tpu.memref_slice %arg11[%dma_start3A_175, %dma_start3A_176] : memref<832x32xf32, #tpu.memory_space<vmem>> -> memref<800x32xf32, #tpu.memory_space<vmem>>
      %dma_start3A_178 = arith.constant 0 : i32
      %dma_start3A_179 = tpu.memref_slice %arg5[%add3A_47, %dma_start3A_178] : memref<102400x32xf32, #tpu.memory_space<hbm>> -> memref<800x32xf32, #tpu.memory_space<hbm>>
      %dma_start3A_180 = arith.constant 0 : i32
      %dma_start3A_181 = tpu.memref_slice %arg5[%add3A_47, %dma_start3A_180] : memref<102400x32xf32, #tpu.memory_space<hbm>> -> memref<800x32xf32, #tpu.memory_space<hbm>>
      %dma_start3A_182 = arith.constant 0 : i32
      %dma_start3A_183 = arith.constant 0 : i32
      %dma_start3A_184 = tpu.memref_slice %arg11[%dma_start3A_182, %dma_start3A_183] : memref<832x32xf32, #tpu.memory_space<vmem>> -> memref<800x32xf32, #tpu.memory_space<vmem>>
      tpu.enqueue_dma source(%dma_start3A_184 : memref<800x32xf32, #tpu.memory_space<vmem>>) target(%dma_start3A_181 : memref<800x32xf32, #tpu.memory_space<hbm>>) target_semaphore(%run_scoped3A : memref<!tpu.dma_semaphore, #tpu.memory_space<semaphore_mem>>)
      %dma_wait3A_185 = arith.constant 0 : i32
      %dma_wait3A_186 = arith.constant 0 : i32
      %dma_wait3A_187 = tpu.memref_slice %arg11[%dma_wait3A_185, %dma_wait3A_186] : memref<832x32xf32, #tpu.memory_space<vmem>> -> memref<800x32xf32, #tpu.memory_space<vmem>>
      %dma_wait3A_188 = arith.constant 0 : i32
      %dma_wait3A_189 = tpu.memref_slice %arg5[%add3A_47, %dma_wait3A_188] : memref<102400x32xf32, #tpu.memory_space<hbm>> -> memref<800x32xf32, #tpu.memory_space<hbm>>
      %dma_wait3A_190 = arith.constant 0 : i32
      %dma_wait3A_191 = tpu.memref_slice %arg5[%add3A_47, %dma_wait3A_190] : memref<102400x32xf32, #tpu.memory_space<hbm>> -> memref<800x32xf32, #tpu.memory_space<hbm>>
      %dma_wait3A_192 = arith.constant 0 : i32
      %dma_wait3A_193 = arith.constant 0 : i32
      %dma_wait3A_194 = tpu.memref_slice %arg11[%dma_wait3A_192, %dma_wait3A_193] : memref<832x32xf32, #tpu.memory_space<vmem>> -> memref<800x32xf32, #tpu.memory_space<vmem>>
      tpu.wait_dma2 semaphore(%run_scoped3A : memref<!tpu.dma_semaphore, #tpu.memory_space<semaphore_mem>>) src(%dma_wait3A_194 : memref<800x32xf32, #tpu.memory_space<vmem>>) dst(%dma_wait3A_191 : memref<800x32xf32, #tpu.memory_space<hbm>>)
      tpu.yield
    }) : () -> ()
    %barrier3A_48 = arith.constant 0 : index
    tpu.barrier barrier_id(%barrier3A_48)
    %add3A_49 = arith.constant 2 : i32
    %add3A_50 = arith.addi %add3A_49, %arg0 : i32
    %mul3A_51 = arith.constant 12800 : i32
    %mul3A_52 = arith.muli %add3A_50, %mul3A_51 : i32
    %scan3A_53 = arith.constant 0 : i32
    %scan3A_54 = arith.constant 0 : i32
    %scan3A_55 = arith.constant 832 : i32
    %scan3A_56 = arith.addi %scan3A_54, %scan3A_55 : i32
    %scan3A_57 = arith.constant 1 : i32
    %scan3A_58 = scf.for %scan3A_175 = %scan3A_54 to %scan3A_56 step %scan3A_57 iter_args(%scan3A_176 = %scan3A_53) -> (i32)  : i32 {
      %broadcast_in_dim3A = arith.constant 0.000000e+00 : f32
      %broadcast_in_dim3A_177 = vector.broadcast %broadcast_in_dim3A : f32 to vector<16xf32>
      %swap3A = arith.index_cast %scan3A_175 : i32 to index
      %swap3A_178 = arith.constant 0 : index
      %swap3A_179 = tpu.vector_load %arg11[%swap3A, %swap3A_178] {strides = array<i32>} : memref<832x32xf32, #tpu.memory_space<vmem>>, vector<16xf32>,
      tpu.vector_store %arg11[%swap3A, %swap3A_178], %broadcast_in_dim3A_177 {strides = array<i32>} : memref<832x32xf32, #tpu.memory_space<vmem>>, vector<16xf32>,
      %broadcast_in_dim3A_180 = arith.constant 0.000000e+00 : f32
      %broadcast_in_dim3A_181 = vector.broadcast %broadcast_in_dim3A_180 : f32 to vector<16xf32>
      %swap3A_182 = arith.index_cast %scan3A_175 : i32 to index
      %swap3A_183 = arith.constant 16 : index
      %swap3A_184 = tpu.vector_load %arg11[%swap3A_182, %swap3A_183] {strides = array<i32>} : memref<832x32xf32, #tpu.memory_space<vmem>>, vector<16xf32>,
      tpu.vector_store %arg11[%swap3A_182, %swap3A_183], %broadcast_in_dim3A_181 {strides = array<i32>} : memref<832x32xf32, #tpu.memory_space<vmem>>, vector<16xf32>,
      %scan3A_185 = arith.constant 0 : i32
      scf.yield %scan3A_185 : i32
    }
    %scan3A_59 = arith.constant 832 : i32
    %mul3A_60 = arith.constant 832 : i32
    %mul3A_61 = arith.muli %arg1, %mul3A_60 : i32
    "tpu.region"() ({
      %run_scoped3A = tpu.sem_alloc : memref<!tpu.dma_semaphore, #tpu.memory_space<semaphore_mem>>
      %dma_start3A_175 = arith.constant 0 : i32
      %dma_start3A_176 = tpu.memref_slice %arg12[%mul3A_61, %dma_start3A_175] : memref<13312x32xf32, #tpu.memory_space<vmem_shared>> -> memref<832x32xf32, #tpu.memory_space<vmem_shared>>
      %dma_start3A_177 = arith.constant 0 : i32
      %dma_start3A_178 = tpu.memref_slice %arg12[%mul3A_61, %dma_start3A_177] : memref<13312x32xf32, #tpu.memory_space<vmem_shared>> -> memref<832x32xf32, #tpu.memory_space<vmem_shared>>
      tpu.enqueue_dma source(%arg11 : memref<832x32xf32, #tpu.memory_space<vmem>>) target(%dma_start3A_178 : memref<832x32xf32, #tpu.memory_space<vmem_shared>>) target_semaphore(%run_scoped3A : memref<!tpu.dma_semaphore, #tpu.memory_space<semaphore_mem>>)
      %dma_wait3A_179 = arith.constant 0 : i32
      %dma_wait3A_180 = tpu.memref_slice %arg12[%mul3A_61, %dma_wait3A_179] : memref<13312x32xf32, #tpu.memory_space<vmem_shared>> -> memref<832x32xf32, #tpu.memory_space<vmem_shared>>
      %dma_wait3A_181 = arith.constant 0 : i32
      %dma_wait3A_182 = tpu.memref_slice %arg12[%mul3A_61, %dma_wait3A_181] : memref<13312x32xf32, #tpu.memory_space<vmem_shared>> -> memref<832x32xf32, #tpu.memory_space<vmem_shared>>
      tpu.wait_dma2 semaphore(%run_scoped3A : memref<!tpu.dma_semaphore, #tpu.memory_space<semaphore_mem>>) src(%arg11 : memref<832x32xf32, #tpu.memory_space<vmem>>) dst(%dma_wait3A_182 : memref<832x32xf32, #tpu.memory_space<vmem_shared>>)
      tpu.yield
    }) : () -> ()
    %barrier3A_62 = arith.constant 0 : index
    tpu.barrier barrier_id(%barrier3A_62)
    %scan3A_63 = arith.constant 0 : i32
    %scan3A_64 = arith.constant 0 : i32
    %scan3A_65 = arith.constant 50 : i32
    %scan3A_66 = arith.addi %scan3A_64, %scan3A_65 : i32
    %scan3A_67 = arith.constant 1 : i32
    %scan3A_68 = scf.for %scan3A_175 = %scan3A_64 to %scan3A_66 step %scan3A_67 iter_args(%scan3A_176 = %scan3A_63) -> (i32)  : i32 {
      %mul3A_177 = arith.constant 102400 : i32
      %mul3A_178 = arith.muli %arg1, %mul3A_177 : i32
      %mul3A_179 = arith.constant 2048 : i32
      %mul3A_180 = arith.muli %scan3A_175, %mul3A_179 : i32
      %add3A_181 = arith.addi %mul3A_178, %mul3A_180 : i32
      "tpu.region"() ({
        %run_scoped3A = tpu.sem_alloc : memref<!tpu.dma_semaphore, #tpu.memory_space<semaphore_mem>>
        %dma_start3A_188 = tpu.memref_slice %arg3[%add3A_181] : memref<1638400xi32, #tpu.memory_space<hbm>> -> memref<2048xi32, #tpu.memory_space<hbm>>
        %dma_start3A_189 = tpu.memref_slice %arg3[%add3A_181] : memref<1638400xi32, #tpu.memory_space<hbm>> -> memref<2048xi32, #tpu.memory_space<hbm>>
        tpu.enqueue_dma source(%dma_start3A_189 : memref<2048xi32, #tpu.memory_space<hbm>>) target(%arg6 : memref<2048xi32, #tpu.memory_space<vmem>>) target_semaphore(%run_scoped3A : memref<!tpu.dma_semaphore, #tpu.memory_space<semaphore_mem>>)
        %dma_wait3A_190 = tpu.memref_slice %arg3[%add3A_181] : memref<1638400xi32, #tpu.memory_space<hbm>> -> memref<2048xi32, #tpu.memory_space<hbm>>
        %dma_wait3A_191 = tpu.memref_slice %arg3[%add3A_181] : memref<1638400xi32, #tpu.memory_space<hbm>> -> memref<2048xi32, #tpu.memory_space<hbm>>
        tpu.wait_dma2 semaphore(%run_scoped3A : memref<!tpu.dma_semaphore, #tpu.memory_space<semaphore_mem>>) src(%dma_wait3A_191 : memref<2048xi32, #tpu.memory_space<hbm>>) dst(%arg6 : memref<2048xi32, #tpu.memory_space<vmem>>)
        tpu.yield
      }) : () -> ()
      "tpu.region"() ({
        %run_scoped3A = tpu.sem_alloc : memref<!tpu.dma_semaphore, #tpu.memory_space<semaphore_mem>>
        %dma_start3A_188 = tpu.memref_slice %arg4[%add3A_181] : memref<1638400xi32, #tpu.memory_space<hbm>> -> memref<2048xi32, #tpu.memory_space<hbm>>
        %dma_start3A_189 = tpu.memref_slice %arg4[%add3A_181] : memref<1638400xi32, #tpu.memory_space<hbm>> -> memref<2048xi32, #tpu.memory_space<hbm>>
        tpu.enqueue_dma source(%dma_start3A_189 : memref<2048xi32, #tpu.memory_space<hbm>>) target(%arg7 : memref<2048xi32, #tpu.memory_space<vmem>>) target_semaphore(%run_scoped3A : memref<!tpu.dma_semaphore, #tpu.memory_space<semaphore_mem>>)
        %dma_wait3A_190 = tpu.memref_slice %arg4[%add3A_181] : memref<1638400xi32, #tpu.memory_space<hbm>> -> memref<2048xi32, #tpu.memory_space<hbm>>
        %dma_wait3A_191 = tpu.memref_slice %arg4[%add3A_181] : memref<1638400xi32, #tpu.memory_space<hbm>> -> memref<2048xi32, #tpu.memory_space<hbm>>
        tpu.wait_dma2 semaphore(%run_scoped3A : memref<!tpu.dma_semaphore, #tpu.memory_space<semaphore_mem>>) src(%dma_wait3A_191 : memref<2048xi32, #tpu.memory_space<hbm>>) dst(%arg7 : memref<2048xi32, #tpu.memory_space<vmem>>)
        tpu.yield
      }) : () -> ()
      %scan3A_182 = arith.constant 0 : i32
      %scan3A_183 = arith.constant 128 : i32
      %scan3A_184 = arith.addi %scan3A_182, %scan3A_183 : i32
      %scan3A_185 = arith.constant 1 : i32
      %scan3A_186 = scf.for %scan3A_188 = %scan3A_182 to %scan3A_184 step %scan3A_185 iter_args(%scan3A_189 = %scan3A_176) -> (i32)  : i32 {
        %mul3A_190 = arith.constant 16 : i32
        %mul3A_191 = arith.muli %scan3A_188, %mul3A_190 : i32
        %get3A = arith.index_cast %mul3A_191 : i32 to index
        %get3A_192 = tpu.vector_load %arg7[%get3A] {strides = array<i32>} : memref<2048xi32, #tpu.memory_space<vmem>>, vector<16xi32>,
        %sub3A = vector.broadcast %mul3A_52 : i32 to vector<16xi32>
        %sub3A_193 = arith.subi %get3A_192, %sub3A : vector<16xi32>
        %ge3A = arith.constant 0 : i32
        %ge3A_194 = vector.broadcast %ge3A : i32 to vector<16xi32>
        %ge3A_195 = arith.cmpi sge, %sub3A_193, %ge3A_194 : vector<16xi32>
        %lt3A = arith.constant 12800 : i32
        %lt3A_196 = vector.broadcast %lt3A : i32 to vector<16xi32>
        %lt3A_197 = arith.cmpi slt, %sub3A_193, %lt3A_196 : vector<16xi32>
        %and3A = arith.andi %ge3A_195, %lt3A_197 : vector<16xi1>
        %all_reduce_population_count3A = tpu.all_reduce %and3A {dim = 0 : i64, kind = #tpu.reduction_kind<sum>} : vector<16xi1> -> vector<16xi32>
        %slice3A = vector.extract_strided_slice %all_reduce_population_count3A {offsets = [0], sizes = [1], strides = [1]} : vector<16xi32> to vector<1xi32>
        %squeeze3A = vector.extract %slice3A[0] : i32 from vector<1xi32>
        %gt3A = arith.constant 2032 : i32
        %gt3A_198 = arith.cmpi sgt, %scan3A_189, %gt3A : i32
        %convert_element_type3A = arith.extui %gt3A_198 : i1 to i32
        %cond3A = arith.constant 0 : i32
        %cond3A_199 = arith.cmpi ne, %convert_element_type3A, %cond3A : i32
        scf.if %cond3A_199 {
          %sub3A_208 = arith.constant 2048 : i32
          %sub3A_209 = arith.subi %sub3A_208, %scan3A_189 : i32
          %lt3A_210 = vector.broadcast %sub3A_209 : i32 to vector<16xi32>
          %lt3A_211 = arith.cmpi slt, %iota3A, %lt3A_210 : vector<16xi32>
          %add3A_212 = vector.broadcast %scan3A_189 : i32 to vector<16xi32>
          %add3A_213 = arith.addi %add3A_212, %iota3A : vector<16xi32>
          %min3A = arith.constant 2047 : i32
          %min3A_214 = vector.broadcast %min3A : i32 to vector<16xi32>
          %min3A_215 = arith.minsi %add3A_213, %min3A_214 : vector<16xi32>
          tpu.vector_store_idx %arg8[%min3A_215], %add3A_4 masked %lt3A_211 : memref<2048xi32, #tpu.memory_space<vmem>>[vector<16xi32>], vector<16xi32>, vector<16xi1>
          tpu.vector_store_idx %arg9[%min3A_215], %add3A_10 masked %lt3A_211 : memref<2048xi32, #tpu.memory_space<vmem>>[vector<16xi32>], vector<16xi32>, vector<16xi1>
          %dma_start3A_216 = arith.constant 0 : i32
          %dma_start3A_217 = arith.constant 0 : i32
          %dma_start3A_218 = tpu.memref_slice %arg2[%dma_start3A_216, %dma_start3A_217] : memref<100000x32xf32, #tpu.memory_space<hbm>> -> memref<100000x32xf32, #tpu.memory_space<hbm>>
          tpu.enqueue_indirect_dma source(%dma_start3A_218 : memref<100000x32xf32, #tpu.memory_space<hbm>>) target(%arg10 : memref<2048x32xf32, #tpu.memory_space<vmem>>) offsets(%arg8 : memref<2048xi32, #tpu.memory_space<vmem>>) semaphore(%arg13 : memref<!tpu.dma_semaphore, #tpu.memory_space<semaphore_mem>>)
          %dma_wait3A_219 = arith.constant 0 : i32
          %dma_wait3A_220 = arith.constant 0 : i32
          %dma_wait3A_221 = tpu.memref_slice %arg2[%dma_wait3A_219, %dma_wait3A_220] : memref<100000x32xf32, #tpu.memory_space<hbm>> -> memref<100000x32xf32, #tpu.memory_space<hbm>>
          tpu.wait_indirect_dma semaphore(%arg13 : memref<!tpu.dma_semaphore, #tpu.memory_space<semaphore_mem>>) src(%dma_wait3A_221 : memref<100000x32xf32, #tpu.memory_space<hbm>>) dst(%arg10 : memref<2048x32xf32, #tpu.memory_space<vmem>>)
          "tpu.region"() ({
            %run_scoped3A = tpu.sem_alloc : memref<!tpu.dma_semaphore, #tpu.memory_space<semaphore_mem>>
            %dma_start3A_222 = arith.constant 0 : i32
            %dma_start3A_223 = arith.constant 0 : i32
            %dma_start3A_224 = tpu.memref_slice %arg12[%dma_start3A_222, %dma_start3A_223] : memref<13312x32xf32, #tpu.memory_space<vmem_shared>> -> memref<13312x32xf32, #tpu.memory_space<vmem_shared>>
            tpu.enqueue_indirect_dma source(%arg10 : memref<2048x32xf32, #tpu.memory_space<vmem>>) target(%dma_start3A_224 : memref<13312x32xf32, #tpu.memory_space<vmem_shared>>) offsets(%arg9 : memref<2048xi32, #tpu.memory_space<vmem>>) semaphore(%run_scoped3A : memref<!tpu.dma_semaphore, #tpu.memory_space<semaphore_mem>>) {add = true}
            %dma_wait3A_225 = arith.constant 0 : i32
            %dma_wait3A_226 = arith.constant 0 : i32
            %dma_wait3A_227 = tpu.memref_slice %arg12[%dma_wait3A_225, %dma_wait3A_226] : memref<13312x32xf32, #tpu.memory_space<vmem_shared>> -> memref<13312x32xf32, #tpu.memory_space<vmem_shared>>
            tpu.wait_indirect_dma semaphore(%run_scoped3A : memref<!tpu.dma_semaphore, #tpu.memory_space<semaphore_mem>>) src(%arg10 : memref<2048x32xf32, #tpu.memory_space<vmem>>) dst(%dma_wait3A_227 : memref<13312x32xf32, #tpu.memory_space<vmem_shared>>)
            tpu.yield
          }) : () -> ()
        } else {
        }
        %jit3A = arith.constant 0 : i32
        %select_n3A = arith.select %gt3A_198, %jit3A, %scan3A_189 : i32
        %mul3A_200 = arith.constant 16 : i32
        %mul3A_201 = arith.muli %scan3A_188, %mul3A_200 : i32
        %get3A_202 = arith.index_cast %mul3A_201 : i32 to index
        %get3A_203 = tpu.vector_load %arg6[%get3A_202] {strides = array<i32>} : memref<2048xi32, #tpu.memory_space<vmem>>, vector<16xi32>,
        %swap3A = arith.index_cast %select_n3A : i32 to index
        %swap3A_204 = tpu.vector_load %arg8[%swap3A] masked %and3A {strides = array<i32>} : memref<2048xi32, #tpu.memory_space<vmem>>, vector<16xi32>, vector<16xi1>
        tpu.vector_store %arg8[%swap3A], %get3A_203 masked %and3A {strides = array<i32>} : memref<2048xi32, #tpu.memory_space<vmem>>, vector<16xi32>, vector<16xi1>
        %swap3A_205 = arith.index_cast %select_n3A : i32 to index
        %swap3A_206 = tpu.vector_load %arg9[%swap3A_205] masked %and3A {strides = array<i32>} : memref<2048xi32, #tpu.memory_space<vmem>>, vector<16xi32>, vector<16xi1>
        tpu.vector_store %arg9[%swap3A_205], %sub3A_193 masked %and3A {strides = array<i32>} : memref<2048xi32, #tpu.memory_space<vmem>>, vector<16xi32>, vector<16xi1>
        %add3A_207 = arith.addi %select_n3A, %squeeze3A : i32
        scf.yield %add3A_207 : i32
      }
      %scan3A_187 = arith.constant 128 : i32
      scf.yield %scan3A_186 : i32
    }
    %scan3A_69 = arith.constant 50 : i32
    %scan3A_70 = arith.constant 0 : i32
    %scan3A_71 = arith.constant 128 : i32
    %scan3A_72 = arith.addi %scan3A_70, %scan3A_71 : i32
    %scan3A_73 = arith.constant 1 : i32
    %scan3A_74 = scf.for %scan3A_175 = %scan3A_70 to %scan3A_72 step %scan3A_73 iter_args(%scan3A_176 = %scan3A_68) -> (i32)  : i32 {
      %sub3A = arith.constant 2048 : i32
      %sub3A_177 = arith.subi %sub3A, %scan3A_176 : i32
      %lt3A = vector.broadcast %sub3A_177 : i32 to vector<16xi32>
      %lt3A_178 = arith.cmpi slt, %iota3A, %lt3A : vector<16xi32>
      %add3A_179 = vector.broadcast %scan3A_176 : i32 to vector<16xi32>
      %add3A_180 = arith.addi %add3A_179, %iota3A : vector<16xi32>
      %min3A = arith.constant 2047 : i32
      %min3A_181 = vector.broadcast %min3A : i32 to vector<16xi32>
      %min3A_182 = arith.minsi %add3A_180, %min3A_181 : vector<16xi32>
      tpu.vector_store_idx %arg8[%min3A_182], %add3A_4 masked %lt3A_178 : memref<2048xi32, #tpu.memory_space<vmem>>[vector<16xi32>], vector<16xi32>, vector<16xi1>
      tpu.vector_store_idx %arg9[%min3A_182], %add3A_10 masked %lt3A_178 : memref<2048xi32, #tpu.memory_space<vmem>>[vector<16xi32>], vector<16xi32>, vector<16xi1>
      %add3A_183 = arith.constant 16 : i32
      %add3A_184 = arith.addi %scan3A_176, %add3A_183 : i32
      %min3A_185 = arith.constant 2048 : i32
      %min3A_186 = arith.minsi %add3A_184, %min3A_185 : i32
      scf.yield %min3A_186 : i32
    }
    %scan3A_75 = arith.constant 128 : i32
    %dma_start3A_76 = arith.constant 0 : i32
    %dma_start3A_77 = arith.constant 0 : i32
    %dma_start3A_78 = tpu.memref_slice %arg2[%dma_start3A_76, %dma_start3A_77] : memref<100000x32xf32, #tpu.memory_space<hbm>> -> memref<100000x32xf32, #tpu.memory_space<hbm>>
    tpu.enqueue_indirect_dma source(%dma_start3A_78 : memref<100000x32xf32, #tpu.memory_space<hbm>>) target(%arg10 : memref<2048x32xf32, #tpu.memory_space<vmem>>) offsets(%arg8 : memref<2048xi32, #tpu.memory_space<vmem>>) semaphore(%arg13 : memref<!tpu.dma_semaphore, #tpu.memory_space<semaphore_mem>>)
    %dma_wait3A_79 = arith.constant 0 : i32
    %dma_wait3A_80 = arith.constant 0 : i32
    %dma_wait3A_81 = tpu.memref_slice %arg2[%dma_wait3A_79, %dma_wait3A_80] : memref<100000x32xf32, #tpu.memory_space<hbm>> -> memref<100000x32xf32, #tpu.memory_space<hbm>>
    tpu.wait_indirect_dma semaphore(%arg13 : memref<!tpu.dma_semaphore, #tpu.memory_space<semaphore_mem>>) src(%dma_wait3A_81 : memref<100000x32xf32, #tpu.memory_space<hbm>>) dst(%arg10 : memref<2048x32xf32, #tpu.memory_space<vmem>>)
    "tpu.region"() ({
      %run_scoped3A = tpu.sem_alloc : memref<!tpu.dma_semaphore, #tpu.memory_space<semaphore_mem>>
      %dma_start3A_175 = arith.constant 0 : i32
      %dma_start3A_176 = arith.constant 0 : i32
      %dma_start3A_177 = tpu.memref_slice %arg12[%dma_start3A_175, %dma_start3A_176] : memref<13312x32xf32, #tpu.memory_space<vmem_shared>> -> memref<13312x32xf32, #tpu.memory_space<vmem_shared>>
      tpu.enqueue_indirect_dma source(%arg10 : memref<2048x32xf32, #tpu.memory_space<vmem>>) target(%dma_start3A_177 : memref<13312x32xf32, #tpu.memory_space<vmem_shared>>) offsets(%arg9 : memref<2048xi32, #tpu.memory_space<vmem>>) semaphore(%run_scoped3A : memref<!tpu.dma_semaphore, #tpu.memory_space<semaphore_mem>>) {add = true}
      %dma_wait3A_178 = arith.constant 0 : i32
      %dma_wait3A_179 = arith.constant 0 : i32
      %dma_wait3A_180 = tpu.memref_slice %arg12[%dma_wait3A_178, %dma_wait3A_179] : memref<13312x32xf32, #tpu.memory_space<vmem_shared>> -> memref<13312x32xf32, #tpu.memory_space<vmem_shared>>
      tpu.wait_indirect_dma semaphore(%run_scoped3A : memref<!tpu.dma_semaphore, #tpu.memory_space<semaphore_mem>>) src(%arg10 : memref<2048x32xf32, #tpu.memory_space<vmem>>) dst(%dma_wait3A_180 : memref<13312x32xf32, #tpu.memory_space<vmem_shared>>)
      tpu.yield
    }) : () -> ()
    %barrier3A_82 = arith.constant 0 : index
    tpu.barrier barrier_id(%barrier3A_82)
    %mul3A_83 = arith.constant 800 : i32
    %mul3A_84 = arith.muli %arg1, %mul3A_83 : i32
    %add3A_85 = arith.constant 2 : i32
    %add3A_86 = arith.addi %add3A_85, %arg0 : i32
    %mul3A_87 = arith.constant 12800 : i32
    %mul3A_88 = arith.muli %add3A_86, %mul3A_87 : i32
    "tpu.region"() ({
      %run_scoped3A = tpu.sem_alloc : memref<!tpu.dma_semaphore, #tpu.memory_space<semaphore_mem>>
      %dma_start3A_175 = arith.constant 0 : i32
      %dma_start3A_176 = arith.constant 0 : i32
      %dma_start3A_177 = tpu.memref_slice %arg11[%dma_start3A_175, %dma_start3A_176] : memref<832x32xf32, #tpu.memory_space<vmem>> -> memref<800x32xf32, #tpu.memory_space<vmem>>
      %dma_start3A_178 = arith.constant 0 : i32
      %dma_start3A_179 = tpu.memref_slice %arg12[%mul3A_84, %dma_start3A_178] : memref<13312x32xf32, #tpu.memory_space<vmem_shared>> -> memref<800x32xf32, #tpu.memory_space<vmem_shared>>
      %dma_start3A_180 = arith.constant 0 : i32
      %dma_start3A_181 = arith.constant 0 : i32
      %dma_start3A_182 = tpu.memref_slice %arg11[%dma_start3A_180, %dma_start3A_181] : memref<832x32xf32, #tpu.memory_space<vmem>> -> memref<800x32xf32, #tpu.memory_space<vmem>>
      %dma_start3A_183 = arith.constant 0 : i32
      %dma_start3A_184 = tpu.memref_slice %arg12[%mul3A_84, %dma_start3A_183] : memref<13312x32xf32, #tpu.memory_space<vmem_shared>> -> memref<800x32xf32, #tpu.memory_space<vmem_shared>>
      tpu.enqueue_dma source(%dma_start3A_184 : memref<800x32xf32, #tpu.memory_space<vmem_shared>>) target(%dma_start3A_182 : memref<800x32xf32, #tpu.memory_space<vmem>>) target_semaphore(%run_scoped3A : memref<!tpu.dma_semaphore, #tpu.memory_space<semaphore_mem>>)
      %dma_wait3A_185 = arith.constant 0 : i32
      %dma_wait3A_186 = arith.constant 0 : i32
      %dma_wait3A_187 = tpu.memref_slice %arg11[%dma_wait3A_185, %dma_wait3A_186] : memref<832x32xf32, #tpu.memory_space<vmem>> -> memref<800x32xf32, #tpu.memory_space<vmem>>
      %dma_wait3A_188 = arith.constant 0 : i32
      %dma_wait3A_189 = tpu.memref_slice %arg12[%mul3A_84, %dma_wait3A_188] : memref<13312x32xf32, #tpu.memory_space<vmem_shared>> -> memref<800x32xf32, #tpu.memory_space<vmem_shared>>
      %dma_wait3A_190 = arith.constant 0 : i32
      %dma_wait3A_191 = arith.constant 0 : i32
      %dma_wait3A_192 = tpu.memref_slice %arg11[%dma_wait3A_190, %dma_wait3A_191] : memref<832x32xf32, #tpu.memory_space<vmem>> -> memref<800x32xf32, #tpu.memory_space<vmem>>
      %dma_wait3A_193 = arith.constant 0 : i32
      %dma_wait3A_194 = tpu.memref_slice %arg12[%mul3A_84, %dma_wait3A_193] : memref<13312x32xf32, #tpu.memory_space<vmem_shared>> -> memref<800x32xf32, #tpu.memory_space<vmem_shared>>
      tpu.wait_dma2 semaphore(%run_scoped3A : memref<!tpu.dma_semaphore, #tpu.memory_space<semaphore_mem>>) src(%dma_wait3A_194 : memref<800x32xf32, #tpu.memory_space<vmem_shared>>) dst(%dma_wait3A_192 : memref<800x32xf32, #tpu.memory_space<vmem>>)
      tpu.yield
    }) : () -> ()
    %add3A_89 = arith.addi %mul3A_88, %mul3A_84 : i32
    "tpu.region"() ({
      %run_scoped3A = tpu.sem_alloc : memref<!tpu.dma_semaphore, #tpu.memory_space<semaphore_mem>>
      %dma_start3A_175 = arith.constant 0 : i32
      %dma_start3A_176 = arith.constant 0 : i32
      %dma_start3A_177 = tpu.memref_slice %arg11[%dma_start3A_175, %dma_start3A_176] : memref<832x32xf32, #tpu.memory_space<vmem>> -> memref<800x32xf32, #tpu.memory_space<vmem>>
      %dma_start3A_178 = arith.constant 0 : i32
      %dma_start3A_179 = tpu.memref_slice %arg5[%add3A_89, %dma_start3A_178] : memref<102400x32xf32, #tpu.memory_space<hbm>> -> memref<800x32xf32, #tpu.memory_space<hbm>>
      %dma_start3A_180 = arith.constant 0 : i32
      %dma_start3A_181 = tpu.memref_slice %arg5[%add3A_89, %dma_start3A_180] : memref<102400x32xf32, #tpu.memory_space<hbm>> -> memref<800x32xf32, #tpu.memory_space<hbm>>
      %dma_start3A_182 = arith.constant 0 : i32
      %dma_start3A_183 = arith.constant 0 : i32
      %dma_start3A_184 = tpu.memref_slice %arg11[%dma_start3A_182, %dma_start3A_183] : memref<832x32xf32, #tpu.memory_space<vmem>> -> memref<800x32xf32, #tpu.memory_space<vmem>>
      tpu.enqueue_dma source(%dma_start3A_184 : memref<800x32xf32, #tpu.memory_space<vmem>>) target(%dma_start3A_181 : memref<800x32xf32, #tpu.memory_space<hbm>>) target_semaphore(%run_scoped3A : memref<!tpu.dma_semaphore, #tpu.memory_space<semaphore_mem>>)
      %dma_wait3A_185 = arith.constant 0 : i32
      %dma_wait3A_186 = arith.constant 0 : i32
      %dma_wait3A_187 = tpu.memref_slice %arg11[%dma_wait3A_185, %dma_wait3A_186] : memref<832x32xf32, #tpu.memory_space<vmem>> -> memref<800x32xf32, #tpu.memory_space<vmem>>
      %dma_wait3A_188 = arith.constant 0 : i32
      %dma_wait3A_189 = tpu.memref_slice %arg5[%add3A_89, %dma_wait3A_188] : memref<102400x32xf32, #tpu.memory_space<hbm>> -> memref<800x32xf32, #tpu.memory_space<hbm>>
      %dma_wait3A_190 = arith.constant 0 : i32
      %dma_wait3A_191 = tpu.memref_slice %arg5[%add3A_89, %dma_wait3A_190] : memref<102400x32xf32, #tpu.memory_space<hbm>> -> memref<800x32xf32, #tpu.memory_space<hbm>>
      %dma_wait3A_192 = arith.constant 0 : i32
      %dma_wait3A_193 = arith.constant 0 : i32
      %dma_wait3A_194 = tpu.memref_slice %arg11[%dma_wait3A_192, %dma_wait3A_193] : memref<832x32xf32, #tpu.memory_space<vmem>> -> memref<800x32xf32, #tpu.memory_space<vmem>>
      tpu.wait_dma2 semaphore(%run_scoped3A : memref<!tpu.dma_semaphore, #tpu.memory_space<semaphore_mem>>) src(%dma_wait3A_194 : memref<800x32xf32, #tpu.memory_space<vmem>>) dst(%dma_wait3A_191 : memref<800x32xf32, #tpu.memory_space<hbm>>)
      tpu.yield
    }) : () -> ()
    %barrier3A_90 = arith.constant 0 : index
    tpu.barrier barrier_id(%barrier3A_90)
    %add3A_91 = arith.constant 4 : i32
    %add3A_92 = arith.addi %add3A_91, %arg0 : i32
    %mul3A_93 = arith.constant 12800 : i32
    %mul3A_94 = arith.muli %add3A_92, %mul3A_93 : i32
    %scan3A_95 = arith.constant 0 : i32
    %scan3A_96 = arith.constant 0 : i32
    %scan3A_97 = arith.constant 832 : i32
    %scan3A_98 = arith.addi %scan3A_96, %scan3A_97 : i32
    %scan3A_99 = arith.constant 1 : i32
    %scan3A_100 = scf.for %scan3A_175 = %scan3A_96 to %scan3A_98 step %scan3A_99 iter_args(%scan3A_176 = %scan3A_95) -> (i32)  : i32 {
      %broadcast_in_dim3A = arith.constant 0.000000e+00 : f32
      %broadcast_in_dim3A_177 = vector.broadcast %broadcast_in_dim3A : f32 to vector<16xf32>
      %swap3A = arith.index_cast %scan3A_175 : i32 to index
      %swap3A_178 = arith.constant 0 : index
      %swap3A_179 = tpu.vector_load %arg11[%swap3A, %swap3A_178] {strides = array<i32>} : memref<832x32xf32, #tpu.memory_space<vmem>>, vector<16xf32>,
      tpu.vector_store %arg11[%swap3A, %swap3A_178], %broadcast_in_dim3A_177 {strides = array<i32>} : memref<832x32xf32, #tpu.memory_space<vmem>>, vector<16xf32>,
      %broadcast_in_dim3A_180 = arith.constant 0.000000e+00 : f32
      %broadcast_in_dim3A_181 = vector.broadcast %broadcast_in_dim3A_180 : f32 to vector<16xf32>
      %swap3A_182 = arith.index_cast %scan3A_175 : i32 to index
      %swap3A_183 = arith.constant 16 : index
      %swap3A_184 = tpu.vector_load %arg11[%swap3A_182, %swap3A_183] {strides = array<i32>} : memref<832x32xf32, #tpu.memory_space<vmem>>, vector<16xf32>,
      tpu.vector_store %arg11[%swap3A_182, %swap3A_183], %broadcast_in_dim3A_181 {strides = array<i32>} : memref<832x32xf32, #tpu.memory_space<vmem>>, vector<16xf32>,
      %scan3A_185 = arith.constant 0 : i32
      scf.yield %scan3A_185 : i32
    }
    %scan3A_101 = arith.constant 832 : i32
    %mul3A_102 = arith.constant 832 : i32
    %mul3A_103 = arith.muli %arg1, %mul3A_102 : i32
    "tpu.region"() ({
      %run_scoped3A = tpu.sem_alloc : memref<!tpu.dma_semaphore, #tpu.memory_space<semaphore_mem>>
      %dma_start3A_175 = arith.constant 0 : i32
      %dma_start3A_176 = tpu.memref_slice %arg12[%mul3A_103, %dma_start3A_175] : memref<13312x32xf32, #tpu.memory_space<vmem_shared>> -> memref<832x32xf32, #tpu.memory_space<vmem_shared>>
      %dma_start3A_177 = arith.constant 0 : i32
      %dma_start3A_178 = tpu.memref_slice %arg12[%mul3A_103, %dma_start3A_177] : memref<13312x32xf32, #tpu.memory_space<vmem_shared>> -> memref<832x32xf32, #tpu.memory_space<vmem_shared>>
      tpu.enqueue_dma source(%arg11 : memref<832x32xf32, #tpu.memory_space<vmem>>) target(%dma_start3A_178 : memref<832x32xf32, #tpu.memory_space<vmem_shared>>) target_semaphore(%run_scoped3A : memref<!tpu.dma_semaphore, #tpu.memory_space<semaphore_mem>>)
      %dma_wait3A_179 = arith.constant 0 : i32
      %dma_wait3A_180 = tpu.memref_slice %arg12[%mul3A_103, %dma_wait3A_179] : memref<13312x32xf32, #tpu.memory_space<vmem_shared>> -> memref<832x32xf32, #tpu.memory_space<vmem_shared>>
      %dma_wait3A_181 = arith.constant 0 : i32
      %dma_wait3A_182 = tpu.memref_slice %arg12[%mul3A_103, %dma_wait3A_181] : memref<13312x32xf32, #tpu.memory_space<vmem_shared>> -> memref<832x32xf32, #tpu.memory_space<vmem_shared>>
      tpu.wait_dma2 semaphore(%run_scoped3A : memref<!tpu.dma_semaphore, #tpu.memory_space<semaphore_mem>>) src(%arg11 : memref<832x32xf32, #tpu.memory_space<vmem>>) dst(%dma_wait3A_182 : memref<832x32xf32, #tpu.memory_space<vmem_shared>>)
      tpu.yield
    }) : () -> ()
    %barrier3A_104 = arith.constant 0 : index
    tpu.barrier barrier_id(%barrier3A_104)
    %scan3A_105 = arith.constant 0 : i32
    %scan3A_106 = arith.constant 0 : i32
    %scan3A_107 = arith.constant 50 : i32
    %scan3A_108 = arith.addi %scan3A_106, %scan3A_107 : i32
    %scan3A_109 = arith.constant 1 : i32
    %scan3A_110 = scf.for %scan3A_175 = %scan3A_106 to %scan3A_108 step %scan3A_109 iter_args(%scan3A_176 = %scan3A_105) -> (i32)  : i32 {
      %mul3A_177 = arith.constant 102400 : i32
      %mul3A_178 = arith.muli %arg1, %mul3A_177 : i32
      %mul3A_179 = arith.constant 2048 : i32
      %mul3A_180 = arith.muli %scan3A_175, %mul3A_179 : i32
      %add3A_181 = arith.addi %mul3A_178, %mul3A_180 : i32
      "tpu.region"() ({
        %run_scoped3A = tpu.sem_alloc : memref<!tpu.dma_semaphore, #tpu.memory_space<semaphore_mem>>
        %dma_start3A_188 = tpu.memref_slice %arg3[%add3A_181] : memref<1638400xi32, #tpu.memory_space<hbm>> -> memref<2048xi32, #tpu.memory_space<hbm>>
        %dma_start3A_189 = tpu.memref_slice %arg3[%add3A_181] : memref<1638400xi32, #tpu.memory_space<hbm>> -> memref<2048xi32, #tpu.memory_space<hbm>>
        tpu.enqueue_dma source(%dma_start3A_189 : memref<2048xi32, #tpu.memory_space<hbm>>) target(%arg6 : memref<2048xi32, #tpu.memory_space<vmem>>) target_semaphore(%run_scoped3A : memref<!tpu.dma_semaphore, #tpu.memory_space<semaphore_mem>>)
        %dma_wait3A_190 = tpu.memref_slice %arg3[%add3A_181] : memref<1638400xi32, #tpu.memory_space<hbm>> -> memref<2048xi32, #tpu.memory_space<hbm>>
        %dma_wait3A_191 = tpu.memref_slice %arg3[%add3A_181] : memref<1638400xi32, #tpu.memory_space<hbm>> -> memref<2048xi32, #tpu.memory_space<hbm>>
        tpu.wait_dma2 semaphore(%run_scoped3A : memref<!tpu.dma_semaphore, #tpu.memory_space<semaphore_mem>>) src(%dma_wait3A_191 : memref<2048xi32, #tpu.memory_space<hbm>>) dst(%arg6 : memref<2048xi32, #tpu.memory_space<vmem>>)
        tpu.yield
      }) : () -> ()
      "tpu.region"() ({
        %run_scoped3A = tpu.sem_alloc : memref<!tpu.dma_semaphore, #tpu.memory_space<semaphore_mem>>
        %dma_start3A_188 = tpu.memref_slice %arg4[%add3A_181] : memref<1638400xi32, #tpu.memory_space<hbm>> -> memref<2048xi32, #tpu.memory_space<hbm>>
        %dma_start3A_189 = tpu.memref_slice %arg4[%add3A_181] : memref<1638400xi32, #tpu.memory_space<hbm>> -> memref<2048xi32, #tpu.memory_space<hbm>>
        tpu.enqueue_dma source(%dma_start3A_189 : memref<2048xi32, #tpu.memory_space<hbm>>) target(%arg7 : memref<2048xi32, #tpu.memory_space<vmem>>) target_semaphore(%run_scoped3A : memref<!tpu.dma_semaphore, #tpu.memory_space<semaphore_mem>>)
        %dma_wait3A_190 = tpu.memref_slice %arg4[%add3A_181] : memref<1638400xi32, #tpu.memory_space<hbm>> -> memref<2048xi32, #tpu.memory_space<hbm>>
        %dma_wait3A_191 = tpu.memref_slice %arg4[%add3A_181] : memref<1638400xi32, #tpu.memory_space<hbm>> -> memref<2048xi32, #tpu.memory_space<hbm>>
        tpu.wait_dma2 semaphore(%run_scoped3A : memref<!tpu.dma_semaphore, #tpu.memory_space<semaphore_mem>>) src(%dma_wait3A_191 : memref<2048xi32, #tpu.memory_space<hbm>>) dst(%arg7 : memref<2048xi32, #tpu.memory_space<vmem>>)
        tpu.yield
      }) : () -> ()
      %scan3A_182 = arith.constant 0 : i32
      %scan3A_183 = arith.constant 128 : i32
      %scan3A_184 = arith.addi %scan3A_182, %scan3A_183 : i32
      %scan3A_185 = arith.constant 1 : i32
      %scan3A_186 = scf.for %scan3A_188 = %scan3A_182 to %scan3A_184 step %scan3A_185 iter_args(%scan3A_189 = %scan3A_176) -> (i32)  : i32 {
        %mul3A_190 = arith.constant 16 : i32
        %mul3A_191 = arith.muli %scan3A_188, %mul3A_190 : i32
        %get3A = arith.index_cast %mul3A_191 : i32 to index
        %get3A_192 = tpu.vector_load %arg7[%get3A] {strides = array<i32>} : memref<2048xi32, #tpu.memory_space<vmem>>, vector<16xi32>,
        %sub3A = vector.broadcast %mul3A_94 : i32 to vector<16xi32>
        %sub3A_193 = arith.subi %get3A_192, %sub3A : vector<16xi32>
        %ge3A = arith.constant 0 : i32
        %ge3A_194 = vector.broadcast %ge3A : i32 to vector<16xi32>
        %ge3A_195 = arith.cmpi sge, %sub3A_193, %ge3A_194 : vector<16xi32>
        %lt3A = arith.constant 12800 : i32
        %lt3A_196 = vector.broadcast %lt3A : i32 to vector<16xi32>
        %lt3A_197 = arith.cmpi slt, %sub3A_193, %lt3A_196 : vector<16xi32>
        %and3A = arith.andi %ge3A_195, %lt3A_197 : vector<16xi1>
        %all_reduce_population_count3A = tpu.all_reduce %and3A {dim = 0 : i64, kind = #tpu.reduction_kind<sum>} : vector<16xi1> -> vector<16xi32>
        %slice3A = vector.extract_strided_slice %all_reduce_population_count3A {offsets = [0], sizes = [1], strides = [1]} : vector<16xi32> to vector<1xi32>
        %squeeze3A = vector.extract %slice3A[0] : i32 from vector<1xi32>
        %gt3A = arith.constant 2032 : i32
        %gt3A_198 = arith.cmpi sgt, %scan3A_189, %gt3A : i32
        %convert_element_type3A = arith.extui %gt3A_198 : i1 to i32
        %cond3A = arith.constant 0 : i32
        %cond3A_199 = arith.cmpi ne, %convert_element_type3A, %cond3A : i32
        scf.if %cond3A_199 {
          %sub3A_208 = arith.constant 2048 : i32
          %sub3A_209 = arith.subi %sub3A_208, %scan3A_189 : i32
          %lt3A_210 = vector.broadcast %sub3A_209 : i32 to vector<16xi32>
          %lt3A_211 = arith.cmpi slt, %iota3A, %lt3A_210 : vector<16xi32>
          %add3A_212 = vector.broadcast %scan3A_189 : i32 to vector<16xi32>
          %add3A_213 = arith.addi %add3A_212, %iota3A : vector<16xi32>
          %min3A = arith.constant 2047 : i32
          %min3A_214 = vector.broadcast %min3A : i32 to vector<16xi32>
          %min3A_215 = arith.minsi %add3A_213, %min3A_214 : vector<16xi32>
          tpu.vector_store_idx %arg8[%min3A_215], %add3A_4 masked %lt3A_211 : memref<2048xi32, #tpu.memory_space<vmem>>[vector<16xi32>], vector<16xi32>, vector<16xi1>
          tpu.vector_store_idx %arg9[%min3A_215], %add3A_10 masked %lt3A_211 : memref<2048xi32, #tpu.memory_space<vmem>>[vector<16xi32>], vector<16xi32>, vector<16xi1>
          %dma_start3A_216 = arith.constant 0 : i32
          %dma_start3A_217 = arith.constant 0 : i32
          %dma_start3A_218 = tpu.memref_slice %arg2[%dma_start3A_216, %dma_start3A_217] : memref<100000x32xf32, #tpu.memory_space<hbm>> -> memref<100000x32xf32, #tpu.memory_space<hbm>>
          tpu.enqueue_indirect_dma source(%dma_start3A_218 : memref<100000x32xf32, #tpu.memory_space<hbm>>) target(%arg10 : memref<2048x32xf32, #tpu.memory_space<vmem>>) offsets(%arg8 : memref<2048xi32, #tpu.memory_space<vmem>>) semaphore(%arg13 : memref<!tpu.dma_semaphore, #tpu.memory_space<semaphore_mem>>)
          %dma_wait3A_219 = arith.constant 0 : i32
          %dma_wait3A_220 = arith.constant 0 : i32
          %dma_wait3A_221 = tpu.memref_slice %arg2[%dma_wait3A_219, %dma_wait3A_220] : memref<100000x32xf32, #tpu.memory_space<hbm>> -> memref<100000x32xf32, #tpu.memory_space<hbm>>
          tpu.wait_indirect_dma semaphore(%arg13 : memref<!tpu.dma_semaphore, #tpu.memory_space<semaphore_mem>>) src(%dma_wait3A_221 : memref<100000x32xf32, #tpu.memory_space<hbm>>) dst(%arg10 : memref<2048x32xf32, #tpu.memory_space<vmem>>)
          "tpu.region"() ({
            %run_scoped3A = tpu.sem_alloc : memref<!tpu.dma_semaphore, #tpu.memory_space<semaphore_mem>>
            %dma_start3A_222 = arith.constant 0 : i32
            %dma_start3A_223 = arith.constant 0 : i32
            %dma_start3A_224 = tpu.memref_slice %arg12[%dma_start3A_222, %dma_start3A_223] : memref<13312x32xf32, #tpu.memory_space<vmem_shared>> -> memref<13312x32xf32, #tpu.memory_space<vmem_shared>>
            tpu.enqueue_indirect_dma source(%arg10 : memref<2048x32xf32, #tpu.memory_space<vmem>>) target(%dma_start3A_224 : memref<13312x32xf32, #tpu.memory_space<vmem_shared>>) offsets(%arg9 : memref<2048xi32, #tpu.memory_space<vmem>>) semaphore(%run_scoped3A : memref<!tpu.dma_semaphore, #tpu.memory_space<semaphore_mem>>) {add = true}
            %dma_wait3A_225 = arith.constant 0 : i32
            %dma_wait3A_226 = arith.constant 0 : i32
            %dma_wait3A_227 = tpu.memref_slice %arg12[%dma_wait3A_225, %dma_wait3A_226] : memref<13312x32xf32, #tpu.memory_space<vmem_shared>> -> memref<13312x32xf32, #tpu.memory_space<vmem_shared>>
            tpu.wait_indirect_dma semaphore(%run_scoped3A : memref<!tpu.dma_semaphore, #tpu.memory_space<semaphore_mem>>) src(%arg10 : memref<2048x32xf32, #tpu.memory_space<vmem>>) dst(%dma_wait3A_227 : memref<13312x32xf32, #tpu.memory_space<vmem_shared>>)
            tpu.yield
          }) : () -> ()
        } else {
        }
        %jit3A = arith.constant 0 : i32
        %select_n3A = arith.select %gt3A_198, %jit3A, %scan3A_189 : i32
        %mul3A_200 = arith.constant 16 : i32
        %mul3A_201 = arith.muli %scan3A_188, %mul3A_200 : i32
        %get3A_202 = arith.index_cast %mul3A_201 : i32 to index
        %get3A_203 = tpu.vector_load %arg6[%get3A_202] {strides = array<i32>} : memref<2048xi32, #tpu.memory_space<vmem>>, vector<16xi32>,
        %swap3A = arith.index_cast %select_n3A : i32 to index
        %swap3A_204 = tpu.vector_load %arg8[%swap3A] masked %and3A {strides = array<i32>} : memref<2048xi32, #tpu.memory_space<vmem>>, vector<16xi32>, vector<16xi1>
        tpu.vector_store %arg8[%swap3A], %get3A_203 masked %and3A {strides = array<i32>} : memref<2048xi32, #tpu.memory_space<vmem>>, vector<16xi32>, vector<16xi1>
        %swap3A_205 = arith.index_cast %select_n3A : i32 to index
        %swap3A_206 = tpu.vector_load %arg9[%swap3A_205] masked %and3A {strides = array<i32>} : memref<2048xi32, #tpu.memory_space<vmem>>, vector<16xi32>, vector<16xi1>
        tpu.vector_store %arg9[%swap3A_205], %sub3A_193 masked %and3A {strides = array<i32>} : memref<2048xi32, #tpu.memory_space<vmem>>, vector<16xi32>, vector<16xi1>
        %add3A_207 = arith.addi %select_n3A, %squeeze3A : i32
        scf.yield %add3A_207 : i32
      }
      %scan3A_187 = arith.constant 128 : i32
      scf.yield %scan3A_186 : i32
    }
    %scan3A_111 = arith.constant 50 : i32
    %scan3A_112 = arith.constant 0 : i32
    %scan3A_113 = arith.constant 128 : i32
    %scan3A_114 = arith.addi %scan3A_112, %scan3A_113 : i32
    %scan3A_115 = arith.constant 1 : i32
    %scan3A_116 = scf.for %scan3A_175 = %scan3A_112 to %scan3A_114 step %scan3A_115 iter_args(%scan3A_176 = %scan3A_110) -> (i32)  : i32 {
      %sub3A = arith.constant 2048 : i32
      %sub3A_177 = arith.subi %sub3A, %scan3A_176 : i32
      %lt3A = vector.broadcast %sub3A_177 : i32 to vector<16xi32>
      %lt3A_178 = arith.cmpi slt, %iota3A, %lt3A : vector<16xi32>
      %add3A_179 = vector.broadcast %scan3A_176 : i32 to vector<16xi32>
      %add3A_180 = arith.addi %add3A_179, %iota3A : vector<16xi32>
      %min3A = arith.constant 2047 : i32
      %min3A_181 = vector.broadcast %min3A : i32 to vector<16xi32>
      %min3A_182 = arith.minsi %add3A_180, %min3A_181 : vector<16xi32>
      tpu.vector_store_idx %arg8[%min3A_182], %add3A_4 masked %lt3A_178 : memref<2048xi32, #tpu.memory_space<vmem>>[vector<16xi32>], vector<16xi32>, vector<16xi1>
      tpu.vector_store_idx %arg9[%min3A_182], %add3A_10 masked %lt3A_178 : memref<2048xi32, #tpu.memory_space<vmem>>[vector<16xi32>], vector<16xi32>, vector<16xi1>
      %add3A_183 = arith.constant 16 : i32
      %add3A_184 = arith.addi %scan3A_176, %add3A_183 : i32
      %min3A_185 = arith.constant 2048 : i32
      %min3A_186 = arith.minsi %add3A_184, %min3A_185 : i32
      scf.yield %min3A_186 : i32
    }
    %scan3A_117 = arith.constant 128 : i32
    %dma_start3A_118 = arith.constant 0 : i32
    %dma_start3A_119 = arith.constant 0 : i32
    %dma_start3A_120 = tpu.memref_slice %arg2[%dma_start3A_118, %dma_start3A_119] : memref<100000x32xf32, #tpu.memory_space<hbm>> -> memref<100000x32xf32, #tpu.memory_space<hbm>>
    tpu.enqueue_indirect_dma source(%dma_start3A_120 : memref<100000x32xf32, #tpu.memory_space<hbm>>) target(%arg10 : memref<2048x32xf32, #tpu.memory_space<vmem>>) offsets(%arg8 : memref<2048xi32, #tpu.memory_space<vmem>>) semaphore(%arg13 : memref<!tpu.dma_semaphore, #tpu.memory_space<semaphore_mem>>)
    %dma_wait3A_121 = arith.constant 0 : i32
    %dma_wait3A_122 = arith.constant 0 : i32
    %dma_wait3A_123 = tpu.memref_slice %arg2[%dma_wait3A_121, %dma_wait3A_122] : memref<100000x32xf32, #tpu.memory_space<hbm>> -> memref<100000x32xf32, #tpu.memory_space<hbm>>
    tpu.wait_indirect_dma semaphore(%arg13 : memref<!tpu.dma_semaphore, #tpu.memory_space<semaphore_mem>>) src(%dma_wait3A_123 : memref<100000x32xf32, #tpu.memory_space<hbm>>) dst(%arg10 : memref<2048x32xf32, #tpu.memory_space<vmem>>)
    "tpu.region"() ({
      %run_scoped3A = tpu.sem_alloc : memref<!tpu.dma_semaphore, #tpu.memory_space<semaphore_mem>>
      %dma_start3A_175 = arith.constant 0 : i32
      %dma_start3A_176 = arith.constant 0 : i32
      %dma_start3A_177 = tpu.memref_slice %arg12[%dma_start3A_175, %dma_start3A_176] : memref<13312x32xf32, #tpu.memory_space<vmem_shared>> -> memref<13312x32xf32, #tpu.memory_space<vmem_shared>>
      tpu.enqueue_indirect_dma source(%arg10 : memref<2048x32xf32, #tpu.memory_space<vmem>>) target(%dma_start3A_177 : memref<13312x32xf32, #tpu.memory_space<vmem_shared>>) offsets(%arg9 : memref<2048xi32, #tpu.memory_space<vmem>>) semaphore(%run_scoped3A : memref<!tpu.dma_semaphore, #tpu.memory_space<semaphore_mem>>) {add = true}
      %dma_wait3A_178 = arith.constant 0 : i32
      %dma_wait3A_179 = arith.constant 0 : i32
      %dma_wait3A_180 = tpu.memref_slice %arg12[%dma_wait3A_178, %dma_wait3A_179] : memref<13312x32xf32, #tpu.memory_space<vmem_shared>> -> memref<13312x32xf32, #tpu.memory_space<vmem_shared>>
      tpu.wait_indirect_dma semaphore(%run_scoped3A : memref<!tpu.dma_semaphore, #tpu.memory_space<semaphore_mem>>) src(%arg10 : memref<2048x32xf32, #tpu.memory_space<vmem>>) dst(%dma_wait3A_180 : memref<13312x32xf32, #tpu.memory_space<vmem_shared>>)
      tpu.yield
    }) : () -> ()
    %barrier3A_124 = arith.constant 0 : index
    tpu.barrier barrier_id(%barrier3A_124)
    %mul3A_125 = arith.constant 800 : i32
    %mul3A_126 = arith.muli %arg1, %mul3A_125 : i32
    %add3A_127 = arith.constant 4 : i32
    %add3A_128 = arith.addi %add3A_127, %arg0 : i32
    %mul3A_129 = arith.constant 12800 : i32
    %mul3A_130 = arith.muli %add3A_128, %mul3A_129 : i32
    "tpu.region"() ({
      %run_scoped3A = tpu.sem_alloc : memref<!tpu.dma_semaphore, #tpu.memory_space<semaphore_mem>>
      %dma_start3A_175 = arith.constant 0 : i32
      %dma_start3A_176 = arith.constant 0 : i32
      %dma_start3A_177 = tpu.memref_slice %arg11[%dma_start3A_175, %dma_start3A_176] : memref<832x32xf32, #tpu.memory_space<vmem>> -> memref<800x32xf32, #tpu.memory_space<vmem>>
      %dma_start3A_178 = arith.constant 0 : i32
      %dma_start3A_179 = tpu.memref_slice %arg12[%mul3A_126, %dma_start3A_178] : memref<13312x32xf32, #tpu.memory_space<vmem_shared>> -> memref<800x32xf32, #tpu.memory_space<vmem_shared>>
      %dma_start3A_180 = arith.constant 0 : i32
      %dma_start3A_181 = arith.constant 0 : i32
      %dma_start3A_182 = tpu.memref_slice %arg11[%dma_start3A_180, %dma_start3A_181] : memref<832x32xf32, #tpu.memory_space<vmem>> -> memref<800x32xf32, #tpu.memory_space<vmem>>
      %dma_start3A_183 = arith.constant 0 : i32
      %dma_start3A_184 = tpu.memref_slice %arg12[%mul3A_126, %dma_start3A_183] : memref<13312x32xf32, #tpu.memory_space<vmem_shared>> -> memref<800x32xf32, #tpu.memory_space<vmem_shared>>
      tpu.enqueue_dma source(%dma_start3A_184 : memref<800x32xf32, #tpu.memory_space<vmem_shared>>) target(%dma_start3A_182 : memref<800x32xf32, #tpu.memory_space<vmem>>) target_semaphore(%run_scoped3A : memref<!tpu.dma_semaphore, #tpu.memory_space<semaphore_mem>>)
      %dma_wait3A_185 = arith.constant 0 : i32
      %dma_wait3A_186 = arith.constant 0 : i32
      %dma_wait3A_187 = tpu.memref_slice %arg11[%dma_wait3A_185, %dma_wait3A_186] : memref<832x32xf32, #tpu.memory_space<vmem>> -> memref<800x32xf32, #tpu.memory_space<vmem>>
      %dma_wait3A_188 = arith.constant 0 : i32
      %dma_wait3A_189 = tpu.memref_slice %arg12[%mul3A_126, %dma_wait3A_188] : memref<13312x32xf32, #tpu.memory_space<vmem_shared>> -> memref<800x32xf32, #tpu.memory_space<vmem_shared>>
      %dma_wait3A_190 = arith.constant 0 : i32
      %dma_wait3A_191 = arith.constant 0 : i32
      %dma_wait3A_192 = tpu.memref_slice %arg11[%dma_wait3A_190, %dma_wait3A_191] : memref<832x32xf32, #tpu.memory_space<vmem>> -> memref<800x32xf32, #tpu.memory_space<vmem>>
      %dma_wait3A_193 = arith.constant 0 : i32
      %dma_wait3A_194 = tpu.memref_slice %arg12[%mul3A_126, %dma_wait3A_193] : memref<13312x32xf32, #tpu.memory_space<vmem_shared>> -> memref<800x32xf32, #tpu.memory_space<vmem_shared>>
      tpu.wait_dma2 semaphore(%run_scoped3A : memref<!tpu.dma_semaphore, #tpu.memory_space<semaphore_mem>>) src(%dma_wait3A_194 : memref<800x32xf32, #tpu.memory_space<vmem_shared>>) dst(%dma_wait3A_192 : memref<800x32xf32, #tpu.memory_space<vmem>>)
      tpu.yield
    }) : () -> ()
    %add3A_131 = arith.addi %mul3A_130, %mul3A_126 : i32
    "tpu.region"() ({
      %run_scoped3A = tpu.sem_alloc : memref<!tpu.dma_semaphore, #tpu.memory_space<semaphore_mem>>
      %dma_start3A_175 = arith.constant 0 : i32
      %dma_start3A_176 = arith.constant 0 : i32
      %dma_start3A_177 = tpu.memref_slice %arg11[%dma_start3A_175, %dma_start3A_176] : memref<832x32xf32, #tpu.memory_space<vmem>> -> memref<800x32xf32, #tpu.memory_space<vmem>>
      %dma_start3A_178 = arith.constant 0 : i32
      %dma_start3A_179 = tpu.memref_slice %arg5[%add3A_131, %dma_start3A_178] : memref<102400x32xf32, #tpu.memory_space<hbm>> -> memref<800x32xf32, #tpu.memory_space<hbm>>
      %dma_start3A_180 = arith.constant 0 : i32
      %dma_start3A_181 = tpu.memref_slice %arg5[%add3A_131, %dma_start3A_180] : memref<102400x32xf32, #tpu.memory_space<hbm>> -> memref<800x32xf32, #tpu.memory_space<hbm>>
      %dma_start3A_182 = arith.constant 0 : i32
      %dma_start3A_183 = arith.constant 0 : i32
      %dma_start3A_184 = tpu.memref_slice %arg11[%dma_start3A_182, %dma_start3A_183] : memref<832x32xf32, #tpu.memory_space<vmem>> -> memref<800x32xf32, #tpu.memory_space<vmem>>
      tpu.enqueue_dma source(%dma_start3A_184 : memref<800x32xf32, #tpu.memory_space<vmem>>) target(%dma_start3A_181 : memref<800x32xf32, #tpu.memory_space<hbm>>) target_semaphore(%run_scoped3A : memref<!tpu.dma_semaphore, #tpu.memory_space<semaphore_mem>>)
      %dma_wait3A_185 = arith.constant 0 : i32
      %dma_wait3A_186 = arith.constant 0 : i32
      %dma_wait3A_187 = tpu.memref_slice %arg11[%dma_wait3A_185, %dma_wait3A_186] : memref<832x32xf32, #tpu.memory_space<vmem>> -> memref<800x32xf32, #tpu.memory_space<vmem>>
      %dma_wait3A_188 = arith.constant 0 : i32
      %dma_wait3A_189 = tpu.memref_slice %arg5[%add3A_131, %dma_wait3A_188] : memref<102400x32xf32, #tpu.memory_space<hbm>> -> memref<800x32xf32, #tpu.memory_space<hbm>>
      %dma_wait3A_190 = arith.constant 0 : i32
      %dma_wait3A_191 = tpu.memref_slice %arg5[%add3A_131, %dma_wait3A_190] : memref<102400x32xf32, #tpu.memory_space<hbm>> -> memref<800x32xf32, #tpu.memory_space<hbm>>
      %dma_wait3A_192 = arith.constant 0 : i32
      %dma_wait3A_193 = arith.constant 0 : i32
      %dma_wait3A_194 = tpu.memref_slice %arg11[%dma_wait3A_192, %dma_wait3A_193] : memref<832x32xf32, #tpu.memory_space<vmem>> -> memref<800x32xf32, #tpu.memory_space<vmem>>
      tpu.wait_dma2 semaphore(%run_scoped3A : memref<!tpu.dma_semaphore, #tpu.memory_space<semaphore_mem>>) src(%dma_wait3A_194 : memref<800x32xf32, #tpu.memory_space<vmem>>) dst(%dma_wait3A_191 : memref<800x32xf32, #tpu.memory_space<hbm>>)
      tpu.yield
    }) : () -> ()
    %barrier3A_132 = arith.constant 0 : index
    tpu.barrier barrier_id(%barrier3A_132)
    %add3A_133 = arith.constant 6 : i32
    %add3A_134 = arith.addi %add3A_133, %arg0 : i32
    %mul3A_135 = arith.constant 12800 : i32
    %mul3A_136 = arith.muli %add3A_134, %mul3A_135 : i32
    %scan3A_137 = arith.constant 0 : i32
    %scan3A_138 = arith.constant 0 : i32
    %scan3A_139 = arith.constant 832 : i32
    %scan3A_140 = arith.addi %scan3A_138, %scan3A_139 : i32
    %scan3A_141 = arith.constant 1 : i32
    %scan3A_142 = scf.for %scan3A_175 = %scan3A_138 to %scan3A_140 step %scan3A_141 iter_args(%scan3A_176 = %scan3A_137) -> (i32)  : i32 {
      %broadcast_in_dim3A = arith.constant 0.000000e+00 : f32
      %broadcast_in_dim3A_177 = vector.broadcast %broadcast_in_dim3A : f32 to vector<16xf32>
      %swap3A = arith.index_cast %scan3A_175 : i32 to index
      %swap3A_178 = arith.constant 0 : index
      %swap3A_179 = tpu.vector_load %arg11[%swap3A, %swap3A_178] {strides = array<i32>} : memref<832x32xf32, #tpu.memory_space<vmem>>, vector<16xf32>,
      tpu.vector_store %arg11[%swap3A, %swap3A_178], %broadcast_in_dim3A_177 {strides = array<i32>} : memref<832x32xf32, #tpu.memory_space<vmem>>, vector<16xf32>,
      %broadcast_in_dim3A_180 = arith.constant 0.000000e+00 : f32
      %broadcast_in_dim3A_181 = vector.broadcast %broadcast_in_dim3A_180 : f32 to vector<16xf32>
      %swap3A_182 = arith.index_cast %scan3A_175 : i32 to index
      %swap3A_183 = arith.constant 16 : index
      %swap3A_184 = tpu.vector_load %arg11[%swap3A_182, %swap3A_183] {strides = array<i32>} : memref<832x32xf32, #tpu.memory_space<vmem>>, vector<16xf32>,
      tpu.vector_store %arg11[%swap3A_182, %swap3A_183], %broadcast_in_dim3A_181 {strides = array<i32>} : memref<832x32xf32, #tpu.memory_space<vmem>>, vector<16xf32>,
      %scan3A_185 = arith.constant 0 : i32
      scf.yield %scan3A_185 : i32
    }
    %scan3A_143 = arith.constant 832 : i32
    %mul3A_144 = arith.constant 832 : i32
    %mul3A_145 = arith.muli %arg1, %mul3A_144 : i32
    "tpu.region"() ({
      %run_scoped3A = tpu.sem_alloc : memref<!tpu.dma_semaphore, #tpu.memory_space<semaphore_mem>>
      %dma_start3A_175 = arith.constant 0 : i32
      %dma_start3A_176 = tpu.memref_slice %arg12[%mul3A_145, %dma_start3A_175] : memref<13312x32xf32, #tpu.memory_space<vmem_shared>> -> memref<832x32xf32, #tpu.memory_space<vmem_shared>>
      %dma_start3A_177 = arith.constant 0 : i32
      %dma_start3A_178 = tpu.memref_slice %arg12[%mul3A_145, %dma_start3A_177] : memref<13312x32xf32, #tpu.memory_space<vmem_shared>> -> memref<832x32xf32, #tpu.memory_space<vmem_shared>>
      tpu.enqueue_dma source(%arg11 : memref<832x32xf32, #tpu.memory_space<vmem>>) target(%dma_start3A_178 : memref<832x32xf32, #tpu.memory_space<vmem_shared>>) target_semaphore(%run_scoped3A : memref<!tpu.dma_semaphore, #tpu.memory_space<semaphore_mem>>)
      %dma_wait3A_179 = arith.constant 0 : i32
      %dma_wait3A_180 = tpu.memref_slice %arg12[%mul3A_145, %dma_wait3A_179] : memref<13312x32xf32, #tpu.memory_space<vmem_shared>> -> memref<832x32xf32, #tpu.memory_space<vmem_shared>>
      %dma_wait3A_181 = arith.constant 0 : i32
      %dma_wait3A_182 = tpu.memref_slice %arg12[%mul3A_145, %dma_wait3A_181] : memref<13312x32xf32, #tpu.memory_space<vmem_shared>> -> memref<832x32xf32, #tpu.memory_space<vmem_shared>>
      tpu.wait_dma2 semaphore(%run_scoped3A : memref<!tpu.dma_semaphore, #tpu.memory_space<semaphore_mem>>) src(%arg11 : memref<832x32xf32, #tpu.memory_space<vmem>>) dst(%dma_wait3A_182 : memref<832x32xf32, #tpu.memory_space<vmem_shared>>)
      tpu.yield
    }) : () -> ()
    %barrier3A_146 = arith.constant 0 : index
    tpu.barrier barrier_id(%barrier3A_146)
    %scan3A_147 = arith.constant 0 : i32
    %scan3A_148 = arith.constant 0 : i32
    %scan3A_149 = arith.constant 50 : i32
    %scan3A_150 = arith.addi %scan3A_148, %scan3A_149 : i32
    %scan3A_151 = arith.constant 1 : i32
    %scan3A_152 = scf.for %scan3A_175 = %scan3A_148 to %scan3A_150 step %scan3A_151 iter_args(%scan3A_176 = %scan3A_147) -> (i32)  : i32 {
      %mul3A_177 = arith.constant 102400 : i32
      %mul3A_178 = arith.muli %arg1, %mul3A_177 : i32
      %mul3A_179 = arith.constant 2048 : i32
      %mul3A_180 = arith.muli %scan3A_175, %mul3A_179 : i32
      %add3A_181 = arith.addi %mul3A_178, %mul3A_180 : i32
      "tpu.region"() ({
        %run_scoped3A = tpu.sem_alloc : memref<!tpu.dma_semaphore, #tpu.memory_space<semaphore_mem>>
        %dma_start3A_188 = tpu.memref_slice %arg3[%add3A_181] : memref<1638400xi32, #tpu.memory_space<hbm>> -> memref<2048xi32, #tpu.memory_space<hbm>>
        %dma_start3A_189 = tpu.memref_slice %arg3[%add3A_181] : memref<1638400xi32, #tpu.memory_space<hbm>> -> memref<2048xi32, #tpu.memory_space<hbm>>
        tpu.enqueue_dma source(%dma_start3A_189 : memref<2048xi32, #tpu.memory_space<hbm>>) target(%arg6 : memref<2048xi32, #tpu.memory_space<vmem>>) target_semaphore(%run_scoped3A : memref<!tpu.dma_semaphore, #tpu.memory_space<semaphore_mem>>)
        %dma_wait3A_190 = tpu.memref_slice %arg3[%add3A_181] : memref<1638400xi32, #tpu.memory_space<hbm>> -> memref<2048xi32, #tpu.memory_space<hbm>>
        %dma_wait3A_191 = tpu.memref_slice %arg3[%add3A_181] : memref<1638400xi32, #tpu.memory_space<hbm>> -> memref<2048xi32, #tpu.memory_space<hbm>>
        tpu.wait_dma2 semaphore(%run_scoped3A : memref<!tpu.dma_semaphore, #tpu.memory_space<semaphore_mem>>) src(%dma_wait3A_191 : memref<2048xi32, #tpu.memory_space<hbm>>) dst(%arg6 : memref<2048xi32, #tpu.memory_space<vmem>>)
        tpu.yield
      }) : () -> ()
      "tpu.region"() ({
        %run_scoped3A = tpu.sem_alloc : memref<!tpu.dma_semaphore, #tpu.memory_space<semaphore_mem>>
        %dma_start3A_188 = tpu.memref_slice %arg4[%add3A_181] : memref<1638400xi32, #tpu.memory_space<hbm>> -> memref<2048xi32, #tpu.memory_space<hbm>>
        %dma_start3A_189 = tpu.memref_slice %arg4[%add3A_181] : memref<1638400xi32, #tpu.memory_space<hbm>> -> memref<2048xi32, #tpu.memory_space<hbm>>
        tpu.enqueue_dma source(%dma_start3A_189 : memref<2048xi32, #tpu.memory_space<hbm>>) target(%arg7 : memref<2048xi32, #tpu.memory_space<vmem>>) target_semaphore(%run_scoped3A : memref<!tpu.dma_semaphore, #tpu.memory_space<semaphore_mem>>)
        %dma_wait3A_190 = tpu.memref_slice %arg4[%add3A_181] : memref<1638400xi32, #tpu.memory_space<hbm>> -> memref<2048xi32, #tpu.memory_space<hbm>>
        %dma_wait3A_191 = tpu.memref_slice %arg4[%add3A_181] : memref<1638400xi32, #tpu.memory_space<hbm>> -> memref<2048xi32, #tpu.memory_space<hbm>>
        tpu.wait_dma2 semaphore(%run_scoped3A : memref<!tpu.dma_semaphore, #tpu.memory_space<semaphore_mem>>) src(%dma_wait3A_191 : memref<2048xi32, #tpu.memory_space<hbm>>) dst(%arg7 : memref<2048xi32, #tpu.memory_space<vmem>>)
        tpu.yield
      }) : () -> ()
      %scan3A_182 = arith.constant 0 : i32
      %scan3A_183 = arith.constant 128 : i32
      %scan3A_184 = arith.addi %scan3A_182, %scan3A_183 : i32
      %scan3A_185 = arith.constant 1 : i32
      %scan3A_186 = scf.for %scan3A_188 = %scan3A_182 to %scan3A_184 step %scan3A_185 iter_args(%scan3A_189 = %scan3A_176) -> (i32)  : i32 {
        %mul3A_190 = arith.constant 16 : i32
        %mul3A_191 = arith.muli %scan3A_188, %mul3A_190 : i32
        %get3A = arith.index_cast %mul3A_191 : i32 to index
        %get3A_192 = tpu.vector_load %arg7[%get3A] {strides = array<i32>} : memref<2048xi32, #tpu.memory_space<vmem>>, vector<16xi32>,
        %sub3A = vector.broadcast %mul3A_136 : i32 to vector<16xi32>
        %sub3A_193 = arith.subi %get3A_192, %sub3A : vector<16xi32>
        %ge3A = arith.constant 0 : i32
        %ge3A_194 = vector.broadcast %ge3A : i32 to vector<16xi32>
        %ge3A_195 = arith.cmpi sge, %sub3A_193, %ge3A_194 : vector<16xi32>
        %lt3A = arith.constant 12800 : i32
        %lt3A_196 = vector.broadcast %lt3A : i32 to vector<16xi32>
        %lt3A_197 = arith.cmpi slt, %sub3A_193, %lt3A_196 : vector<16xi32>
        %and3A = arith.andi %ge3A_195, %lt3A_197 : vector<16xi1>
        %all_reduce_population_count3A = tpu.all_reduce %and3A {dim = 0 : i64, kind = #tpu.reduction_kind<sum>} : vector<16xi1> -> vector<16xi32>
        %slice3A = vector.extract_strided_slice %all_reduce_population_count3A {offsets = [0], sizes = [1], strides = [1]} : vector<16xi32> to vector<1xi32>
        %squeeze3A = vector.extract %slice3A[0] : i32 from vector<1xi32>
        %gt3A = arith.constant 2032 : i32
        %gt3A_198 = arith.cmpi sgt, %scan3A_189, %gt3A : i32
        %convert_element_type3A = arith.extui %gt3A_198 : i1 to i32
        %cond3A = arith.constant 0 : i32
        %cond3A_199 = arith.cmpi ne, %convert_element_type3A, %cond3A : i32
        scf.if %cond3A_199 {
          %sub3A_208 = arith.constant 2048 : i32
          %sub3A_209 = arith.subi %sub3A_208, %scan3A_189 : i32
          %lt3A_210 = vector.broadcast %sub3A_209 : i32 to vector<16xi32>
          %lt3A_211 = arith.cmpi slt, %iota3A, %lt3A_210 : vector<16xi32>
          %add3A_212 = vector.broadcast %scan3A_189 : i32 to vector<16xi32>
          %add3A_213 = arith.addi %add3A_212, %iota3A : vector<16xi32>
          %min3A = arith.constant 2047 : i32
          %min3A_214 = vector.broadcast %min3A : i32 to vector<16xi32>
          %min3A_215 = arith.minsi %add3A_213, %min3A_214 : vector<16xi32>
          tpu.vector_store_idx %arg8[%min3A_215], %add3A_4 masked %lt3A_211 : memref<2048xi32, #tpu.memory_space<vmem>>[vector<16xi32>], vector<16xi32>, vector<16xi1>
          tpu.vector_store_idx %arg9[%min3A_215], %add3A_10 masked %lt3A_211 : memref<2048xi32, #tpu.memory_space<vmem>>[vector<16xi32>], vector<16xi32>, vector<16xi1>
          %dma_start3A_216 = arith.constant 0 : i32
          %dma_start3A_217 = arith.constant 0 : i32
          %dma_start3A_218 = tpu.memref_slice %arg2[%dma_start3A_216, %dma_start3A_217] : memref<100000x32xf32, #tpu.memory_space<hbm>> -> memref<100000x32xf32, #tpu.memory_space<hbm>>
          tpu.enqueue_indirect_dma source(%dma_start3A_218 : memref<100000x32xf32, #tpu.memory_space<hbm>>) target(%arg10 : memref<2048x32xf32, #tpu.memory_space<vmem>>) offsets(%arg8 : memref<2048xi32, #tpu.memory_space<vmem>>) semaphore(%arg13 : memref<!tpu.dma_semaphore, #tpu.memory_space<semaphore_mem>>)
          %dma_wait3A_219 = arith.constant 0 : i32
          %dma_wait3A_220 = arith.constant 0 : i32
          %dma_wait3A_221 = tpu.memref_slice %arg2[%dma_wait3A_219, %dma_wait3A_220] : memref<100000x32xf32, #tpu.memory_space<hbm>> -> memref<100000x32xf32, #tpu.memory_space<hbm>>
          tpu.wait_indirect_dma semaphore(%arg13 : memref<!tpu.dma_semaphore, #tpu.memory_space<semaphore_mem>>) src(%dma_wait3A_221 : memref<100000x32xf32, #tpu.memory_space<hbm>>) dst(%arg10 : memref<2048x32xf32, #tpu.memory_space<vmem>>)
          "tpu.region"() ({
            %run_scoped3A = tpu.sem_alloc : memref<!tpu.dma_semaphore, #tpu.memory_space<semaphore_mem>>
            %dma_start3A_222 = arith.constant 0 : i32
            %dma_start3A_223 = arith.constant 0 : i32
            %dma_start3A_224 = tpu.memref_slice %arg12[%dma_start3A_222, %dma_start3A_223] : memref<13312x32xf32, #tpu.memory_space<vmem_shared>> -> memref<13312x32xf32, #tpu.memory_space<vmem_shared>>
            tpu.enqueue_indirect_dma source(%arg10 : memref<2048x32xf32, #tpu.memory_space<vmem>>) target(%dma_start3A_224 : memref<13312x32xf32, #tpu.memory_space<vmem_shared>>) offsets(%arg9 : memref<2048xi32, #tpu.memory_space<vmem>>) semaphore(%run_scoped3A : memref<!tpu.dma_semaphore, #tpu.memory_space<semaphore_mem>>) {add = true}
            %dma_wait3A_225 = arith.constant 0 : i32
            %dma_wait3A_226 = arith.constant 0 : i32
            %dma_wait3A_227 = tpu.memref_slice %arg12[%dma_wait3A_225, %dma_wait3A_226] : memref<13312x32xf32, #tpu.memory_space<vmem_shared>> -> memref<13312x32xf32, #tpu.memory_space<vmem_shared>>
            tpu.wait_indirect_dma semaphore(%run_scoped3A : memref<!tpu.dma_semaphore, #tpu.memory_space<semaphore_mem>>) src(%arg10 : memref<2048x32xf32, #tpu.memory_space<vmem>>) dst(%dma_wait3A_227 : memref<13312x32xf32, #tpu.memory_space<vmem_shared>>)
            tpu.yield
          }) : () -> ()
        } else {
        }
        %jit3A = arith.constant 0 : i32
        %select_n3A = arith.select %gt3A_198, %jit3A, %scan3A_189 : i32
        %mul3A_200 = arith.constant 16 : i32
        %mul3A_201 = arith.muli %scan3A_188, %mul3A_200 : i32
        %get3A_202 = arith.index_cast %mul3A_201 : i32 to index
        %get3A_203 = tpu.vector_load %arg6[%get3A_202] {strides = array<i32>} : memref<2048xi32, #tpu.memory_space<vmem>>, vector<16xi32>,
        %swap3A = arith.index_cast %select_n3A : i32 to index
        %swap3A_204 = tpu.vector_load %arg8[%swap3A] masked %and3A {strides = array<i32>} : memref<2048xi32, #tpu.memory_space<vmem>>, vector<16xi32>, vector<16xi1>
        tpu.vector_store %arg8[%swap3A], %get3A_203 masked %and3A {strides = array<i32>} : memref<2048xi32, #tpu.memory_space<vmem>>, vector<16xi32>, vector<16xi1>
        %swap3A_205 = arith.index_cast %select_n3A : i32 to index
        %swap3A_206 = tpu.vector_load %arg9[%swap3A_205] masked %and3A {strides = array<i32>} : memref<2048xi32, #tpu.memory_space<vmem>>, vector<16xi32>, vector<16xi1>
        tpu.vector_store %arg9[%swap3A_205], %sub3A_193 masked %and3A {strides = array<i32>} : memref<2048xi32, #tpu.memory_space<vmem>>, vector<16xi32>, vector<16xi1>
        %add3A_207 = arith.addi %select_n3A, %squeeze3A : i32
        scf.yield %add3A_207 : i32
      }
      %scan3A_187 = arith.constant 128 : i32
      scf.yield %scan3A_186 : i32
    }
    %scan3A_153 = arith.constant 50 : i32
    %scan3A_154 = arith.constant 0 : i32
    %scan3A_155 = arith.constant 128 : i32
    %scan3A_156 = arith.addi %scan3A_154, %scan3A_155 : i32
    %scan3A_157 = arith.constant 1 : i32
    %scan3A_158 = scf.for %scan3A_175 = %scan3A_154 to %scan3A_156 step %scan3A_157 iter_args(%scan3A_176 = %scan3A_152) -> (i32)  : i32 {
      %sub3A = arith.constant 2048 : i32
      %sub3A_177 = arith.subi %sub3A, %scan3A_176 : i32
      %lt3A = vector.broadcast %sub3A_177 : i32 to vector<16xi32>
      %lt3A_178 = arith.cmpi slt, %iota3A, %lt3A : vector<16xi32>
      %add3A_179 = vector.broadcast %scan3A_176 : i32 to vector<16xi32>
      %add3A_180 = arith.addi %add3A_179, %iota3A : vector<16xi32>
      %min3A = arith.constant 2047 : i32
      %min3A_181 = vector.broadcast %min3A : i32 to vector<16xi32>
      %min3A_182 = arith.minsi %add3A_180, %min3A_181 : vector<16xi32>
      tpu.vector_store_idx %arg8[%min3A_182], %add3A_4 masked %lt3A_178 : memref<2048xi32, #tpu.memory_space<vmem>>[vector<16xi32>], vector<16xi32>, vector<16xi1>
      tpu.vector_store_idx %arg9[%min3A_182], %add3A_10 masked %lt3A_178 : memref<2048xi32, #tpu.memory_space<vmem>>[vector<16xi32>], vector<16xi32>, vector<16xi1>
      %add3A_183 = arith.constant 16 : i32
      %add3A_184 = arith.addi %scan3A_176, %add3A_183 : i32
      %min3A_185 = arith.constant 2048 : i32
      %min3A_186 = arith.minsi %add3A_184, %min3A_185 : i32
      scf.yield %min3A_186 : i32
    }
    %scan3A_159 = arith.constant 128 : i32
    %dma_start3A_160 = arith.constant 0 : i32
    %dma_start3A_161 = arith.constant 0 : i32
    %dma_start3A_162 = tpu.memref_slice %arg2[%dma_start3A_160, %dma_start3A_161] : memref<100000x32xf32, #tpu.memory_space<hbm>> -> memref<100000x32xf32, #tpu.memory_space<hbm>>
    tpu.enqueue_indirect_dma source(%dma_start3A_162 : memref<100000x32xf32, #tpu.memory_space<hbm>>) target(%arg10 : memref<2048x32xf32, #tpu.memory_space<vmem>>) offsets(%arg8 : memref<2048xi32, #tpu.memory_space<vmem>>) semaphore(%arg13 : memref<!tpu.dma_semaphore, #tpu.memory_space<semaphore_mem>>)
    %dma_wait3A_163 = arith.constant 0 : i32
    %dma_wait3A_164 = arith.constant 0 : i32
    %dma_wait3A_165 = tpu.memref_slice %arg2[%dma_wait3A_163, %dma_wait3A_164] : memref<100000x32xf32, #tpu.memory_space<hbm>> -> memref<100000x32xf32, #tpu.memory_space<hbm>>
    tpu.wait_indirect_dma semaphore(%arg13 : memref<!tpu.dma_semaphore, #tpu.memory_space<semaphore_mem>>) src(%dma_wait3A_165 : memref<100000x32xf32, #tpu.memory_space<hbm>>) dst(%arg10 : memref<2048x32xf32, #tpu.memory_space<vmem>>)
    "tpu.region"() ({
      %run_scoped3A = tpu.sem_alloc : memref<!tpu.dma_semaphore, #tpu.memory_space<semaphore_mem>>
      %dma_start3A_175 = arith.constant 0 : i32
      %dma_start3A_176 = arith.constant 0 : i32
      %dma_start3A_177 = tpu.memref_slice %arg12[%dma_start3A_175, %dma_start3A_176] : memref<13312x32xf32, #tpu.memory_space<vmem_shared>> -> memref<13312x32xf32, #tpu.memory_space<vmem_shared>>
      tpu.enqueue_indirect_dma source(%arg10 : memref<2048x32xf32, #tpu.memory_space<vmem>>) target(%dma_start3A_177 : memref<13312x32xf32, #tpu.memory_space<vmem_shared>>) offsets(%arg9 : memref<2048xi32, #tpu.memory_space<vmem>>) semaphore(%run_scoped3A : memref<!tpu.dma_semaphore, #tpu.memory_space<semaphore_mem>>) {add = true}
      %dma_wait3A_178 = arith.constant 0 : i32
      %dma_wait3A_179 = arith.constant 0 : i32
      %dma_wait3A_180 = tpu.memref_slice %arg12[%dma_wait3A_178, %dma_wait3A_179] : memref<13312x32xf32, #tpu.memory_space<vmem_shared>> -> memref<13312x32xf32, #tpu.memory_space<vmem_shared>>
      tpu.wait_indirect_dma semaphore(%run_scoped3A : memref<!tpu.dma_semaphore, #tpu.memory_space<semaphore_mem>>) src(%arg10 : memref<2048x32xf32, #tpu.memory_space<vmem>>) dst(%dma_wait3A_180 : memref<13312x32xf32, #tpu.memory_space<vmem_shared>>)
      tpu.yield
    }) : () -> ()
    %barrier3A_166 = arith.constant 0 : index
    tpu.barrier barrier_id(%barrier3A_166)
    %mul3A_167 = arith.constant 800 : i32
    %mul3A_168 = arith.muli %arg1, %mul3A_167 : i32
    %add3A_169 = arith.constant 6 : i32
    %add3A_170 = arith.addi %add3A_169, %arg0 : i32
    %mul3A_171 = arith.constant 12800 : i32
    %mul3A_172 = arith.muli %add3A_170, %mul3A_171 : i32
    "tpu.region"() ({
      %run_scoped3A = tpu.sem_alloc : memref<!tpu.dma_semaphore, #tpu.memory_space<semaphore_mem>>
      %dma_start3A_175 = arith.constant 0 : i32
      %dma_start3A_176 = arith.constant 0 : i32
      %dma_start3A_177 = tpu.memref_slice %arg11[%dma_start3A_175, %dma_start3A_176] : memref<832x32xf32, #tpu.memory_space<vmem>> -> memref<800x32xf32, #tpu.memory_space<vmem>>
      %dma_start3A_178 = arith.constant 0 : i32
      %dma_start3A_179 = tpu.memref_slice %arg12[%mul3A_168, %dma_start3A_178] : memref<13312x32xf32, #tpu.memory_space<vmem_shared>> -> memref<800x32xf32, #tpu.memory_space<vmem_shared>>
      %dma_start3A_180 = arith.constant 0 : i32
      %dma_start3A_181 = arith.constant 0 : i32
      %dma_start3A_182 = tpu.memref_slice %arg11[%dma_start3A_180, %dma_start3A_181] : memref<832x32xf32, #tpu.memory_space<vmem>> -> memref<800x32xf32, #tpu.memory_space<vmem>>
      %dma_start3A_183 = arith.constant 0 : i32
      %dma_start3A_184 = tpu.memref_slice %arg12[%mul3A_168, %dma_start3A_183] : memref<13312x32xf32, #tpu.memory_space<vmem_shared>> -> memref<800x32xf32, #tpu.memory_space<vmem_shared>>
      tpu.enqueue_dma source(%dma_start3A_184 : memref<800x32xf32, #tpu.memory_space<vmem_shared>>) target(%dma_start3A_182 : memref<800x32xf32, #tpu.memory_space<vmem>>) target_semaphore(%run_scoped3A : memref<!tpu.dma_semaphore, #tpu.memory_space<semaphore_mem>>)
      %dma_wait3A_185 = arith.constant 0 : i32
      %dma_wait3A_186 = arith.constant 0 : i32
      %dma_wait3A_187 = tpu.memref_slice %arg11[%dma_wait3A_185, %dma_wait3A_186] : memref<832x32xf32, #tpu.memory_space<vmem>> -> memref<800x32xf32, #tpu.memory_space<vmem>>
      %dma_wait3A_188 = arith.constant 0 : i32
      %dma_wait3A_189 = tpu.memref_slice %arg12[%mul3A_168, %dma_wait3A_188] : memref<13312x32xf32, #tpu.memory_space<vmem_shared>> -> memref<800x32xf32, #tpu.memory_space<vmem_shared>>
      %dma_wait3A_190 = arith.constant 0 : i32
      %dma_wait3A_191 = arith.constant 0 : i32
      %dma_wait3A_192 = tpu.memref_slice %arg11[%dma_wait3A_190, %dma_wait3A_191] : memref<832x32xf32, #tpu.memory_space<vmem>> -> memref<800x32xf32, #tpu.memory_space<vmem>>
      %dma_wait3A_193 = arith.constant 0 : i32
      %dma_wait3A_194 = tpu.memref_slice %arg12[%mul3A_168, %dma_wait3A_193] : memref<13312x32xf32, #tpu.memory_space<vmem_shared>> -> memref<800x32xf32, #tpu.memory_space<vmem_shared>>
      tpu.wait_dma2 semaphore(%run_scoped3A : memref<!tpu.dma_semaphore, #tpu.memory_space<semaphore_mem>>) src(%dma_wait3A_194 : memref<800x32xf32, #tpu.memory_space<vmem_shared>>) dst(%dma_wait3A_192 : memref<800x32xf32, #tpu.memory_space<vmem>>)
      tpu.yield
    }) : () -> ()
    %add3A_173 = arith.addi %mul3A_172, %mul3A_168 : i32
    "tpu.region"() ({
      %run_scoped3A = tpu.sem_alloc : memref<!tpu.dma_semaphore, #tpu.memory_space<semaphore_mem>>
      %dma_start3A_175 = arith.constant 0 : i32
      %dma_start3A_176 = arith.constant 0 : i32
      %dma_start3A_177 = tpu.memref_slice %arg11[%dma_start3A_175, %dma_start3A_176] : memref<832x32xf32, #tpu.memory_space<vmem>> -> memref<800x32xf32, #tpu.memory_space<vmem>>
      %dma_start3A_178 = arith.constant 0 : i32
      %dma_start3A_179 = tpu.memref_slice %arg5[%add3A_173, %dma_start3A_178] : memref<102400x32xf32, #tpu.memory_space<hbm>> -> memref<800x32xf32, #tpu.memory_space<hbm>>
      %dma_start3A_180 = arith.constant 0 : i32
      %dma_start3A_181 = tpu.memref_slice %arg5[%add3A_173, %dma_start3A_180] : memref<102400x32xf32, #tpu.memory_space<hbm>> -> memref<800x32xf32, #tpu.memory_space<hbm>>
      %dma_start3A_182 = arith.constant 0 : i32
      %dma_start3A_183 = arith.constant 0 : i32
      %dma_start3A_184 = tpu.memref_slice %arg11[%dma_start3A_182, %dma_start3A_183] : memref<832x32xf32, #tpu.memory_space<vmem>> -> memref<800x32xf32, #tpu.memory_space<vmem>>
      tpu.enqueue_dma source(%dma_start3A_184 : memref<800x32xf32, #tpu.memory_space<vmem>>) target(%dma_start3A_181 : memref<800x32xf32, #tpu.memory_space<hbm>>) target_semaphore(%run_scoped3A : memref<!tpu.dma_semaphore, #tpu.memory_space<semaphore_mem>>)
      %dma_wait3A_185 = arith.constant 0 : i32
      %dma_wait3A_186 = arith.constant 0 : i32
      %dma_wait3A_187 = tpu.memref_slice %arg11[%dma_wait3A_185, %dma_wait3A_186] : memref<832x32xf32, #tpu.memory_space<vmem>> -> memref<800x32xf32, #tpu.memory_space<vmem>>
      %dma_wait3A_188 = arith.constant 0 : i32
      %dma_wait3A_189 = tpu.memref_slice %arg5[%add3A_173, %dma_wait3A_188] : memref<102400x32xf32, #tpu.memory_space<hbm>> -> memref<800x32xf32, #tpu.memory_space<hbm>>
      %dma_wait3A_190 = arith.constant 0 : i32
      %dma_wait3A_191 = tpu.memref_slice %arg5[%add3A_173, %dma_wait3A_190] : memref<102400x32xf32, #tpu.memory_space<hbm>> -> memref<800x32xf32, #tpu.memory_space<hbm>>
      %dma_wait3A_192 = arith.constant 0 : i32
      %dma_wait3A_193 = arith.constant 0 : i32
      %dma_wait3A_194 = tpu.memref_slice %arg11[%dma_wait3A_192, %dma_wait3A_193] : memref<832x32xf32, #tpu.memory_space<vmem>> -> memref<800x32xf32, #tpu.memory_space<vmem>>
      tpu.wait_dma2 semaphore(%run_scoped3A : memref<!tpu.dma_semaphore, #tpu.memory_space<semaphore_mem>>) src(%dma_wait3A_194 : memref<800x32xf32, #tpu.memory_space<vmem>>) dst(%dma_wait3A_191 : memref<800x32xf32, #tpu.memory_space<hbm>>)
      tpu.yield
    }) : () -> ()
    %barrier3A_174 = arith.constant 0 : index
    tpu.barrier barrier_id(%barrier3A_174)
    return
  }
}

#map = affine_map<(d0, d1) -> (0)>
module attributes {stable_mosaic.version = 14 : i64} {
  func.func @k(%arg0: i32, %arg1: i32, %arg2: memref<1638400xi32, #tpu.memory_space<hbm>>, %arg3: memref<102912xf32, #tpu.memory_space<hbm>>, %arg4: memref<102912xf32, #tpu.memory_space<hbm>>, %arg5: memref<2048xi32, #tpu.memory_space<vmem>>, %arg6: memref<2048xf32, #tpu.memory_space<vmem>>, %arg7: memref<6432xf32, #tpu.memory_space<vmem>>, %arg8: memref<102912xf32, #tpu.memory_space<vmem_shared>>) attributes {dimension_semantics = [#tpu.dimension_semantics<core_parallel>, #tpu.dimension_semantics<subcore_parallel>], iteration_bounds = array<i64: 2, 16>, scalar_prefetch = 0 : i64, scratch_operands = 4 : i64, tpu.core_type = #tpu.core_type<sc_vector_subcore>, window_params = [{transform_indices = #map}, {transform_indices = #map}, {transform_indices = #map}]} {
    %mul3A = arith.constant 16 : i32
    %mul3A_0 = arith.muli %arg0, %mul3A : i32
    %add3A = arith.addi %mul3A_0, %arg1 : i32
    %scan3A = arith.constant 0 : i32
    %scan3A_1 = arith.constant 0 : i32
    %scan3A_2 = arith.constant 128 : i32
    %scan3A_3 = arith.addi %scan3A_1, %scan3A_2 : i32
    %scan3A_4 = arith.constant 1 : i32
    %scan3A_5 = scf.for %scan3A_33 = %scan3A_1 to %scan3A_3 step %scan3A_4 iter_args(%scan3A_34 = %scan3A) -> (i32)  : i32 {
      %broadcast_in_dim3A = arith.constant 1.000000e+00 : f32
      %broadcast_in_dim3A_35 = vector.broadcast %broadcast_in_dim3A : f32 to vector<16xf32>
      %mul3A_36 = arith.constant 16 : i32
      %mul3A_37 = arith.muli %scan3A_33, %mul3A_36 : i32
      %swap3A = arith.index_cast %mul3A_37 : i32 to index
      %swap3A_38 = tpu.vector_load %arg6[%swap3A] {strides = array<i32>} : memref<2048xf32, #tpu.memory_space<vmem>>, vector<16xf32>,
      tpu.vector_store %arg6[%swap3A], %broadcast_in_dim3A_35 {strides = array<i32>} : memref<2048xf32, #tpu.memory_space<vmem>>, vector<16xf32>,
      %scan3A_39 = arith.constant 0 : i32
      scf.yield %scan3A_39 : i32
    }
    %scan3A_6 = arith.constant 128 : i32
    %scan3A_7 = arith.constant 0 : i32
    %scan3A_8 = arith.constant 0 : i32
    %scan3A_9 = arith.constant 402 : i32
    %scan3A_10 = arith.addi %scan3A_8, %scan3A_9 : i32
    %scan3A_11 = arith.constant 1 : i32
    %scan3A_12 = scf.for %scan3A_33 = %scan3A_8 to %scan3A_10 step %scan3A_11 iter_args(%scan3A_34 = %scan3A_7) -> (i32)  : i32 {
      %broadcast_in_dim3A = arith.constant 0.000000e+00 : f32
      %broadcast_in_dim3A_35 = vector.broadcast %broadcast_in_dim3A : f32 to vector<16xf32>
      %mul3A_36 = arith.constant 16 : i32
      %mul3A_37 = arith.muli %scan3A_33, %mul3A_36 : i32
      %swap3A = arith.index_cast %mul3A_37 : i32 to index
      %swap3A_38 = tpu.vector_load %arg7[%swap3A] {strides = array<i32>} : memref<6432xf32, #tpu.memory_space<vmem>>, vector<16xf32>,
      tpu.vector_store %arg7[%swap3A], %broadcast_in_dim3A_35 {strides = array<i32>} : memref<6432xf32, #tpu.memory_space<vmem>>, vector<16xf32>,
      %scan3A_39 = arith.constant 0 : i32
      scf.yield %scan3A_39 : i32
    }
    %scan3A_13 = arith.constant 402 : i32
    %mul3A_14 = arith.constant 6432 : i32
    %mul3A_15 = arith.muli %arg1, %mul3A_14 : i32
    "tpu.region"() ({
      %run_scoped3A = tpu.sem_alloc : memref<!tpu.dma_semaphore, #tpu.memory_space<semaphore_mem>>
      %dma_start3A = tpu.memref_slice %arg8[%mul3A_15] : memref<102912xf32, #tpu.memory_space<vmem_shared>> -> memref<6432xf32, #tpu.memory_space<vmem_shared>>
      %dma_start3A_33 = tpu.memref_slice %arg8[%mul3A_15] : memref<102912xf32, #tpu.memory_space<vmem_shared>> -> memref<6432xf32, #tpu.memory_space<vmem_shared>>
      tpu.enqueue_dma source(%arg7 : memref<6432xf32, #tpu.memory_space<vmem>>) target(%dma_start3A_33 : memref<6432xf32, #tpu.memory_space<vmem_shared>>) target_semaphore(%run_scoped3A : memref<!tpu.dma_semaphore, #tpu.memory_space<semaphore_mem>>)
      %dma_wait3A = tpu.memref_slice %arg8[%mul3A_15] : memref<102912xf32, #tpu.memory_space<vmem_shared>> -> memref<6432xf32, #tpu.memory_space<vmem_shared>>
      %dma_wait3A_34 = tpu.memref_slice %arg8[%mul3A_15] : memref<102912xf32, #tpu.memory_space<vmem_shared>> -> memref<6432xf32, #tpu.memory_space<vmem_shared>>
      tpu.wait_dma2 semaphore(%run_scoped3A : memref<!tpu.dma_semaphore, #tpu.memory_space<semaphore_mem>>) src(%arg7 : memref<6432xf32, #tpu.memory_space<vmem>>) dst(%dma_wait3A_34 : memref<6432xf32, #tpu.memory_space<vmem_shared>>)
      tpu.yield
    }) : () -> ()
    %barrier3A = arith.constant 0 : index
    tpu.barrier barrier_id(%barrier3A)
    %scan3A_16 = arith.constant 0 : i32
    %scan3A_17 = arith.constant 0 : i32
    %scan3A_18 = arith.constant 25 : i32
    %scan3A_19 = arith.addi %scan3A_17, %scan3A_18 : i32
    %scan3A_20 = arith.constant 1 : i32
    %scan3A_21 = scf.for %scan3A_33 = %scan3A_17 to %scan3A_19 step %scan3A_20 iter_args(%scan3A_34 = %scan3A_16) -> (i32)  : i32 {
      %mul3A_35 = arith.constant 51200 : i32
      %mul3A_36 = arith.muli %add3A, %mul3A_35 : i32
      %mul3A_37 = arith.constant 2048 : i32
      %mul3A_38 = arith.muli %scan3A_33, %mul3A_37 : i32
      %add3A_39 = arith.addi %mul3A_36, %mul3A_38 : i32
      "tpu.region"() ({
        %run_scoped3A = tpu.sem_alloc : memref<!tpu.dma_semaphore, #tpu.memory_space<semaphore_mem>>
        %dma_start3A = tpu.memref_slice %arg2[%add3A_39] : memref<1638400xi32, #tpu.memory_space<hbm>> -> memref<2048xi32, #tpu.memory_space<hbm>>
        %dma_start3A_41 = tpu.memref_slice %arg2[%add3A_39] : memref<1638400xi32, #tpu.memory_space<hbm>> -> memref<2048xi32, #tpu.memory_space<hbm>>
        tpu.enqueue_dma source(%dma_start3A_41 : memref<2048xi32, #tpu.memory_space<hbm>>) target(%arg5 : memref<2048xi32, #tpu.memory_space<vmem>>) target_semaphore(%run_scoped3A : memref<!tpu.dma_semaphore, #tpu.memory_space<semaphore_mem>>)
        %dma_wait3A = tpu.memref_slice %arg2[%add3A_39] : memref<1638400xi32, #tpu.memory_space<hbm>> -> memref<2048xi32, #tpu.memory_space<hbm>>
        %dma_wait3A_42 = tpu.memref_slice %arg2[%add3A_39] : memref<1638400xi32, #tpu.memory_space<hbm>> -> memref<2048xi32, #tpu.memory_space<hbm>>
        tpu.wait_dma2 semaphore(%run_scoped3A : memref<!tpu.dma_semaphore, #tpu.memory_space<semaphore_mem>>) src(%dma_wait3A_42 : memref<2048xi32, #tpu.memory_space<hbm>>) dst(%arg5 : memref<2048xi32, #tpu.memory_space<vmem>>)
        tpu.yield
      }) : () -> ()
      "tpu.region"() ({
        %run_scoped3A = tpu.sem_alloc : memref<!tpu.dma_semaphore, #tpu.memory_space<semaphore_mem>>
        %dma_start3A = arith.constant 0 : i32
        %dma_start3A_41 = tpu.memref_slice %arg8[%dma_start3A] : memref<102912xf32, #tpu.memory_space<vmem_shared>> -> memref<102912xf32, #tpu.memory_space<vmem_shared>>
        tpu.enqueue_indirect_dma source(%arg6 : memref<2048xf32, #tpu.memory_space<vmem>>) target(%dma_start3A_41 : memref<102912xf32, #tpu.memory_space<vmem_shared>>) offsets(%arg5 : memref<2048xi32, #tpu.memory_space<vmem>>) semaphore(%run_scoped3A : memref<!tpu.dma_semaphore, #tpu.memory_space<semaphore_mem>>) {add = true}
        %dma_wait3A = arith.constant 0 : i32
        %dma_wait3A_42 = tpu.memref_slice %arg8[%dma_wait3A] : memref<102912xf32, #tpu.memory_space<vmem_shared>> -> memref<102912xf32, #tpu.memory_space<vmem_shared>>
        tpu.wait_indirect_dma semaphore(%run_scoped3A : memref<!tpu.dma_semaphore, #tpu.memory_space<semaphore_mem>>) src(%arg6 : memref<2048xf32, #tpu.memory_space<vmem>>) dst(%dma_wait3A_42 : memref<102912xf32, #tpu.memory_space<vmem_shared>>)
        tpu.yield
      }) : () -> ()
      %scan3A_40 = arith.constant 0 : i32
      scf.yield %scan3A_40 : i32
    }
    %scan3A_22 = arith.constant 25 : i32
    %barrier3A_23 = arith.constant 0 : index
    tpu.barrier barrier_id(%barrier3A_23)
    %mul3A_24 = arith.constant 6432 : i32
    %mul3A_25 = arith.muli %arg1, %mul3A_24 : i32
    "tpu.region"() ({
      %run_scoped3A = tpu.sem_alloc : memref<!tpu.dma_semaphore, #tpu.memory_space<semaphore_mem>>
      %dma_start3A = tpu.memref_slice %arg8[%mul3A_25] : memref<102912xf32, #tpu.memory_space<vmem_shared>> -> memref<6432xf32, #tpu.memory_space<vmem_shared>>
      %dma_start3A_33 = tpu.memref_slice %arg8[%mul3A_25] : memref<102912xf32, #tpu.memory_space<vmem_shared>> -> memref<6432xf32, #tpu.memory_space<vmem_shared>>
      tpu.enqueue_dma source(%dma_start3A_33 : memref<6432xf32, #tpu.memory_space<vmem_shared>>) target(%arg7 : memref<6432xf32, #tpu.memory_space<vmem>>) target_semaphore(%run_scoped3A : memref<!tpu.dma_semaphore, #tpu.memory_space<semaphore_mem>>)
      %dma_wait3A = tpu.memref_slice %arg8[%mul3A_25] : memref<102912xf32, #tpu.memory_space<vmem_shared>> -> memref<6432xf32, #tpu.memory_space<vmem_shared>>
      %dma_wait3A_34 = tpu.memref_slice %arg8[%mul3A_25] : memref<102912xf32, #tpu.memory_space<vmem_shared>> -> memref<6432xf32, #tpu.memory_space<vmem_shared>>
      tpu.wait_dma2 semaphore(%run_scoped3A : memref<!tpu.dma_semaphore, #tpu.memory_space<semaphore_mem>>) src(%dma_wait3A_34 : memref<6432xf32, #tpu.memory_space<vmem_shared>>) dst(%arg7 : memref<6432xf32, #tpu.memory_space<vmem>>)
      tpu.yield
    }) : () -> ()
    %eq3A = arith.constant 0 : i32
    %eq3A_26 = arith.cmpi eq, %arg0, %eq3A : i32
    %convert_element_type3A = arith.extui %eq3A_26 : i1 to i32
    %cond3A = arith.constant 0 : i32
    %cond3A_27 = arith.cmpi ne, %convert_element_type3A, %cond3A : i32
    scf.if %cond3A_27 {
      %mul3A_33 = arith.constant 6432 : i32
      %mul3A_34 = arith.muli %arg1, %mul3A_33 : i32
      "tpu.region"() ({
        %run_scoped3A = tpu.sem_alloc : memref<!tpu.dma_semaphore, #tpu.memory_space<semaphore_mem>>
        %dma_start3A = tpu.memref_slice %arg3[%mul3A_34] : memref<102912xf32, #tpu.memory_space<hbm>> -> memref<6432xf32, #tpu.memory_space<hbm>>
        %dma_start3A_35 = tpu.memref_slice %arg3[%mul3A_34] : memref<102912xf32, #tpu.memory_space<hbm>> -> memref<6432xf32, #tpu.memory_space<hbm>>
        tpu.enqueue_dma source(%arg7 : memref<6432xf32, #tpu.memory_space<vmem>>) target(%dma_start3A_35 : memref<6432xf32, #tpu.memory_space<hbm>>) target_semaphore(%run_scoped3A : memref<!tpu.dma_semaphore, #tpu.memory_space<semaphore_mem>>)
        %dma_wait3A = tpu.memref_slice %arg3[%mul3A_34] : memref<102912xf32, #tpu.memory_space<hbm>> -> memref<6432xf32, #tpu.memory_space<hbm>>
        %dma_wait3A_36 = tpu.memref_slice %arg3[%mul3A_34] : memref<102912xf32, #tpu.memory_space<hbm>> -> memref<6432xf32, #tpu.memory_space<hbm>>
        tpu.wait_dma2 semaphore(%run_scoped3A : memref<!tpu.dma_semaphore, #tpu.memory_space<semaphore_mem>>) src(%arg7 : memref<6432xf32, #tpu.memory_space<vmem>>) dst(%dma_wait3A_36 : memref<6432xf32, #tpu.memory_space<hbm>>)
        tpu.yield
      }) : () -> ()
    } else {
    }
    %eq3A_28 = arith.constant 1 : i32
    %eq3A_29 = arith.cmpi eq, %arg0, %eq3A_28 : i32
    %convert_element_type3A_30 = arith.extui %eq3A_29 : i1 to i32
    %cond3A_31 = arith.constant 0 : i32
    %cond3A_32 = arith.cmpi ne, %convert_element_type3A_30, %cond3A_31 : i32
    scf.if %cond3A_32 {
      %mul3A_33 = arith.constant 6432 : i32
      %mul3A_34 = arith.muli %arg1, %mul3A_33 : i32
      "tpu.region"() ({
        %run_scoped3A = tpu.sem_alloc : memref<!tpu.dma_semaphore, #tpu.memory_space<semaphore_mem>>
        %dma_start3A = tpu.memref_slice %arg4[%mul3A_34] : memref<102912xf32, #tpu.memory_space<hbm>> -> memref<6432xf32, #tpu.memory_space<hbm>>
        %dma_start3A_35 = tpu.memref_slice %arg4[%mul3A_34] : memref<102912xf32, #tpu.memory_space<hbm>> -> memref<6432xf32, #tpu.memory_space<hbm>>
        tpu.enqueue_dma source(%arg7 : memref<6432xf32, #tpu.memory_space<vmem>>) target(%dma_start3A_35 : memref<6432xf32, #tpu.memory_space<hbm>>) target_semaphore(%run_scoped3A : memref<!tpu.dma_semaphore, #tpu.memory_space<semaphore_mem>>)
        %dma_wait3A = tpu.memref_slice %arg4[%mul3A_34] : memref<102912xf32, #tpu.memory_space<hbm>> -> memref<6432xf32, #tpu.memory_space<hbm>>
        %dma_wait3A_36 = tpu.memref_slice %arg4[%mul3A_34] : memref<102912xf32, #tpu.memory_space<hbm>> -> memref<6432xf32, #tpu.memory_space<hbm>>
        tpu.wait_dma2 semaphore(%run_scoped3A : memref<!tpu.dma_semaphore, #tpu.memory_space<semaphore_mem>>) src(%arg7 : memref<6432xf32, #tpu.memory_space<vmem>>) dst(%dma_wait3A_36 : memref<6432xf32, #tpu.memory_space<hbm>>)
        tpu.yield
      }) : () -> ()
    } else {
    }
    return
  }
}

#map = affine_map<(d0, d1) -> (0, 0)>
#map1 = affine_map<(d0, d1) -> (0)>
module attributes {stable_mosaic.version = 14 : i64} {
  func.func @k(%arg0: i32, %arg1: i32, %arg2: memref<100000x32xf32, #tpu.memory_space<hbm>>, %arg3: memref<1638400xi32, #tpu.memory_space<hbm>>, %arg4: memref<1638400xi32, #tpu.memory_space<hbm>>, %arg5: memref<102400x32xf32, #tpu.memory_space<hbm>>, %arg6: memref<2048xi32, #tpu.memory_space<vmem>>, %arg7: memref<2048xi32, #tpu.memory_space<vmem>>, %arg8: memref<2048xi32, #tpu.memory_space<vmem>>, %arg9: memref<2048xi32, #tpu.memory_space<vmem>>, %arg10: memref<2048x32xf32, #tpu.memory_space<vmem>>, %arg11: memref<832x32xf32, #tpu.memory_space<vmem>>, %arg12: memref<13312x32xf32, #tpu.memory_space<vmem_shared>>, %arg13: memref<!tpu.dma_semaphore, #tpu.memory_space<semaphore_mem>>) attributes {dimension_semantics = [#tpu.dimension_semantics<core_parallel>, #tpu.dimension_semantics<subcore_parallel>], iteration_bounds = array<i64: 2, 16>, scalar_prefetch = 0 : i64, scratch_operands = 8 : i64, tpu.core_type = #tpu.core_type<sc_vector_subcore>, window_params = [{transform_indices = #map}, {transform_indices = #map1}, {transform_indices = #map1}, {transform_indices = #map}]} {
    %iota3A = tpu.iota {dimensions = array<i32: 0>} : vector<16xi32>
    %mul3A = arith.constant 128 : i32
    %mul3A_0 = arith.muli %arg1, %mul3A : i32
    %mul3A_1 = arith.constant 8 : i32
    %mul3A_2 = vector.broadcast %mul3A_1 : i32 to vector<16xi32>
    %mul3A_3 = arith.muli %iota3A, %mul3A_2 : vector<16xi32>
    %add3A = vector.broadcast %mul3A_0 : i32 to vector<16xi32>
    %add3A_4 = arith.addi %add3A, %mul3A_3 : vector<16xi32>
    %mul3A_5 = arith.constant 32 : i32
    %mul3A_6 = arith.muli %arg1, %mul3A_5 : i32
    %add3A_7 = arith.constant 12800 : i32
    %add3A_8 = arith.addi %add3A_7, %mul3A_6 : i32
    %add3A_9 = vector.broadcast %add3A_8 : i32 to vector<16xi32>
    %add3A_10 = arith.addi %add3A_9, %iota3A : vector<16xi32>
    %add3A_11 = arith.constant 0 : i32
    %add3A_12 = arith.addi %add3A_11, %arg0 : i32
    %mul3A_13 = arith.constant 12800 : i32
    %mul3A_14 = arith.muli %add3A_12, %mul3A_13 : i32
    %scan3A = arith.constant 0 : i32
    %scan3A_15 = arith.constant 0 : i32
    %scan3A_16 = arith.constant 832 : i32
    %scan3A_17 = arith.addi %scan3A_15, %scan3A_16 : i32
    %scan3A_18 = arith.constant 1 : i32
    %scan3A_19 = scf.for %scan3A_175 = %scan3A_15 to %scan3A_17 step %scan3A_18 iter_args(%scan3A_176 = %scan3A) -> (i32)  : i32 {
      %broadcast_in_dim3A = arith.constant 0.000000e+00 : f32
      %broadcast_in_dim3A_177 = vector.broadcast %broadcast_in_dim3A : f32 to vector<16xf32>
      %swap3A = arith.index_cast %scan3A_175 : i32 to index
      %swap3A_178 = arith.constant 0 : index
      %swap3A_179 = tpu.vector_load %arg11[%swap3A, %swap3A_178] {strides = array<i32>} : memref<832x32xf32, #tpu.memory_space<vmem>>, vector<16xf32>,
      tpu.vector_store %arg11[%swap3A, %swap3A_178], %broadcast_in_dim3A_177 {strides = array<i32>} : memref<832x32xf32, #tpu.memory_space<vmem>>, vector<16xf32>,
      %broadcast_in_dim3A_180 = arith.constant 0.000000e+00 : f32
      %broadcast_in_dim3A_181 = vector.broadcast %broadcast_in_dim3A_180 : f32 to vector<16xf32>
      %swap3A_182 = arith.index_cast %scan3A_175 : i32 to index
      %swap3A_183 = arith.constant 16 : index
      %swap3A_184 = tpu.vector_load %arg11[%swap3A_182, %swap3A_183] {strides = array<i32>} : memref<832x32xf32, #tpu.memory_space<vmem>>, vector<16xf32>,
      tpu.vector_store %arg11[%swap3A_182, %swap3A_183], %broadcast_in_dim3A_181 {strides = array<i32>} : memref<832x32xf32, #tpu.memory_space<vmem>>, vector<16xf32>,
      %scan3A_185 = arith.constant 0 : i32
      scf.yield %scan3A_185 : i32
    }
    %scan3A_20 = arith.constant 832 : i32
    %mul3A_21 = arith.constant 832 : i32
    %mul3A_22 = arith.muli %arg1, %mul3A_21 : i32
    "tpu.region"() ({
      %run_scoped3A = tpu.sem_alloc : memref<!tpu.dma_semaphore, #tpu.memory_space<semaphore_mem>>
      %dma_start3A_175 = arith.constant 0 : i32
      %dma_start3A_176 = tpu.memref_slice %arg12[%mul3A_22, %dma_start3A_175] : memref<13312x32xf32, #tpu.memory_space<vmem_shared>> -> memref<832x32xf32, #tpu.memory_space<vmem_shared>>
      %dma_start3A_177 = arith.constant 0 : i32
      %dma_start3A_178 = tpu.memref_slice %arg12[%mul3A_22, %dma_start3A_177] : memref<13312x32xf32, #tpu.memory_space<vmem_shared>> -> memref<832x32xf32, #tpu.memory_space<vmem_shared>>
      tpu.enqueue_dma source(%arg11 : memref<832x32xf32, #tpu.memory_space<vmem>>) target(%dma_start3A_178 : memref<832x32xf32, #tpu.memory_space<vmem_shared>>) target_semaphore(%run_scoped3A : memref<!tpu.dma_semaphore, #tpu.memory_space<semaphore_mem>>)
      %dma_wait3A_179 = arith.constant 0 : i32
      %dma_wait3A_180 = tpu.memref_slice %arg12[%mul3A_22, %dma_wait3A_179] : memref<13312x32xf32, #tpu.memory_space<vmem_shared>> -> memref<832x32xf32, #tpu.memory_space<vmem_shared>>
      %dma_wait3A_181 = arith.constant 0 : i32
      %dma_wait3A_182 = tpu.memref_slice %arg12[%mul3A_22, %dma_wait3A_181] : memref<13312x32xf32, #tpu.memory_space<vmem_shared>> -> memref<832x32xf32, #tpu.memory_space<vmem_shared>>
      tpu.wait_dma2 semaphore(%run_scoped3A : memref<!tpu.dma_semaphore, #tpu.memory_space<semaphore_mem>>) src(%arg11 : memref<832x32xf32, #tpu.memory_space<vmem>>) dst(%dma_wait3A_182 : memref<832x32xf32, #tpu.memory_space<vmem_shared>>)
      tpu.yield
    }) : () -> ()
    %barrier3A = arith.constant 0 : index
    tpu.barrier barrier_id(%barrier3A)
    %scan3A_23 = arith.constant 0 : i32
    %scan3A_24 = arith.constant 0 : i32
    %scan3A_25 = arith.constant 50 : i32
    %scan3A_26 = arith.addi %scan3A_24, %scan3A_25 : i32
    %scan3A_27 = arith.constant 1 : i32
    %scan3A_28 = scf.for %scan3A_175 = %scan3A_24 to %scan3A_26 step %scan3A_27 iter_args(%scan3A_176 = %scan3A_23) -> (i32)  : i32 {
      %mul3A_177 = arith.constant 102400 : i32
      %mul3A_178 = arith.muli %arg1, %mul3A_177 : i32
      %mul3A_179 = arith.constant 2048 : i32
      %mul3A_180 = arith.muli %scan3A_175, %mul3A_179 : i32
      %add3A_181 = arith.addi %mul3A_178, %mul3A_180 : i32
      "tpu.region"() ({
        %run_scoped3A = tpu.sem_alloc : memref<!tpu.dma_semaphore, #tpu.memory_space<semaphore_mem>>
        %dma_start3A_188 = tpu.memref_slice %arg3[%add3A_181] : memref<1638400xi32, #tpu.memory_space<hbm>> -> memref<2048xi32, #tpu.memory_space<hbm>>
        %dma_start3A_189 = tpu.memref_slice %arg3[%add3A_181] : memref<1638400xi32, #tpu.memory_space<hbm>> -> memref<2048xi32, #tpu.memory_space<hbm>>
        tpu.enqueue_dma source(%dma_start3A_189 : memref<2048xi32, #tpu.memory_space<hbm>>) target(%arg6 : memref<2048xi32, #tpu.memory_space<vmem>>) target_semaphore(%run_scoped3A : memref<!tpu.dma_semaphore, #tpu.memory_space<semaphore_mem>>)
        %dma_wait3A_190 = tpu.memref_slice %arg3[%add3A_181] : memref<1638400xi32, #tpu.memory_space<hbm>> -> memref<2048xi32, #tpu.memory_space<hbm>>
        %dma_wait3A_191 = tpu.memref_slice %arg3[%add3A_181] : memref<1638400xi32, #tpu.memory_space<hbm>> -> memref<2048xi32, #tpu.memory_space<hbm>>
        tpu.wait_dma2 semaphore(%run_scoped3A : memref<!tpu.dma_semaphore, #tpu.memory_space<semaphore_mem>>) src(%dma_wait3A_191 : memref<2048xi32, #tpu.memory_space<hbm>>) dst(%arg6 : memref<2048xi32, #tpu.memory_space<vmem>>)
        tpu.yield
      }) : () -> ()
      "tpu.region"() ({
        %run_scoped3A = tpu.sem_alloc : memref<!tpu.dma_semaphore, #tpu.memory_space<semaphore_mem>>
        %dma_start3A_188 = tpu.memref_slice %arg4[%add3A_181] : memref<1638400xi32, #tpu.memory_space<hbm>> -> memref<2048xi32, #tpu.memory_space<hbm>>
        %dma_start3A_189 = tpu.memref_slice %arg4[%add3A_181] : memref<1638400xi32, #tpu.memory_space<hbm>> -> memref<2048xi32, #tpu.memory_space<hbm>>
        tpu.enqueue_dma source(%dma_start3A_189 : memref<2048xi32, #tpu.memory_space<hbm>>) target(%arg7 : memref<2048xi32, #tpu.memory_space<vmem>>) target_semaphore(%run_scoped3A : memref<!tpu.dma_semaphore, #tpu.memory_space<semaphore_mem>>)
        %dma_wait3A_190 = tpu.memref_slice %arg4[%add3A_181] : memref<1638400xi32, #tpu.memory_space<hbm>> -> memref<2048xi32, #tpu.memory_space<hbm>>
        %dma_wait3A_191 = tpu.memref_slice %arg4[%add3A_181] : memref<1638400xi32, #tpu.memory_space<hbm>> -> memref<2048xi32, #tpu.memory_space<hbm>>
        tpu.wait_dma2 semaphore(%run_scoped3A : memref<!tpu.dma_semaphore, #tpu.memory_space<semaphore_mem>>) src(%dma_wait3A_191 : memref<2048xi32, #tpu.memory_space<hbm>>) dst(%arg7 : memref<2048xi32, #tpu.memory_space<vmem>>)
        tpu.yield
      }) : () -> ()
      %scan3A_182 = arith.constant 0 : i32
      %scan3A_183 = arith.constant 128 : i32
      %scan3A_184 = arith.addi %scan3A_182, %scan3A_183 : i32
      %scan3A_185 = arith.constant 1 : i32
      %scan3A_186 = scf.for %scan3A_188 = %scan3A_182 to %scan3A_184 step %scan3A_185 iter_args(%scan3A_189 = %scan3A_176) -> (i32)  : i32 {
        %mul3A_190 = arith.constant 16 : i32
        %mul3A_191 = arith.muli %scan3A_188, %mul3A_190 : i32
        %get3A = arith.index_cast %mul3A_191 : i32 to index
        %get3A_192 = tpu.vector_load %arg7[%get3A] {strides = array<i32>} : memref<2048xi32, #tpu.memory_space<vmem>>, vector<16xi32>,
        %sub3A = vector.broadcast %mul3A_14 : i32 to vector<16xi32>
        %sub3A_193 = arith.subi %get3A_192, %sub3A : vector<16xi32>
        %ge3A = arith.constant 0 : i32
        %ge3A_194 = vector.broadcast %ge3A : i32 to vector<16xi32>
        %ge3A_195 = arith.cmpi sge, %sub3A_193, %ge3A_194 : vector<16xi32>
        %lt3A = arith.constant 12800 : i32
        %lt3A_196 = vector.broadcast %lt3A : i32 to vector<16xi32>
        %lt3A_197 = arith.cmpi slt, %sub3A_193, %lt3A_196 : vector<16xi32>
        %and3A = arith.andi %ge3A_195, %lt3A_197 : vector<16xi1>
        %all_reduce_population_count3A = tpu.all_reduce %and3A {dim = 0 : i64, kind = #tpu.reduction_kind<sum>} : vector<16xi1> -> vector<16xi32>
        %slice3A = vector.extract_strided_slice %all_reduce_population_count3A {offsets = [0], sizes = [1], strides = [1]} : vector<16xi32> to vector<1xi32>
        %squeeze3A = vector.extract %slice3A[0] : i32 from vector<1xi32>
        %gt3A = arith.constant 2032 : i32
        %gt3A_198 = arith.cmpi sgt, %scan3A_189, %gt3A : i32
        %convert_element_type3A = arith.extui %gt3A_198 : i1 to i32
        %cond3A = arith.constant 0 : i32
        %cond3A_199 = arith.cmpi ne, %convert_element_type3A, %cond3A : i32
        scf.if %cond3A_199 {
          %sub3A_208 = arith.constant 2048 : i32
          %sub3A_209 = arith.subi %sub3A_208, %scan3A_189 : i32
          %lt3A_210 = vector.broadcast %sub3A_209 : i32 to vector<16xi32>
          %lt3A_211 = arith.cmpi slt, %iota3A, %lt3A_210 : vector<16xi32>
          %add3A_212 = vector.broadcast %scan3A_189 : i32 to vector<16xi32>
          %add3A_213 = arith.addi %add3A_212, %iota3A : vector<16xi32>
          %min3A = arith.constant 2047 : i32
          %min3A_214 = vector.broadcast %min3A : i32 to vector<16xi32>
          %min3A_215 = arith.minsi %add3A_213, %min3A_214 : vector<16xi32>
          tpu.vector_store_idx %arg8[%min3A_215], %add3A_4 masked %lt3A_211 : memref<2048xi32, #tpu.memory_space<vmem>>[vector<16xi32>], vector<16xi32>, vector<16xi1>
          tpu.vector_store_idx %arg9[%min3A_215], %add3A_10 masked %lt3A_211 : memref<2048xi32, #tpu.memory_space<vmem>>[vector<16xi32>], vector<16xi32>, vector<16xi1>
          %dma_start3A_216 = arith.constant 0 : i32
          %dma_start3A_217 = arith.constant 0 : i32
          %dma_start3A_218 = tpu.memref_slice %arg2[%dma_start3A_216, %dma_start3A_217] : memref<100000x32xf32, #tpu.memory_space<hbm>> -> memref<100000x32xf32, #tpu.memory_space<hbm>>
          tpu.enqueue_indirect_dma source(%dma_start3A_218 : memref<100000x32xf32, #tpu.memory_space<hbm>>) target(%arg10 : memref<2048x32xf32, #tpu.memory_space<vmem>>) offsets(%arg8 : memref<2048xi32, #tpu.memory_space<vmem>>) semaphore(%arg13 : memref<!tpu.dma_semaphore, #tpu.memory_space<semaphore_mem>>)
          %dma_wait3A_219 = arith.constant 0 : i32
          %dma_wait3A_220 = arith.constant 0 : i32
          %dma_wait3A_221 = tpu.memref_slice %arg2[%dma_wait3A_219, %dma_wait3A_220] : memref<100000x32xf32, #tpu.memory_space<hbm>> -> memref<100000x32xf32, #tpu.memory_space<hbm>>
          tpu.wait_indirect_dma semaphore(%arg13 : memref<!tpu.dma_semaphore, #tpu.memory_space<semaphore_mem>>) src(%dma_wait3A_221 : memref<100000x32xf32, #tpu.memory_space<hbm>>) dst(%arg10 : memref<2048x32xf32, #tpu.memory_space<vmem>>)
          "tpu.region"() ({
            %run_scoped3A = tpu.sem_alloc : memref<!tpu.dma_semaphore, #tpu.memory_space<semaphore_mem>>
            %dma_start3A_222 = arith.constant 0 : i32
            %dma_start3A_223 = arith.constant 0 : i32
            %dma_start3A_224 = tpu.memref_slice %arg12[%dma_start3A_222, %dma_start3A_223] : memref<13312x32xf32, #tpu.memory_space<vmem_shared>> -> memref<13312x32xf32, #tpu.memory_space<vmem_shared>>
            tpu.enqueue_indirect_dma source(%arg10 : memref<2048x32xf32, #tpu.memory_space<vmem>>) target(%dma_start3A_224 : memref<13312x32xf32, #tpu.memory_space<vmem_shared>>) offsets(%arg9 : memref<2048xi32, #tpu.memory_space<vmem>>) semaphore(%run_scoped3A : memref<!tpu.dma_semaphore, #tpu.memory_space<semaphore_mem>>) {add = true}
            %dma_wait3A_225 = arith.constant 0 : i32
            %dma_wait3A_226 = arith.constant 0 : i32
            %dma_wait3A_227 = tpu.memref_slice %arg12[%dma_wait3A_225, %dma_wait3A_226] : memref<13312x32xf32, #tpu.memory_space<vmem_shared>> -> memref<13312x32xf32, #tpu.memory_space<vmem_shared>>
            tpu.wait_indirect_dma semaphore(%run_scoped3A : memref<!tpu.dma_semaphore, #tpu.memory_space<semaphore_mem>>) src(%arg10 : memref<2048x32xf32, #tpu.memory_space<vmem>>) dst(%dma_wait3A_227 : memref<13312x32xf32, #tpu.memory_space<vmem_shared>>)
            tpu.yield
          }) : () -> ()
        } else {
        }
        %jit3A = arith.constant 0 : i32
        %select_n3A = arith.select %gt3A_198, %jit3A, %scan3A_189 : i32
        %mul3A_200 = arith.constant 16 : i32
        %mul3A_201 = arith.muli %scan3A_188, %mul3A_200 : i32
        %get3A_202 = arith.index_cast %mul3A_201 : i32 to index
        %get3A_203 = tpu.vector_load %arg6[%get3A_202] {strides = array<i32>} : memref<2048xi32, #tpu.memory_space<vmem>>, vector<16xi32>,
        %swap3A = arith.index_cast %select_n3A : i32 to index
        %swap3A_204 = tpu.vector_load %arg8[%swap3A] masked %and3A {strides = array<i32>} : memref<2048xi32, #tpu.memory_space<vmem>>, vector<16xi32>, vector<16xi1>
        tpu.vector_store %arg8[%swap3A], %get3A_203 masked %and3A {strides = array<i32>} : memref<2048xi32, #tpu.memory_space<vmem>>, vector<16xi32>, vector<16xi1>
        %swap3A_205 = arith.index_cast %select_n3A : i32 to index
        %swap3A_206 = tpu.vector_load %arg9[%swap3A_205] masked %and3A {strides = array<i32>} : memref<2048xi32, #tpu.memory_space<vmem>>, vector<16xi32>, vector<16xi1>
        tpu.vector_store %arg9[%swap3A_205], %sub3A_193 masked %and3A {strides = array<i32>} : memref<2048xi32, #tpu.memory_space<vmem>>, vector<16xi32>, vector<16xi1>
        %add3A_207 = arith.addi %select_n3A, %squeeze3A : i32
        scf.yield %add3A_207 : i32
      }
      %scan3A_187 = arith.constant 128 : i32
      scf.yield %scan3A_186 : i32
    }
    %scan3A_29 = arith.constant 50 : i32
    %scan3A_30 = arith.constant 0 : i32
    %scan3A_31 = arith.constant 128 : i32
    %scan3A_32 = arith.addi %scan3A_30, %scan3A_31 : i32
    %scan3A_33 = arith.constant 1 : i32
    %scan3A_34 = scf.for %scan3A_175 = %scan3A_30 to %scan3A_32 step %scan3A_33 iter_args(%scan3A_176 = %scan3A_28) -> (i32)  : i32 {
      %sub3A = arith.constant 2048 : i32
      %sub3A_177 = arith.subi %sub3A, %scan3A_176 : i32
      %lt3A = vector.broadcast %sub3A_177 : i32 to vector<16xi32>
      %lt3A_178 = arith.cmpi slt, %iota3A, %lt3A : vector<16xi32>
      %add3A_179 = vector.broadcast %scan3A_176 : i32 to vector<16xi32>
      %add3A_180 = arith.addi %add3A_179, %iota3A : vector<16xi32>
      %min3A = arith.constant 2047 : i32
      %min3A_181 = vector.broadcast %min3A : i32 to vector<16xi32>
      %min3A_182 = arith.minsi %add3A_180, %min3A_181 : vector<16xi32>
      tpu.vector_store_idx %arg8[%min3A_182], %add3A_4 masked %lt3A_178 : memref<2048xi32, #tpu.memory_space<vmem>>[vector<16xi32>], vector<16xi32>, vector<16xi1>
      tpu.vector_store_idx %arg9[%min3A_182], %add3A_10 masked %lt3A_178 : memref<2048xi32, #tpu.memory_space<vmem>>[vector<16xi32>], vector<16xi32>, vector<16xi1>
      %add3A_183 = arith.constant 16 : i32
      %add3A_184 = arith.addi %scan3A_176, %add3A_183 : i32
      %min3A_185 = arith.constant 2048 : i32
      %min3A_186 = arith.minsi %add3A_184, %min3A_185 : i32
      scf.yield %min3A_186 : i32
    }
    %scan3A_35 = arith.constant 128 : i32
    %dma_start3A = arith.constant 0 : i32
    %dma_start3A_36 = arith.constant 0 : i32
    %dma_start3A_37 = tpu.memref_slice %arg2[%dma_start3A, %dma_start3A_36] : memref<100000x32xf32, #tpu.memory_space<hbm>> -> memref<100000x32xf32, #tpu.memory_space<hbm>>
    tpu.enqueue_indirect_dma source(%dma_start3A_37 : memref<100000x32xf32, #tpu.memory_space<hbm>>) target(%arg10 : memref<2048x32xf32, #tpu.memory_space<vmem>>) offsets(%arg8 : memref<2048xi32, #tpu.memory_space<vmem>>) semaphore(%arg13 : memref<!tpu.dma_semaphore, #tpu.memory_space<semaphore_mem>>)
    %dma_wait3A = arith.constant 0 : i32
    %dma_wait3A_38 = arith.constant 0 : i32
    %dma_wait3A_39 = tpu.memref_slice %arg2[%dma_wait3A, %dma_wait3A_38] : memref<100000x32xf32, #tpu.memory_space<hbm>> -> memref<100000x32xf32, #tpu.memory_space<hbm>>
    tpu.wait_indirect_dma semaphore(%arg13 : memref<!tpu.dma_semaphore, #tpu.memory_space<semaphore_mem>>) src(%dma_wait3A_39 : memref<100000x32xf32, #tpu.memory_space<hbm>>) dst(%arg10 : memref<2048x32xf32, #tpu.memory_space<vmem>>)
    "tpu.region"() ({
      %run_scoped3A = tpu.sem_alloc : memref<!tpu.dma_semaphore, #tpu.memory_space<semaphore_mem>>
      %dma_start3A_175 = arith.constant 0 : i32
      %dma_start3A_176 = arith.constant 0 : i32
      %dma_start3A_177 = tpu.memref_slice %arg12[%dma_start3A_175, %dma_start3A_176] : memref<13312x32xf32, #tpu.memory_space<vmem_shared>> -> memref<13312x32xf32, #tpu.memory_space<vmem_shared>>
      tpu.enqueue_indirect_dma source(%arg10 : memref<2048x32xf32, #tpu.memory_space<vmem>>) target(%dma_start3A_177 : memref<13312x32xf32, #tpu.memory_space<vmem_shared>>) offsets(%arg9 : memref<2048xi32, #tpu.memory_space<vmem>>) semaphore(%run_scoped3A : memref<!tpu.dma_semaphore, #tpu.memory_space<semaphore_mem>>) {add = true}
      %dma_wait3A_178 = arith.constant 0 : i32
      %dma_wait3A_179 = arith.constant 0 : i32
      %dma_wait3A_180 = tpu.memref_slice %arg12[%dma_wait3A_178, %dma_wait3A_179] : memref<13312x32xf32, #tpu.memory_space<vmem_shared>> -> memref<13312x32xf32, #tpu.memory_space<vmem_shared>>
      tpu.wait_indirect_dma semaphore(%run_scoped3A : memref<!tpu.dma_semaphore, #tpu.memory_space<semaphore_mem>>) src(%arg10 : memref<2048x32xf32, #tpu.memory_space<vmem>>) dst(%dma_wait3A_180 : memref<13312x32xf32, #tpu.memory_space<vmem_shared>>)
      tpu.yield
    }) : () -> ()
    %barrier3A_40 = arith.constant 0 : index
    tpu.barrier barrier_id(%barrier3A_40)
    %mul3A_41 = arith.constant 800 : i32
    %mul3A_42 = arith.muli %arg1, %mul3A_41 : i32
    %add3A_43 = arith.constant 0 : i32
    %add3A_44 = arith.addi %add3A_43, %arg0 : i32
    %mul3A_45 = arith.constant 12800 : i32
    %mul3A_46 = arith.muli %add3A_44, %mul3A_45 : i32
    "tpu.region"() ({
      %run_scoped3A = tpu.sem_alloc : memref<!tpu.dma_semaphore, #tpu.memory_space<semaphore_mem>>
      %dma_start3A_175 = arith.constant 0 : i32
      %dma_start3A_176 = arith.constant 0 : i32
      %dma_start3A_177 = tpu.memref_slice %arg11[%dma_start3A_175, %dma_start3A_176] : memref<832x32xf32, #tpu.memory_space<vmem>> -> memref<800x32xf32, #tpu.memory_space<vmem>>
      %dma_start3A_178 = arith.constant 0 : i32
      %dma_start3A_179 = tpu.memref_slice %arg12[%mul3A_42, %dma_start3A_178] : memref<13312x32xf32, #tpu.memory_space<vmem_shared>> -> memref<800x32xf32, #tpu.memory_space<vmem_shared>>
      %dma_start3A_180 = arith.constant 0 : i32
      %dma_start3A_181 = arith.constant 0 : i32
      %dma_start3A_182 = tpu.memref_slice %arg11[%dma_start3A_180, %dma_start3A_181] : memref<832x32xf32, #tpu.memory_space<vmem>> -> memref<800x32xf32, #tpu.memory_space<vmem>>
      %dma_start3A_183 = arith.constant 0 : i32
      %dma_start3A_184 = tpu.memref_slice %arg12[%mul3A_42, %dma_start3A_183] : memref<13312x32xf32, #tpu.memory_space<vmem_shared>> -> memref<800x32xf32, #tpu.memory_space<vmem_shared>>
      tpu.enqueue_dma source(%dma_start3A_184 : memref<800x32xf32, #tpu.memory_space<vmem_shared>>) target(%dma_start3A_182 : memref<800x32xf32, #tpu.memory_space<vmem>>) target_semaphore(%run_scoped3A : memref<!tpu.dma_semaphore, #tpu.memory_space<semaphore_mem>>)
      %dma_wait3A_185 = arith.constant 0 : i32
      %dma_wait3A_186 = arith.constant 0 : i32
      %dma_wait3A_187 = tpu.memref_slice %arg11[%dma_wait3A_185, %dma_wait3A_186] : memref<832x32xf32, #tpu.memory_space<vmem>> -> memref<800x32xf32, #tpu.memory_space<vmem>>
      %dma_wait3A_188 = arith.constant 0 : i32
      %dma_wait3A_189 = tpu.memref_slice %arg12[%mul3A_42, %dma_wait3A_188] : memref<13312x32xf32, #tpu.memory_space<vmem_shared>> -> memref<800x32xf32, #tpu.memory_space<vmem_shared>>
      %dma_wait3A_190 = arith.constant 0 : i32
      %dma_wait3A_191 = arith.constant 0 : i32
      %dma_wait3A_192 = tpu.memref_slice %arg11[%dma_wait3A_190, %dma_wait3A_191] : memref<832x32xf32, #tpu.memory_space<vmem>> -> memref<800x32xf32, #tpu.memory_space<vmem>>
      %dma_wait3A_193 = arith.constant 0 : i32
      %dma_wait3A_194 = tpu.memref_slice %arg12[%mul3A_42, %dma_wait3A_193] : memref<13312x32xf32, #tpu.memory_space<vmem_shared>> -> memref<800x32xf32, #tpu.memory_space<vmem_shared>>
      tpu.wait_dma2 semaphore(%run_scoped3A : memref<!tpu.dma_semaphore, #tpu.memory_space<semaphore_mem>>) src(%dma_wait3A_194 : memref<800x32xf32, #tpu.memory_space<vmem_shared>>) dst(%dma_wait3A_192 : memref<800x32xf32, #tpu.memory_space<vmem>>)
      tpu.yield
    }) : () -> ()
    %add3A_47 = arith.addi %mul3A_46, %mul3A_42 : i32
    "tpu.region"() ({
      %run_scoped3A = tpu.sem_alloc : memref<!tpu.dma_semaphore, #tpu.memory_space<semaphore_mem>>
      %dma_start3A_175 = arith.constant 0 : i32
      %dma_start3A_176 = arith.constant 0 : i32
      %dma_start3A_177 = tpu.memref_slice %arg11[%dma_start3A_175, %dma_start3A_176] : memref<832x32xf32, #tpu.memory_space<vmem>> -> memref<800x32xf32, #tpu.memory_space<vmem>>
      %dma_start3A_178 = arith.constant 0 : i32
      %dma_start3A_179 = tpu.memref_slice %arg5[%add3A_47, %dma_start3A_178] : memref<102400x32xf32, #tpu.memory_space<hbm>> -> memref<800x32xf32, #tpu.memory_space<hbm>>
      %dma_start3A_180 = arith.constant 0 : i32
      %dma_start3A_181 = tpu.memref_slice %arg5[%add3A_47, %dma_start3A_180] : memref<102400x32xf32, #tpu.memory_space<hbm>> -> memref<800x32xf32, #tpu.memory_space<hbm>>
      %dma_start3A_182 = arith.constant 0 : i32
      %dma_start3A_183 = arith.constant 0 : i32
      %dma_start3A_184 = tpu.memref_slice %arg11[%dma_start3A_182, %dma_start3A_183] : memref<832x32xf32, #tpu.memory_space<vmem>> -> memref<800x32xf32, #tpu.memory_space<vmem>>
      tpu.enqueue_dma source(%dma_start3A_184 : memref<800x32xf32, #tpu.memory_space<vmem>>) target(%dma_start3A_181 : memref<800x32xf32, #tpu.memory_space<hbm>>) target_semaphore(%run_scoped3A : memref<!tpu.dma_semaphore, #tpu.memory_space<semaphore_mem>>)
      %dma_wait3A_185 = arith.constant 0 : i32
      %dma_wait3A_186 = arith.constant 0 : i32
      %dma_wait3A_187 = tpu.memref_slice %arg11[%dma_wait3A_185, %dma_wait3A_186] : memref<832x32xf32, #tpu.memory_space<vmem>> -> memref<800x32xf32, #tpu.memory_space<vmem>>
      %dma_wait3A_188 = arith.constant 0 : i32
      %dma_wait3A_189 = tpu.memref_slice %arg5[%add3A_47, %dma_wait3A_188] : memref<102400x32xf32, #tpu.memory_space<hbm>> -> memref<800x32xf32, #tpu.memory_space<hbm>>
      %dma_wait3A_190 = arith.constant 0 : i32
      %dma_wait3A_191 = tpu.memref_slice %arg5[%add3A_47, %dma_wait3A_190] : memref<102400x32xf32, #tpu.memory_space<hbm>> -> memref<800x32xf32, #tpu.memory_space<hbm>>
      %dma_wait3A_192 = arith.constant 0 : i32
      %dma_wait3A_193 = arith.constant 0 : i32
      %dma_wait3A_194 = tpu.memref_slice %arg11[%dma_wait3A_192, %dma_wait3A_193] : memref<832x32xf32, #tpu.memory_space<vmem>> -> memref<800x32xf32, #tpu.memory_space<vmem>>
      tpu.wait_dma2 semaphore(%run_scoped3A : memref<!tpu.dma_semaphore, #tpu.memory_space<semaphore_mem>>) src(%dma_wait3A_194 : memref<800x32xf32, #tpu.memory_space<vmem>>) dst(%dma_wait3A_191 : memref<800x32xf32, #tpu.memory_space<hbm>>)
      tpu.yield
    }) : () -> ()
    %barrier3A_48 = arith.constant 0 : index
    tpu.barrier barrier_id(%barrier3A_48)
    %add3A_49 = arith.constant 2 : i32
    %add3A_50 = arith.addi %add3A_49, %arg0 : i32
    %mul3A_51 = arith.constant 12800 : i32
    %mul3A_52 = arith.muli %add3A_50, %mul3A_51 : i32
    %scan3A_53 = arith.constant 0 : i32
    %scan3A_54 = arith.constant 0 : i32
    %scan3A_55 = arith.constant 832 : i32
    %scan3A_56 = arith.addi %scan3A_54, %scan3A_55 : i32
    %scan3A_57 = arith.constant 1 : i32
    %scan3A_58 = scf.for %scan3A_175 = %scan3A_54 to %scan3A_56 step %scan3A_57 iter_args(%scan3A_176 = %scan3A_53) -> (i32)  : i32 {
      %broadcast_in_dim3A = arith.constant 0.000000e+00 : f32
      %broadcast_in_dim3A_177 = vector.broadcast %broadcast_in_dim3A : f32 to vector<16xf32>
      %swap3A = arith.index_cast %scan3A_175 : i32 to index
      %swap3A_178 = arith.constant 0 : index
      %swap3A_179 = tpu.vector_load %arg11[%swap3A, %swap3A_178] {strides = array<i32>} : memref<832x32xf32, #tpu.memory_space<vmem>>, vector<16xf32>,
      tpu.vector_store %arg11[%swap3A, %swap3A_178], %broadcast_in_dim3A_177 {strides = array<i32>} : memref<832x32xf32, #tpu.memory_space<vmem>>, vector<16xf32>,
      %broadcast_in_dim3A_180 = arith.constant 0.000000e+00 : f32
      %broadcast_in_dim3A_181 = vector.broadcast %broadcast_in_dim3A_180 : f32 to vector<16xf32>
      %swap3A_182 = arith.index_cast %scan3A_175 : i32 to index
      %swap3A_183 = arith.constant 16 : index
      %swap3A_184 = tpu.vector_load %arg11[%swap3A_182, %swap3A_183] {strides = array<i32>} : memref<832x32xf32, #tpu.memory_space<vmem>>, vector<16xf32>,
      tpu.vector_store %arg11[%swap3A_182, %swap3A_183], %broadcast_in_dim3A_181 {strides = array<i32>} : memref<832x32xf32, #tpu.memory_space<vmem>>, vector<16xf32>,
      %scan3A_185 = arith.constant 0 : i32
      scf.yield %scan3A_185 : i32
    }
    %scan3A_59 = arith.constant 832 : i32
    %mul3A_60 = arith.constant 832 : i32
    %mul3A_61 = arith.muli %arg1, %mul3A_60 : i32
    "tpu.region"() ({
      %run_scoped3A = tpu.sem_alloc : memref<!tpu.dma_semaphore, #tpu.memory_space<semaphore_mem>>
      %dma_start3A_175 = arith.constant 0 : i32
      %dma_start3A_176 = tpu.memref_slice %arg12[%mul3A_61, %dma_start3A_175] : memref<13312x32xf32, #tpu.memory_space<vmem_shared>> -> memref<832x32xf32, #tpu.memory_space<vmem_shared>>
      %dma_start3A_177 = arith.constant 0 : i32
      %dma_start3A_178 = tpu.memref_slice %arg12[%mul3A_61, %dma_start3A_177] : memref<13312x32xf32, #tpu.memory_space<vmem_shared>> -> memref<832x32xf32, #tpu.memory_space<vmem_shared>>
      tpu.enqueue_dma source(%arg11 : memref<832x32xf32, #tpu.memory_space<vmem>>) target(%dma_start3A_178 : memref<832x32xf32, #tpu.memory_space<vmem_shared>>) target_semaphore(%run_scoped3A : memref<!tpu.dma_semaphore, #tpu.memory_space<semaphore_mem>>)
      %dma_wait3A_179 = arith.constant 0 : i32
      %dma_wait3A_180 = tpu.memref_slice %arg12[%mul3A_61, %dma_wait3A_179] : memref<13312x32xf32, #tpu.memory_space<vmem_shared>> -> memref<832x32xf32, #tpu.memory_space<vmem_shared>>
      %dma_wait3A_181 = arith.constant 0 : i32
      %dma_wait3A_182 = tpu.memref_slice %arg12[%mul3A_61, %dma_wait3A_181] : memref<13312x32xf32, #tpu.memory_space<vmem_shared>> -> memref<832x32xf32, #tpu.memory_space<vmem_shared>>
      tpu.wait_dma2 semaphore(%run_scoped3A : memref<!tpu.dma_semaphore, #tpu.memory_space<semaphore_mem>>) src(%arg11 : memref<832x32xf32, #tpu.memory_space<vmem>>) dst(%dma_wait3A_182 : memref<832x32xf32, #tpu.memory_space<vmem_shared>>)
      tpu.yield
    }) : () -> ()
    %barrier3A_62 = arith.constant 0 : index
    tpu.barrier barrier_id(%barrier3A_62)
    %scan3A_63 = arith.constant 0 : i32
    %scan3A_64 = arith.constant 0 : i32
    %scan3A_65 = arith.constant 50 : i32
    %scan3A_66 = arith.addi %scan3A_64, %scan3A_65 : i32
    %scan3A_67 = arith.constant 1 : i32
    %scan3A_68 = scf.for %scan3A_175 = %scan3A_64 to %scan3A_66 step %scan3A_67 iter_args(%scan3A_176 = %scan3A_63) -> (i32)  : i32 {
      %mul3A_177 = arith.constant 102400 : i32
      %mul3A_178 = arith.muli %arg1, %mul3A_177 : i32
      %mul3A_179 = arith.constant 2048 : i32
      %mul3A_180 = arith.muli %scan3A_175, %mul3A_179 : i32
      %add3A_181 = arith.addi %mul3A_178, %mul3A_180 : i32
      "tpu.region"() ({
        %run_scoped3A = tpu.sem_alloc : memref<!tpu.dma_semaphore, #tpu.memory_space<semaphore_mem>>
        %dma_start3A_188 = tpu.memref_slice %arg3[%add3A_181] : memref<1638400xi32, #tpu.memory_space<hbm>> -> memref<2048xi32, #tpu.memory_space<hbm>>
        %dma_start3A_189 = tpu.memref_slice %arg3[%add3A_181] : memref<1638400xi32, #tpu.memory_space<hbm>> -> memref<2048xi32, #tpu.memory_space<hbm>>
        tpu.enqueue_dma source(%dma_start3A_189 : memref<2048xi32, #tpu.memory_space<hbm>>) target(%arg6 : memref<2048xi32, #tpu.memory_space<vmem>>) target_semaphore(%run_scoped3A : memref<!tpu.dma_semaphore, #tpu.memory_space<semaphore_mem>>)
        %dma_wait3A_190 = tpu.memref_slice %arg3[%add3A_181] : memref<1638400xi32, #tpu.memory_space<hbm>> -> memref<2048xi32, #tpu.memory_space<hbm>>
        %dma_wait3A_191 = tpu.memref_slice %arg3[%add3A_181] : memref<1638400xi32, #tpu.memory_space<hbm>> -> memref<2048xi32, #tpu.memory_space<hbm>>
        tpu.wait_dma2 semaphore(%run_scoped3A : memref<!tpu.dma_semaphore, #tpu.memory_space<semaphore_mem>>) src(%dma_wait3A_191 : memref<2048xi32, #tpu.memory_space<hbm>>) dst(%arg6 : memref<2048xi32, #tpu.memory_space<vmem>>)
        tpu.yield
      }) : () -> ()
      "tpu.region"() ({
        %run_scoped3A = tpu.sem_alloc : memref<!tpu.dma_semaphore, #tpu.memory_space<semaphore_mem>>
        %dma_start3A_188 = tpu.memref_slice %arg4[%add3A_181] : memref<1638400xi32, #tpu.memory_space<hbm>> -> memref<2048xi32, #tpu.memory_space<hbm>>
        %dma_start3A_189 = tpu.memref_slice %arg4[%add3A_181] : memref<1638400xi32, #tpu.memory_space<hbm>> -> memref<2048xi32, #tpu.memory_space<hbm>>
        tpu.enqueue_dma source(%dma_start3A_189 : memref<2048xi32, #tpu.memory_space<hbm>>) target(%arg7 : memref<2048xi32, #tpu.memory_space<vmem>>) target_semaphore(%run_scoped3A : memref<!tpu.dma_semaphore, #tpu.memory_space<semaphore_mem>>)
        %dma_wait3A_190 = tpu.memref_slice %arg4[%add3A_181] : memref<1638400xi32, #tpu.memory_space<hbm>> -> memref<2048xi32, #tpu.memory_space<hbm>>
        %dma_wait3A_191 = tpu.memref_slice %arg4[%add3A_181] : memref<1638400xi32, #tpu.memory_space<hbm>> -> memref<2048xi32, #tpu.memory_space<hbm>>
        tpu.wait_dma2 semaphore(%run_scoped3A : memref<!tpu.dma_semaphore, #tpu.memory_space<semaphore_mem>>) src(%dma_wait3A_191 : memref<2048xi32, #tpu.memory_space<hbm>>) dst(%arg7 : memref<2048xi32, #tpu.memory_space<vmem>>)
        tpu.yield
      }) : () -> ()
      %scan3A_182 = arith.constant 0 : i32
      %scan3A_183 = arith.constant 128 : i32
      %scan3A_184 = arith.addi %scan3A_182, %scan3A_183 : i32
      %scan3A_185 = arith.constant 1 : i32
      %scan3A_186 = scf.for %scan3A_188 = %scan3A_182 to %scan3A_184 step %scan3A_185 iter_args(%scan3A_189 = %scan3A_176) -> (i32)  : i32 {
        %mul3A_190 = arith.constant 16 : i32
        %mul3A_191 = arith.muli %scan3A_188, %mul3A_190 : i32
        %get3A = arith.index_cast %mul3A_191 : i32 to index
        %get3A_192 = tpu.vector_load %arg7[%get3A] {strides = array<i32>} : memref<2048xi32, #tpu.memory_space<vmem>>, vector<16xi32>,
        %sub3A = vector.broadcast %mul3A_52 : i32 to vector<16xi32>
        %sub3A_193 = arith.subi %get3A_192, %sub3A : vector<16xi32>
        %ge3A = arith.constant 0 : i32
        %ge3A_194 = vector.broadcast %ge3A : i32 to vector<16xi32>
        %ge3A_195 = arith.cmpi sge, %sub3A_193, %ge3A_194 : vector<16xi32>
        %lt3A = arith.constant 12800 : i32
        %lt3A_196 = vector.broadcast %lt3A : i32 to vector<16xi32>
        %lt3A_197 = arith.cmpi slt, %sub3A_193, %lt3A_196 : vector<16xi32>
        %and3A = arith.andi %ge3A_195, %lt3A_197 : vector<16xi1>
        %all_reduce_population_count3A = tpu.all_reduce %and3A {dim = 0 : i64, kind = #tpu.reduction_kind<sum>} : vector<16xi1> -> vector<16xi32>
        %slice3A = vector.extract_strided_slice %all_reduce_population_count3A {offsets = [0], sizes = [1], strides = [1]} : vector<16xi32> to vector<1xi32>
        %squeeze3A = vector.extract %slice3A[0] : i32 from vector<1xi32>
        %gt3A = arith.constant 2032 : i32
        %gt3A_198 = arith.cmpi sgt, %scan3A_189, %gt3A : i32
        %convert_element_type3A = arith.extui %gt3A_198 : i1 to i32
        %cond3A = arith.constant 0 : i32
        %cond3A_199 = arith.cmpi ne, %convert_element_type3A, %cond3A : i32
        scf.if %cond3A_199 {
          %sub3A_208 = arith.constant 2048 : i32
          %sub3A_209 = arith.subi %sub3A_208, %scan3A_189 : i32
          %lt3A_210 = vector.broadcast %sub3A_209 : i32 to vector<16xi32>
          %lt3A_211 = arith.cmpi slt, %iota3A, %lt3A_210 : vector<16xi32>
          %add3A_212 = vector.broadcast %scan3A_189 : i32 to vector<16xi32>
          %add3A_213 = arith.addi %add3A_212, %iota3A : vector<16xi32>
          %min3A = arith.constant 2047 : i32
          %min3A_214 = vector.broadcast %min3A : i32 to vector<16xi32>
          %min3A_215 = arith.minsi %add3A_213, %min3A_214 : vector<16xi32>
          tpu.vector_store_idx %arg8[%min3A_215], %add3A_4 masked %lt3A_211 : memref<2048xi32, #tpu.memory_space<vmem>>[vector<16xi32>], vector<16xi32>, vector<16xi1>
          tpu.vector_store_idx %arg9[%min3A_215], %add3A_10 masked %lt3A_211 : memref<2048xi32, #tpu.memory_space<vmem>>[vector<16xi32>], vector<16xi32>, vector<16xi1>
          %dma_start3A_216 = arith.constant 0 : i32
          %dma_start3A_217 = arith.constant 0 : i32
          %dma_start3A_218 = tpu.memref_slice %arg2[%dma_start3A_216, %dma_start3A_217] : memref<100000x32xf32, #tpu.memory_space<hbm>> -> memref<100000x32xf32, #tpu.memory_space<hbm>>
          tpu.enqueue_indirect_dma source(%dma_start3A_218 : memref<100000x32xf32, #tpu.memory_space<hbm>>) target(%arg10 : memref<2048x32xf32, #tpu.memory_space<vmem>>) offsets(%arg8 : memref<2048xi32, #tpu.memory_space<vmem>>) semaphore(%arg13 : memref<!tpu.dma_semaphore, #tpu.memory_space<semaphore_mem>>)
          %dma_wait3A_219 = arith.constant 0 : i32
          %dma_wait3A_220 = arith.constant 0 : i32
          %dma_wait3A_221 = tpu.memref_slice %arg2[%dma_wait3A_219, %dma_wait3A_220] : memref<100000x32xf32, #tpu.memory_space<hbm>> -> memref<100000x32xf32, #tpu.memory_space<hbm>>
          tpu.wait_indirect_dma semaphore(%arg13 : memref<!tpu.dma_semaphore, #tpu.memory_space<semaphore_mem>>) src(%dma_wait3A_221 : memref<100000x32xf32, #tpu.memory_space<hbm>>) dst(%arg10 : memref<2048x32xf32, #tpu.memory_space<vmem>>)
          "tpu.region"() ({
            %run_scoped3A = tpu.sem_alloc : memref<!tpu.dma_semaphore, #tpu.memory_space<semaphore_mem>>
            %dma_start3A_222 = arith.constant 0 : i32
            %dma_start3A_223 = arith.constant 0 : i32
            %dma_start3A_224 = tpu.memref_slice %arg12[%dma_start3A_222, %dma_start3A_223] : memref<13312x32xf32, #tpu.memory_space<vmem_shared>> -> memref<13312x32xf32, #tpu.memory_space<vmem_shared>>
            tpu.enqueue_indirect_dma source(%arg10 : memref<2048x32xf32, #tpu.memory_space<vmem>>) target(%dma_start3A_224 : memref<13312x32xf32, #tpu.memory_space<vmem_shared>>) offsets(%arg9 : memref<2048xi32, #tpu.memory_space<vmem>>) semaphore(%run_scoped3A : memref<!tpu.dma_semaphore, #tpu.memory_space<semaphore_mem>>) {add = true}
            %dma_wait3A_225 = arith.constant 0 : i32
            %dma_wait3A_226 = arith.constant 0 : i32
            %dma_wait3A_227 = tpu.memref_slice %arg12[%dma_wait3A_225, %dma_wait3A_226] : memref<13312x32xf32, #tpu.memory_space<vmem_shared>> -> memref<13312x32xf32, #tpu.memory_space<vmem_shared>>
            tpu.wait_indirect_dma semaphore(%run_scoped3A : memref<!tpu.dma_semaphore, #tpu.memory_space<semaphore_mem>>) src(%arg10 : memref<2048x32xf32, #tpu.memory_space<vmem>>) dst(%dma_wait3A_227 : memref<13312x32xf32, #tpu.memory_space<vmem_shared>>)
            tpu.yield
          }) : () -> ()
        } else {
        }
        %jit3A = arith.constant 0 : i32
        %select_n3A = arith.select %gt3A_198, %jit3A, %scan3A_189 : i32
        %mul3A_200 = arith.constant 16 : i32
        %mul3A_201 = arith.muli %scan3A_188, %mul3A_200 : i32
        %get3A_202 = arith.index_cast %mul3A_201 : i32 to index
        %get3A_203 = tpu.vector_load %arg6[%get3A_202] {strides = array<i32>} : memref<2048xi32, #tpu.memory_space<vmem>>, vector<16xi32>,
        %swap3A = arith.index_cast %select_n3A : i32 to index
        %swap3A_204 = tpu.vector_load %arg8[%swap3A] masked %and3A {strides = array<i32>} : memref<2048xi32, #tpu.memory_space<vmem>>, vector<16xi32>, vector<16xi1>
        tpu.vector_store %arg8[%swap3A], %get3A_203 masked %and3A {strides = array<i32>} : memref<2048xi32, #tpu.memory_space<vmem>>, vector<16xi32>, vector<16xi1>
        %swap3A_205 = arith.index_cast %select_n3A : i32 to index
        %swap3A_206 = tpu.vector_load %arg9[%swap3A_205] masked %and3A {strides = array<i32>} : memref<2048xi32, #tpu.memory_space<vmem>>, vector<16xi32>, vector<16xi1>
        tpu.vector_store %arg9[%swap3A_205], %sub3A_193 masked %and3A {strides = array<i32>} : memref<2048xi32, #tpu.memory_space<vmem>>, vector<16xi32>, vector<16xi1>
        %add3A_207 = arith.addi %select_n3A, %squeeze3A : i32
        scf.yield %add3A_207 : i32
      }
      %scan3A_187 = arith.constant 128 : i32
      scf.yield %scan3A_186 : i32
    }
    %scan3A_69 = arith.constant 50 : i32
    %scan3A_70 = arith.constant 0 : i32
    %scan3A_71 = arith.constant 128 : i32
    %scan3A_72 = arith.addi %scan3A_70, %scan3A_71 : i32
    %scan3A_73 = arith.constant 1 : i32
    %scan3A_74 = scf.for %scan3A_175 = %scan3A_70 to %scan3A_72 step %scan3A_73 iter_args(%scan3A_176 = %scan3A_68) -> (i32)  : i32 {
      %sub3A = arith.constant 2048 : i32
      %sub3A_177 = arith.subi %sub3A, %scan3A_176 : i32
      %lt3A = vector.broadcast %sub3A_177 : i32 to vector<16xi32>
      %lt3A_178 = arith.cmpi slt, %iota3A, %lt3A : vector<16xi32>
      %add3A_179 = vector.broadcast %scan3A_176 : i32 to vector<16xi32>
      %add3A_180 = arith.addi %add3A_179, %iota3A : vector<16xi32>
      %min3A = arith.constant 2047 : i32
      %min3A_181 = vector.broadcast %min3A : i32 to vector<16xi32>
      %min3A_182 = arith.minsi %add3A_180, %min3A_181 : vector<16xi32>
      tpu.vector_store_idx %arg8[%min3A_182], %add3A_4 masked %lt3A_178 : memref<2048xi32, #tpu.memory_space<vmem>>[vector<16xi32>], vector<16xi32>, vector<16xi1>
      tpu.vector_store_idx %arg9[%min3A_182], %add3A_10 masked %lt3A_178 : memref<2048xi32, #tpu.memory_space<vmem>>[vector<16xi32>], vector<16xi32>, vector<16xi1>
      %add3A_183 = arith.constant 16 : i32
      %add3A_184 = arith.addi %scan3A_176, %add3A_183 : i32
      %min3A_185 = arith.constant 2048 : i32
      %min3A_186 = arith.minsi %add3A_184, %min3A_185 : i32
      scf.yield %min3A_186 : i32
    }
    %scan3A_75 = arith.constant 128 : i32
    %dma_start3A_76 = arith.constant 0 : i32
    %dma_start3A_77 = arith.constant 0 : i32
    %dma_start3A_78 = tpu.memref_slice %arg2[%dma_start3A_76, %dma_start3A_77] : memref<100000x32xf32, #tpu.memory_space<hbm>> -> memref<100000x32xf32, #tpu.memory_space<hbm>>
    tpu.enqueue_indirect_dma source(%dma_start3A_78 : memref<100000x32xf32, #tpu.memory_space<hbm>>) target(%arg10 : memref<2048x32xf32, #tpu.memory_space<vmem>>) offsets(%arg8 : memref<2048xi32, #tpu.memory_space<vmem>>) semaphore(%arg13 : memref<!tpu.dma_semaphore, #tpu.memory_space<semaphore_mem>>)
    %dma_wait3A_79 = arith.constant 0 : i32
    %dma_wait3A_80 = arith.constant 0 : i32
    %dma_wait3A_81 = tpu.memref_slice %arg2[%dma_wait3A_79, %dma_wait3A_80] : memref<100000x32xf32, #tpu.memory_space<hbm>> -> memref<100000x32xf32, #tpu.memory_space<hbm>>
    tpu.wait_indirect_dma semaphore(%arg13 : memref<!tpu.dma_semaphore, #tpu.memory_space<semaphore_mem>>) src(%dma_wait3A_81 : memref<100000x32xf32, #tpu.memory_space<hbm>>) dst(%arg10 : memref<2048x32xf32, #tpu.memory_space<vmem>>)
    "tpu.region"() ({
      %run_scoped3A = tpu.sem_alloc : memref<!tpu.dma_semaphore, #tpu.memory_space<semaphore_mem>>
      %dma_start3A_175 = arith.constant 0 : i32
      %dma_start3A_176 = arith.constant 0 : i32
      %dma_start3A_177 = tpu.memref_slice %arg12[%dma_start3A_175, %dma_start3A_176] : memref<13312x32xf32, #tpu.memory_space<vmem_shared>> -> memref<13312x32xf32, #tpu.memory_space<vmem_shared>>
      tpu.enqueue_indirect_dma source(%arg10 : memref<2048x32xf32, #tpu.memory_space<vmem>>) target(%dma_start3A_177 : memref<13312x32xf32, #tpu.memory_space<vmem_shared>>) offsets(%arg9 : memref<2048xi32, #tpu.memory_space<vmem>>) semaphore(%run_scoped3A : memref<!tpu.dma_semaphore, #tpu.memory_space<semaphore_mem>>) {add = true}
      %dma_wait3A_178 = arith.constant 0 : i32
      %dma_wait3A_179 = arith.constant 0 : i32
      %dma_wait3A_180 = tpu.memref_slice %arg12[%dma_wait3A_178, %dma_wait3A_179] : memref<13312x32xf32, #tpu.memory_space<vmem_shared>> -> memref<13312x32xf32, #tpu.memory_space<vmem_shared>>
      tpu.wait_indirect_dma semaphore(%run_scoped3A : memref<!tpu.dma_semaphore, #tpu.memory_space<semaphore_mem>>) src(%arg10 : memref<2048x32xf32, #tpu.memory_space<vmem>>) dst(%dma_wait3A_180 : memref<13312x32xf32, #tpu.memory_space<vmem_shared>>)
      tpu.yield
    }) : () -> ()
    %barrier3A_82 = arith.constant 0 : index
    tpu.barrier barrier_id(%barrier3A_82)
    %mul3A_83 = arith.constant 800 : i32
    %mul3A_84 = arith.muli %arg1, %mul3A_83 : i32
    %add3A_85 = arith.constant 2 : i32
    %add3A_86 = arith.addi %add3A_85, %arg0 : i32
    %mul3A_87 = arith.constant 12800 : i32
    %mul3A_88 = arith.muli %add3A_86, %mul3A_87 : i32
    "tpu.region"() ({
      %run_scoped3A = tpu.sem_alloc : memref<!tpu.dma_semaphore, #tpu.memory_space<semaphore_mem>>
      %dma_start3A_175 = arith.constant 0 : i32
      %dma_start3A_176 = arith.constant 0 : i32
      %dma_start3A_177 = tpu.memref_slice %arg11[%dma_start3A_175, %dma_start3A_176] : memref<832x32xf32, #tpu.memory_space<vmem>> -> memref<800x32xf32, #tpu.memory_space<vmem>>
      %dma_start3A_178 = arith.constant 0 : i32
      %dma_start3A_179 = tpu.memref_slice %arg12[%mul3A_84, %dma_start3A_178] : memref<13312x32xf32, #tpu.memory_space<vmem_shared>> -> memref<800x32xf32, #tpu.memory_space<vmem_shared>>
      %dma_start3A_180 = arith.constant 0 : i32
      %dma_start3A_181 = arith.constant 0 : i32
      %dma_start3A_182 = tpu.memref_slice %arg11[%dma_start3A_180, %dma_start3A_181] : memref<832x32xf32, #tpu.memory_space<vmem>> -> memref<800x32xf32, #tpu.memory_space<vmem>>
      %dma_start3A_183 = arith.constant 0 : i32
      %dma_start3A_184 = tpu.memref_slice %arg12[%mul3A_84, %dma_start3A_183] : memref<13312x32xf32, #tpu.memory_space<vmem_shared>> -> memref<800x32xf32, #tpu.memory_space<vmem_shared>>
      tpu.enqueue_dma source(%dma_start3A_184 : memref<800x32xf32, #tpu.memory_space<vmem_shared>>) target(%dma_start3A_182 : memref<800x32xf32, #tpu.memory_space<vmem>>) target_semaphore(%run_scoped3A : memref<!tpu.dma_semaphore, #tpu.memory_space<semaphore_mem>>)
      %dma_wait3A_185 = arith.constant 0 : i32
      %dma_wait3A_186 = arith.constant 0 : i32
      %dma_wait3A_187 = tpu.memref_slice %arg11[%dma_wait3A_185, %dma_wait3A_186] : memref<832x32xf32, #tpu.memory_space<vmem>> -> memref<800x32xf32, #tpu.memory_space<vmem>>
      %dma_wait3A_188 = arith.constant 0 : i32
      %dma_wait3A_189 = tpu.memref_slice %arg12[%mul3A_84, %dma_wait3A_188] : memref<13312x32xf32, #tpu.memory_space<vmem_shared>> -> memref<800x32xf32, #tpu.memory_space<vmem_shared>>
      %dma_wait3A_190 = arith.constant 0 : i32
      %dma_wait3A_191 = arith.constant 0 : i32
      %dma_wait3A_192 = tpu.memref_slice %arg11[%dma_wait3A_190, %dma_wait3A_191] : memref<832x32xf32, #tpu.memory_space<vmem>> -> memref<800x32xf32, #tpu.memory_space<vmem>>
      %dma_wait3A_193 = arith.constant 0 : i32
      %dma_wait3A_194 = tpu.memref_slice %arg12[%mul3A_84, %dma_wait3A_193] : memref<13312x32xf32, #tpu.memory_space<vmem_shared>> -> memref<800x32xf32, #tpu.memory_space<vmem_shared>>
      tpu.wait_dma2 semaphore(%run_scoped3A : memref<!tpu.dma_semaphore, #tpu.memory_space<semaphore_mem>>) src(%dma_wait3A_194 : memref<800x32xf32, #tpu.memory_space<vmem_shared>>) dst(%dma_wait3A_192 : memref<800x32xf32, #tpu.memory_space<vmem>>)
      tpu.yield
    }) : () -> ()
    %add3A_89 = arith.addi %mul3A_88, %mul3A_84 : i32
    "tpu.region"() ({
      %run_scoped3A = tpu.sem_alloc : memref<!tpu.dma_semaphore, #tpu.memory_space<semaphore_mem>>
      %dma_start3A_175 = arith.constant 0 : i32
      %dma_start3A_176 = arith.constant 0 : i32
      %dma_start3A_177 = tpu.memref_slice %arg11[%dma_start3A_175, %dma_start3A_176] : memref<832x32xf32, #tpu.memory_space<vmem>> -> memref<800x32xf32, #tpu.memory_space<vmem>>
      %dma_start3A_178 = arith.constant 0 : i32
      %dma_start3A_179 = tpu.memref_slice %arg5[%add3A_89, %dma_start3A_178] : memref<102400x32xf32, #tpu.memory_space<hbm>> -> memref<800x32xf32, #tpu.memory_space<hbm>>
      %dma_start3A_180 = arith.constant 0 : i32
      %dma_start3A_181 = tpu.memref_slice %arg5[%add3A_89, %dma_start3A_180] : memref<102400x32xf32, #tpu.memory_space<hbm>> -> memref<800x32xf32, #tpu.memory_space<hbm>>
      %dma_start3A_182 = arith.constant 0 : i32
      %dma_start3A_183 = arith.constant 0 : i32
      %dma_start3A_184 = tpu.memref_slice %arg11[%dma_start3A_182, %dma_start3A_183] : memref<832x32xf32, #tpu.memory_space<vmem>> -> memref<800x32xf32, #tpu.memory_space<vmem>>
      tpu.enqueue_dma source(%dma_start3A_184 : memref<800x32xf32, #tpu.memory_space<vmem>>) target(%dma_start3A_181 : memref<800x32xf32, #tpu.memory_space<hbm>>) target_semaphore(%run_scoped3A : memref<!tpu.dma_semaphore, #tpu.memory_space<semaphore_mem>>)
      %dma_wait3A_185 = arith.constant 0 : i32
      %dma_wait3A_186 = arith.constant 0 : i32
      %dma_wait3A_187 = tpu.memref_slice %arg11[%dma_wait3A_185, %dma_wait3A_186] : memref<832x32xf32, #tpu.memory_space<vmem>> -> memref<800x32xf32, #tpu.memory_space<vmem>>
      %dma_wait3A_188 = arith.constant 0 : i32
      %dma_wait3A_189 = tpu.memref_slice %arg5[%add3A_89, %dma_wait3A_188] : memref<102400x32xf32, #tpu.memory_space<hbm>> -> memref<800x32xf32, #tpu.memory_space<hbm>>
      %dma_wait3A_190 = arith.constant 0 : i32
      %dma_wait3A_191 = tpu.memref_slice %arg5[%add3A_89, %dma_wait3A_190] : memref<102400x32xf32, #tpu.memory_space<hbm>> -> memref<800x32xf32, #tpu.memory_space<hbm>>
      %dma_wait3A_192 = arith.constant 0 : i32
      %dma_wait3A_193 = arith.constant 0 : i32
      %dma_wait3A_194 = tpu.memref_slice %arg11[%dma_wait3A_192, %dma_wait3A_193] : memref<832x32xf32, #tpu.memory_space<vmem>> -> memref<800x32xf32, #tpu.memory_space<vmem>>
      tpu.wait_dma2 semaphore(%run_scoped3A : memref<!tpu.dma_semaphore, #tpu.memory_space<semaphore_mem>>) src(%dma_wait3A_194 : memref<800x32xf32, #tpu.memory_space<vmem>>) dst(%dma_wait3A_191 : memref<800x32xf32, #tpu.memory_space<hbm>>)
      tpu.yield
    }) : () -> ()
    %barrier3A_90 = arith.constant 0 : index
    tpu.barrier barrier_id(%barrier3A_90)
    %add3A_91 = arith.constant 4 : i32
    %add3A_92 = arith.addi %add3A_91, %arg0 : i32
    %mul3A_93 = arith.constant 12800 : i32
    %mul3A_94 = arith.muli %add3A_92, %mul3A_93 : i32
    %scan3A_95 = arith.constant 0 : i32
    %scan3A_96 = arith.constant 0 : i32
    %scan3A_97 = arith.constant 832 : i32
    %scan3A_98 = arith.addi %scan3A_96, %scan3A_97 : i32
    %scan3A_99 = arith.constant 1 : i32
    %scan3A_100 = scf.for %scan3A_175 = %scan3A_96 to %scan3A_98 step %scan3A_99 iter_args(%scan3A_176 = %scan3A_95) -> (i32)  : i32 {
      %broadcast_in_dim3A = arith.constant 0.000000e+00 : f32
      %broadcast_in_dim3A_177 = vector.broadcast %broadcast_in_dim3A : f32 to vector<16xf32>
      %swap3A = arith.index_cast %scan3A_175 : i32 to index
      %swap3A_178 = arith.constant 0 : index
      %swap3A_179 = tpu.vector_load %arg11[%swap3A, %swap3A_178] {strides = array<i32>} : memref<832x32xf32, #tpu.memory_space<vmem>>, vector<16xf32>,
      tpu.vector_store %arg11[%swap3A, %swap3A_178], %broadcast_in_dim3A_177 {strides = array<i32>} : memref<832x32xf32, #tpu.memory_space<vmem>>, vector<16xf32>,
      %broadcast_in_dim3A_180 = arith.constant 0.000000e+00 : f32
      %broadcast_in_dim3A_181 = vector.broadcast %broadcast_in_dim3A_180 : f32 to vector<16xf32>
      %swap3A_182 = arith.index_cast %scan3A_175 : i32 to index
      %swap3A_183 = arith.constant 16 : index
      %swap3A_184 = tpu.vector_load %arg11[%swap3A_182, %swap3A_183] {strides = array<i32>} : memref<832x32xf32, #tpu.memory_space<vmem>>, vector<16xf32>,
      tpu.vector_store %arg11[%swap3A_182, %swap3A_183], %broadcast_in_dim3A_181 {strides = array<i32>} : memref<832x32xf32, #tpu.memory_space<vmem>>, vector<16xf32>,
      %scan3A_185 = arith.constant 0 : i32
      scf.yield %scan3A_185 : i32
    }
    %scan3A_101 = arith.constant 832 : i32
    %mul3A_102 = arith.constant 832 : i32
    %mul3A_103 = arith.muli %arg1, %mul3A_102 : i32
    "tpu.region"() ({
      %run_scoped3A = tpu.sem_alloc : memref<!tpu.dma_semaphore, #tpu.memory_space<semaphore_mem>>
      %dma_start3A_175 = arith.constant 0 : i32
      %dma_start3A_176 = tpu.memref_slice %arg12[%mul3A_103, %dma_start3A_175] : memref<13312x32xf32, #tpu.memory_space<vmem_shared>> -> memref<832x32xf32, #tpu.memory_space<vmem_shared>>
      %dma_start3A_177 = arith.constant 0 : i32
      %dma_start3A_178 = tpu.memref_slice %arg12[%mul3A_103, %dma_start3A_177] : memref<13312x32xf32, #tpu.memory_space<vmem_shared>> -> memref<832x32xf32, #tpu.memory_space<vmem_shared>>
      tpu.enqueue_dma source(%arg11 : memref<832x32xf32, #tpu.memory_space<vmem>>) target(%dma_start3A_178 : memref<832x32xf32, #tpu.memory_space<vmem_shared>>) target_semaphore(%run_scoped3A : memref<!tpu.dma_semaphore, #tpu.memory_space<semaphore_mem>>)
      %dma_wait3A_179 = arith.constant 0 : i32
      %dma_wait3A_180 = tpu.memref_slice %arg12[%mul3A_103, %dma_wait3A_179] : memref<13312x32xf32, #tpu.memory_space<vmem_shared>> -> memref<832x32xf32, #tpu.memory_space<vmem_shared>>
      %dma_wait3A_181 = arith.constant 0 : i32
      %dma_wait3A_182 = tpu.memref_slice %arg12[%mul3A_103, %dma_wait3A_181] : memref<13312x32xf32, #tpu.memory_space<vmem_shared>> -> memref<832x32xf32, #tpu.memory_space<vmem_shared>>
      tpu.wait_dma2 semaphore(%run_scoped3A : memref<!tpu.dma_semaphore, #tpu.memory_space<semaphore_mem>>) src(%arg11 : memref<832x32xf32, #tpu.memory_space<vmem>>) dst(%dma_wait3A_182 : memref<832x32xf32, #tpu.memory_space<vmem_shared>>)
      tpu.yield
    }) : () -> ()
    %barrier3A_104 = arith.constant 0 : index
    tpu.barrier barrier_id(%barrier3A_104)
    %scan3A_105 = arith.constant 0 : i32
    %scan3A_106 = arith.constant 0 : i32
    %scan3A_107 = arith.constant 50 : i32
    %scan3A_108 = arith.addi %scan3A_106, %scan3A_107 : i32
    %scan3A_109 = arith.constant 1 : i32
    %scan3A_110 = scf.for %scan3A_175 = %scan3A_106 to %scan3A_108 step %scan3A_109 iter_args(%scan3A_176 = %scan3A_105) -> (i32)  : i32 {
      %mul3A_177 = arith.constant 102400 : i32
      %mul3A_178 = arith.muli %arg1, %mul3A_177 : i32
      %mul3A_179 = arith.constant 2048 : i32
      %mul3A_180 = arith.muli %scan3A_175, %mul3A_179 : i32
      %add3A_181 = arith.addi %mul3A_178, %mul3A_180 : i32
      "tpu.region"() ({
        %run_scoped3A = tpu.sem_alloc : memref<!tpu.dma_semaphore, #tpu.memory_space<semaphore_mem>>
        %dma_start3A_188 = tpu.memref_slice %arg3[%add3A_181] : memref<1638400xi32, #tpu.memory_space<hbm>> -> memref<2048xi32, #tpu.memory_space<hbm>>
        %dma_start3A_189 = tpu.memref_slice %arg3[%add3A_181] : memref<1638400xi32, #tpu.memory_space<hbm>> -> memref<2048xi32, #tpu.memory_space<hbm>>
        tpu.enqueue_dma source(%dma_start3A_189 : memref<2048xi32, #tpu.memory_space<hbm>>) target(%arg6 : memref<2048xi32, #tpu.memory_space<vmem>>) target_semaphore(%run_scoped3A : memref<!tpu.dma_semaphore, #tpu.memory_space<semaphore_mem>>)
        %dma_wait3A_190 = tpu.memref_slice %arg3[%add3A_181] : memref<1638400xi32, #tpu.memory_space<hbm>> -> memref<2048xi32, #tpu.memory_space<hbm>>
        %dma_wait3A_191 = tpu.memref_slice %arg3[%add3A_181] : memref<1638400xi32, #tpu.memory_space<hbm>> -> memref<2048xi32, #tpu.memory_space<hbm>>
        tpu.wait_dma2 semaphore(%run_scoped3A : memref<!tpu.dma_semaphore, #tpu.memory_space<semaphore_mem>>) src(%dma_wait3A_191 : memref<2048xi32, #tpu.memory_space<hbm>>) dst(%arg6 : memref<2048xi32, #tpu.memory_space<vmem>>)
        tpu.yield
      }) : () -> ()
      "tpu.region"() ({
        %run_scoped3A = tpu.sem_alloc : memref<!tpu.dma_semaphore, #tpu.memory_space<semaphore_mem>>
        %dma_start3A_188 = tpu.memref_slice %arg4[%add3A_181] : memref<1638400xi32, #tpu.memory_space<hbm>> -> memref<2048xi32, #tpu.memory_space<hbm>>
        %dma_start3A_189 = tpu.memref_slice %arg4[%add3A_181] : memref<1638400xi32, #tpu.memory_space<hbm>> -> memref<2048xi32, #tpu.memory_space<hbm>>
        tpu.enqueue_dma source(%dma_start3A_189 : memref<2048xi32, #tpu.memory_space<hbm>>) target(%arg7 : memref<2048xi32, #tpu.memory_space<vmem>>) target_semaphore(%run_scoped3A : memref<!tpu.dma_semaphore, #tpu.memory_space<semaphore_mem>>)
        %dma_wait3A_190 = tpu.memref_slice %arg4[%add3A_181] : memref<1638400xi32, #tpu.memory_space<hbm>> -> memref<2048xi32, #tpu.memory_space<hbm>>
        %dma_wait3A_191 = tpu.memref_slice %arg4[%add3A_181] : memref<1638400xi32, #tpu.memory_space<hbm>> -> memref<2048xi32, #tpu.memory_space<hbm>>
        tpu.wait_dma2 semaphore(%run_scoped3A : memref<!tpu.dma_semaphore, #tpu.memory_space<semaphore_mem>>) src(%dma_wait3A_191 : memref<2048xi32, #tpu.memory_space<hbm>>) dst(%arg7 : memref<2048xi32, #tpu.memory_space<vmem>>)
        tpu.yield
      }) : () -> ()
      %scan3A_182 = arith.constant 0 : i32
      %scan3A_183 = arith.constant 128 : i32
      %scan3A_184 = arith.addi %scan3A_182, %scan3A_183 : i32
      %scan3A_185 = arith.constant 1 : i32
      %scan3A_186 = scf.for %scan3A_188 = %scan3A_182 to %scan3A_184 step %scan3A_185 iter_args(%scan3A_189 = %scan3A_176) -> (i32)  : i32 {
        %mul3A_190 = arith.constant 16 : i32
        %mul3A_191 = arith.muli %scan3A_188, %mul3A_190 : i32
        %get3A = arith.index_cast %mul3A_191 : i32 to index
        %get3A_192 = tpu.vector_load %arg7[%get3A] {strides = array<i32>} : memref<2048xi32, #tpu.memory_space<vmem>>, vector<16xi32>,
        %sub3A = vector.broadcast %mul3A_94 : i32 to vector<16xi32>
        %sub3A_193 = arith.subi %get3A_192, %sub3A : vector<16xi32>
        %ge3A = arith.constant 0 : i32
        %ge3A_194 = vector.broadcast %ge3A : i32 to vector<16xi32>
        %ge3A_195 = arith.cmpi sge, %sub3A_193, %ge3A_194 : vector<16xi32>
        %lt3A = arith.constant 12800 : i32
        %lt3A_196 = vector.broadcast %lt3A : i32 to vector<16xi32>
        %lt3A_197 = arith.cmpi slt, %sub3A_193, %lt3A_196 : vector<16xi32>
        %and3A = arith.andi %ge3A_195, %lt3A_197 : vector<16xi1>
        %all_reduce_population_count3A = tpu.all_reduce %and3A {dim = 0 : i64, kind = #tpu.reduction_kind<sum>} : vector<16xi1> -> vector<16xi32>
        %slice3A = vector.extract_strided_slice %all_reduce_population_count3A {offsets = [0], sizes = [1], strides = [1]} : vector<16xi32> to vector<1xi32>
        %squeeze3A = vector.extract %slice3A[0] : i32 from vector<1xi32>
        %gt3A = arith.constant 2032 : i32
        %gt3A_198 = arith.cmpi sgt, %scan3A_189, %gt3A : i32
        %convert_element_type3A = arith.extui %gt3A_198 : i1 to i32
        %cond3A = arith.constant 0 : i32
        %cond3A_199 = arith.cmpi ne, %convert_element_type3A, %cond3A : i32
        scf.if %cond3A_199 {
          %sub3A_208 = arith.constant 2048 : i32
          %sub3A_209 = arith.subi %sub3A_208, %scan3A_189 : i32
          %lt3A_210 = vector.broadcast %sub3A_209 : i32 to vector<16xi32>
          %lt3A_211 = arith.cmpi slt, %iota3A, %lt3A_210 : vector<16xi32>
          %add3A_212 = vector.broadcast %scan3A_189 : i32 to vector<16xi32>
          %add3A_213 = arith.addi %add3A_212, %iota3A : vector<16xi32>
          %min3A = arith.constant 2047 : i32
          %min3A_214 = vector.broadcast %min3A : i32 to vector<16xi32>
          %min3A_215 = arith.minsi %add3A_213, %min3A_214 : vector<16xi32>
          tpu.vector_store_idx %arg8[%min3A_215], %add3A_4 masked %lt3A_211 : memref<2048xi32, #tpu.memory_space<vmem>>[vector<16xi32>], vector<16xi32>, vector<16xi1>
          tpu.vector_store_idx %arg9[%min3A_215], %add3A_10 masked %lt3A_211 : memref<2048xi32, #tpu.memory_space<vmem>>[vector<16xi32>], vector<16xi32>, vector<16xi1>
          %dma_start3A_216 = arith.constant 0 : i32
          %dma_start3A_217 = arith.constant 0 : i32
          %dma_start3A_218 = tpu.memref_slice %arg2[%dma_start3A_216, %dma_start3A_217] : memref<100000x32xf32, #tpu.memory_space<hbm>> -> memref<100000x32xf32, #tpu.memory_space<hbm>>
          tpu.enqueue_indirect_dma source(%dma_start3A_218 : memref<100000x32xf32, #tpu.memory_space<hbm>>) target(%arg10 : memref<2048x32xf32, #tpu.memory_space<vmem>>) offsets(%arg8 : memref<2048xi32, #tpu.memory_space<vmem>>) semaphore(%arg13 : memref<!tpu.dma_semaphore, #tpu.memory_space<semaphore_mem>>)
          %dma_wait3A_219 = arith.constant 0 : i32
          %dma_wait3A_220 = arith.constant 0 : i32
          %dma_wait3A_221 = tpu.memref_slice %arg2[%dma_wait3A_219, %dma_wait3A_220] : memref<100000x32xf32, #tpu.memory_space<hbm>> -> memref<100000x32xf32, #tpu.memory_space<hbm>>
          tpu.wait_indirect_dma semaphore(%arg13 : memref<!tpu.dma_semaphore, #tpu.memory_space<semaphore_mem>>) src(%dma_wait3A_221 : memref<100000x32xf32, #tpu.memory_space<hbm>>) dst(%arg10 : memref<2048x32xf32, #tpu.memory_space<vmem>>)
          "tpu.region"() ({
            %run_scoped3A = tpu.sem_alloc : memref<!tpu.dma_semaphore, #tpu.memory_space<semaphore_mem>>
            %dma_start3A_222 = arith.constant 0 : i32
            %dma_start3A_223 = arith.constant 0 : i32
            %dma_start3A_224 = tpu.memref_slice %arg12[%dma_start3A_222, %dma_start3A_223] : memref<13312x32xf32, #tpu.memory_space<vmem_shared>> -> memref<13312x32xf32, #tpu.memory_space<vmem_shared>>
            tpu.enqueue_indirect_dma source(%arg10 : memref<2048x32xf32, #tpu.memory_space<vmem>>) target(%dma_start3A_224 : memref<13312x32xf32, #tpu.memory_space<vmem_shared>>) offsets(%arg9 : memref<2048xi32, #tpu.memory_space<vmem>>) semaphore(%run_scoped3A : memref<!tpu.dma_semaphore, #tpu.memory_space<semaphore_mem>>) {add = true}
            %dma_wait3A_225 = arith.constant 0 : i32
            %dma_wait3A_226 = arith.constant 0 : i32
            %dma_wait3A_227 = tpu.memref_slice %arg12[%dma_wait3A_225, %dma_wait3A_226] : memref<13312x32xf32, #tpu.memory_space<vmem_shared>> -> memref<13312x32xf32, #tpu.memory_space<vmem_shared>>
            tpu.wait_indirect_dma semaphore(%run_scoped3A : memref<!tpu.dma_semaphore, #tpu.memory_space<semaphore_mem>>) src(%arg10 : memref<2048x32xf32, #tpu.memory_space<vmem>>) dst(%dma_wait3A_227 : memref<13312x32xf32, #tpu.memory_space<vmem_shared>>)
            tpu.yield
          }) : () -> ()
        } else {
        }
        %jit3A = arith.constant 0 : i32
        %select_n3A = arith.select %gt3A_198, %jit3A, %scan3A_189 : i32
        %mul3A_200 = arith.constant 16 : i32
        %mul3A_201 = arith.muli %scan3A_188, %mul3A_200 : i32
        %get3A_202 = arith.index_cast %mul3A_201 : i32 to index
        %get3A_203 = tpu.vector_load %arg6[%get3A_202] {strides = array<i32>} : memref<2048xi32, #tpu.memory_space<vmem>>, vector<16xi32>,
        %swap3A = arith.index_cast %select_n3A : i32 to index
        %swap3A_204 = tpu.vector_load %arg8[%swap3A] masked %and3A {strides = array<i32>} : memref<2048xi32, #tpu.memory_space<vmem>>, vector<16xi32>, vector<16xi1>
        tpu.vector_store %arg8[%swap3A], %get3A_203 masked %and3A {strides = array<i32>} : memref<2048xi32, #tpu.memory_space<vmem>>, vector<16xi32>, vector<16xi1>
        %swap3A_205 = arith.index_cast %select_n3A : i32 to index
        %swap3A_206 = tpu.vector_load %arg9[%swap3A_205] masked %and3A {strides = array<i32>} : memref<2048xi32, #tpu.memory_space<vmem>>, vector<16xi32>, vector<16xi1>
        tpu.vector_store %arg9[%swap3A_205], %sub3A_193 masked %and3A {strides = array<i32>} : memref<2048xi32, #tpu.memory_space<vmem>>, vector<16xi32>, vector<16xi1>
        %add3A_207 = arith.addi %select_n3A, %squeeze3A : i32
        scf.yield %add3A_207 : i32
      }
      %scan3A_187 = arith.constant 128 : i32
      scf.yield %scan3A_186 : i32
    }
    %scan3A_111 = arith.constant 50 : i32
    %scan3A_112 = arith.constant 0 : i32
    %scan3A_113 = arith.constant 128 : i32
    %scan3A_114 = arith.addi %scan3A_112, %scan3A_113 : i32
    %scan3A_115 = arith.constant 1 : i32
    %scan3A_116 = scf.for %scan3A_175 = %scan3A_112 to %scan3A_114 step %scan3A_115 iter_args(%scan3A_176 = %scan3A_110) -> (i32)  : i32 {
      %sub3A = arith.constant 2048 : i32
      %sub3A_177 = arith.subi %sub3A, %scan3A_176 : i32
      %lt3A = vector.broadcast %sub3A_177 : i32 to vector<16xi32>
      %lt3A_178 = arith.cmpi slt, %iota3A, %lt3A : vector<16xi32>
      %add3A_179 = vector.broadcast %scan3A_176 : i32 to vector<16xi32>
      %add3A_180 = arith.addi %add3A_179, %iota3A : vector<16xi32>
      %min3A = arith.constant 2047 : i32
      %min3A_181 = vector.broadcast %min3A : i32 to vector<16xi32>
      %min3A_182 = arith.minsi %add3A_180, %min3A_181 : vector<16xi32>
      tpu.vector_store_idx %arg8[%min3A_182], %add3A_4 masked %lt3A_178 : memref<2048xi32, #tpu.memory_space<vmem>>[vector<16xi32>], vector<16xi32>, vector<16xi1>
      tpu.vector_store_idx %arg9[%min3A_182], %add3A_10 masked %lt3A_178 : memref<2048xi32, #tpu.memory_space<vmem>>[vector<16xi32>], vector<16xi32>, vector<16xi1>
      %add3A_183 = arith.constant 16 : i32
      %add3A_184 = arith.addi %scan3A_176, %add3A_183 : i32
      %min3A_185 = arith.constant 2048 : i32
      %min3A_186 = arith.minsi %add3A_184, %min3A_185 : i32
      scf.yield %min3A_186 : i32
    }
    %scan3A_117 = arith.constant 128 : i32
    %dma_start3A_118 = arith.constant 0 : i32
    %dma_start3A_119 = arith.constant 0 : i32
    %dma_start3A_120 = tpu.memref_slice %arg2[%dma_start3A_118, %dma_start3A_119] : memref<100000x32xf32, #tpu.memory_space<hbm>> -> memref<100000x32xf32, #tpu.memory_space<hbm>>
    tpu.enqueue_indirect_dma source(%dma_start3A_120 : memref<100000x32xf32, #tpu.memory_space<hbm>>) target(%arg10 : memref<2048x32xf32, #tpu.memory_space<vmem>>) offsets(%arg8 : memref<2048xi32, #tpu.memory_space<vmem>>) semaphore(%arg13 : memref<!tpu.dma_semaphore, #tpu.memory_space<semaphore_mem>>)
    %dma_wait3A_121 = arith.constant 0 : i32
    %dma_wait3A_122 = arith.constant 0 : i32
    %dma_wait3A_123 = tpu.memref_slice %arg2[%dma_wait3A_121, %dma_wait3A_122] : memref<100000x32xf32, #tpu.memory_space<hbm>> -> memref<100000x32xf32, #tpu.memory_space<hbm>>
    tpu.wait_indirect_dma semaphore(%arg13 : memref<!tpu.dma_semaphore, #tpu.memory_space<semaphore_mem>>) src(%dma_wait3A_123 : memref<100000x32xf32, #tpu.memory_space<hbm>>) dst(%arg10 : memref<2048x32xf32, #tpu.memory_space<vmem>>)
    "tpu.region"() ({
      %run_scoped3A = tpu.sem_alloc : memref<!tpu.dma_semaphore, #tpu.memory_space<semaphore_mem>>
      %dma_start3A_175 = arith.constant 0 : i32
      %dma_start3A_176 = arith.constant 0 : i32
      %dma_start3A_177 = tpu.memref_slice %arg12[%dma_start3A_175, %dma_start3A_176] : memref<13312x32xf32, #tpu.memory_space<vmem_shared>> -> memref<13312x32xf32, #tpu.memory_space<vmem_shared>>
      tpu.enqueue_indirect_dma source(%arg10 : memref<2048x32xf32, #tpu.memory_space<vmem>>) target(%dma_start3A_177 : memref<13312x32xf32, #tpu.memory_space<vmem_shared>>) offsets(%arg9 : memref<2048xi32, #tpu.memory_space<vmem>>) semaphore(%run_scoped3A : memref<!tpu.dma_semaphore, #tpu.memory_space<semaphore_mem>>) {add = true}
      %dma_wait3A_178 = arith.constant 0 : i32
      %dma_wait3A_179 = arith.constant 0 : i32
      %dma_wait3A_180 = tpu.memref_slice %arg12[%dma_wait3A_178, %dma_wait3A_179] : memref<13312x32xf32, #tpu.memory_space<vmem_shared>> -> memref<13312x32xf32, #tpu.memory_space<vmem_shared>>
      tpu.wait_indirect_dma semaphore(%run_scoped3A : memref<!tpu.dma_semaphore, #tpu.memory_space<semaphore_mem>>) src(%arg10 : memref<2048x32xf32, #tpu.memory_space<vmem>>) dst(%dma_wait3A_180 : memref<13312x32xf32, #tpu.memory_space<vmem_shared>>)
      tpu.yield
    }) : () -> ()
    %barrier3A_124 = arith.constant 0 : index
    tpu.barrier barrier_id(%barrier3A_124)
    %mul3A_125 = arith.constant 800 : i32
    %mul3A_126 = arith.muli %arg1, %mul3A_125 : i32
    %add3A_127 = arith.constant 4 : i32
    %add3A_128 = arith.addi %add3A_127, %arg0 : i32
    %mul3A_129 = arith.constant 12800 : i32
    %mul3A_130 = arith.muli %add3A_128, %mul3A_129 : i32
    "tpu.region"() ({
      %run_scoped3A = tpu.sem_alloc : memref<!tpu.dma_semaphore, #tpu.memory_space<semaphore_mem>>
      %dma_start3A_175 = arith.constant 0 : i32
      %dma_start3A_176 = arith.constant 0 : i32
      %dma_start3A_177 = tpu.memref_slice %arg11[%dma_start3A_175, %dma_start3A_176] : memref<832x32xf32, #tpu.memory_space<vmem>> -> memref<800x32xf32, #tpu.memory_space<vmem>>
      %dma_start3A_178 = arith.constant 0 : i32
      %dma_start3A_179 = tpu.memref_slice %arg12[%mul3A_126, %dma_start3A_178] : memref<13312x32xf32, #tpu.memory_space<vmem_shared>> -> memref<800x32xf32, #tpu.memory_space<vmem_shared>>
      %dma_start3A_180 = arith.constant 0 : i32
      %dma_start3A_181 = arith.constant 0 : i32
      %dma_start3A_182 = tpu.memref_slice %arg11[%dma_start3A_180, %dma_start3A_181] : memref<832x32xf32, #tpu.memory_space<vmem>> -> memref<800x32xf32, #tpu.memory_space<vmem>>
      %dma_start3A_183 = arith.constant 0 : i32
      %dma_start3A_184 = tpu.memref_slice %arg12[%mul3A_126, %dma_start3A_183] : memref<13312x32xf32, #tpu.memory_space<vmem_shared>> -> memref<800x32xf32, #tpu.memory_space<vmem_shared>>
      tpu.enqueue_dma source(%dma_start3A_184 : memref<800x32xf32, #tpu.memory_space<vmem_shared>>) target(%dma_start3A_182 : memref<800x32xf32, #tpu.memory_space<vmem>>) target_semaphore(%run_scoped3A : memref<!tpu.dma_semaphore, #tpu.memory_space<semaphore_mem>>)
      %dma_wait3A_185 = arith.constant 0 : i32
      %dma_wait3A_186 = arith.constant 0 : i32
      %dma_wait3A_187 = tpu.memref_slice %arg11[%dma_wait3A_185, %dma_wait3A_186] : memref<832x32xf32, #tpu.memory_space<vmem>> -> memref<800x32xf32, #tpu.memory_space<vmem>>
      %dma_wait3A_188 = arith.constant 0 : i32
      %dma_wait3A_189 = tpu.memref_slice %arg12[%mul3A_126, %dma_wait3A_188] : memref<13312x32xf32, #tpu.memory_space<vmem_shared>> -> memref<800x32xf32, #tpu.memory_space<vmem_shared>>
      %dma_wait3A_190 = arith.constant 0 : i32
      %dma_wait3A_191 = arith.constant 0 : i32
      %dma_wait3A_192 = tpu.memref_slice %arg11[%dma_wait3A_190, %dma_wait3A_191] : memref<832x32xf32, #tpu.memory_space<vmem>> -> memref<800x32xf32, #tpu.memory_space<vmem>>
      %dma_wait3A_193 = arith.constant 0 : i32
      %dma_wait3A_194 = tpu.memref_slice %arg12[%mul3A_126, %dma_wait3A_193] : memref<13312x32xf32, #tpu.memory_space<vmem_shared>> -> memref<800x32xf32, #tpu.memory_space<vmem_shared>>
      tpu.wait_dma2 semaphore(%run_scoped3A : memref<!tpu.dma_semaphore, #tpu.memory_space<semaphore_mem>>) src(%dma_wait3A_194 : memref<800x32xf32, #tpu.memory_space<vmem_shared>>) dst(%dma_wait3A_192 : memref<800x32xf32, #tpu.memory_space<vmem>>)
      tpu.yield
    }) : () -> ()
    %add3A_131 = arith.addi %mul3A_130, %mul3A_126 : i32
    "tpu.region"() ({
      %run_scoped3A = tpu.sem_alloc : memref<!tpu.dma_semaphore, #tpu.memory_space<semaphore_mem>>
      %dma_start3A_175 = arith.constant 0 : i32
      %dma_start3A_176 = arith.constant 0 : i32
      %dma_start3A_177 = tpu.memref_slice %arg11[%dma_start3A_175, %dma_start3A_176] : memref<832x32xf32, #tpu.memory_space<vmem>> -> memref<800x32xf32, #tpu.memory_space<vmem>>
      %dma_start3A_178 = arith.constant 0 : i32
      %dma_start3A_179 = tpu.memref_slice %arg5[%add3A_131, %dma_start3A_178] : memref<102400x32xf32, #tpu.memory_space<hbm>> -> memref<800x32xf32, #tpu.memory_space<hbm>>
      %dma_start3A_180 = arith.constant 0 : i32
      %dma_start3A_181 = tpu.memref_slice %arg5[%add3A_131, %dma_start3A_180] : memref<102400x32xf32, #tpu.memory_space<hbm>> -> memref<800x32xf32, #tpu.memory_space<hbm>>
      %dma_start3A_182 = arith.constant 0 : i32
      %dma_start3A_183 = arith.constant 0 : i32
      %dma_start3A_184 = tpu.memref_slice %arg11[%dma_start3A_182, %dma_start3A_183] : memref<832x32xf32, #tpu.memory_space<vmem>> -> memref<800x32xf32, #tpu.memory_space<vmem>>
      tpu.enqueue_dma source(%dma_start3A_184 : memref<800x32xf32, #tpu.memory_space<vmem>>) target(%dma_start3A_181 : memref<800x32xf32, #tpu.memory_space<hbm>>) target_semaphore(%run_scoped3A : memref<!tpu.dma_semaphore, #tpu.memory_space<semaphore_mem>>)
      %dma_wait3A_185 = arith.constant 0 : i32
      %dma_wait3A_186 = arith.constant 0 : i32
      %dma_wait3A_187 = tpu.memref_slice %arg11[%dma_wait3A_185, %dma_wait3A_186] : memref<832x32xf32, #tpu.memory_space<vmem>> -> memref<800x32xf32, #tpu.memory_space<vmem>>
      %dma_wait3A_188 = arith.constant 0 : i32
      %dma_wait3A_189 = tpu.memref_slice %arg5[%add3A_131, %dma_wait3A_188] : memref<102400x32xf32, #tpu.memory_space<hbm>> -> memref<800x32xf32, #tpu.memory_space<hbm>>
      %dma_wait3A_190 = arith.constant 0 : i32
      %dma_wait3A_191 = tpu.memref_slice %arg5[%add3A_131, %dma_wait3A_190] : memref<102400x32xf32, #tpu.memory_space<hbm>> -> memref<800x32xf32, #tpu.memory_space<hbm>>
      %dma_wait3A_192 = arith.constant 0 : i32
      %dma_wait3A_193 = arith.constant 0 : i32
      %dma_wait3A_194 = tpu.memref_slice %arg11[%dma_wait3A_192, %dma_wait3A_193] : memref<832x32xf32, #tpu.memory_space<vmem>> -> memref<800x32xf32, #tpu.memory_space<vmem>>
      tpu.wait_dma2 semaphore(%run_scoped3A : memref<!tpu.dma_semaphore, #tpu.memory_space<semaphore_mem>>) src(%dma_wait3A_194 : memref<800x32xf32, #tpu.memory_space<vmem>>) dst(%dma_wait3A_191 : memref<800x32xf32, #tpu.memory_space<hbm>>)
      tpu.yield
    }) : () -> ()
    %barrier3A_132 = arith.constant 0 : index
    tpu.barrier barrier_id(%barrier3A_132)
    %add3A_133 = arith.constant 6 : i32
    %add3A_134 = arith.addi %add3A_133, %arg0 : i32
    %mul3A_135 = arith.constant 12800 : i32
    %mul3A_136 = arith.muli %add3A_134, %mul3A_135 : i32
    %scan3A_137 = arith.constant 0 : i32
    %scan3A_138 = arith.constant 0 : i32
    %scan3A_139 = arith.constant 832 : i32
    %scan3A_140 = arith.addi %scan3A_138, %scan3A_139 : i32
    %scan3A_141 = arith.constant 1 : i32
    %scan3A_142 = scf.for %scan3A_175 = %scan3A_138 to %scan3A_140 step %scan3A_141 iter_args(%scan3A_176 = %scan3A_137) -> (i32)  : i32 {
      %broadcast_in_dim3A = arith.constant 0.000000e+00 : f32
      %broadcast_in_dim3A_177 = vector.broadcast %broadcast_in_dim3A : f32 to vector<16xf32>
      %swap3A = arith.index_cast %scan3A_175 : i32 to index
      %swap3A_178 = arith.constant 0 : index
      %swap3A_179 = tpu.vector_load %arg11[%swap3A, %swap3A_178] {strides = array<i32>} : memref<832x32xf32, #tpu.memory_space<vmem>>, vector<16xf32>,
      tpu.vector_store %arg11[%swap3A, %swap3A_178], %broadcast_in_dim3A_177 {strides = array<i32>} : memref<832x32xf32, #tpu.memory_space<vmem>>, vector<16xf32>,
      %broadcast_in_dim3A_180 = arith.constant 0.000000e+00 : f32
      %broadcast_in_dim3A_181 = vector.broadcast %broadcast_in_dim3A_180 : f32 to vector<16xf32>
      %swap3A_182 = arith.index_cast %scan3A_175 : i32 to index
      %swap3A_183 = arith.constant 16 : index
      %swap3A_184 = tpu.vector_load %arg11[%swap3A_182, %swap3A_183] {strides = array<i32>} : memref<832x32xf32, #tpu.memory_space<vmem>>, vector<16xf32>,
      tpu.vector_store %arg11[%swap3A_182, %swap3A_183], %broadcast_in_dim3A_181 {strides = array<i32>} : memref<832x32xf32, #tpu.memory_space<vmem>>, vector<16xf32>,
      %scan3A_185 = arith.constant 0 : i32
      scf.yield %scan3A_185 : i32
    }
    %scan3A_143 = arith.constant 832 : i32
    %mul3A_144 = arith.constant 832 : i32
    %mul3A_145 = arith.muli %arg1, %mul3A_144 : i32
    "tpu.region"() ({
      %run_scoped3A = tpu.sem_alloc : memref<!tpu.dma_semaphore, #tpu.memory_space<semaphore_mem>>
      %dma_start3A_175 = arith.constant 0 : i32
      %dma_start3A_176 = tpu.memref_slice %arg12[%mul3A_145, %dma_start3A_175] : memref<13312x32xf32, #tpu.memory_space<vmem_shared>> -> memref<832x32xf32, #tpu.memory_space<vmem_shared>>
      %dma_start3A_177 = arith.constant 0 : i32
      %dma_start3A_178 = tpu.memref_slice %arg12[%mul3A_145, %dma_start3A_177] : memref<13312x32xf32, #tpu.memory_space<vmem_shared>> -> memref<832x32xf32, #tpu.memory_space<vmem_shared>>
      tpu.enqueue_dma source(%arg11 : memref<832x32xf32, #tpu.memory_space<vmem>>) target(%dma_start3A_178 : memref<832x32xf32, #tpu.memory_space<vmem_shared>>) target_semaphore(%run_scoped3A : memref<!tpu.dma_semaphore, #tpu.memory_space<semaphore_mem>>)
      %dma_wait3A_179 = arith.constant 0 : i32
      %dma_wait3A_180 = tpu.memref_slice %arg12[%mul3A_145, %dma_wait3A_179] : memref<13312x32xf32, #tpu.memory_space<vmem_shared>> -> memref<832x32xf32, #tpu.memory_space<vmem_shared>>
      %dma_wait3A_181 = arith.constant 0 : i32
      %dma_wait3A_182 = tpu.memref_slice %arg12[%mul3A_145, %dma_wait3A_181] : memref<13312x32xf32, #tpu.memory_space<vmem_shared>> -> memref<832x32xf32, #tpu.memory_space<vmem_shared>>
      tpu.wait_dma2 semaphore(%run_scoped3A : memref<!tpu.dma_semaphore, #tpu.memory_space<semaphore_mem>>) src(%arg11 : memref<832x32xf32, #tpu.memory_space<vmem>>) dst(%dma_wait3A_182 : memref<832x32xf32, #tpu.memory_space<vmem_shared>>)
      tpu.yield
    }) : () -> ()
    %barrier3A_146 = arith.constant 0 : index
    tpu.barrier barrier_id(%barrier3A_146)
    %scan3A_147 = arith.constant 0 : i32
    %scan3A_148 = arith.constant 0 : i32
    %scan3A_149 = arith.constant 50 : i32
    %scan3A_150 = arith.addi %scan3A_148, %scan3A_149 : i32
    %scan3A_151 = arith.constant 1 : i32
    %scan3A_152 = scf.for %scan3A_175 = %scan3A_148 to %scan3A_150 step %scan3A_151 iter_args(%scan3A_176 = %scan3A_147) -> (i32)  : i32 {
      %mul3A_177 = arith.constant 102400 : i32
      %mul3A_178 = arith.muli %arg1, %mul3A_177 : i32
      %mul3A_179 = arith.constant 2048 : i32
      %mul3A_180 = arith.muli %scan3A_175, %mul3A_179 : i32
      %add3A_181 = arith.addi %mul3A_178, %mul3A_180 : i32
      "tpu.region"() ({
        %run_scoped3A = tpu.sem_alloc : memref<!tpu.dma_semaphore, #tpu.memory_space<semaphore_mem>>
        %dma_start3A_188 = tpu.memref_slice %arg3[%add3A_181] : memref<1638400xi32, #tpu.memory_space<hbm>> -> memref<2048xi32, #tpu.memory_space<hbm>>
        %dma_start3A_189 = tpu.memref_slice %arg3[%add3A_181] : memref<1638400xi32, #tpu.memory_space<hbm>> -> memref<2048xi32, #tpu.memory_space<hbm>>
        tpu.enqueue_dma source(%dma_start3A_189 : memref<2048xi32, #tpu.memory_space<hbm>>) target(%arg6 : memref<2048xi32, #tpu.memory_space<vmem>>) target_semaphore(%run_scoped3A : memref<!tpu.dma_semaphore, #tpu.memory_space<semaphore_mem>>)
        %dma_wait3A_190 = tpu.memref_slice %arg3[%add3A_181] : memref<1638400xi32, #tpu.memory_space<hbm>> -> memref<2048xi32, #tpu.memory_space<hbm>>
        %dma_wait3A_191 = tpu.memref_slice %arg3[%add3A_181] : memref<1638400xi32, #tpu.memory_space<hbm>> -> memref<2048xi32, #tpu.memory_space<hbm>>
        tpu.wait_dma2 semaphore(%run_scoped3A : memref<!tpu.dma_semaphore, #tpu.memory_space<semaphore_mem>>) src(%dma_wait3A_191 : memref<2048xi32, #tpu.memory_space<hbm>>) dst(%arg6 : memref<2048xi32, #tpu.memory_space<vmem>>)
        tpu.yield
      }) : () -> ()
      "tpu.region"() ({
        %run_scoped3A = tpu.sem_alloc : memref<!tpu.dma_semaphore, #tpu.memory_space<semaphore_mem>>
        %dma_start3A_188 = tpu.memref_slice %arg4[%add3A_181] : memref<1638400xi32, #tpu.memory_space<hbm>> -> memref<2048xi32, #tpu.memory_space<hbm>>
        %dma_start3A_189 = tpu.memref_slice %arg4[%add3A_181] : memref<1638400xi32, #tpu.memory_space<hbm>> -> memref<2048xi32, #tpu.memory_space<hbm>>
        tpu.enqueue_dma source(%dma_start3A_189 : memref<2048xi32, #tpu.memory_space<hbm>>) target(%arg7 : memref<2048xi32, #tpu.memory_space<vmem>>) target_semaphore(%run_scoped3A : memref<!tpu.dma_semaphore, #tpu.memory_space<semaphore_mem>>)
        %dma_wait3A_190 = tpu.memref_slice %arg4[%add3A_181] : memref<1638400xi32, #tpu.memory_space<hbm>> -> memref<2048xi32, #tpu.memory_space<hbm>>
        %dma_wait3A_191 = tpu.memref_slice %arg4[%add3A_181] : memref<1638400xi32, #tpu.memory_space<hbm>> -> memref<2048xi32, #tpu.memory_space<hbm>>
        tpu.wait_dma2 semaphore(%run_scoped3A : memref<!tpu.dma_semaphore, #tpu.memory_space<semaphore_mem>>) src(%dma_wait3A_191 : memref<2048xi32, #tpu.memory_space<hbm>>) dst(%arg7 : memref<2048xi32, #tpu.memory_space<vmem>>)
        tpu.yield
      }) : () -> ()
      %scan3A_182 = arith.constant 0 : i32
      %scan3A_183 = arith.constant 128 : i32
      %scan3A_184 = arith.addi %scan3A_182, %scan3A_183 : i32
      %scan3A_185 = arith.constant 1 : i32
      %scan3A_186 = scf.for %scan3A_188 = %scan3A_182 to %scan3A_184 step %scan3A_185 iter_args(%scan3A_189 = %scan3A_176) -> (i32)  : i32 {
        %mul3A_190 = arith.constant 16 : i32
        %mul3A_191 = arith.muli %scan3A_188, %mul3A_190 : i32
        %get3A = arith.index_cast %mul3A_191 : i32 to index
        %get3A_192 = tpu.vector_load %arg7[%get3A] {strides = array<i32>} : memref<2048xi32, #tpu.memory_space<vmem>>, vector<16xi32>,
        %sub3A = vector.broadcast %mul3A_136 : i32 to vector<16xi32>
        %sub3A_193 = arith.subi %get3A_192, %sub3A : vector<16xi32>
        %ge3A = arith.constant 0 : i32
        %ge3A_194 = vector.broadcast %ge3A : i32 to vector<16xi32>
        %ge3A_195 = arith.cmpi sge, %sub3A_193, %ge3A_194 : vector<16xi32>
        %lt3A = arith.constant 12800 : i32
        %lt3A_196 = vector.broadcast %lt3A : i32 to vector<16xi32>
        %lt3A_197 = arith.cmpi slt, %sub3A_193, %lt3A_196 : vector<16xi32>
        %and3A = arith.andi %ge3A_195, %lt3A_197 : vector<16xi1>
        %all_reduce_population_count3A = tpu.all_reduce %and3A {dim = 0 : i64, kind = #tpu.reduction_kind<sum>} : vector<16xi1> -> vector<16xi32>
        %slice3A = vector.extract_strided_slice %all_reduce_population_count3A {offsets = [0], sizes = [1], strides = [1]} : vector<16xi32> to vector<1xi32>
        %squeeze3A = vector.extract %slice3A[0] : i32 from vector<1xi32>
        %gt3A = arith.constant 2032 : i32
        %gt3A_198 = arith.cmpi sgt, %scan3A_189, %gt3A : i32
        %convert_element_type3A = arith.extui %gt3A_198 : i1 to i32
        %cond3A = arith.constant 0 : i32
        %cond3A_199 = arith.cmpi ne, %convert_element_type3A, %cond3A : i32
        scf.if %cond3A_199 {
          %sub3A_208 = arith.constant 2048 : i32
          %sub3A_209 = arith.subi %sub3A_208, %scan3A_189 : i32
          %lt3A_210 = vector.broadcast %sub3A_209 : i32 to vector<16xi32>
          %lt3A_211 = arith.cmpi slt, %iota3A, %lt3A_210 : vector<16xi32>
          %add3A_212 = vector.broadcast %scan3A_189 : i32 to vector<16xi32>
          %add3A_213 = arith.addi %add3A_212, %iota3A : vector<16xi32>
          %min3A = arith.constant 2047 : i32
          %min3A_214 = vector.broadcast %min3A : i32 to vector<16xi32>
          %min3A_215 = arith.minsi %add3A_213, %min3A_214 : vector<16xi32>
          tpu.vector_store_idx %arg8[%min3A_215], %add3A_4 masked %lt3A_211 : memref<2048xi32, #tpu.memory_space<vmem>>[vector<16xi32>], vector<16xi32>, vector<16xi1>
          tpu.vector_store_idx %arg9[%min3A_215], %add3A_10 masked %lt3A_211 : memref<2048xi32, #tpu.memory_space<vmem>>[vector<16xi32>], vector<16xi32>, vector<16xi1>
          %dma_start3A_216 = arith.constant 0 : i32
          %dma_start3A_217 = arith.constant 0 : i32
          %dma_start3A_218 = tpu.memref_slice %arg2[%dma_start3A_216, %dma_start3A_217] : memref<100000x32xf32, #tpu.memory_space<hbm>> -> memref<100000x32xf32, #tpu.memory_space<hbm>>
          tpu.enqueue_indirect_dma source(%dma_start3A_218 : memref<100000x32xf32, #tpu.memory_space<hbm>>) target(%arg10 : memref<2048x32xf32, #tpu.memory_space<vmem>>) offsets(%arg8 : memref<2048xi32, #tpu.memory_space<vmem>>) semaphore(%arg13 : memref<!tpu.dma_semaphore, #tpu.memory_space<semaphore_mem>>)
          %dma_wait3A_219 = arith.constant 0 : i32
          %dma_wait3A_220 = arith.constant 0 : i32
          %dma_wait3A_221 = tpu.memref_slice %arg2[%dma_wait3A_219, %dma_wait3A_220] : memref<100000x32xf32, #tpu.memory_space<hbm>> -> memref<100000x32xf32, #tpu.memory_space<hbm>>
          tpu.wait_indirect_dma semaphore(%arg13 : memref<!tpu.dma_semaphore, #tpu.memory_space<semaphore_mem>>) src(%dma_wait3A_221 : memref<100000x32xf32, #tpu.memory_space<hbm>>) dst(%arg10 : memref<2048x32xf32, #tpu.memory_space<vmem>>)
          "tpu.region"() ({
            %run_scoped3A = tpu.sem_alloc : memref<!tpu.dma_semaphore, #tpu.memory_space<semaphore_mem>>
            %dma_start3A_222 = arith.constant 0 : i32
            %dma_start3A_223 = arith.constant 0 : i32
            %dma_start3A_224 = tpu.memref_slice %arg12[%dma_start3A_222, %dma_start3A_223] : memref<13312x32xf32, #tpu.memory_space<vmem_shared>> -> memref<13312x32xf32, #tpu.memory_space<vmem_shared>>
            tpu.enqueue_indirect_dma source(%arg10 : memref<2048x32xf32, #tpu.memory_space<vmem>>) target(%dma_start3A_224 : memref<13312x32xf32, #tpu.memory_space<vmem_shared>>) offsets(%arg9 : memref<2048xi32, #tpu.memory_space<vmem>>) semaphore(%run_scoped3A : memref<!tpu.dma_semaphore, #tpu.memory_space<semaphore_mem>>) {add = true}
            %dma_wait3A_225 = arith.constant 0 : i32
            %dma_wait3A_226 = arith.constant 0 : i32
            %dma_wait3A_227 = tpu.memref_slice %arg12[%dma_wait3A_225, %dma_wait3A_226] : memref<13312x32xf32, #tpu.memory_space<vmem_shared>> -> memref<13312x32xf32, #tpu.memory_space<vmem_shared>>
            tpu.wait_indirect_dma semaphore(%run_scoped3A : memref<!tpu.dma_semaphore, #tpu.memory_space<semaphore_mem>>) src(%arg10 : memref<2048x32xf32, #tpu.memory_space<vmem>>) dst(%dma_wait3A_227 : memref<13312x32xf32, #tpu.memory_space<vmem_shared>>)
            tpu.yield
          }) : () -> ()
        } else {
        }
        %jit3A = arith.constant 0 : i32
        %select_n3A = arith.select %gt3A_198, %jit3A, %scan3A_189 : i32
        %mul3A_200 = arith.constant 16 : i32
        %mul3A_201 = arith.muli %scan3A_188, %mul3A_200 : i32
        %get3A_202 = arith.index_cast %mul3A_201 : i32 to index
        %get3A_203 = tpu.vector_load %arg6[%get3A_202] {strides = array<i32>} : memref<2048xi32, #tpu.memory_space<vmem>>, vector<16xi32>,
        %swap3A = arith.index_cast %select_n3A : i32 to index
        %swap3A_204 = tpu.vector_load %arg8[%swap3A] masked %and3A {strides = array<i32>} : memref<2048xi32, #tpu.memory_space<vmem>>, vector<16xi32>, vector<16xi1>
        tpu.vector_store %arg8[%swap3A], %get3A_203 masked %and3A {strides = array<i32>} : memref<2048xi32, #tpu.memory_space<vmem>>, vector<16xi32>, vector<16xi1>
        %swap3A_205 = arith.index_cast %select_n3A : i32 to index
        %swap3A_206 = tpu.vector_load %arg9[%swap3A_205] masked %and3A {strides = array<i32>} : memref<2048xi32, #tpu.memory_space<vmem>>, vector<16xi32>, vector<16xi1>
        tpu.vector_store %arg9[%swap3A_205], %sub3A_193 masked %and3A {strides = array<i32>} : memref<2048xi32, #tpu.memory_space<vmem>>, vector<16xi32>, vector<16xi1>
        %add3A_207 = arith.addi %select_n3A, %squeeze3A : i32
        scf.yield %add3A_207 : i32
      }
      %scan3A_187 = arith.constant 128 : i32
      scf.yield %scan3A_186 : i32
    }
    %scan3A_153 = arith.constant 50 : i32
    %scan3A_154 = arith.constant 0 : i32
    %scan3A_155 = arith.constant 128 : i32
    %scan3A_156 = arith.addi %scan3A_154, %scan3A_155 : i32
    %scan3A_157 = arith.constant 1 : i32
    %scan3A_158 = scf.for %scan3A_175 = %scan3A_154 to %scan3A_156 step %scan3A_157 iter_args(%scan3A_176 = %scan3A_152) -> (i32)  : i32 {
      %sub3A = arith.constant 2048 : i32
      %sub3A_177 = arith.subi %sub3A, %scan3A_176 : i32
      %lt3A = vector.broadcast %sub3A_177 : i32 to vector<16xi32>
      %lt3A_178 = arith.cmpi slt, %iota3A, %lt3A : vector<16xi32>
      %add3A_179 = vector.broadcast %scan3A_176 : i32 to vector<16xi32>
      %add3A_180 = arith.addi %add3A_179, %iota3A : vector<16xi32>
      %min3A = arith.constant 2047 : i32
      %min3A_181 = vector.broadcast %min3A : i32 to vector<16xi32>
      %min3A_182 = arith.minsi %add3A_180, %min3A_181 : vector<16xi32>
      tpu.vector_store_idx %arg8[%min3A_182], %add3A_4 masked %lt3A_178 : memref<2048xi32, #tpu.memory_space<vmem>>[vector<16xi32>], vector<16xi32>, vector<16xi1>
      tpu.vector_store_idx %arg9[%min3A_182], %add3A_10 masked %lt3A_178 : memref<2048xi32, #tpu.memory_space<vmem>>[vector<16xi32>], vector<16xi32>, vector<16xi1>
      %add3A_183 = arith.constant 16 : i32
      %add3A_184 = arith.addi %scan3A_176, %add3A_183 : i32
      %min3A_185 = arith.constant 2048 : i32
      %min3A_186 = arith.minsi %add3A_184, %min3A_185 : i32
      scf.yield %min3A_186 : i32
    }
    %scan3A_159 = arith.constant 128 : i32
    %dma_start3A_160 = arith.constant 0 : i32
    %dma_start3A_161 = arith.constant 0 : i32
    %dma_start3A_162 = tpu.memref_slice %arg2[%dma_start3A_160, %dma_start3A_161] : memref<100000x32xf32, #tpu.memory_space<hbm>> -> memref<100000x32xf32, #tpu.memory_space<hbm>>
    tpu.enqueue_indirect_dma source(%dma_start3A_162 : memref<100000x32xf32, #tpu.memory_space<hbm>>) target(%arg10 : memref<2048x32xf32, #tpu.memory_space<vmem>>) offsets(%arg8 : memref<2048xi32, #tpu.memory_space<vmem>>) semaphore(%arg13 : memref<!tpu.dma_semaphore, #tpu.memory_space<semaphore_mem>>)
    %dma_wait3A_163 = arith.constant 0 : i32
    %dma_wait3A_164 = arith.constant 0 : i32
    %dma_wait3A_165 = tpu.memref_slice %arg2[%dma_wait3A_163, %dma_wait3A_164] : memref<100000x32xf32, #tpu.memory_space<hbm>> -> memref<100000x32xf32, #tpu.memory_space<hbm>>
    tpu.wait_indirect_dma semaphore(%arg13 : memref<!tpu.dma_semaphore, #tpu.memory_space<semaphore_mem>>) src(%dma_wait3A_165 : memref<100000x32xf32, #tpu.memory_space<hbm>>) dst(%arg10 : memref<2048x32xf32, #tpu.memory_space<vmem>>)
    "tpu.region"() ({
      %run_scoped3A = tpu.sem_alloc : memref<!tpu.dma_semaphore, #tpu.memory_space<semaphore_mem>>
      %dma_start3A_175 = arith.constant 0 : i32
      %dma_start3A_176 = arith.constant 0 : i32
      %dma_start3A_177 = tpu.memref_slice %arg12[%dma_start3A_175, %dma_start3A_176] : memref<13312x32xf32, #tpu.memory_space<vmem_shared>> -> memref<13312x32xf32, #tpu.memory_space<vmem_shared>>
      tpu.enqueue_indirect_dma source(%arg10 : memref<2048x32xf32, #tpu.memory_space<vmem>>) target(%dma_start3A_177 : memref<13312x32xf32, #tpu.memory_space<vmem_shared>>) offsets(%arg9 : memref<2048xi32, #tpu.memory_space<vmem>>) semaphore(%run_scoped3A : memref<!tpu.dma_semaphore, #tpu.memory_space<semaphore_mem>>) {add = true}
      %dma_wait3A_178 = arith.constant 0 : i32
      %dma_wait3A_179 = arith.constant 0 : i32
      %dma_wait3A_180 = tpu.memref_slice %arg12[%dma_wait3A_178, %dma_wait3A_179] : memref<13312x32xf32, #tpu.memory_space<vmem_shared>> -> memref<13312x32xf32, #tpu.memory_space<vmem_shared>>
      tpu.wait_indirect_dma semaphore(%run_scoped3A : memref<!tpu.dma_semaphore, #tpu.memory_space<semaphore_mem>>) src(%arg10 : memref<2048x32xf32, #tpu.memory_space<vmem>>) dst(%dma_wait3A_180 : memref<13312x32xf32, #tpu.memory_space<vmem_shared>>)
      tpu.yield
    }) : () -> ()
    %barrier3A_166 = arith.constant 0 : index
    tpu.barrier barrier_id(%barrier3A_166)
    %mul3A_167 = arith.constant 800 : i32
    %mul3A_168 = arith.muli %arg1, %mul3A_167 : i32
    %add3A_169 = arith.constant 6 : i32
    %add3A_170 = arith.addi %add3A_169, %arg0 : i32
    %mul3A_171 = arith.constant 12800 : i32
    %mul3A_172 = arith.muli %add3A_170, %mul3A_171 : i32
    "tpu.region"() ({
      %run_scoped3A = tpu.sem_alloc : memref<!tpu.dma_semaphore, #tpu.memory_space<semaphore_mem>>
      %dma_start3A_175 = arith.constant 0 : i32
      %dma_start3A_176 = arith.constant 0 : i32
      %dma_start3A_177 = tpu.memref_slice %arg11[%dma_start3A_175, %dma_start3A_176] : memref<832x32xf32, #tpu.memory_space<vmem>> -> memref<800x32xf32, #tpu.memory_space<vmem>>
      %dma_start3A_178 = arith.constant 0 : i32
      %dma_start3A_179 = tpu.memref_slice %arg12[%mul3A_168, %dma_start3A_178] : memref<13312x32xf32, #tpu.memory_space<vmem_shared>> -> memref<800x32xf32, #tpu.memory_space<vmem_shared>>
      %dma_start3A_180 = arith.constant 0 : i32
      %dma_start3A_181 = arith.constant 0 : i32
      %dma_start3A_182 = tpu.memref_slice %arg11[%dma_start3A_180, %dma_start3A_181] : memref<832x32xf32, #tpu.memory_space<vmem>> -> memref<800x32xf32, #tpu.memory_space<vmem>>
      %dma_start3A_183 = arith.constant 0 : i32
      %dma_start3A_184 = tpu.memref_slice %arg12[%mul3A_168, %dma_start3A_183] : memref<13312x32xf32, #tpu.memory_space<vmem_shared>> -> memref<800x32xf32, #tpu.memory_space<vmem_shared>>
      tpu.enqueue_dma source(%dma_start3A_184 : memref<800x32xf32, #tpu.memory_space<vmem_shared>>) target(%dma_start3A_182 : memref<800x32xf32, #tpu.memory_space<vmem>>) target_semaphore(%run_scoped3A : memref<!tpu.dma_semaphore, #tpu.memory_space<semaphore_mem>>)
      %dma_wait3A_185 = arith.constant 0 : i32
      %dma_wait3A_186 = arith.constant 0 : i32
      %dma_wait3A_187 = tpu.memref_slice %arg11[%dma_wait3A_185, %dma_wait3A_186] : memref<832x32xf32, #tpu.memory_space<vmem>> -> memref<800x32xf32, #tpu.memory_space<vmem>>
      %dma_wait3A_188 = arith.constant 0 : i32
      %dma_wait3A_189 = tpu.memref_slice %arg12[%mul3A_168, %dma_wait3A_188] : memref<13312x32xf32, #tpu.memory_space<vmem_shared>> -> memref<800x32xf32, #tpu.memory_space<vmem_shared>>
      %dma_wait3A_190 = arith.constant 0 : i32
      %dma_wait3A_191 = arith.constant 0 : i32
      %dma_wait3A_192 = tpu.memref_slice %arg11[%dma_wait3A_190, %dma_wait3A_191] : memref<832x32xf32, #tpu.memory_space<vmem>> -> memref<800x32xf32, #tpu.memory_space<vmem>>
      %dma_wait3A_193 = arith.constant 0 : i32
      %dma_wait3A_194 = tpu.memref_slice %arg12[%mul3A_168, %dma_wait3A_193] : memref<13312x32xf32, #tpu.memory_space<vmem_shared>> -> memref<800x32xf32, #tpu.memory_space<vmem_shared>>
      tpu.wait_dma2 semaphore(%run_scoped3A : memref<!tpu.dma_semaphore, #tpu.memory_space<semaphore_mem>>) src(%dma_wait3A_194 : memref<800x32xf32, #tpu.memory_space<vmem_shared>>) dst(%dma_wait3A_192 : memref<800x32xf32, #tpu.memory_space<vmem>>)
      tpu.yield
    }) : () -> ()
    %add3A_173 = arith.addi %mul3A_172, %mul3A_168 : i32
    "tpu.region"() ({
      %run_scoped3A = tpu.sem_alloc : memref<!tpu.dma_semaphore, #tpu.memory_space<semaphore_mem>>
      %dma_start3A_175 = arith.constant 0 : i32
      %dma_start3A_176 = arith.constant 0 : i32
      %dma_start3A_177 = tpu.memref_slice %arg11[%dma_start3A_175, %dma_start3A_176] : memref<832x32xf32, #tpu.memory_space<vmem>> -> memref<800x32xf32, #tpu.memory_space<vmem>>
      %dma_start3A_178 = arith.constant 0 : i32
      %dma_start3A_179 = tpu.memref_slice %arg5[%add3A_173, %dma_start3A_178] : memref<102400x32xf32, #tpu.memory_space<hbm>> -> memref<800x32xf32, #tpu.memory_space<hbm>>
      %dma_start3A_180 = arith.constant 0 : i32
      %dma_start3A_181 = tpu.memref_slice %arg5[%add3A_173, %dma_start3A_180] : memref<102400x32xf32, #tpu.memory_space<hbm>> -> memref<800x32xf32, #tpu.memory_space<hbm>>
      %dma_start3A_182 = arith.constant 0 : i32
      %dma_start3A_183 = arith.constant 0 : i32
      %dma_start3A_184 = tpu.memref_slice %arg11[%dma_start3A_182, %dma_start3A_183] : memref<832x32xf32, #tpu.memory_space<vmem>> -> memref<800x32xf32, #tpu.memory_space<vmem>>
      tpu.enqueue_dma source(%dma_start3A_184 : memref<800x32xf32, #tpu.memory_space<vmem>>) target(%dma_start3A_181 : memref<800x32xf32, #tpu.memory_space<hbm>>) target_semaphore(%run_scoped3A : memref<!tpu.dma_semaphore, #tpu.memory_space<semaphore_mem>>)
      %dma_wait3A_185 = arith.constant 0 : i32
      %dma_wait3A_186 = arith.constant 0 : i32
      %dma_wait3A_187 = tpu.memref_slice %arg11[%dma_wait3A_185, %dma_wait3A_186] : memref<832x32xf32, #tpu.memory_space<vmem>> -> memref<800x32xf32, #tpu.memory_space<vmem>>
      %dma_wait3A_188 = arith.constant 0 : i32
      %dma_wait3A_189 = tpu.memref_slice %arg5[%add3A_173, %dma_wait3A_188] : memref<102400x32xf32, #tpu.memory_space<hbm>> -> memref<800x32xf32, #tpu.memory_space<hbm>>
      %dma_wait3A_190 = arith.constant 0 : i32
      %dma_wait3A_191 = tpu.memref_slice %arg5[%add3A_173, %dma_wait3A_190] : memref<102400x32xf32, #tpu.memory_space<hbm>> -> memref<800x32xf32, #tpu.memory_space<hbm>>
      %dma_wait3A_192 = arith.constant 0 : i32
      %dma_wait3A_193 = arith.constant 0 : i32
      %dma_wait3A_194 = tpu.memref_slice %arg11[%dma_wait3A_192, %dma_wait3A_193] : memref<832x32xf32, #tpu.memory_space<vmem>> -> memref<800x32xf32, #tpu.memory_space<vmem>>
      tpu.wait_dma2 semaphore(%run_scoped3A : memref<!tpu.dma_semaphore, #tpu.memory_space<semaphore_mem>>) src(%dma_wait3A_194 : memref<800x32xf32, #tpu.memory_space<vmem>>) dst(%dma_wait3A_191 : memref<800x32xf32, #tpu.memory_space<hbm>>)
      tpu.yield
    }) : () -> ()
    %barrier3A_174 = arith.constant 0 : index
    tpu.barrier barrier_id(%barrier3A_174)
    return
  }
}

module attributes {stable_mosaic.version = 14 : i64} {
  func.func @_mm_relu_body(%arg0: i32, %arg1: memref<2000x128xf32, #tpu.memory_space<vmem>>, %arg2: memref<128x32xf32, #tpu.memory_space<vmem>>, %arg3: memref<1x32xf32, #tpu.memory_space<vmem>>, %arg4: memref<2000x32xf32, #tpu.memory_space<vmem>>) attributes {dimension_semantics = [#tpu.dimension_semantics<arbitrary>], iteration_bounds = array<i64: 50>, scalar_prefetch = 0 : i64, scratch_operands = 0 : i64, tpu.core_type = #tpu.core_type<tc>, window_params = [{transform_indices = @transform_0, window_bounds = array<i64: 2000, 128>}, {pipeline_mode = #tpu.pipeline_mode<synchronous>, transform_indices = @transform_1, window_bounds = array<i64: 128, 32>}, {pipeline_mode = #tpu.pipeline_mode<synchronous>, transform_indices = @transform_2, window_bounds = array<i64: 1, 32>}, {transform_indices = @transform_3, window_bounds = array<i64: 2000, 32>}]} {
    %get3A = arith.constant 0 : index
    %get3A_0 = arith.constant 0 : index
    %get3A_1 = vector.load %arg1[%get3A, %get3A_0] : memref<2000x128xf32, #tpu.memory_space<vmem>>, vector<2000x128xf32>
    %get3A_2 = arith.constant 0 : index
    %get3A_3 = arith.constant 0 : index
    %get3A_4 = vector.load %arg2[%get3A_2, %get3A_3] : memref<128x32xf32, #tpu.memory_space<vmem>>, vector<128x32xf32>
    %dot_general3A = arith.constant dense<0.000000e+00> : vector<2000x32xf32>
    %dot_general3A_5 = tpu.matmul %get3A_1, %get3A_4, %dot_general3A {dimension_numbers = #tpu.dot_dimension_numbers<[1], [0], [0], [1], [0, 0, 1, 1], [], []>, transpose_lhs_hint = false} : vector<2000x128xf32>, vector<128x32xf32>, vector<2000x32xf32> -> vector<2000x32xf32>
    %get3A_6 = arith.constant 0 : index
    %get3A_7 = arith.constant 0 : index
    %get3A_8 = vector.load %arg3[%get3A_6, %get3A_7] : memref<1x32xf32, #tpu.memory_space<vmem>>, vector<1x32xf32>
    %add3A = vector.broadcast %get3A_8 : vector<1x32xf32> to vector<2000x32xf32>
    %add3A_9 = arith.addf %dot_general3A_5, %add3A : vector<2000x32xf32>
    %max3A = arith.constant 0.000000e+00 : f32
    %max3A_10 = vector.broadcast %max3A : f32 to vector<2000x32xf32>
    %max3A_11 = arith.maximumf %add3A_9, %max3A_10 : vector<2000x32xf32>
    %swap3A = arith.constant 0 : index
    %swap3A_12 = arith.constant 0 : index
    %swap3A_13 = vector.load %arg4[%swap3A, %swap3A_12] : memref<2000x32xf32, #tpu.memory_space<vmem>>, vector<2000x32xf32>
    tpu.vector_store %arg4[%swap3A, %swap3A_12], %max3A_11 {strides = array<i32>} : memref<2000x32xf32, #tpu.memory_space<vmem>>, vector<2000x32xf32>,
    return
  }
  func.func @transform_0(%arg0: i32) -> (i32, i32) {
    %c0_i32 = arith.constant 0 : i32
    %c0_i32_0 = arith.constant 0 : i32
    return %arg0, %c0_i32 : i32, i32
  }
  func.func @transform_1(%arg0: i32) -> (i32, i32) {
    %c0_i32 = arith.constant 0 : i32
    %c0_i32_0 = arith.constant 0 : i32
    %c0_i32_1 = arith.constant 0 : i32
    return %c0_i32, %c0_i32_0 : i32, i32
  }
  func.func @transform_2(%arg0: i32) -> (i32, i32) {
    %c0_i32 = arith.constant 0 : i32
    %c0_i32_0 = arith.constant 0 : i32
    %c0_i32_1 = arith.constant 0 : i32
    return %c0_i32, %c0_i32_0 : i32, i32
  }
  func.func @transform_3(%arg0: i32) -> (i32, i32) {
    %c0_i32 = arith.constant 0 : i32
    %c0_i32_0 = arith.constant 0 : i32
    return %arg0, %c0_i32 : i32, i32
  }
}

module attributes {stable_mosaic.version = 14 : i64} {
  func.func @_combine2_body(%arg0: i32, %arg1: memref<2000x32xf32, #tpu.memory_space<vmem>>, %arg2: memref<2000x1xf32, #tpu.memory_space<vmem>>, %arg3: memref<2000x1xf32, #tpu.memory_space<vmem>>, %arg4: memref<2000x32xf32, #tpu.memory_space<vmem>>, %arg5: memref<32x32xf32, #tpu.memory_space<vmem>>, %arg6: memref<32x32xf32, #tpu.memory_space<vmem>>, %arg7: memref<1x32xf32, #tpu.memory_space<vmem>>, %arg8: memref<32x32xf32, #tpu.memory_space<vmem>>, %arg9: memref<1x32xf32, #tpu.memory_space<vmem>>, %arg10: memref<2000x32xf32, #tpu.memory_space<vmem>>) attributes {dimension_semantics = [#tpu.dimension_semantics<arbitrary>], iteration_bounds = array<i64: 50>, scalar_prefetch = 0 : i64, scratch_operands = 0 : i64, tpu.core_type = #tpu.core_type<tc>, window_params = [{transform_indices = @transform_0, window_bounds = array<i64: 2000, 32>}, {transform_indices = @transform_1, window_bounds = array<i64: 2000, 1>}, {transform_indices = @transform_2, window_bounds = array<i64: 2000, 1>}, {transform_indices = @transform_3, window_bounds = array<i64: 2000, 32>}, {pipeline_mode = #tpu.pipeline_mode<synchronous>, transform_indices = @transform_4, window_bounds = array<i64: 32, 32>}, {pipeline_mode = #tpu.pipeline_mode<synchronous>, transform_indices = @transform_5, window_bounds = array<i64: 32, 32>}, {pipeline_mode = #tpu.pipeline_mode<synchronous>, transform_indices = @transform_6, window_bounds = array<i64: 1, 32>}, {pipeline_mode = #tpu.pipeline_mode<synchronous>, transform_indices = @transform_7, window_bounds = array<i64: 32, 32>}, {pipeline_mode = #tpu.pipeline_mode<synchronous>, transform_indices = @transform_8, window_bounds = array<i64: 1, 32>}, {transform_indices = @transform_9, window_bounds = array<i64: 2000, 32>}]} {
    %get3A = arith.constant 0 : index
    %get3A_0 = arith.constant 0 : index
    %get3A_1 = vector.load %arg2[%get3A, %get3A_0] : memref<2000x1xf32, #tpu.memory_space<vmem>>, vector<2000x1xf32>
    %get3A_2 = arith.constant 0 : index
    %get3A_3 = arith.constant 0 : index
    %get3A_4 = vector.load %arg3[%get3A_2, %get3A_3] : memref<2000x1xf32, #tpu.memory_space<vmem>>, vector<2000x1xf32>
    %add3A = arith.addf %get3A_1, %get3A_4 : vector<2000x1xf32>
    %max3A = arith.constant 1.000000e+00 : f32
    %max3A_5 = vector.broadcast %max3A : f32 to vector<2000x1xf32>
    %max3A_6 = arith.maximumf %add3A, %max3A_5 : vector<2000x1xf32>
    %get3A_7 = arith.constant 0 : index
    %get3A_8 = arith.constant 0 : index
    %get3A_9 = vector.load %arg1[%get3A_7, %get3A_8] : memref<2000x32xf32, #tpu.memory_space<vmem>>, vector<2000x32xf32>
    %div3A = vector.broadcast %max3A_6 : vector<2000x1xf32> to vector<2000x32xf32>
    %div3A_10 = arith.divf %get3A_9, %div3A : vector<2000x32xf32>
    %get3A_11 = arith.constant 0 : index
    %get3A_12 = arith.constant 0 : index
    %get3A_13 = vector.load %arg5[%get3A_11, %get3A_12] : memref<32x32xf32, #tpu.memory_space<vmem>>, vector<32x32xf32>
    %dot_general3A = arith.constant dense<0.000000e+00> : vector<2000x32xf32>
    %dot_general3A_14 = tpu.matmul %div3A_10, %get3A_13, %dot_general3A {dimension_numbers = #tpu.dot_dimension_numbers<[1], [0], [0], [1], [0, 0, 1, 1], [], []>, transpose_lhs_hint = false} : vector<2000x32xf32>, vector<32x32xf32>, vector<2000x32xf32> -> vector<2000x32xf32>
    %get3A_15 = arith.constant 0 : index
    %get3A_16 = arith.constant 0 : index
    %get3A_17 = vector.load %arg4[%get3A_15, %get3A_16] : memref<2000x32xf32, #tpu.memory_space<vmem>>, vector<2000x32xf32>
    %get3A_18 = arith.constant 0 : index
    %get3A_19 = arith.constant 0 : index
    %get3A_20 = vector.load %arg6[%get3A_18, %get3A_19] : memref<32x32xf32, #tpu.memory_space<vmem>>, vector<32x32xf32>
    %dot_general3A_21 = arith.constant dense<0.000000e+00> : vector<2000x32xf32>
    %dot_general3A_22 = tpu.matmul %get3A_17, %get3A_20, %dot_general3A_21 {dimension_numbers = #tpu.dot_dimension_numbers<[1], [0], [0], [1], [0, 0, 1, 1], [], []>, transpose_lhs_hint = false} : vector<2000x32xf32>, vector<32x32xf32>, vector<2000x32xf32> -> vector<2000x32xf32>
    %add3A_23 = arith.addf %dot_general3A_14, %dot_general3A_22 : vector<2000x32xf32>
    %get3A_24 = arith.constant 0 : index
    %get3A_25 = arith.constant 0 : index
    %get3A_26 = vector.load %arg7[%get3A_24, %get3A_25] : memref<1x32xf32, #tpu.memory_space<vmem>>, vector<1x32xf32>
    %add3A_27 = vector.broadcast %get3A_26 : vector<1x32xf32> to vector<2000x32xf32>
    %add3A_28 = arith.addf %add3A_23, %add3A_27 : vector<2000x32xf32>
    %max3A_29 = arith.constant 0.000000e+00 : f32
    %max3A_30 = vector.broadcast %max3A_29 : f32 to vector<2000x32xf32>
    %max3A_31 = arith.maximumf %add3A_28, %max3A_30 : vector<2000x32xf32>
    %get3A_32 = arith.constant 0 : index
    %get3A_33 = arith.constant 0 : index
    %get3A_34 = vector.load %arg8[%get3A_32, %get3A_33] : memref<32x32xf32, #tpu.memory_space<vmem>>, vector<32x32xf32>
    %dot_general3A_35 = arith.constant dense<0.000000e+00> : vector<2000x32xf32>
    %dot_general3A_36 = tpu.matmul %max3A_31, %get3A_34, %dot_general3A_35 {dimension_numbers = #tpu.dot_dimension_numbers<[1], [0], [0], [1], [0, 0, 1, 1], [], []>, transpose_lhs_hint = false} : vector<2000x32xf32>, vector<32x32xf32>, vector<2000x32xf32> -> vector<2000x32xf32>
    %get3A_37 = arith.constant 0 : index
    %get3A_38 = arith.constant 0 : index
    %get3A_39 = vector.load %arg9[%get3A_37, %get3A_38] : memref<1x32xf32, #tpu.memory_space<vmem>>, vector<1x32xf32>
    %add3A_40 = vector.broadcast %get3A_39 : vector<1x32xf32> to vector<2000x32xf32>
    %add3A_41 = arith.addf %dot_general3A_36, %add3A_40 : vector<2000x32xf32>
    %max3A_42 = arith.constant 0.000000e+00 : f32
    %max3A_43 = vector.broadcast %max3A_42 : f32 to vector<2000x32xf32>
    %max3A_44 = arith.maximumf %add3A_41, %max3A_43 : vector<2000x32xf32>
    %swap3A = arith.constant 0 : index
    %swap3A_45 = arith.constant 0 : index
    %swap3A_46 = vector.load %arg10[%swap3A, %swap3A_45] : memref<2000x32xf32, #tpu.memory_space<vmem>>, vector<2000x32xf32>
    tpu.vector_store %arg10[%swap3A, %swap3A_45], %max3A_44 {strides = array<i32>} : memref<2000x32xf32, #tpu.memory_space<vmem>>, vector<2000x32xf32>,
    return
  }
  func.func @transform_0(%arg0: i32) -> (i32, i32) {
    %c0_i32 = arith.constant 0 : i32
    %c0_i32_0 = arith.constant 0 : i32
    return %arg0, %c0_i32 : i32, i32
  }
  func.func @transform_1(%arg0: i32) -> (i32, i32) {
    %c0_i32 = arith.constant 0 : i32
    %c0_i32_0 = arith.constant 0 : i32
    return %arg0, %c0_i32 : i32, i32
  }
  func.func @transform_2(%arg0: i32) -> (i32, i32) {
    %c0_i32 = arith.constant 0 : i32
    %c0_i32_0 = arith.constant 0 : i32
    return %arg0, %c0_i32 : i32, i32
  }
  func.func @transform_3(%arg0: i32) -> (i32, i32) {
    %c0_i32 = arith.constant 0 : i32
    %c0_i32_0 = arith.constant 0 : i32
    return %arg0, %c0_i32 : i32, i32
  }
  func.func @transform_4(%arg0: i32) -> (i32, i32) {
    %c0_i32 = arith.constant 0 : i32
    %c0_i32_0 = arith.constant 0 : i32
    %c0_i32_1 = arith.constant 0 : i32
    return %c0_i32, %c0_i32_0 : i32, i32
  }
  func.func @transform_5(%arg0: i32) -> (i32, i32) {
    %c0_i32 = arith.constant 0 : i32
    %c0_i32_0 = arith.constant 0 : i32
    %c0_i32_1 = arith.constant 0 : i32
    return %c0_i32, %c0_i32_0 : i32, i32
  }
  func.func @transform_6(%arg0: i32) -> (i32, i32) {
    %c0_i32 = arith.constant 0 : i32
    %c0_i32_0 = arith.constant 0 : i32
    %c0_i32_1 = arith.constant 0 : i32
    return %c0_i32, %c0_i32_0 : i32, i32
  }
  func.func @transform_7(%arg0: i32) -> (i32, i32) {
    %c0_i32 = arith.constant 0 : i32
    %c0_i32_0 = arith.constant 0 : i32
    %c0_i32_1 = arith.constant 0 : i32
    return %c0_i32, %c0_i32_0 : i32, i32
  }
  func.func @transform_8(%arg0: i32) -> (i32, i32) {
    %c0_i32 = arith.constant 0 : i32
    %c0_i32_0 = arith.constant 0 : i32
    %c0_i32_1 = arith.constant 0 : i32
    return %c0_i32, %c0_i32_0 : i32, i32
  }
  func.func @transform_9(%arg0: i32) -> (i32, i32) {
    %c0_i32 = arith.constant 0 : i32
    %c0_i32_0 = arith.constant 0 : i32
    return %arg0, %c0_i32 : i32, i32
  }
}

module attributes {stable_mosaic.version = 14 : i64} {
  func.func @_combine_body(%arg0: i32, %arg1: memref<2000x32xf32, #tpu.memory_space<vmem>>, %arg2: memref<2000x1xf32, #tpu.memory_space<vmem>>, %arg3: memref<2000x1xf32, #tpu.memory_space<vmem>>, %arg4: memref<2000x32xf32, #tpu.memory_space<vmem>>, %arg5: memref<32x32xf32, #tpu.memory_space<vmem>>, %arg6: memref<32x32xf32, #tpu.memory_space<vmem>>, %arg7: memref<1x32xf32, #tpu.memory_space<vmem>>, %arg8: memref<2000x32xf32, #tpu.memory_space<vmem>>) attributes {dimension_semantics = [#tpu.dimension_semantics<arbitrary>], iteration_bounds = array<i64: 50>, scalar_prefetch = 0 : i64, scratch_operands = 0 : i64, tpu.core_type = #tpu.core_type<tc>, window_params = [{transform_indices = @transform_0, window_bounds = array<i64: 2000, 32>}, {transform_indices = @transform_1, window_bounds = array<i64: 2000, 1>}, {transform_indices = @transform_2, window_bounds = array<i64: 2000, 1>}, {transform_indices = @transform_3, window_bounds = array<i64: 2000, 32>}, {pipeline_mode = #tpu.pipeline_mode<synchronous>, transform_indices = @transform_4, window_bounds = array<i64: 32, 32>}, {pipeline_mode = #tpu.pipeline_mode<synchronous>, transform_indices = @transform_5, window_bounds = array<i64: 32, 32>}, {pipeline_mode = #tpu.pipeline_mode<synchronous>, transform_indices = @transform_6, window_bounds = array<i64: 1, 32>}, {transform_indices = @transform_7, window_bounds = array<i64: 2000, 32>}]} {
    %get3A = arith.constant 0 : index
    %get3A_0 = arith.constant 0 : index
    %get3A_1 = vector.load %arg2[%get3A, %get3A_0] : memref<2000x1xf32, #tpu.memory_space<vmem>>, vector<2000x1xf32>
    %get3A_2 = arith.constant 0 : index
    %get3A_3 = arith.constant 0 : index
    %get3A_4 = vector.load %arg3[%get3A_2, %get3A_3] : memref<2000x1xf32, #tpu.memory_space<vmem>>, vector<2000x1xf32>
    %add3A = arith.addf %get3A_1, %get3A_4 : vector<2000x1xf32>
    %max3A = arith.constant 1.000000e+00 : f32
    %max3A_5 = vector.broadcast %max3A : f32 to vector<2000x1xf32>
    %max3A_6 = arith.maximumf %add3A, %max3A_5 : vector<2000x1xf32>
    %get3A_7 = arith.constant 0 : index
    %get3A_8 = arith.constant 0 : index
    %get3A_9 = vector.load %arg1[%get3A_7, %get3A_8] : memref<2000x32xf32, #tpu.memory_space<vmem>>, vector<2000x32xf32>
    %div3A = vector.broadcast %max3A_6 : vector<2000x1xf32> to vector<2000x32xf32>
    %div3A_10 = arith.divf %get3A_9, %div3A : vector<2000x32xf32>
    %get3A_11 = arith.constant 0 : index
    %get3A_12 = arith.constant 0 : index
    %get3A_13 = vector.load %arg5[%get3A_11, %get3A_12] : memref<32x32xf32, #tpu.memory_space<vmem>>, vector<32x32xf32>
    %dot_general3A = arith.constant dense<0.000000e+00> : vector<2000x32xf32>
    %dot_general3A_14 = tpu.matmul %div3A_10, %get3A_13, %dot_general3A {dimension_numbers = #tpu.dot_dimension_numbers<[1], [0], [0], [1], [0, 0, 1, 1], [], []>, transpose_lhs_hint = false} : vector<2000x32xf32>, vector<32x32xf32>, vector<2000x32xf32> -> vector<2000x32xf32>
    %get3A_15 = arith.constant 0 : index
    %get3A_16 = arith.constant 0 : index
    %get3A_17 = vector.load %arg4[%get3A_15, %get3A_16] : memref<2000x32xf32, #tpu.memory_space<vmem>>, vector<2000x32xf32>
    %get3A_18 = arith.constant 0 : index
    %get3A_19 = arith.constant 0 : index
    %get3A_20 = vector.load %arg6[%get3A_18, %get3A_19] : memref<32x32xf32, #tpu.memory_space<vmem>>, vector<32x32xf32>
    %dot_general3A_21 = arith.constant dense<0.000000e+00> : vector<2000x32xf32>
    %dot_general3A_22 = tpu.matmul %get3A_17, %get3A_20, %dot_general3A_21 {dimension_numbers = #tpu.dot_dimension_numbers<[1], [0], [0], [1], [0, 0, 1, 1], [], []>, transpose_lhs_hint = false} : vector<2000x32xf32>, vector<32x32xf32>, vector<2000x32xf32> -> vector<2000x32xf32>
    %add3A_23 = arith.addf %dot_general3A_14, %dot_general3A_22 : vector<2000x32xf32>
    %get3A_24 = arith.constant 0 : index
    %get3A_25 = arith.constant 0 : index
    %get3A_26 = vector.load %arg7[%get3A_24, %get3A_25] : memref<1x32xf32, #tpu.memory_space<vmem>>, vector<1x32xf32>
    %add3A_27 = vector.broadcast %get3A_26 : vector<1x32xf32> to vector<2000x32xf32>
    %add3A_28 = arith.addf %add3A_23, %add3A_27 : vector<2000x32xf32>
    %max3A_29 = arith.constant 0.000000e+00 : f32
    %max3A_30 = vector.broadcast %max3A_29 : f32 to vector<2000x32xf32>
    %max3A_31 = arith.maximumf %add3A_28, %max3A_30 : vector<2000x32xf32>
    %swap3A = arith.constant 0 : index
    %swap3A_32 = arith.constant 0 : index
    %swap3A_33 = vector.load %arg8[%swap3A, %swap3A_32] : memref<2000x32xf32, #tpu.memory_space<vmem>>, vector<2000x32xf32>
    tpu.vector_store %arg8[%swap3A, %swap3A_32], %max3A_31 {strides = array<i32>} : memref<2000x32xf32, #tpu.memory_space<vmem>>, vector<2000x32xf32>,
    return
  }
  func.func @transform_0(%arg0: i32) -> (i32, i32) {
    %c0_i32 = arith.constant 0 : i32
    %c0_i32_0 = arith.constant 0 : i32
    return %arg0, %c0_i32 : i32, i32
  }
  func.func @transform_1(%arg0: i32) -> (i32, i32) {
    %c0_i32 = arith.constant 0 : i32
    %c0_i32_0 = arith.constant 0 : i32
    return %arg0, %c0_i32 : i32, i32
  }
  func.func @transform_2(%arg0: i32) -> (i32, i32) {
    %c0_i32 = arith.constant 0 : i32
    %c0_i32_0 = arith.constant 0 : i32
    return %arg0, %c0_i32 : i32, i32
  }
  func.func @transform_3(%arg0: i32) -> (i32, i32) {
    %c0_i32 = arith.constant 0 : i32
    %c0_i32_0 = arith.constant 0 : i32
    return %arg0, %c0_i32 : i32, i32
  }
  func.func @transform_4(%arg0: i32) -> (i32, i32) {
    %c0_i32 = arith.constant 0 : i32
    %c0_i32_0 = arith.constant 0 : i32
    %c0_i32_1 = arith.constant 0 : i32
    return %c0_i32, %c0_i32_0 : i32, i32
  }
  func.func @transform_5(%arg0: i32) -> (i32, i32) {
    %c0_i32 = arith.constant 0 : i32
    %c0_i32_0 = arith.constant 0 : i32
    %c0_i32_1 = arith.constant 0 : i32
    return %c0_i32, %c0_i32_0 : i32, i32
  }
  func.func @transform_6(%arg0: i32) -> (i32, i32) {
    %c0_i32 = arith.constant 0 : i32
    %c0_i32_0 = arith.constant 0 : i32
    %c0_i32_1 = arith.constant 0 : i32
    return %c0_i32, %c0_i32_0 : i32, i32
  }
  func.func @transform_7(%arg0: i32) -> (i32, i32) {
    %c0_i32 = arith.constant 0 : i32
    %c0_i32_0 = arith.constant 0 : i32
    return %arg0, %c0_i32 : i32, i32
  }
}

</mosaic_0001>

<sc_bundles>
// kernel: kernel.11.cloned.1.call-start
scs
__scs_entry_jumppad:
0x0: {  	(pc) =	sbr.rel $0x88, $3  }
0x1: {  	(tag) =	ssettag $0x0;
	lr =	simm.s32 $0x1  }
0x2: {  	[smem:$0x3F95] =	sst lr;
	_ =	strace $0xD0000000  }
0x3: {  	_ = 	snop  }
0x4: {  	_ = 	snop  }
0x5: {  	_ = 	snop  }
0x6: {  	_ = 	snop  }
0x7: {  	_ = 	snop  }
__scs_overlays_trampoline_lowered:
0x8: {  	[smem:$0x3FA4] =	sst s0  }
0x9: {  	[smem:$0x3FA5] =	sst s1  }
0xa: {  	[smem:$0x3FA6] =	sst s2  }
0xb: {  	[smem:$0x3FA7] =	sst s3  }
0xc: {  	[smem:$0x3FA8] =	sst s4  }
0xd: {  	[smem:$0x3FA9] =	sst s5  }
0xe: {  	[smem:$0x3FAA] =	sst s6  }
0xf: {  	[smem:$0x3FAB] =	sst s7  }
0x10: {  	[smem:$0x3FAC] =	sst s8  }
0x11: {  	[smem:$0x3FAD] =	sst s9;
	s0 =	simm.s32 @!p0 $0x0  }
0x12: {  	s1 =	sld [smem:$0x3F93];
	s0 =	simm.s32 @p0 $0x1  }
0x13: {  	[smem:$0x3FAE] =	sst s0;
	s0 =	simm.s32 @!p1 $0x0  }
0x14: {  	s2 =	sld [smem:$0x3F92];
	s0 =	simm.s32 @p1 $0x1  }
0x15: {  	[smem:$0x3FAF] =	sst s0;
	s0 =	simm.s32 @!p2 $0x0  }
0x16: {  	s3 =	sld [smem:$0x3FDB];
	s0 =	simm.s32 @p2 $0x1  }
0x17: {  	s4 =	simm.s32 $0x1BF5;
	[smem:$0x3FB1] =	sst s0  }
0x18: {  	s0 =	sld [smem:$0x3F94];
	_ =	swait.ge [sflag:s4], $0x0  }
0x19: {  	s7 =	sld [smem:$0x3F95]  }
0x1a: {  	s8 =	sadd.s32 $0xFFFFE003, lr  }
0x1b: {  	s9 =	sadd.s32 $0xFFFFFEF7, lr;
	s5 =	simm.s32 $0xFFFFFFFF;
	p2 =	slt.u32 s8, $0xFFFFF086  }
0x1c: {  	p1 =	slt.u32 s9, $0xF7A;
	s5 =	simm.s32 @!p2 $0x0  }
0x1d: {  	s5 =	simm.s32 @p1 $0x1;
	p0 =	seq.s32 s7, s2  }
0x1e: {  	s7 =	smul.u32 @!p0 $0xF7A, s2;
	p2 =	seq.s32 @!p0 s5, $0x0  }
0x1f: {  	s9 =	smul.u32 $0xF7A, s1;
	s8 =	simm.s32 @!p0 $0x1BF5;
	p2 =	por !p2, p0  }
0x20: {  	[sflag:s8] =	ssyncset.s32 @!p0 $0xFFFFF086;
	s6 =	sadd.s32 @!p0 s3, s7;
	s7 =	simm.s32 @!p0 $0x108  }
0x21: {  	s3 =	sadd.s32 s3, s9;
	s6 =	sadd.s32 @!p0 $0x88, s6;
	s7 =	simm.s32 @p2 $0x1082  }
0x22: {  	[simem:s7], [sflag:s8] =	dma.local @!p0 [hbm:s6], $0xF7A  }
0x23: {  	s9 =	sor.u32 $0xD0000000, s2;
	s6 =	simm.s32 $0x108;
	_ =	swait.ge @!p0 [sflag:s8], $0x0  }
0x24: {  	s3 =	sadd.s32 $0x88, s3;
	s6 =	simm.s32 @!p1 $0x1082;
	[sflag:s4] =	ssyncset.s32 $0xFFFFF086  }
0x25: {  	[simem:s6], [sflag:s4] =	dma.local [hbm:s3], $0xF7A  }
0x26: {  	[smem:$0x3F95] =	sst s1;
	(tag) =	ssettag s2;
	_ =	strace s9  }
0x27: {  	s1 =	sld [smem:$0x3FA5]  }
0x28: {  	s2 =	sld [smem:$0x3FA6]  }
0x29: {  	s4 =	sld [smem:$0x3FA8]  }
0x2a: {  	p0 =	seq.s32 s5, $0x0;
	s5 =	sld [smem:$0x3FA9]  }
0x2b: {  	s6 =	sld [smem:$0x3FAA]  }
0x2c: {  	s7 =	sld [smem:$0x3FAB]  }
0x2d: {  	s3 =	simm.s32 $0x108;
	s8 =	sld [smem:$0x3FAC]  }
0x2e: {  	s3 =	simm.s32 @!p0 $0x1082;
	s9 =	sld [smem:$0x3FAD]  }
0x2f: {  	lr =	sadd.s32 s0, s3;
	s0 =	sld [smem:$0x3FA4]  }
0x30: {  	s3 =	sld [smem:$0x3FA7]  }
0x31: {  	[smem:$0x3FB0] =	sst s10  }
0x32: {  	s10 =	sld [smem:$0x3FAE];
	_ =	sdelay $0x3  }
0x33: {  	p0 =	seq.s32 s10, $0x1;
	s10 =	sld [smem:$0x3FB0];
	_ =	sdelay $0x3  }
0x34: {  	[smem:$0x3FB0] =	sst s10  }
0x35: {  	s10 =	sld [smem:$0x3FAF];
	_ =	sdelay $0x3  }
0x36: {  	p1 =	seq.s32 s10, $0x1;
	s10 =	sld [smem:$0x3FB0];
	_ =	sdelay $0x3  }
0x37: {  	[smem:$0x3FB0] =	sst s10  }
0x38: {  	s10 =	sld [smem:$0x3FB1]  }
0x39: {  	_ = 	snop;
	(pc) =	sbr.ind lr, $3  }
0x3a: {  	_ = 	snop  }
0x3b: {  	_ = 	snop  }
0x3c: {  	p2 =	seq.s32 s10, $0x1;
	s10 =	sld [smem:$0x3FB0]  }
0x3d: {  	_ =	shalt  }
0x3e: {  	_ =	shalt  }
0x3f: {  	_ =	shalt  }
0x40: {  	_ =	shalt  }
0x41: {  	_ =	shalt  }
0x42: {  	_ =	shalt  }
0x43: {  	_ =	shalt  }
0x44: {  	_ =	shalt  }
0x45: {  	_ =	shalt  }
0x46: {  	_ =	shalt  }
0x47: {  	_ =	shalt  }
0x48: {  	_ =	shalt  }
0x49: {  	_ =	shalt  }
0x4a: {  	_ =	shalt  }
0x4b: {  	_ =	shalt  }
0x4c: {  	_ =	shalt  }
0x4d: {  	_ =	shalt  }
0x4e: {  	_ =	shalt  }
0x4f: {  	_ =	shalt  }
0x50: {  	_ =	shalt  }
0x51: {  	_ =	shalt  }
0x52: {  	_ =	shalt  }
0x53: {  	_ =	shalt  }
0x54: {  	_ =	shalt  }
0x55: {  	_ =	shalt  }
0x56: {  	_ =	shalt  }
0x57: {  	_ =	shalt  }
0x58: {  	_ =	shalt  }
0x59: {  	_ =	shalt  }
0x5a: {  	_ =	shalt  }
0x5b: {  	_ =	shalt  }
0x5c: {  	_ =	shalt  }
0x5d: {  	_ =	shalt  }
0x5e: {  	_ =	shalt  }
0x5f: {  	_ =	shalt  }
0x60: {  	_ =	shalt  }
0x61: {  	_ =	shalt  }
0x62: {  	_ =	shalt  }
0x63: {  	_ =	shalt  }
0x64: {  	_ =	shalt  }
0x65: {  	_ =	shalt  }
0x66: {  	_ =	shalt  }
0x67: {  	_ =	shalt  }
0x68: {  	_ =	shalt  }
0x69: {  	_ =	shalt  }
0x6a: {  	_ =	shalt  }
0x6b: {  	_ =	shalt  }
0x6c: {  	_ =	shalt  }
0x6d: {  	_ =	shalt  }
0x6e: {  	_ =	shalt  }
0x6f: {  	_ =	shalt  }
0x70: {  	_ =	shalt  }
0x71: {  	_ =	shalt  }
0x72: {  	_ =	shalt  }
0x73: {  	_ =	shalt  }
0x74: {  	_ =	shalt  }
0x75: {  	_ =	shalt  }
0x76: {  	_ =	shalt  }
0x77: {  	_ =	shalt  }
0x78: {  	_ =	shalt  }
0x79: {  	_ =	shalt  }
0x7a: {  	_ =	shalt  }
0x7b: {  	_ =	shalt  }
0x7c: {  	_ =	shalt  }
0x7d: {  	_ =	shalt  }
0x7e: {  	_ =	shalt  }
0x7f: {  	_ =	shalt  }
0x80: {  	_ =	shalt  }
0x81: {  	_ =	shalt  }
0x82: {  	_ =	shalt  }
0x83: {  	_ =	shalt  }
0x84: {  	_ =	shalt  }
0x85: {  	_ =	shalt  }
0x86: {  	_ =	shalt  }
0x87: {  	_ =	shalt  }
.Lfunc_end0:
.L_simem_size_0:
called_computation.1_lowered:
.L_overlay_start_0:
0x88: {  	s2 =	sld [smem:$0x3FD9]  }
0x89: {  	s3 =	sld [smem:$0x3FFE];
	_ =	sdelay $0x1  }
0x8a: {  	s1 =	srdreg.scid  }
0x8b: {  	s0 =	sand.u32 $0x1, s1  }
0x8c: {  	s17 =	sshll.u32 s0, $0xA;
	s2 =	sadd.s32 s3, s2  }
0x8d: {  	s2 =	sadd.s32 s2, s17  }
0x8e: {  	[smem:$0x3FBC] =	sst s2  }
0x8f: {  	_ = 	snop  }
0x90: {  	s2 =	sld [smem:$0x3FD0];
	(tm) =	ssettm $0x1  }
0x91: {  	s18 =	sld [smem:$0x3FFB];
	_ =	sdelay $0x3  }
0x92: {  	_ =	strace s18  }
0x93: {  	s3 =	sld [smem:$0x3FFC];
	_ =	sdelay $0x3  }
0x94: {  	_ =	strace s3  }
0x95: {  	s3 =	sld [smem:$0x3FFD];
	_ =	sdelay $0x3  }
0x96: {  	_ =	strace s3  }
0x97: {  	_ =	strace $0x8FFFFFFF  }
0x98: {  	s19 =	sld [smem:$0x3FDB];
	_ =	sdelay $0x1  }
0x99: {  	s4 =	simm.s32 $_scs_section_size  }
0x9a: {  	s5 =	simm.s32 $_size__tile_overlayer_lowered;
	s6 =	simm.s32 $_tile_overlayer_lowered  }
0x9b: {  	s22 =	simm.s32 $0x1BFF;
	s21 =	sshll.u32 s6, $0x1;
	s3 =	sadd.s32 s4, s19  }
0x9c: {  	s7 =	simm.s32 $0x0;
	s20 =	sshll.u32 s5, $0x1;
	s5 =	sadd.s32 s21, s3  }
0x9d: {  	[timem:s7], [sflag:s22] =	dma.local [hbm:s5], s20  }
0x9e: {  	_ =	swait.ge [sflag:s22], s20  }
0x9f: {  	s4 =	ssub.s32 $0x0, s20;
	[sflag:s22] =	ssyncset.done $0x0  }
0xa0: {  	[sflag:s22] =	ssyncadd.s32 s4;
	_ =	sdelay $0x1  }
0xa1: {  	s23 =	simm.s32 $0x1B8B  }
0xa2: {  	_ =	swait.ge [sflag:s23], $0x1  }
0xa3: {  	[sflag:s23] =	ssyncset.done $0x0  }
0xa4: {  	s25 =	simm.s32 $0x1B8E;
	s24 =	sld [smem:$0x3FFE];
	[sflag:s23] =	ssyncadd.s32 $0xFFFFFFFF  }
0xa5: {  	s26 =	simm.s32 $execute0_lowered;
	[smem:$0x3FD2] =	sst s25  }
0xa6: {  	s5 =	sshll.u32 s26, $0x1;
	_ =	strace $0x80000046;
	[dreg:$0x1] =	wrdreg $0xFFFFFFFF  }
0xa7: {  	s28 =	simm.s32 $_size_execute0_lowered;
	s3 =	sadd.s32 s3, s5;
	[dreg:$0x0] =	wrdreg $0x0  }
0xa8: {  	s5 =	sshll.u32 s28, $0x1;
	[dreg:$0x2] =	wrdreg s3  }
0xa9: {  	[dreg:$0x3] =	wrdreg s5  }
0xaa: {  	[dreg:$0x4] =	wrdreg $0xC0  }
0xab: {  	_ =	task [dreg:s7], $0x5FFFF  }
0xac: {  	[dreg:$0x1] =	wrdreg $0xFFFFFFFF  }
0xad: {  	[dreg:$0x0] =	wrdreg $0x60  }
0xae: {  	[dreg:$0x2] =	wrdreg s2  }
0xaf: {  	[dreg:$0x3] =	wrdreg s24  }
0xb0: {  	[dreg:$0x4] =	wrdreg $0x188000  }
0xb1: {  	[dreg:$0x5] =	wrdreg $0xA  }
0xb2: {  	_ =	task.clear_ibuf [dreg:s7], $0x6FFFF;
	_ =	strace $0x90000046  }
0xb3: {  	s29 =	simm.s32 $0xA;
	_ =	strace $0x80000048  }
0xb4: {  	_ =	swait.ge [sflag:s29], $0x1  }
0xb5: {  	[sflag:s29] =	ssyncadd.s32 $0xFFFFFFFF  }
0xb6: {  	_ =	strace $0x90000048  }
0xb7: {  	_ =	sfence  }
0xb8: {  	s30 =	sld [smem:$0x0];
	_ =	sdelay $0x2  }
0xb9: {  	s31 =	sshll.u32 s1, $0xD;
	s1 =	sshrl.u32 s1, $0x2  }
0xba: {  	s3 =	sand.u32 $0x4000, s31;
	s1 =	sadd.s32 s1, s30  }
0xbb: {  	s0 =	sor.u32 s3, s0;
	s1 =	sshll.u32 s1, $0x11  }
0xbc: {  	s0 =	sor.u32 s1, s0  }
0xbd: {  	s0 =	sadd.s32 $0x8F2B, s0  }
0xbe: {  	[sflag:s0] =	ssyncadd.remote.s32 $0x1  }
0xbf: {  	_ =	sfence.sel $0xFFFF  }
0xc0: {  	[dreg:$0x0] =	wrdreg $0xFFFFFFFF;
	(pc) =	sbr.abs _section_cstart, $3  }
0xc1: {  	[dreg:$0x1] =	wrdreg $0xFFFFFFFF  }
0xc2: {  	_ =	task.clear_ibuf [dreg:s7], $0x2FFFF;
	_ =	strace $0x9FFFFFFF  }
0xc3: {  	(tm) =	ssettm $0x7FFFFFFF  }
tec
execute0_lowered:
.L_overlay_start_1:
0x0: {  	(tag) =	ssettag $0x1  }
0x1: {  	s1 =	rddreg [dreg:$0x0]  }
0x2: {  	s7 =	rddreg [dreg:$0x1]  }
0x3: {  	s2 =	rddreg [dreg:$0x2];
	s0 =	simm.s32 $0x0;
	s4 =	srdreg.scid  }
0x4: {  	s26 =	stileid.u32;
	[smem:$0x7FF] =	sst s0;
	s5 =	sadd.s32 $0x1BA800, s7  }
0x5: {  	s8 =	sand.u32 $0x1, s4;
	s6 =	sadd.s32 $0x188800, s7;
	s9 =	smul.u32 $0x1A000, s26  }
0x6: {  	s13 =	sadd.s32 $0x1EC800, s7;
	s11 =	smul.u32 $0x320, s26;
	s29 =	sshll.u32 s26, $0x5  }
0x7: {  	v0 =	vlaneseq.u32;
	s7 =	smul.u32 $0x19000, s26;
	s15 =	sshll.u32 s26, $0x7;
	_ =	strace $0x80000047  }
0x8: {  	v1 =	vmul.u32 $0x8, v0;
	s17 =	smul.u32 $0x3200, s8;
	s8 =	ssub.s32 $0x2, s8;
	s18 =	sor.u32 $0x3200, s29  }
0x9: {  	s28 =	sshrl.u32 s8, $0x1;
	s9 =	sshrl.u32 s9, $0x2;
	s10 =	sshrl.u32 s7, $0x2  }
0xa: {  	v1 =	vor.u32 s15, v1;
	s15 =	simm.s32 $0x12000;
	v2 =	vor.u32 s18, v0;
	s18 =	simm.s32 $0x1000;
	s14 =	ssub.s32 s8, s28  }
0xb: {  	s30 =	sadd.s32 s11, s17;
	s8 =	sadd.s32 s9, s2;
	s9 =	sadd.s32 s10, s2  }
0xc: {  	s19 =	sadd.s32 $0x6400, s17;
	s20 =	sadd.s32 $0xC800, s17;
	s21 =	sadd.s32 $0x12C00, s17  }
0xd: {  	v3 =	vmov s17;
	s17 =	simm.s32 $0x800;
	s12 =	sshll.u32 s30, $0x2;
	s31 =	sadd.s32 s11, s19  }
0xe: {  	s16 =	sadd.s32 s11, s20;
	s11 =	sadd.s32 s11, s21;
	s14 =	smax.u32 s14, $0x1  }
0xf: {  	v4 =	vmov s19;
	s19 =	simm.s32 $0x1800;
	v5 =	vmov s20;
	v6 =	vmov s21;
	s20 =	simm.s32 $0x2000;
	s21 =	simm.s32 $0x1  }
0x10: {  	s10 =	sadd.s32 s13, s12;
	s12 =	sshll.u32 s31, $0x2;
	s16 =	sshll.u32 s16, $0x2  }
0x11: {  	s22 =	sshll.u32 s11, $0x2;
	s11 =	sadd.s32 s13, s12;
	s12 =	sadd.s32 s13, s16  }
0x12: {  	v7 =	vimm.f32 $0.0e+00;
	s13 =	sadd.s32 s13, s22;
	s16 =	simm.s32 $0x2;
	s22 =	simm.s32 $0x0  }
.LBB2_1:
0x13: {  	s23 =	simm.s32 $0x80;
	s24 =	simm.s32 $0x0  }
.LBB2_2:
0x14: {  	p0 =	sne.s32 s23, $0x19F80;
	[tilespmem:s24+$0x12000] =	vst v7;
	s25 =	smov.u32 s23;
	s23 =	sadd.s32 $0x80, s23  }
.Ltmp0:
0x15: {  	[tilespmem:s24+$0x12010] =	vst v7;
	(pc) =	sbr.rel @p0 .LBB2_2-.Ltmp0, $2  }
0x16: {  	_ =	sdelay $0x2  }
0x17: {  	s24 =	sshra.s32 s25, $0x2  }
0x18: {  	[tilespmem:s24+$0x12000] =	vst v7  }
0x19: {  	[tilespmem:s24+$0x12010] =	vst v7  }
0x1a: {  	[spmem:s8] =	stream.linear.scatter [tilespmem:s15], [sflag:$0x2], $0x6800, $0x38;
	[tilespmem:$0x1F000] =	vst v63  }
0x1b: {  	_ =	swait.ge [sflag:s16], $0x6800  }
0x1c: {  	[sflag:s16] =	ssyncset.done $0x0  }
0x1d: {  	s23 =	simm.s32 $0x0;
	[sflag:s16] =	ssyncadd.s32 $0xFFFF9800  }
0x1e: {  	s25 =	simm.s32 $0x0;
	s24 =	simm.s32 $0x0;
	[bflag:$0x0] =	sbarrier.arrive $0xFFFF  }
.LBB2_4:
0x1f: {  	s26 =	sshll.u32 s24, $0xB  }
0x20: {  	s26 =	sadd.s32 s7, s26  }
0x21: {  	s26 =	sshrl.u32 s26, $0x3  }
0x22: {  	s28 =	sadd.s32 s5, s26  }
0x23: {  	[tilespmem:s23], [sflag:$0x2] =	stream.linear.gather [hbm4b:s28+s23], $0x800, $0x38;
	[tilespmem:$0x1F000] =	vst v63  }
0x24: {  	_ =	swait.ge [sflag:s16], $0x800  }
0x25: {  	[sflag:s16] =	ssyncset.done $0x0  }
0x26: {  	s26 =	sadd.s32 s6, s26;
	[sflag:s16] =	ssyncadd.s32 $0xFFFFF800  }
0x27: {  	[tilespmem:s17], [sflag:$0x2] =	stream.linear.gather [hbm4b:s26+s23], $0x800, $0x38;
	[tilespmem:$0x1F000] =	vst v63  }
0x28: {  	_ =	swait.ge [sflag:s16], $0x800  }
0x29: {  	[sflag:s16] =	ssyncset.done $0x0  }
0x2a: {  	s4 =	simm.s32 $0x0;
	[sflag:s16] =	ssyncadd.s32 $0xFFFFF800  }
0x2b: {  	p0 =	slt.s32 s25, $0x7F1;
	v8 =	vld [tilespmem:s4+$0x800]  }
0x2c: {  	v9 =	vlaneseq.u32 @!p0;
	s28 =	ssub.s32 @!p0 $0x800, s25  }
0x2d: {  	v11 =	vadd.s32 @!p0 s25, v9;
	v10 =	vmov @!p0 s28  }
0x2e: {  	vm0 =	vlt.s32 @!p0 v11, $0x7FF;
	vm1 =	vgt.s32 @!p0 v10, v9  }
0x2f: {  	v9 =	vnsel @!p0 vm0, $0x7FF, v11  }
0x30: {  	v8 =	vsub.s32 v8, v3  }
0x31: {  	vm0 =	vlt.u32 v8, $0x3200  }
0x32: {  	v10 =	vmpcnt.ones.xlane vm0  }
0x33: {  	s28 =	simm.s32 @!p0 $0x1000  }
0x34: {  	s29 =	simm.s32 @!p0 $0x1800;
	[tilespmem:v9+s28+$0x0] =	vst.idx.msk @!p0 vm1, v1;
	(v2sf) =	vpush v10, $0x0  }
0x35: {  	s30 =	simm.s32 @!p0 $0x800;
	s31 =	simm.s32 @!p0 $0x2000;
	s0 =	simm.s32 @!p0 $0x1;
	[tilespmem:v9+s29+$0x0] =	vst.idx.msk @!p0 vm1, v2  }
0x36: {  	[tilespmem:s31], [sflag:$0x1] =	stream.indirect.gather @!p0 [hbm4b:s1+s30], $0x20, s28, s30, $0xb8;
	[tilespmem:$0x1F000] =	vst v63  }
0x37: {  	_ =	swait.ge @!p0 [sflag:s0], $0x10000  }
0x38: {  	[sflag:s0] =	ssyncset.done @!p0 $0x0  }
0x39: {  	[sflag:s0] =	ssyncadd.s32 @!p0 $0xFFFF0000;
	s0 =	simm.s32 @!p0 $0x2  }
0x3a: {  	[spmem:s2] =	stream.indirect.scatter.add.f32 @!p0 [tilespmem:s31], [sflag:$0x2], $0x20, s29, s30, $0xb8;
	[tilespmem:$0x1F000] =	vst v63  }
0x3b: {  	_ =	swait.ge @!p0 [sflag:s0], $0x10000  }
0x3c: {  	[sflag:s0] =	ssyncset.done @!p0 $0x0  }
0x3d: {  	[sflag:s0] =	ssyncadd.s32 @!p0 $0xFFFF0000  }
0x3e: {  	v9 =	vld [tilespmem:s4+$0x0];
	_ =	sdelay $0x3  }
0x3f: {  	s25 =	simm.s32 @!p0 $0x0  }
0x40: {  	s26 =	simm.s32 $0x80;
	s28 =	simm.s32 $0x40;
	[tilespmem:s25+$0x1000] =	vst.msk vm0, v9;
	s29 =	spop (v2sf)  }
.LBB2_5:
0x41: {  	s0 =	sshra.s32 s28, $0x2  }
0x42: {  	[tilespmem:s25+$0x1800] =	vst.msk vm0, v8;
	s25 =	sadd.s32 s29, s25;
	s28 =	smov.u32 s26;
	s26 =	sadd.s32 $0x40, s26  }
0x43: {  	p0 =	sne.s32 s26, $0x2000;
	v8 =	vld [tilespmem:s0+$0x800];
	p1 =	slt.s32 s25, $0x7F1  }
0x44: {  	s29 =	ssub.s32 @!p1 $0x800, s25;
	v9 =	vlaneseq.u32 @!p1  }
0x45: {  	v10 =	vmov @!p1 s29;
	v11 =	vadd.s32 @!p1 s25, v9  }
0x46: {  	vm1 =	vgt.s32 @!p1 v10, v9;
	vm0 =	vlt.s32 @!p1 v11, $0x7FF  }
0x47: {  	v9 =	vnsel @!p1 vm0, $0x7FF, v11  }
0x48: {  	v8 =	vsub.s32 v8, v3  }
0x49: {  	vm0 =	vlt.u32 v8, $0x3200  }
0x4a: {  	v10 =	vmpcnt.ones.xlane vm0  }
0x4b: {  	s29 =	simm.s32 @!p1 $0x1000  }
0x4c: {  	s30 =	simm.s32 @!p1 $0x1800;
	[tilespmem:v9+s29+$0x0] =	vst.idx.msk @!p1 vm1, v1;
	(v2sf) =	vpush v10, $0x0  }
0x4d: {  	s31 =	simm.s32 @!p1 $0x800;
	s4 =	simm.s32 @!p1 $0x2000;
	s3 =	simm.s32 @!p1 $0x1;
	[tilespmem:v9+s30+$0x0] =	vst.idx.msk @!p1 vm1, v2  }
0x4e: {  	[tilespmem:s4], [sflag:$0x1] =	stream.indirect.gather @!p1 [hbm4b:s1+s31], $0x20, s29, s31, $0xb8;
	[tilespmem:$0x1F000] =	vst v63  }
0x4f: {  	_ =	swait.ge @!p1 [sflag:s3], $0x10000  }
0x50: {  	[sflag:s3] =	ssyncset.done @!p1 $0x0  }
0x51: {  	[sflag:s3] =	ssyncadd.s32 @!p1 $0xFFFF0000;
	s3 =	simm.s32 @!p1 $0x2  }
0x52: {  	[spmem:s2] =	stream.indirect.scatter.add.f32 @!p1 [tilespmem:s4], [sflag:$0x2], $0x20, s30, s31, $0xb8;
	[tilespmem:$0x1F000] =	vst v63  }
0x53: {  	_ =	swait.ge @!p1 [sflag:s3], $0x10000  }
0x54: {  	[sflag:s3] =	ssyncset.done @!p1 $0x0  }
0x55: {  	[sflag:s3] =	ssyncadd.s32 @!p1 $0xFFFF0000  }
0x56: {  	v9 =	vld [tilespmem:s0+$0x0]  }
.Ltmp1:
0x57: {  	(pc) =	sbr.rel @p0 .LBB2_5-.Ltmp1, $3  }
0x58: {  	_ =	sdelay $0x1  }
0x59: {  	s25 =	simm.s32 @!p1 $0x0  }
0x5a: {  	[tilespmem:s25+$0x1000] =	vst.msk vm0, v9;
	s29 =	spop (v2sf)  }
0x5b: {  	s0 =	sshra.s32 s28, $0x2;
	[tilespmem:s25+$0x1800] =	vst.msk vm0, v8;
	s3 =	sadd.s32 s29, s25  }
0x5c: {  	v8 =	vld [tilespmem:s0+$0x800];
	p0 =	slt.s32 s3, $0x7F1  }
0x5d: {  	s4 =	ssub.s32 @!p0 $0x800, s3;
	v9 =	vlaneseq.u32 @!p0  }
0x5e: {  	v10 =	vmov @!p0 s4;
	v11 =	vadd.s32 @!p0 s3, v9  }
0x5f: {  	vm0 =	vgt.s32 @!p0 v10, v9;
	vm1 =	vlt.s32 @!p0 v11, $0x7FF  }
0x60: {  	v9 =	vnsel @!p0 vm1, $0x7FF, v11  }
0x61: {  	v8 =	vsub.s32 v8, v3  }
0x62: {  	vm15 =	vlt.u32 v8, $0x3200  }
0x63: {  	v62 =	vmpcnt.ones.xlane vm15  }
0x64: {  	s4 =	simm.s32 @!p0 $0x1000  }
0x65: {  	s25 =	simm.s32 @!p0 $0x1800;
	[tilespmem:v9+s4+$0x0] =	vst.idx.msk @!p0 vm0, v1;
	(v2sf) =	vpush v62, $0x0  }
0x66: {  	s26 =	simm.s32 @!p0 $0x800;
	s28 =	simm.s32 @!p0 $0x2000;
	s29 =	simm.s32 @!p0 $0x1;
	[tilespmem:v9+s25+$0x0] =	vst.idx.msk @!p0 vm0, v2  }
0x67: {  	[tilespmem:s28], [sflag:$0x1] =	stream.indirect.gather @!p0 [hbm4b:s1+s26], $0x20, s4, s26, $0xb8;
	[tilespmem:$0x1F000] =	vst v63  }
0x68: {  	_ =	swait.ge @!p0 [sflag:s29], $0x10000  }
0x69: {  	[sflag:s29] =	ssyncset.done @!p0 $0x0  }
0x6a: {  	s4 =	simm.s32 @!p0 $0x2;
	[sflag:s29] =	ssyncadd.s32 @!p0 $0xFFFF0000  }
0x6b: {  	[spmem:s2] =	stream.indirect.scatter.add.f32 @!p0 [tilespmem:s28], [sflag:$0x2], $0x20, s25, s26, $0xb8;
	[tilespmem:$0x1F000] =	vst v63  }
0x6c: {  	_ =	swait.ge @!p0 [sflag:s4], $0x10000  }
0x6d: {  	[sflag:s4] =	ssyncset.done @!p0 $0x0  }
0x6e: {  	[sflag:s4] =	ssyncadd.s32 @!p0 $0xFFFF0000  }
0x6f: {  	s24 =	sadd.s32 $0x1, s24;
	v63 =	vld [tilespmem:s0+$0x0]  }
0x70: {  	s3 =	simm.s32 @!p0 $0x0;
	p0 =	sne.s32 s24, $0x32  }
.Ltmp2:
0x71: {  	_ = 	snop;
	(pc) =	sbr.rel @p0 .LBB2_4-.Ltmp2, $3  }
0x72: {  	_ =	sdelay $0x1  }
0x73: {  	[tilespmem:s3+$0x1000] =	vst.msk vm15, v63;
	s31 =	spop (v2sf)  }
0x74: {  	[tilespmem:s3+$0x1800] =	vst.msk vm15, v8;
	s25 =	sadd.s32 s31, s3  }
0x75: {  	s0 =	ssub.s32 $0x800, s25  }
0x76: {  	v9 =	vadd.s32 s25, v0;
	v8 =	vmov s0  }
0x77: {  	vm0 =	vlt.s32 v9, $0x7FF;
	vm3 =	vgt.s32 v8, v0  }
0x78: {  	s23 =	sadd.s32 $0x10, s25;
	v8 =	vnsel vm0, $0x7FF, v9;
	vm1 =	vmmov vm3  }
0x79: {  	p0 =	slt.s32 s23, $0x800  }
0x7a: {  	s23 =	simm.s32 @!p0 $0x800  }
0x7b: {  	s31 =	ssub.s32 $0x800, s23  }
0x7c: {  	v9 =	vadd.s32 s23, v0;
	v10 =	vmov s31  }
0x7d: {  	s24 =	simm.s32 $0x7E;
	vm2 =	vlt.s32 v9, $0x7FF;
	vm0 =	vgt.s32 v10, v0;
	[tilespmem:v8+s18+$0x0] =	vst.idx.msk vm3, v1  }
.LBB2_8:
0x7e: {  	p0 =	sne.s32 s24, $0x1;
	s24 =	sadd.s32 $0xFFFFFFFF, s24;
	s23 =	sadd.s32 $0x10, s23;
	[tilespmem:v8+s19+$0x0] =	vst.idx.msk vm1, v2;
	v8 =	vnsel vm2, $0x7FF, v9;
	vm1 =	vmmov vm0  }
.Ltmp3:
0x7f: {  	p1 =	slt.s32 s23, $0x800;
	(pc) =	sbr.rel @p0 .LBB2_8-.Ltmp3, $4  }
0x80: {  	s23 =	simm.s32 @!p1 $0x800  }
0x81: {  	s0 =	ssub.s32 $0x800, s23  }
0x82: {  	v9 =	vadd.s32 s23, v0;
	v10 =	vmov s0  }
0x83: {  	vm2 =	vlt.s32 v9, $0x7FF;
	[tilespmem:v8+s18+$0x0] =	vst.idx.msk vm0, v1;
	vm0 =	vgt.s32 v10, v0  }
0x84: {  	_ = 	snop  }
0x85: {  	v9 =	vnsel vm2, $0x7FF, v9;
	_ =	sdelay $0x3  }
0x86: {  	[tilespmem:v8+s19+$0x0] =	vst.idx.msk vm1, v2  }
0x87: {  	[tilespmem:v9+s18+$0x0] =	vst.idx.msk vm0, v1  }
0x88: {  	[tilespmem:v9+s19+$0x0] =	vst.idx.msk vm0, v2  }
0x89: {  	[tilespmem:s20], [sflag:$0x1] =	stream.indirect.gather [hbm4b:s1+s17], $0x20, s18, s17, $0xb8;
	[tilespmem:$0x1F000] =	vst v63  }
0x8a: {  	_ =	swait.ge [sflag:s21], $0x10000  }
0x8b: {  	[sflag:s21] =	ssyncset.done $0x0  }
0x8c: {  	[sflag:s21] =	ssyncadd.s32 $0xFFFF0000  }
0x8d: {  	[spmem:s2] =	stream.indirect.scatter.add.f32 [tilespmem:s20], [sflag:$0x2], $0x20, s19, s17, $0xb8;
	[tilespmem:$0x1F000] =	vst v63  }
0x8e: {  	_ =	swait.ge [sflag:s16], $0x10000  }
0x8f: {  	[sflag:s16] =	ssyncset.done $0x0  }
0x90: {  	[sflag:s16] =	ssyncadd.s32 $0xFFFF0000  }
0x91: {  	[bflag:$0x0] =	sbarrier.arrive $0xFFFF  }
0x92: {  	[tilespmem:s15], [sflag:$0x2] =	stream.linear.gather [spmem:s9], $0x6400, $0x38;
	[tilespmem:$0x1F000] =	vst v63  }
0x93: {  	_ =	swait.ge [sflag:s16], $0x6400  }
0x94: {  	[sflag:s16] =	ssyncset.done $0x0  }
0x95: {  	s0 =	simm.s32 $0x0;
	[sflag:s16] =	ssyncadd.s32 $0xFFFF9C00  }
0x96: {  	[hbm4b:s10+s0] =	stream.linear.scatter [tilespmem:s15], [sflag:$0x2], $0x6400, $0x38;
	[tilespmem:$0x1F000] =	vst v63  }
0x97: {  	_ =	swait.ge [sflag:s16], $0x6400  }
0x98: {  	[sflag:s16] =	ssyncset.done $0x0  }
0x99: {  	[sflag:s16] =	ssyncadd.s32 $0xFFFF9C00  }
0x9a: {  	vm15 =	vmmov vm0;
	s23 =	simm.s32 $0x80;
	s24 =	simm.s32 $0x0;
	[bflag:$0x0] =	sbarrier.arrive $0xFFFF  }
.LBB2_10:
0x9b: {  	p0 =	sne.s32 s23, $0x19F80;
	[tilespmem:s24+$0x12000] =	vst v7;
	s0 =	smov.u32 s23;
	s23 =	sadd.s32 $0x80, s23  }
.Ltmp4:
0x9c: {  	[tilespmem:s24+$0x12010] =	vst v7;
	(pc) =	sbr.rel @p0 .LBB2_10-.Ltmp4, $2  }
0x9d: {  	_ =	sdelay $0x2  }
0x9e: {  	s24 =	sshra.s32 s0, $0x2  }
0x9f: {  	[tilespmem:s24+$0x12000] =	vst v7  }
0xa0: {  	[tilespmem:s24+$0x12010] =	vst v7  }
0xa1: {  	[spmem:s8] =	stream.linear.scatter [tilespmem:s15], [sflag:$0x2], $0x6800, $0x38;
	[tilespmem:$0x1F000] =	vst v63  }
0xa2: {  	_ =	swait.ge [sflag:s16], $0x6800  }
0xa3: {  	[sflag:s16] =	ssyncset.done $0x0  }
0xa4: {  	s23 =	simm.s32 $0x0;
	[sflag:s16] =	ssyncadd.s32 $0xFFFF9800  }
0xa5: {  	s25 =	simm.s32 $0x0;
	s24 =	simm.s32 $0x0;
	[bflag:$0x0] =	sbarrier.arrive $0xFFFF  }
.LBB2_12:
0xa6: {  	s0 =	sshll.u32 s24, $0xB  }
0xa7: {  	s0 =	sadd.s32 s7, s0  }
0xa8: {  	s0 =	sshrl.u32 s0, $0x3  }
0xa9: {  	s3 =	sadd.s32 s5, s0  }
0xaa: {  	[tilespmem:s23], [sflag:$0x2] =	stream.linear.gather [hbm4b:s3+s23], $0x800, $0x38;
	[tilespmem:$0x1F000] =	vst v63  }
0xab: {  	_ =	swait.ge [sflag:s16], $0x800  }
0xac: {  	[sflag:s16] =	ssyncset.done $0x0  }
0xad: {  	s0 =	sadd.s32 s6, s0;
	[sflag:s16] =	ssyncadd.s32 $0xFFFFF800  }
0xae: {  	[tilespmem:s17], [sflag:$0x2] =	stream.linear.gather [hbm4b:s0+s23], $0x800, $0x38;
	[tilespmem:$0x1F000] =	vst v63  }
0xaf: {  	_ =	swait.ge [sflag:s16], $0x800  }
0xb0: {  	[sflag:s16] =	ssyncset.done $0x0  }
0xb1: {  	s31 =	simm.s32 $0x0;
	[sflag:s16] =	ssyncadd.s32 $0xFFFFF800  }
0xb2: {  	p0 =	slt.s32 s25, $0x7F1;
	v8 =	vld [tilespmem:s31+$0x800]  }
0xb3: {  	v9 =	vlaneseq.u32 @!p0;
	s3 =	ssub.s32 @!p0 $0x800, s25  }
0xb4: {  	v11 =	vadd.s32 @!p0 s25, v9;
	v10 =	vmov @!p0 s3  }
0xb5: {  	vm0 =	vlt.s32 @!p0 v11, $0x7FF;
	vm1 =	vgt.s32 @!p0 v10, v9  }
0xb6: {  	v9 =	vnsel @!p0 vm0, $0x7FF, v11  }
0xb7: {  	v8 =	vsub.s32 v8, v4  }
0xb8: {  	vm0 =	vlt.u32 v8, $0x3200  }
0xb9: {  	v10 =	vmpcnt.ones.xlane vm0  }
0xba: {  	s3 =	simm.s32 @!p0 $0x1000  }
0xbb: {  	s4 =	simm.s32 @!p0 $0x1800;
	[tilespmem:v9+s3+$0x0] =	vst.idx.msk @!p0 vm1, v1;
	(v2sf) =	vpush v10, $0x0  }
0xbc: {  	s26 =	simm.s32 @!p0 $0x800;
	s28 =	simm.s32 @!p0 $0x2000;
	s29 =	simm.s32 @!p0 $0x1;
	[tilespmem:v9+s4+$0x0] =	vst.idx.msk @!p0 vm1, v2  }
0xbd: {  	[tilespmem:s28], [sflag:$0x1] =	stream.indirect.gather @!p0 [hbm4b:s1+s26], $0x20, s3, s26, $0xb8;
	[tilespmem:$0x1F000] =	vst v63  }
0xbe: {  	_ =	swait.ge @!p0 [sflag:s29], $0x10000  }
0xbf: {  	[sflag:s29] =	ssyncset.done @!p0 $0x0  }
0xc0: {  	s3 =	simm.s32 @!p0 $0x2;
	[sflag:s29] =	ssyncadd.s32 @!p0 $0xFFFF0000  }
0xc1: {  	[spmem:s2] =	stream.indirect.scatter.add.f32 @!p0 [tilespmem:s28], [sflag:$0x2], $0x20, s4, s26, $0xb8;
	[tilespmem:$0x1F000] =	vst v63  }
0xc2: {  	_ =	swait.ge @!p0 [sflag:s3], $0x10000  }
0xc3: {  	[sflag:s3] =	ssyncset.done @!p0 $0x0  }
0xc4: {  	[sflag:s3] =	ssyncadd.s32 @!p0 $0xFFFF0000  }
0xc5: {  	v9 =	vld [tilespmem:s31+$0x0];
	_ =	sdelay $0x3  }
0xc6: {  	s25 =	simm.s32 @!p0 $0x0  }
0xc7: {  	s28 =	simm.s32 $0x40;
	s26 =	simm.s32 $0x80;
	[tilespmem:s25+$0x1000] =	vst.msk vm0, v9;
	s29 =	spop (v2sf)  }
.LBB2_13:
0xc8: {  	s0 =	sshra.s32 s28, $0x2  }
0xc9: {  	[tilespmem:s25+$0x1800] =	vst.msk vm0, v8;
	s25 =	sadd.s32 s29, s25;
	s28 =	smov.u32 s26;
	s26 =	sadd.s32 $0x40, s26  }
0xca: {  	p0 =	sne.s32 s26, $0x2000;
	v8 =	vld [tilespmem:s0+$0x800];
	p1 =	slt.s32 s25, $0x7F1  }
0xcb: {  	s3 =	ssub.s32 @!p1 $0x800, s25;
	v9 =	vlaneseq.u32 @!p1  }
0xcc: {  	v10 =	vmov @!p1 s3;
	v11 =	vadd.s32 @!p1 s25, v9  }
0xcd: {  	vm1 =	vgt.s32 @!p1 v10, v9;
	vm0 =	vlt.s32 @!p1 v11, $0x7FF  }
0xce: {  	v9 =	vnsel @!p1 vm0, $0x7FF, v11  }
0xcf: {  	v8 =	vsub.s32 v8, v4  }
0xd0: {  	vm0 =	vlt.u32 v8, $0x3200  }
0xd1: {  	v10 =	vmpcnt.ones.xlane vm0  }
0xd2: {  	s3 =	simm.s32 @!p1 $0x1000  }
0xd3: {  	s4 =	simm.s32 @!p1 $0x1800;
	[tilespmem:v9+s3+$0x0] =	vst.idx.msk @!p1 vm1, v1;
	(v2sf) =	vpush v10, $0x0  }
0xd4: {  	s29 =	simm.s32 @!p1 $0x800;
	s30 =	simm.s32 @!p1 $0x2000;
	s31 =	simm.s32 @!p1 $0x1;
	[tilespmem:v9+s4+$0x0] =	vst.idx.msk @!p1 vm1, v2  }
0xd5: {  	[tilespmem:s30], [sflag:$0x1] =	stream.indirect.gather @!p1 [hbm4b:s1+s29], $0x20, s3, s29, $0xb8;
	[tilespmem:$0x1F000] =	vst v63  }
0xd6: {  	_ =	swait.ge @!p1 [sflag:s31], $0x10000  }
0xd7: {  	[sflag:s31] =	ssyncset.done @!p1 $0x0  }
0xd8: {  	s3 =	simm.s32 @!p1 $0x2;
	[sflag:s31] =	ssyncadd.s32 @!p1 $0xFFFF0000  }
0xd9: {  	[spmem:s2] =	stream.indirect.scatter.add.f32 @!p1 [tilespmem:s30], [sflag:$0x2], $0x20, s4, s29, $0xb8;
	[tilespmem:$0x1F000] =	vst v63  }
0xda: {  	_ =	swait.ge @!p1 [sflag:s3], $0x10000  }
0xdb: {  	[sflag:s3] =	ssyncset.done @!p1 $0x0  }
0xdc: {  	[sflag:s3] =	ssyncadd.s32 @!p1 $0xFFFF0000  }
0xdd: {  	v9 =	vld [tilespmem:s0+$0x0]  }
.Ltmp5:
0xde: {  	(pc) =	sbr.rel @p0 .LBB2_13-.Ltmp5, $3  }
0xdf: {  	_ =	sdelay $0x1  }
0xe0: {  	s25 =	simm.s32 @!p1 $0x0  }
0xe1: {  	[tilespmem:s25+$0x1000] =	vst.msk vm0, v9;
	s29 =	spop (v2sf)  }
0xe2: {  	s0 =	sshra.s32 s28, $0x2;
	[tilespmem:s25+$0x1800] =	vst.msk vm0, v8;
	s3 =	sadd.s32 s29, s25  }
0xe3: {  	v8 =	vld [tilespmem:s0+$0x800];
	p0 =	slt.s32 s3, $0x7F1  }
0xe4: {  	s4 =	ssub.s32 @!p0 $0x800, s3;
	v9 =	vlaneseq.u32 @!p0  }
0xe5: {  	v10 =	vmov @!p0 s4;
	v11 =	vadd.s32 @!p0 s3, v9  }
0xe6: {  	vm0 =	vgt.s32 @!p0 v10, v9;
	vm1 =	vlt.s32 @!p0 v11, $0x7FF  }
0xe7: {  	v9 =	vnsel @!p0 vm1, $0x7FF, v11  }
0xe8: {  	v8 =	vsub.s32 v8, v4  }
0xe9: {  	vm15 =	vlt.u32 v8, $0x3200  }
0xea: {  	v62 =	vmpcnt.ones.xlane vm15  }
0xeb: {  	s4 =	simm.s32 @!p0 $0x1000  }
0xec: {  	s25 =	simm.s32 @!p0 $0x1800;
	[tilespmem:v9+s4+$0x0] =	vst.idx.msk @!p0 vm0, v1;
	(v2sf) =	vpush v62, $0x0  }
0xed: {  	s26 =	simm.s32 @!p0 $0x800;
	s28 =	simm.s32 @!p0 $0x2000;
	s29 =	simm.s32 @!p0 $0x1;
	[tilespmem:v9+s25+$0x0] =	vst.idx.msk @!p0 vm0, v2  }
0xee: {  	[tilespmem:s28], [sflag:$0x1] =	stream.indirect.gather @!p0 [hbm4b:s1+s26], $0x20, s4, s26, $0xb8;
	[tilespmem:$0x1F000] =	vst v63  }
0xef: {  	_ =	swait.ge @!p0 [sflag:s29], $0x10000  }
0xf0: {  	[sflag:s29] =	ssyncset.done @!p0 $0x0  }
0xf1: {  	s4 =	simm.s32 @!p0 $0x2;
	[sflag:s29] =	ssyncadd.s32 @!p0 $0xFFFF0000  }
0xf2: {  	[spmem:s2] =	stream.indirect.scatter.add.f32 @!p0 [tilespmem:s28], [sflag:$0x2], $0x20, s25, s26, $0xb8;
	[tilespmem:$0x1F000] =	vst v63  }
0xf3: {  	_ =	swait.ge @!p0 [sflag:s4], $0x10000  }
0xf4: {  	[sflag:s4] =	ssyncset.done @!p0 $0x0  }
0xf5: {  	[sflag:s4] =	ssyncadd.s32 @!p0 $0xFFFF0000  }
0xf6: {  	s24 =	sadd.s32 $0x1, s24;
	v63 =	vld [tilespmem:s0+$0x0]  }
0xf7: {  	s3 =	simm.s32 @!p0 $0x0;
	p0 =	sne.s32 s24, $0x32  }
.Ltmp6:
0xf8: {  	_ = 	snop;
	(pc) =	sbr.rel @p0 .LBB2_12-.Ltmp6, $3  }
0xf9: {  	_ =	sdelay $0x1  }
0xfa: {  	[tilespmem:s3+$0x1000] =	vst.msk vm15, v63;
	s31 =	spop (v2sf)  }
0xfb: {  	[tilespmem:s3+$0x1800] =	vst.msk vm15, v8;
	s25 =	sadd.s32 s31, s3  }
0xfc: {  	s0 =	ssub.s32 $0x800, s25  }
0xfd: {  	v9 =	vadd.s32 s25, v0;
	v8 =	vmov s0  }
0xfe: {  	vm0 =	vlt.s32 v9, $0x7FF;
	vm3 =	vgt.s32 v8, v0  }
0xff: {  	s23 =	sadd.s32 $0x10, s25;
	v8 =	vnsel vm0, $0x7FF, v9;
	vm1 =	vmmov vm3  }
0x100: {  	p0 =	slt.s32 s23, $0x800  }
0x101: {  	s23 =	simm.s32 @!p0 $0x800  }
0x102: {  	s31 =	ssub.s32 $0x800, s23  }
0x103: {  	v9 =	vadd.s32 s23, v0;
	v10 =	vmov s31  }
0x104: {  	s24 =	simm.s32 $0x7E;
	vm2 =	vlt.s32 v9, $0x7FF;
	vm0 =	vgt.s32 v10, v0;
	[tilespmem:v8+s18+$0x0] =	vst.idx.msk vm3, v1  }
.LBB2_16:
0x105: {  	p0 =	sne.s32 s24, $0x1;
	s24 =	sadd.s32 $0xFFFFFFFF, s24;
	s23 =	sadd.s32 $0x10, s23;
	[tilespmem:v8+s19+$0x0] =	vst.idx.msk vm1, v2;
	v8 =	vnsel vm2, $0x7FF, v9;
	vm1 =	vmmov vm0  }
.Ltmp7:
0x106: {  	p1 =	slt.s32 s23, $0x800;
	(pc) =	sbr.rel @p0 .LBB2_16-.Ltmp7, $4  }
0x107: {  	s23 =	simm.s32 @!p1 $0x800  }
0x108: {  	s0 =	ssub.s32 $0x800, s23  }
0x109: {  	v9 =	vadd.s32 s23, v0;
	v10 =	vmov s0  }
0x10a: {  	vm2 =	vlt.s32 v9, $0x7FF;
	[tilespmem:v8+s18+$0x0] =	vst.idx.msk vm0, v1;
	vm0 =	vgt.s32 v10, v0  }
0x10b: {  	_ = 	snop  }
0x10c: {  	v9 =	vnsel vm2, $0x7FF, v9;
	_ =	sdelay $0x3  }
0x10d: {  	[tilespmem:v8+s19+$0x0] =	vst.idx.msk vm1, v2  }
0x10e: {  	[tilespmem:v9+s18+$0x0] =	vst.idx.msk vm0, v1  }
0x10f: {  	[tilespmem:v9+s19+$0x0] =	vst.idx.msk vm0, v2  }
0x110: {  	[tilespmem:s20], [sflag:$0x1] =	stream.indirect.gather [hbm4b:s1+s17], $0x20, s18, s17, $0xb8;
	[tilespmem:$0x1F000] =	vst v63  }
0x111: {  	_ =	swait.ge [sflag:s21], $0x10000  }
0x112: {  	[sflag:s21] =	ssyncset.done $0x0  }
0x113: {  	[sflag:s21] =	ssyncadd.s32 $0xFFFF0000  }
0x114: {  	[spmem:s2] =	stream.indirect.scatter.add.f32 [tilespmem:s20], [sflag:$0x2], $0x20, s19, s17, $0xb8;
	[tilespmem:$0x1F000] =	vst v63  }
0x115: {  	_ =	swait.ge [sflag:s16], $0x10000  }
0x116: {  	[sflag:s16] =	ssyncset.done $0x0  }
0x117: {  	[sflag:s16] =	ssyncadd.s32 $0xFFFF0000  }
0x118: {  	[bflag:$0x0] =	sbarrier.arrive $0xFFFF  }
0x119: {  	[tilespmem:s15], [sflag:$0x2] =	stream.linear.gather [spmem:s9], $0x6400, $0x38;
	[tilespmem:$0x1F000] =	vst v63  }
0x11a: {  	_ =	swait.ge [sflag:s16], $0x6400  }
0x11b: {  	[sflag:s16] =	ssyncset.done $0x0  }
0x11c: {  	s0 =	simm.s32 $0x0;
	[sflag:s16] =	ssyncadd.s32 $0xFFFF9C00  }
0x11d: {  	[hbm4b:s11+s0] =	stream.linear.scatter [tilespmem:s15], [sflag:$0x2], $0x6400, $0x38;
	[tilespmem:$0x1F000] =	vst v63  }
0x11e: {  	_ =	swait.ge [sflag:s16], $0x6400  }
0x11f: {  	[sflag:s16] =	ssyncset.done $0x0  }
0x120: {  	[sflag:s16] =	ssyncadd.s32 $0xFFFF9C00  }
0x121: {  	vm15 =	vmmov vm0;
	s23 =	simm.s32 $0x80;
	s24 =	simm.s32 $0x0;
	[bflag:$0x0] =	sbarrier.arrive $0xFFFF  }
.LBB2_18:
0x122: {  	p0 =	sne.s32 s23, $0x19F80;
	[tilespmem:s24+$0x12000] =	vst v7;
	s0 =	smov.u32 s23;
	s23 =	sadd.s32 $0x80, s23  }
.Ltmp8:
0x123: {  	[tilespmem:s24+$0x12010] =	vst v7;
	(pc) =	sbr.rel @p0 .LBB2_18-.Ltmp8, $2  }
0x124: {  	_ =	sdelay $0x2  }
0x125: {  	s24 =	sshra.s32 s0, $0x2  }
0x126: {  	[tilespmem:s24+$0x12000] =	vst v7  }
0x127: {  	[tilespmem:s24+$0x12010] =	vst v7  }
0x128: {  	[spmem:s8] =	stream.linear.scatter [tilespmem:s15], [sflag:$0x2], $0x6800, $0x38;
	[tilespmem:$0x1F000] =	vst v63  }
0x129: {  	_ =	swait.ge [sflag:s16], $0x6800  }
0x12a: {  	[sflag:s16] =	ssyncset.done $0x0  }
0x12b: {  	s23 =	simm.s32 $0x0;
	[sflag:s16] =	ssyncadd.s32 $0xFFFF9800  }
0x12c: {  	s25 =	simm.s32 $0x0;
	s24 =	simm.s32 $0x0;
	[bflag:$0x0] =	sbarrier.arrive $0xFFFF  }
.LBB2_20:
0x12d: {  	s0 =	sshll.u32 s24, $0xB  }
0x12e: {  	s0 =	sadd.s32 s7, s0  }
0x12f: {  	s0 =	sshrl.u32 s0, $0x3  }
0x130: {  	s3 =	sadd.s32 s5, s0  }
0x131: {  	[tilespmem:s23], [sflag:$0x2] =	stream.linear.gather [hbm4b:s3+s23], $0x800, $0x38;
	[tilespmem:$0x1F000] =	vst v63  }
0x132: {  	_ =	swait.ge [sflag:s16], $0x800  }
0x133: {  	[sflag:s16] =	ssyncset.done $0x0  }
0x134: {  	s0 =	sadd.s32 s6, s0;
	[sflag:s16] =	ssyncadd.s32 $0xFFFFF800  }
0x135: {  	[tilespmem:s17], [sflag:$0x2] =	stream.linear.gather [hbm4b:s0+s23], $0x800, $0x38;
	[tilespmem:$0x1F000] =	vst v63  }
0x136: {  	_ =	swait.ge [sflag:s16], $0x800  }
0x137: {  	[sflag:s16] =	ssyncset.done $0x0  }
0x138: {  	s31 =	simm.s32 $0x0;
	[sflag:s16] =	ssyncadd.s32 $0xFFFFF800  }
0x139: {  	p0 =	slt.s32 s25, $0x7F1;
	v8 =	vld [tilespmem:s31+$0x800]  }
0x13a: {  	v9 =	vlaneseq.u32 @!p0;
	s3 =	ssub.s32 @!p0 $0x800, s25  }
0x13b: {  	v11 =	vadd.s32 @!p0 s25, v9;
	v10 =	vmov @!p0 s3  }
0x13c: {  	vm0 =	vlt.s32 @!p0 v11, $0x7FF;
	vm1 =	vgt.s32 @!p0 v10, v9  }
0x13d: {  	v9 =	vnsel @!p0 vm0, $0x7FF, v11  }
0x13e: {  	v8 =	vsub.s32 v8, v5  }
0x13f: {  	vm0 =	vlt.u32 v8, $0x3200  }
0x140: {  	v10 =	vmpcnt.ones.xlane vm0  }
0x141: {  	s3 =	simm.s32 @!p0 $0x1000  }
0x142: {  	s4 =	simm.s32 @!p0 $0x1800;
	[tilespmem:v9+s3+$0x0] =	vst.idx.msk @!p0 vm1, v1;
	(v2sf) =	vpush v10, $0x0  }
0x143: {  	s26 =	simm.s32 @!p0 $0x800;
	s28 =	simm.s32 @!p0 $0x2000;
	s29 =	simm.s32 @!p0 $0x1;
	[tilespmem:v9+s4+$0x0] =	vst.idx.msk @!p0 vm1, v2  }
0x144: {  	[tilespmem:s28], [sflag:$0x1] =	stream.indirect.gather @!p0 [hbm4b:s1+s26], $0x20, s3, s26, $0xb8;
	[tilespmem:$0x1F000] =	vst v63  }
0x145: {  	_ =	swait.ge @!p0 [sflag:s29], $0x10000  }
0x146: {  	[sflag:s29] =	ssyncset.done @!p0 $0x0  }
0x147: {  	s3 =	simm.s32 @!p0 $0x2;
	[sflag:s29] =	ssyncadd.s32 @!p0 $0xFFFF0000  }
0x148: {  	[spmem:s2] =	stream.indirect.scatter.add.f32 @!p0 [tilespmem:s28], [sflag:$0x2], $0x20, s4, s26, $0xb8;
	[tilespmem:$0x1F000] =	vst v63  }
0x149: {  	_ =	swait.ge @!p0 [sflag:s3], $0x10000  }
0x14a: {  	[sflag:s3] =	ssyncset.done @!p0 $0x0  }
0x14b: {  	[sflag:s3] =	ssyncadd.s32 @!p0 $0xFFFF0000  }
0x14c: {  	v9 =	vld [tilespmem:s31+$0x0];
	_ =	sdelay $0x3  }
0x14d: {  	s25 =	simm.s32 @!p0 $0x0  }
0x14e: {  	s28 =	simm.s32 $0x40;
	s26 =	simm.s32 $0x80;
	[tilespmem:s25+$0x1000] =	vst.msk vm0, v9;
	s29 =	spop (v2sf)  }
.LBB2_21:
0x14f: {  	s0 =	sshra.s32 s28, $0x2  }
0x150: {  	[tilespmem:s25+$0x1800] =	vst.msk vm0, v8;
	s25 =	sadd.s32 s29, s25;
	s28 =	smov.u32 s26;
	s26 =	sadd.s32 $0x40, s26  }
0x151: {  	p0 =	sne.s32 s26, $0x2000;
	v8 =	vld [tilespmem:s0+$0x800];
	p1 =	slt.s32 s25, $0x7F1  }
0x152: {  	s3 =	ssub.s32 @!p1 $0x800, s25;
	v9 =	vlaneseq.u32 @!p1  }
0x153: {  	v10 =	vmov @!p1 s3;
	v11 =	vadd.s32 @!p1 s25, v9  }
0x154: {  	vm1 =	vgt.s32 @!p1 v10, v9;
	vm0 =	vlt.s32 @!p1 v11, $0x7FF  }
0x155: {  	v9 =	vnsel @!p1 vm0, $0x7FF, v11  }
0x156: {  	v8 =	vsub.s32 v8, v5  }
0x157: {  	vm0 =	vlt.u32 v8, $0x3200  }
0x158: {  	v10 =	vmpcnt.ones.xlane vm0  }
0x159: {  	s3 =	simm.s32 @!p1 $0x1000  }
0x15a: {  	s4 =	simm.s32 @!p1 $0x1800;
	[tilespmem:v9+s3+$0x0] =	vst.idx.msk @!p1 vm1, v1;
	(v2sf) =	vpush v10, $0x0  }
0x15b: {  	s29 =	simm.s32 @!p1 $0x800;
	s30 =	simm.s32 @!p1 $0x2000;
	s31 =	simm.s32 @!p1 $0x1;
	[tilespmem:v9+s4+$0x0] =	vst.idx.msk @!p1 vm1, v2  }
0x15c: {  	[tilespmem:s30], [sflag:$0x1] =	stream.indirect.gather @!p1 [hbm4b:s1+s29], $0x20, s3, s29, $0xb8;
	[tilespmem:$0x1F000] =	vst v63  }
0x15d: {  	_ =	swait.ge @!p1 [sflag:s31], $0x10000  }
0x15e: {  	[sflag:s31] =	ssyncset.done @!p1 $0x0  }
0x15f: {  	s3 =	simm.s32 @!p1 $0x2;
	[sflag:s31] =	ssyncadd.s32 @!p1 $0xFFFF0000  }
0x160: {  	[spmem:s2] =	stream.indirect.scatter.add.f32 @!p1 [tilespmem:s30], [sflag:$0x2], $0x20, s4, s29, $0xb8;
	[tilespmem:$0x1F000] =	vst v63  }
0x161: {  	_ =	swait.ge @!p1 [sflag:s3], $0x10000  }
0x162: {  	[sflag:s3] =	ssyncset.done @!p1 $0x0  }
0x163: {  	[sflag:s3] =	ssyncadd.s32 @!p1 $0xFFFF0000  }
0x164: {  	v9 =	vld [tilespmem:s0+$0x0]  }
.Ltmp9:
0x165: {  	(pc) =	sbr.rel @p0 .LBB2_21-.Ltmp9, $3  }
0x166: {  	_ =	sdelay $0x1  }
0x167: {  	s25 =	simm.s32 @!p1 $0x0  }
0x168: {  	[tilespmem:s25+$0x1000] =	vst.msk vm0, v9;
	s29 =	spop (v2sf)  }
0x169: {  	s0 =	sshra.s32 s28, $0x2;
	[tilespmem:s25+$0x1800] =	vst.msk vm0, v8;
	s3 =	sadd.s32 s29, s25  }
0x16a: {  	v8 =	vld [tilespmem:s0+$0x800];
	p0 =	slt.s32 s3, $0x7F1  }
0x16b: {  	s4 =	ssub.s32 @!p0 $0x800, s3;
	v9 =	vlaneseq.u32 @!p0  }
0x16c: {  	v10 =	vmov @!p0 s4;
	v11 =	vadd.s32 @!p0 s3, v9  }
0x16d: {  	vm0 =	vgt.s32 @!p0 v10, v9;
	vm1 =	vlt.s32 @!p0 v11, $0x7FF  }
0x16e: {  	v9 =	vnsel @!p0 vm1, $0x7FF, v11  }
0x16f: {  	v8 =	vsub.s32 v8, v5  }
0x170: {  	vm15 =	vlt.u32 v8, $0x3200  }
0x171: {  	v62 =	vmpcnt.ones.xlane vm15  }
0x172: {  	s4 =	simm.s32 @!p0 $0x1000  }
0x173: {  	s25 =	simm.s32 @!p0 $0x1800;
	[tilespmem:v9+s4+$0x0] =	vst.idx.msk @!p0 vm0, v1;
	(v2sf) =	vpush v62, $0x0  }
0x174: {  	s26 =	simm.s32 @!p0 $0x800;
	s28 =	simm.s32 @!p0 $0x2000;
	s29 =	simm.s32 @!p0 $0x1;
	[tilespmem:v9+s25+$0x0] =	vst.idx.msk @!p0 vm0, v2  }
0x175: {  	[tilespmem:s28], [sflag:$0x1] =	stream.indirect.gather @!p0 [hbm4b:s1+s26], $0x20, s4, s26, $0xb8;
	[tilespmem:$0x1F000] =	vst v63  }
0x176: {  	_ =	swait.ge @!p0 [sflag:s29], $0x10000  }
0x177: {  	[sflag:s29] =	ssyncset.done @!p0 $0x0  }
0x178: {  	s4 =	simm.s32 @!p0 $0x2;
	[sflag:s29] =	ssyncadd.s32 @!p0 $0xFFFF0000  }
0x179: {  	[spmem:s2] =	stream.indirect.scatter.add.f32 @!p0 [tilespmem:s28], [sflag:$0x2], $0x20, s25, s26, $0xb8;
	[tilespmem:$0x1F000] =	vst v63  }
0x17a: {  	_ =	swait.ge @!p0 [sflag:s4], $0x10000  }
0x17b: {  	[sflag:s4] =	ssyncset.done @!p0 $0x0  }
0x17c: {  	[sflag:s4] =	ssyncadd.s32 @!p0 $0xFFFF0000  }
0x17d: {  	s24 =	sadd.s32 $0x1, s24;
	v63 =	vld [tilespmem:s0+$0x0]  }
0x17e: {  	s3 =	simm.s32 @!p0 $0x0;
	p0 =	sne.s32 s24, $0x32  }
.Ltmp10:
0x17f: {  	_ = 	snop;
	(pc) =	sbr.rel @p0 .LBB2_20-.Ltmp10, $3  }
0x180: {  	_ =	sdelay $0x1  }
0x181: {  	[tilespmem:s3+$0x1000] =	vst.msk vm15, v63;
	s31 =	spop (v2sf)  }
0x182: {  	[tilespmem:s3+$0x1800] =	vst.msk vm15, v8;
	s25 =	sadd.s32 s31, s3  }
0x183: {  	s0 =	ssub.s32 $0x800, s25  }
0x184: {  	v9 =	vadd.s32 s25, v0;
	v8 =	vmov s0  }
0x185: {  	vm0 =	vlt.s32 v9, $0x7FF;
	vm3 =	vgt.s32 v8, v0  }
0x186: {  	s23 =	sadd.s32 $0x10, s25;
	v8 =	vnsel vm0, $0x7FF, v9;
	vm1 =	vmmov vm3  }
0x187: {  	p0 =	slt.s32 s23, $0x800  }
0x188: {  	s23 =	simm.s32 @!p0 $0x800  }
0x189: {  	s31 =	ssub.s32 $0x800, s23  }
0x18a: {  	v9 =	vadd.s32 s23, v0;
	v10 =	vmov s31  }
0x18b: {  	s24 =	simm.s32 $0x7E;
	vm2 =	vlt.s32 v9, $0x7FF;
	vm0 =	vgt.s32 v10, v0;
	[tilespmem:v8+s18+$0x0] =	vst.idx.msk vm3, v1  }
.LBB2_24:
0x18c: {  	p0 =	sne.s32 s24, $0x1;
	s24 =	sadd.s32 $0xFFFFFFFF, s24;
	s23 =	sadd.s32 $0x10, s23;
	[tilespmem:v8+s19+$0x0] =	vst.idx.msk vm1, v2;
	v8 =	vnsel vm2, $0x7FF, v9;
	vm1 =	vmmov vm0  }
.Ltmp11:
0x18d: {  	p1 =	slt.s32 s23, $0x800;
	(pc) =	sbr.rel @p0 .LBB2_24-.Ltmp11, $4  }
0x18e: {  	s23 =	simm.s32 @!p1 $0x800  }
0x18f: {  	s0 =	ssub.s32 $0x800, s23  }
0x190: {  	v9 =	vadd.s32 s23, v0;
	v10 =	vmov s0  }
0x191: {  	vm2 =	vlt.s32 v9, $0x7FF;
	[tilespmem:v8+s18+$0x0] =	vst.idx.msk vm0, v1;
	vm0 =	vgt.s32 v10, v0  }
0x192: {  	_ = 	snop  }
0x193: {  	v9 =	vnsel vm2, $0x7FF, v9;
	_ =	sdelay $0x3  }
0x194: {  	[tilespmem:v8+s19+$0x0] =	vst.idx.msk vm1, v2  }
0x195: {  	[tilespmem:v9+s18+$0x0] =	vst.idx.msk vm0, v1  }
0x196: {  	[tilespmem:v9+s19+$0x0] =	vst.idx.msk vm0, v2  }
0x197: {  	[tilespmem:s20], [sflag:$0x1] =	stream.indirect.gather [hbm4b:s1+s17], $0x20, s18, s17, $0xb8;
	[tilespmem:$0x1F000] =	vst v63  }
0x198: {  	_ =	swait.ge [sflag:s21], $0x10000  }
0x199: {  	[sflag:s21] =	ssyncset.done $0x0  }
0x19a: {  	[sflag:s21] =	ssyncadd.s32 $0xFFFF0000  }
0x19b: {  	[spmem:s2] =	stream.indirect.scatter.add.f32 [tilespmem:s20], [sflag:$0x2], $0x20, s19, s17, $0xb8;
	[tilespmem:$0x1F000] =	vst v63  }
0x19c: {  	_ =	swait.ge [sflag:s16], $0x10000  }
0x19d: {  	[sflag:s16] =	ssyncset.done $0x0  }
0x19e: {  	[sflag:s16] =	ssyncadd.s32 $0xFFFF0000  }
0x19f: {  	[bflag:$0x0] =	sbarrier.arrive $0xFFFF  }
0x1a0: {  	[tilespmem:s15], [sflag:$0x2] =	stream.linear.gather [spmem:s9], $0x6400, $0x38;
	[tilespmem:$0x1F000] =	vst v63  }
0x1a1: {  	_ =	swait.ge [sflag:s16], $0x6400  }
0x1a2: {  	[sflag:s16] =	ssyncset.done $0x0  }
0x1a3: {  	s0 =	simm.s32 $0x0;
	[sflag:s16] =	ssyncadd.s32 $0xFFFF9C00  }
0x1a4: {  	[hbm4b:s12+s0] =	stream.linear.scatter [tilespmem:s15], [sflag:$0x2], $0x6400, $0x38;
	[tilespmem:$0x1F000] =	vst v63  }
0x1a5: {  	_ =	swait.ge [sflag:s16], $0x6400  }
0x1a6: {  	[sflag:s16] =	ssyncset.done $0x0  }
0x1a7: {  	[sflag:s16] =	ssyncadd.s32 $0xFFFF9C00  }
0x1a8: {  	vm15 =	vmmov vm0;
	s23 =	simm.s32 $0x80;
	s24 =	simm.s32 $0x0;
	[bflag:$0x0] =	sbarrier.arrive $0xFFFF  }
.LBB2_26:
0x1a9: {  	p0 =	sne.s32 s23, $0x19F80;
	[tilespmem:s24+$0x12000] =	vst v7;
	s0 =	smov.u32 s23;
	s23 =	sadd.s32 $0x80, s23  }
.Ltmp12:
0x1aa: {  	[tilespmem:s24+$0x12010] =	vst v7;
	(pc) =	sbr.rel @p0 .LBB2_26-.Ltmp12, $2  }
0x1ab: {  	_ =	sdelay $0x2  }
0x1ac: {  	s24 =	sshra.s32 s0, $0x2  }
0x1ad: {  	[tilespmem:s24+$0x12000] =	vst v7  }
0x1ae: {  	[tilespmem:s24+$0x12010] =	vst v7  }
0x1af: {  	[spmem:s8] =	stream.linear.scatter [tilespmem:s15], [sflag:$0x2], $0x6800, $0x38;
	[tilespmem:$0x1F000] =	vst v63  }
0x1b0: {  	_ =	swait.ge [sflag:s16], $0x6800  }
0x1b1: {  	[sflag:s16] =	ssyncset.done $0x0  }
0x1b2: {  	s23 =	simm.s32 $0x0;
	[sflag:s16] =	ssyncadd.s32 $0xFFFF9800  }
0x1b3: {  	s25 =	simm.s32 $0x0;
	s24 =	simm.s32 $0x0;
	[bflag:$0x0] =	sbarrier.arrive $0xFFFF  }
.LBB2_28:
0x1b4: {  	s0 =	sshll.u32 s24, $0xB  }
0x1b5: {  	s0 =	sadd.s32 s7, s0  }
0x1b6: {  	s0 =	sshrl.u32 s0, $0x3  }
0x1b7: {  	s3 =	sadd.s32 s5, s0  }
0x1b8: {  	[tilespmem:s23], [sflag:$0x2] =	stream.linear.gather [hbm4b:s3+s23], $0x800, $0x38;
	[tilespmem:$0x1F000] =	vst v63  }
0x1b9: {  	_ =	swait.ge [sflag:s16], $0x800  }
0x1ba: {  	[sflag:s16] =	ssyncset.done $0x0  }
0x1bb: {  	s0 =	sadd.s32 s6, s0;
	[sflag:s16] =	ssyncadd.s32 $0xFFFFF800  }
0x1bc: {  	[tilespmem:s17], [sflag:$0x2] =	stream.linear.gather [hbm4b:s0+s23], $0x800, $0x38;
	[tilespmem:$0x1F000] =	vst v63  }
0x1bd: {  	_ =	swait.ge [sflag:s16], $0x800  }
0x1be: {  	[sflag:s16] =	ssyncset.done $0x0  }
0x1bf: {  	s31 =	simm.s32 $0x0;
	[sflag:s16] =	ssyncadd.s32 $0xFFFFF800  }
0x1c0: {  	p0 =	slt.s32 s25, $0x7F1;
	v8 =	vld [tilespmem:s31+$0x800]  }
0x1c1: {  	v9 =	vlaneseq.u32 @!p0;
	s3 =	ssub.s32 @!p0 $0x800, s25  }
0x1c2: {  	v11 =	vadd.s32 @!p0 s25, v9;
	v10 =	vmov @!p0 s3  }
0x1c3: {  	vm0 =	vlt.s32 @!p0 v11, $0x7FF;
	vm1 =	vgt.s32 @!p0 v10, v9  }
0x1c4: {  	v9 =	vnsel @!p0 vm0, $0x7FF, v11  }
0x1c5: {  	v8 =	vsub.s32 v8, v6  }
0x1c6: {  	vm0 =	vlt.u32 v8, $0x3200  }
0x1c7: {  	v10 =	vmpcnt.ones.xlane vm0  }
0x1c8: {  	s3 =	simm.s32 @!p0 $0x1000  }
0x1c9: {  	s4 =	simm.s32 @!p0 $0x1800;
	[tilespmem:v9+s3+$0x0] =	vst.idx.msk @!p0 vm1, v1;
	(v2sf) =	vpush v10, $0x0  }
0x1ca: {  	s26 =	simm.s32 @!p0 $0x800;
	s28 =	simm.s32 @!p0 $0x2000;
	s29 =	simm.s32 @!p0 $0x1;
	[tilespmem:v9+s4+$0x0] =	vst.idx.msk @!p0 vm1, v2  }
0x1cb: {  	[tilespmem:s28], [sflag:$0x1] =	stream.indirect.gather @!p0 [hbm4b:s1+s26], $0x20, s3, s26, $0xb8;
	[tilespmem:$0x1F000] =	vst v63  }
0x1cc: {  	_ =	swait.ge @!p0 [sflag:s29], $0x10000  }
0x1cd: {  	[sflag:s29] =	ssyncset.done @!p0 $0x0  }
0x1ce: {  	s3 =	simm.s32 @!p0 $0x2;
	[sflag:s29] =	ssyncadd.s32 @!p0 $0xFFFF0000  }
0x1cf: {  	[spmem:s2] =	stream.indirect.scatter.add.f32 @!p0 [tilespmem:s28], [sflag:$0x2], $0x20, s4, s26, $0xb8;
	[tilespmem:$0x1F000] =	vst v63  }
0x1d0: {  	_ =	swait.ge @!p0 [sflag:s3], $0x10000  }
0x1d1: {  	[sflag:s3] =	ssyncset.done @!p0 $0x0  }
0x1d2: {  	[sflag:s3] =	ssyncadd.s32 @!p0 $0xFFFF0000  }
0x1d3: {  	v9 =	vld [tilespmem:s31+$0x0];
	_ =	sdelay $0x3  }
0x1d4: {  	s25 =	simm.s32 @!p0 $0x0  }
0x1d5: {  	s28 =	simm.s32 $0x40;
	s26 =	simm.s32 $0x80;
	[tilespmem:s25+$0x1000] =	vst.msk vm0, v9;
	s29 =	spop (v2sf)  }
.LBB2_29:
0x1d6: {  	s0 =	sshra.s32 s28, $0x2  }
0x1d7: {  	[tilespmem:s25+$0x1800] =	vst.msk vm0, v8;
	s25 =	sadd.s32 s29, s25;
	s28 =	smov.u32 s26;
	s26 =	sadd.s32 $0x40, s26  }
0x1d8: {  	p0 =	sne.s32 s26, $0x2000;
	v8 =	vld [tilespmem:s0+$0x800];
	p1 =	slt.s32 s25, $0x7F1  }
0x1d9: {  	s3 =	ssub.s32 @!p1 $0x800, s25;
	v9 =	vlaneseq.u32 @!p1  }
0x1da: {  	v10 =	vmov @!p1 s3;
	v11 =	vadd.s32 @!p1 s25, v9  }
0x1db: {  	vm1 =	vgt.s32 @!p1 v10, v9;
	vm0 =	vlt.s32 @!p1 v11, $0x7FF  }
0x1dc: {  	v9 =	vnsel @!p1 vm0, $0x7FF, v11  }
0x1dd: {  	v8 =	vsub.s32 v8, v6  }
0x1de: {  	vm0 =	vlt.u32 v8, $0x3200  }
0x1df: {  	v10 =	vmpcnt.ones.xlane vm0  }
0x1e0: {  	s3 =	simm.s32 @!p1 $0x1000  }
0x1e1: {  	s4 =	simm.s32 @!p1 $0x1800;
	[tilespmem:v9+s3+$0x0] =	vst.idx.msk @!p1 vm1, v1;
	(v2sf) =	vpush v10, $0x0  }
0x1e2: {  	s29 =	simm.s32 @!p1 $0x800;
	s30 =	simm.s32 @!p1 $0x2000;
	s31 =	simm.s32 @!p1 $0x1;
	[tilespmem:v9+s4+$0x0] =	vst.idx.msk @!p1 vm1, v2  }
0x1e3: {  	[tilespmem:s30], [sflag:$0x1] =	stream.indirect.gather @!p1 [hbm4b:s1+s29], $0x20, s3, s29, $0xb8;
	[tilespmem:$0x1F000] =	vst v63  }
0x1e4: {  	_ =	swait.ge @!p1 [sflag:s31], $0x10000  }
0x1e5: {  	[sflag:s31] =	ssyncset.done @!p1 $0x0  }
0x1e6: {  	s3 =	simm.s32 @!p1 $0x2;
	[sflag:s31] =	ssyncadd.s32 @!p1 $0xFFFF0000  }
0x1e7: {  	[spmem:s2] =	stream.indirect.scatter.add.f32 @!p1 [tilespmem:s30], [sflag:$0x2], $0x20, s4, s29, $0xb8;
	[tilespmem:$0x1F000] =	vst v63  }
0x1e8: {  	_ =	swait.ge @!p1 [sflag:s3], $0x10000  }
0x1e9: {  	[sflag:s3] =	ssyncset.done @!p1 $0x0  }
0x1ea: {  	[sflag:s3] =	ssyncadd.s32 @!p1 $0xFFFF0000  }
0x1eb: {  	v9 =	vld [tilespmem:s0+$0x0]  }
.Ltmp13:
0x1ec: {  	(pc) =	sbr.rel @p0 .LBB2_29-.Ltmp13, $3  }
0x1ed: {  	_ =	sdelay $0x1  }
0x1ee: {  	s25 =	simm.s32 @!p1 $0x0  }
0x1ef: {  	[tilespmem:s25+$0x1000] =	vst.msk vm0, v9;
	s29 =	spop (v2sf)  }
0x1f0: {  	s0 =	sshra.s32 s28, $0x2;
	[tilespmem:s25+$0x1800] =	vst.msk vm0, v8;
	s3 =	sadd.s32 s29, s25  }
0x1f1: {  	v8 =	vld [tilespmem:s0+$0x800];
	p0 =	slt.s32 s3, $0x7F1  }
0x1f2: {  	s4 =	ssub.s32 @!p0 $0x800, s3;
	v9 =	vlaneseq.u32 @!p0  }
0x1f3: {  	v10 =	vmov @!p0 s4;
	v11 =	vadd.s32 @!p0 s3, v9  }
0x1f4: {  	vm0 =	vgt.s32 @!p0 v10, v9;
	vm1 =	vlt.s32 @!p0 v11, $0x7FF  }
0x1f5: {  	v9 =	vnsel @!p0 vm1, $0x7FF, v11  }
0x1f6: {  	v8 =	vsub.s32 v8, v6  }
0x1f7: {  	vm15 =	vlt.u32 v8, $0x3200  }
0x1f8: {  	v62 =	vmpcnt.ones.xlane vm15  }
0x1f9: {  	s4 =	simm.s32 @!p0 $0x1000  }
0x1fa: {  	s25 =	simm.s32 @!p0 $0x1800;
	[tilespmem:v9+s4+$0x0] =	vst.idx.msk @!p0 vm0, v1;
	(v2sf) =	vpush v62, $0x0  }
0x1fb: {  	s26 =	simm.s32 @!p0 $0x800;
	s28 =	simm.s32 @!p0 $0x2000;
	s29 =	simm.s32 @!p0 $0x1;
	[tilespmem:v9+s25+$0x0] =	vst.idx.msk @!p0 vm0, v2  }
0x1fc: {  	[tilespmem:s28], [sflag:$0x1] =	stream.indirect.gather @!p0 [hbm4b:s1+s26], $0x20, s4, s26, $0xb8;
	[tilespmem:$0x1F000] =	vst v63  }
0x1fd: {  	_ =	swait.ge @!p0 [sflag:s29], $0x10000  }
0x1fe: {  	[sflag:s29] =	ssyncset.done @!p0 $0x0  }
0x1ff: {  	s4 =	simm.s32 @!p0 $0x2;
	[sflag:s29] =	ssyncadd.s32 @!p0 $0xFFFF0000  }
0x200: {  	[spmem:s2] =	stream.indirect.scatter.add.f32 @!p0 [tilespmem:s28], [sflag:$0x2], $0x20, s25, s26, $0xb8;
	[tilespmem:$0x1F000] =	vst v63  }
0x201: {  	_ =	swait.ge @!p0 [sflag:s4], $0x10000  }
0x202: {  	[sflag:s4] =	ssyncset.done @!p0 $0x0  }
0x203: {  	[sflag:s4] =	ssyncadd.s32 @!p0 $0xFFFF0000  }
0x204: {  	s24 =	sadd.s32 $0x1, s24;
	v63 =	vld [tilespmem:s0+$0x0]  }
0x205: {  	s3 =	simm.s32 @!p0 $0x0;
	p0 =	sne.s32 s24, $0x32  }
.Ltmp14:
0x206: {  	_ = 	snop;
	(pc) =	sbr.rel @p0 .LBB2_28-.Ltmp14, $3  }
0x207: {  	_ =	sdelay $0x1  }
0x208: {  	[tilespmem:s3+$0x1000] =	vst.msk vm15, v63;
	s31 =	spop (v2sf)  }
0x209: {  	[tilespmem:s3+$0x1800] =	vst.msk vm15, v8;
	s25 =	sadd.s32 s31, s3  }
0x20a: {  	s0 =	ssub.s32 $0x800, s25  }
0x20b: {  	v9 =	vadd.s32 s25, v0;
	v8 =	vmov s0  }
0x20c: {  	vm0 =	vlt.s32 v9, $0x7FF;
	vm3 =	vgt.s32 v8, v0  }
0x20d: {  	s23 =	sadd.s32 $0x10, s25;
	v8 =	vnsel vm0, $0x7FF, v9;
	vm1 =	vmmov vm3  }
0x20e: {  	p0 =	slt.s32 s23, $0x800  }
0x20f: {  	s23 =	simm.s32 @!p0 $0x800  }
0x210: {  	s31 =	ssub.s32 $0x800, s23  }
0x211: {  	v9 =	vadd.s32 s23, v0;
	v10 =	vmov s31  }
0x212: {  	s24 =	simm.s32 $0x7E;
	vm2 =	vlt.s32 v9, $0x7FF;
	vm0 =	vgt.s32 v10, v0;
	[tilespmem:v8+s18+$0x0] =	vst.idx.msk vm3, v1  }
.LBB2_32:
0x213: {  	p0 =	sne.s32 s24, $0x1;
	s24 =	sadd.s32 $0xFFFFFFFF, s24;
	s23 =	sadd.s32 $0x10, s23;
	[tilespmem:v8+s19+$0x0] =	vst.idx.msk vm1, v2;
	v8 =	vnsel vm2, $0x7FF, v9;
	vm1 =	vmmov vm0  }
.Ltmp15:
0x214: {  	p1 =	slt.s32 s23, $0x800;
	(pc) =	sbr.rel @p0 .LBB2_32-.Ltmp15, $4  }
0x215: {  	s23 =	simm.s32 @!p1 $0x800  }
0x216: {  	s0 =	ssub.s32 $0x800, s23  }
0x217: {  	v9 =	vadd.s32 s23, v0;
	v10 =	vmov s0  }
0x218: {  	vm2 =	vlt.s32 v9, $0x7FF;
	[tilespmem:v8+s18+$0x0] =	vst.idx.msk vm0, v1;
	vm0 =	vgt.s32 v10, v0  }
0x219: {  	_ = 	snop  }
0x21a: {  	v9 =	vnsel vm2, $0x7FF, v9;
	_ =	sdelay $0x3  }
0x21b: {  	[tilespmem:v8+s19+$0x0] =	vst.idx.msk vm1, v2  }
0x21c: {  	[tilespmem:v9+s18+$0x0] =	vst.idx.msk vm0, v1  }
0x21d: {  	[tilespmem:v9+s19+$0x0] =	vst.idx.msk vm0, v2  }
0x21e: {  	[tilespmem:s20], [sflag:$0x1] =	stream.indirect.gather [hbm4b:s1+s17], $0x20, s18, s17, $0xb8;
	[tilespmem:$0x1F000] =	vst v63  }
0x21f: {  	_ =	swait.ge [sflag:s21], $0x10000  }
0x220: {  	[sflag:s21] =	ssyncset.done $0x0  }
0x221: {  	[sflag:s21] =	ssyncadd.s32 $0xFFFF0000  }
0x222: {  	[spmem:s2] =	stream.indirect.scatter.add.f32 [tilespmem:s20], [sflag:$0x2], $0x20, s19, s17, $0xb8;
	[tilespmem:$0x1F000] =	vst v63  }
0x223: {  	_ =	swait.ge [sflag:s16], $0x10000  }
0x224: {  	[sflag:s16] =	ssyncset.done $0x0  }
0x225: {  	[sflag:s16] =	ssyncadd.s32 $0xFFFF0000  }
0x226: {  	[bflag:$0x0] =	sbarrier.arrive $0xFFFF  }
0x227: {  	[tilespmem:s15], [sflag:$0x2] =	stream.linear.gather [spmem:s9], $0x6400, $0x38;
	[tilespmem:$0x1F000] =	vst v63  }
0x228: {  	_ =	swait.ge [sflag:s16], $0x6400  }
0x229: {  	s22 =	sadd.s32 $0x1, s22;
	[sflag:s16] =	ssyncset.done $0x0  }
0x22a: {  	s0 =	simm.s32 $0x0;
	p0 =	sne.s32 s22, s14;
	[sflag:s16] =	ssyncadd.s32 $0xFFFF9C00  }
0x22b: {  	[hbm4b:s13+s0] =	stream.linear.scatter [tilespmem:s15], [sflag:$0x2], $0x6400, $0x38;
	[tilespmem:$0x1F000] =	vst v63  }
.Ltmp16:
0x22c: {  	_ =	swait.ge [sflag:s16], $0x6400;
	(pc) =	sbr.rel @p0 .LBB2_1-.Ltmp16, $4  }
0x22d: {  	[sflag:s16] =	ssyncset.done $0x0  }
0x22e: {  	[sflag:s16] =	ssyncadd.s32 $0xFFFF9C00  }
0x22f: {  	[bflag:$0x0] =	sbarrier.arrive $0xFFFF  }
0x230: {  	vm15 =	vmmov vm0  }
0x231: {  	_ =	sfence.sel $0x180000  }
0x232: {  	[bflag:$0x0] =	sbarrier.arrive $0xFFFF  }
0x233: {  	_ =	strace $0x90000047  }
0x234: {  	s0 =	stileid.u32;
	[bflag:$0x2] =	sbarrier.arrive $0xFFFF  }
0x235: {  	p0 =	sne.s32 s0, $0x0;
	s0 =	rddreg [dreg:$0x3]  }
0x236: {  	s0 =	sadd.s32 @!p0 $0x100000, s0  }
0x237: {  	[sflag:s0] =	ssyncadd.tile.s32 @!p0 $0x1;
	_ =	shalt  }
.Lfunc_end2:
_tile_overlayer_lowered:
.L_overlay_start_2:
0x238: {  	(tag) =	ssettag $0x2  }
0x239: {  	s0 =	rddreg [dreg:$0x0];
	s2 =	stileid.u32  }
0x23a: {  	s1 =	rddreg [dreg:$0x1];
	p0 =	sne.s32 s2, $0x0  }
0x23b: {  	s3 =	rddreg [dreg:$0x2];
	[bflag:$0x3] =	sbarrier.arrive $0xFFFF;
	s2 =	simm.s32 @!p0 $0x1C02  }
0x23c: {  	[timem:s3], [sflag:s2] =	dma.local @!p0 [hbm:s0], s1  }
0x23d: {  	s0 =	simm.s32 @!p0 $0x2  }
0x23e: {  	_ =	swait.ge @!p0 [sflag:s0], s1  }
0x23f: {  	s1 =	ssub.s32 @!p0 $0x0, s1;
	[sflag:s0] =	ssyncset.done @!p0 $0x0  }
0x240: {  	[sflag:s0] =	ssyncadd.s32 @!p0 s1  }
0x241: {  	[bflag:$0x3] =	sbarrier.arrive $0xFFFF  }
0x242: {  	_ =	shalt  }

// kernel: kernel.14.cloned.1.call-start
scs
__scs_entry_jumppad:
0x0: {  	(pc) =	sbr.rel $0x88, $3  }
0x1: {  	(tag) =	ssettag $0x0;
	lr =	simm.s32 $0x1  }
0x2: {  	[smem:$0x3F95] =	sst lr;
	_ =	strace $0xD0000000  }
0x3: {  	_ = 	snop  }
0x4: {  	_ = 	snop  }
0x5: {  	_ = 	snop  }
0x6: {  	_ = 	snop  }
0x7: {  	_ = 	snop  }
__scs_overlays_trampoline_lowered:
0x8: {  	[smem:$0x3FA4] =	sst s0  }
0x9: {  	[smem:$0x3FA5] =	sst s1  }
0xa: {  	[smem:$0x3FA6] =	sst s2  }
0xb: {  	[smem:$0x3FA7] =	sst s3  }
0xc: {  	[smem:$0x3FA8] =	sst s4  }
0xd: {  	[smem:$0x3FA9] =	sst s5  }
0xe: {  	[smem:$0x3FAA] =	sst s6  }
0xf: {  	[smem:$0x3FAB] =	sst s7  }
0x10: {  	[smem:$0x3FAC] =	sst s8  }
0x11: {  	[smem:$0x3FAD] =	sst s9;
	s0 =	simm.s32 @!p0 $0x0  }
0x12: {  	s1 =	sld [smem:$0x3F93];
	s0 =	simm.s32 @p0 $0x1  }
0x13: {  	[smem:$0x3FAE] =	sst s0;
	s0 =	simm.s32 @!p1 $0x0  }
0x14: {  	s2 =	sld [smem:$0x3F92];
	s0 =	simm.s32 @p1 $0x1  }
0x15: {  	[smem:$0x3FAF] =	sst s0;
	s0 =	simm.s32 @!p2 $0x0  }
0x16: {  	s3 =	sld [smem:$0x3FDB];
	s0 =	simm.s32 @p2 $0x1  }
0x17: {  	s4 =	simm.s32 $0x1BF5;
	[smem:$0x3FB1] =	sst s0  }
0x18: {  	s0 =	sld [smem:$0x3F94];
	_ =	swait.ge [sflag:s4], $0x0  }
0x19: {  	s7 =	sld [smem:$0x3F95]  }
0x1a: {  	s8 =	sadd.s32 $0xFFFFE003, lr  }
0x1b: {  	s9 =	sadd.s32 $0xFFFFFEF7, lr;
	s5 =	simm.s32 $0xFFFFFFFF;
	p2 =	slt.u32 s8, $0xFFFFF086  }
0x1c: {  	p1 =	slt.u32 s9, $0xF7A;
	s5 =	simm.s32 @!p2 $0x0  }
0x1d: {  	s5 =	simm.s32 @p1 $0x1;
	p0 =	seq.s32 s7, s2  }
0x1e: {  	s7 =	smul.u32 @!p0 $0xF7A, s2;
	p2 =	seq.s32 @!p0 s5, $0x0  }
0x1f: {  	s9 =	smul.u32 $0xF7A, s1;
	s8 =	simm.s32 @!p0 $0x1BF5;
	p2 =	por !p2, p0  }
0x20: {  	[sflag:s8] =	ssyncset.s32 @!p0 $0xFFFFF086;
	s6 =	sadd.s32 @!p0 s3, s7;
	s7 =	simm.s32 @!p0 $0x108  }
0x21: {  	s3 =	sadd.s32 s3, s9;
	s6 =	sadd.s32 @!p0 $0x88, s6;
	s7 =	simm.s32 @p2 $0x1082  }
0x22: {  	[simem:s7], [sflag:s8] =	dma.local @!p0 [hbm:s6], $0xF7A  }
0x23: {  	s9 =	sor.u32 $0xD0000000, s2;
	s6 =	simm.s32 $0x108;
	_ =	swait.ge @!p0 [sflag:s8], $0x0  }
0x24: {  	s3 =	sadd.s32 $0x88, s3;
	s6 =	simm.s32 @!p1 $0x1082;
	[sflag:s4] =	ssyncset.s32 $0xFFFFF086  }
0x25: {  	[simem:s6], [sflag:s4] =	dma.local [hbm:s3], $0xF7A  }
0x26: {  	[smem:$0x3F95] =	sst s1;
	(tag) =	ssettag s2;
	_ =	strace s9  }
0x27: {  	s1 =	sld [smem:$0x3FA5]  }
0x28: {  	s2 =	sld [smem:$0x3FA6]  }
0x29: {  	s4 =	sld [smem:$0x3FA8]  }
0x2a: {  	p0 =	seq.s32 s5, $0x0;
	s5 =	sld [smem:$0x3FA9]  }
0x2b: {  	s6 =	sld [smem:$0x3FAA]  }
0x2c: {  	s7 =	sld [smem:$0x3FAB]  }
0x2d: {  	s3 =	simm.s32 $0x108;
	s8 =	sld [smem:$0x3FAC]  }
0x2e: {  	s3 =	simm.s32 @!p0 $0x1082;
	s9 =	sld [smem:$0x3FAD]  }
0x2f: {  	lr =	sadd.s32 s0, s3;
	s0 =	sld [smem:$0x3FA4]  }
0x30: {  	s3 =	sld [smem:$0x3FA7]  }
0x31: {  	[smem:$0x3FB0] =	sst s10  }
0x32: {  	s10 =	sld [smem:$0x3FAE];
	_ =	sdelay $0x3  }
0x33: {  	p0 =	seq.s32 s10, $0x1;
	s10 =	sld [smem:$0x3FB0];
	_ =	sdelay $0x3  }
0x34: {  	[smem:$0x3FB0] =	sst s10  }
0x35: {  	s10 =	sld [smem:$0x3FAF];
	_ =	sdelay $0x3  }
0x36: {  	p1 =	seq.s32 s10, $0x1;
	s10 =	sld [smem:$0x3FB0];
	_ =	sdelay $0x3  }
0x37: {  	[smem:$0x3FB0] =	sst s10  }
0x38: {  	s10 =	sld [smem:$0x3FB1]  }
0x39: {  	_ = 	snop;
	(pc) =	sbr.ind lr, $3  }
0x3a: {  	_ = 	snop  }
0x3b: {  	_ = 	snop  }
0x3c: {  	p2 =	seq.s32 s10, $0x1;
	s10 =	sld [smem:$0x3FB0]  }
0x3d: {  	_ =	shalt  }
0x3e: {  	_ =	shalt  }
0x3f: {  	_ =	shalt  }
0x40: {  	_ =	shalt  }
0x41: {  	_ =	shalt  }
0x42: {  	_ =	shalt  }
0x43: {  	_ =	shalt  }
0x44: {  	_ =	shalt  }
0x45: {  	_ =	shalt  }
0x46: {  	_ =	shalt  }
0x47: {  	_ =	shalt  }
0x48: {  	_ =	shalt  }
0x49: {  	_ =	shalt  }
0x4a: {  	_ =	shalt  }
0x4b: {  	_ =	shalt  }
0x4c: {  	_ =	shalt  }
0x4d: {  	_ =	shalt  }
0x4e: {  	_ =	shalt  }
0x4f: {  	_ =	shalt  }
0x50: {  	_ =	shalt  }
0x51: {  	_ =	shalt  }
0x52: {  	_ =	shalt  }
0x53: {  	_ =	shalt  }
0x54: {  	_ =	shalt  }
0x55: {  	_ =	shalt  }
0x56: {  	_ =	shalt  }
0x57: {  	_ =	shalt  }
0x58: {  	_ =	shalt  }
0x59: {  	_ =	shalt  }
0x5a: {  	_ =	shalt  }
0x5b: {  	_ =	shalt  }
0x5c: {  	_ =	shalt  }
0x5d: {  	_ =	shalt  }
0x5e: {  	_ =	shalt  }
0x5f: {  	_ =	shalt  }
0x60: {  	_ =	shalt  }
0x61: {  	_ =	shalt  }
0x62: {  	_ =	shalt  }
0x63: {  	_ =	shalt  }
0x64: {  	_ =	shalt  }
0x65: {  	_ =	shalt  }
0x66: {  	_ =	shalt  }
0x67: {  	_ =	shalt  }
0x68: {  	_ =	shalt  }
0x69: {  	_ =	shalt  }
0x6a: {  	_ =	shalt  }
0x6b: {  	_ =	shalt  }
0x6c: {  	_ =	shalt  }
0x6d: {  	_ =	shalt  }
0x6e: {  	_ =	shalt  }
0x6f: {  	_ =	shalt  }
0x70: {  	_ =	shalt  }
0x71: {  	_ =	shalt  }
0x72: {  	_ =	shalt  }
0x73: {  	_ =	shalt  }
0x74: {  	_ =	shalt  }
0x75: {  	_ =	shalt  }
0x76: {  	_ =	shalt  }
0x77: {  	_ =	shalt  }
0x78: {  	_ =	shalt  }
0x79: {  	_ =	shalt  }
0x7a: {  	_ =	shalt  }
0x7b: {  	_ =	shalt  }
0x7c: {  	_ =	shalt  }
0x7d: {  	_ =	shalt  }
0x7e: {  	_ =	shalt  }
0x7f: {  	_ =	shalt  }
0x80: {  	_ =	shalt  }
0x81: {  	_ =	shalt  }
0x82: {  	_ =	shalt  }
0x83: {  	_ =	shalt  }
0x84: {  	_ =	shalt  }
0x85: {  	_ =	shalt  }
0x86: {  	_ =	shalt  }
0x87: {  	_ =	shalt  }
.Lfunc_end0:
.L_simem_size_0:
called_computation.2_lowered:
.L_overlay_start_0:
0x88: {  	s2 =	sld [smem:$0x3FD9]  }
0x89: {  	s3 =	sld [smem:$0x3FFE];
	_ =	sdelay $0x1  }
0x8a: {  	s1 =	srdreg.scid  }
0x8b: {  	s0 =	sand.u32 $0x1, s1  }
0x8c: {  	s17 =	sshll.u32 s0, $0xA;
	s2 =	sadd.s32 s3, s2  }
0x8d: {  	s2 =	sadd.s32 s2, s17  }
0x8e: {  	[smem:$0x3FBC] =	sst s2  }
0x8f: {  	_ = 	snop  }
0x90: {  	s2 =	sld [smem:$0x3FD0];
	(tm) =	ssettm $0x1  }
0x91: {  	s18 =	sld [smem:$0x3FFB];
	_ =	sdelay $0x3  }
0x92: {  	_ =	strace s18  }
0x93: {  	s3 =	sld [smem:$0x3FFC];
	_ =	sdelay $0x3  }
0x94: {  	_ =	strace s3  }
0x95: {  	s3 =	sld [smem:$0x3FFD];
	_ =	sdelay $0x3  }
0x96: {  	_ =	strace s3  }
0x97: {  	_ =	strace $0x8FFFFFFF  }
0x98: {  	s19 =	sld [smem:$0x3FDB];
	_ =	sdelay $0x1  }
0x99: {  	s4 =	simm.s32 $_scs_section_size  }
0x9a: {  	s5 =	simm.s32 $_size__tile_overlayer_lowered;
	s6 =	simm.s32 $_tile_overlayer_lowered  }
0x9b: {  	s22 =	simm.s32 $0x1BFF;
	s21 =	sshll.u32 s6, $0x1;
	s3 =	sadd.s32 s4, s19  }
0x9c: {  	s7 =	simm.s32 $0x0;
	s20 =	sshll.u32 s5, $0x1;
	s5 =	sadd.s32 s21, s3  }
0x9d: {  	[timem:s7], [sflag:s22] =	dma.local [hbm:s5], s20  }
0x9e: {  	_ =	swait.ge [sflag:s22], s20  }
0x9f: {  	s4 =	ssub.s32 $0x0, s20;
	[sflag:s22] =	ssyncset.done $0x0  }
0xa0: {  	[sflag:s22] =	ssyncadd.s32 s4;
	_ =	sdelay $0x1  }
0xa1: {  	s23 =	simm.s32 $0x1B8B  }
0xa2: {  	_ =	swait.ge [sflag:s23], $0x1  }
0xa3: {  	[sflag:s23] =	ssyncset.done $0x0  }
0xa4: {  	s25 =	simm.s32 $0x1B8E;
	s24 =	sld [smem:$0x3FFE];
	[sflag:s23] =	ssyncadd.s32 $0xFFFFFFFF  }
0xa5: {  	s26 =	simm.s32 $execute0_lowered;
	[smem:$0x3FD2] =	sst s25  }
0xa6: {  	s5 =	sshll.u32 s26, $0x1;
	_ =	strace $0x8000004C;
	[dreg:$0x1] =	wrdreg $0xFFFFFFFF  }
0xa7: {  	s28 =	simm.s32 $_size_execute0_lowered;
	s3 =	sadd.s32 s3, s5;
	[dreg:$0x0] =	wrdreg $0x0  }
0xa8: {  	s5 =	sshll.u32 s28, $0x1;
	[dreg:$0x2] =	wrdreg s3  }
0xa9: {  	[dreg:$0x3] =	wrdreg s5  }
0xaa: {  	[dreg:$0x4] =	wrdreg $0xC0  }
0xab: {  	_ =	task [dreg:s7], $0x5FFFF  }
0xac: {  	[dreg:$0x1] =	wrdreg $0xFFFFFFFF  }
0xad: {  	[dreg:$0x0] =	wrdreg $0x60  }
0xae: {  	[dreg:$0x2] =	wrdreg s2  }
0xaf: {  	[dreg:$0x3] =	wrdreg s24  }
0xb0: {  	[dreg:$0x4] =	wrdreg $0x188000  }
0xb1: {  	[dreg:$0x5] =	wrdreg $0x9  }
0xb2: {  	_ =	task.clear_ibuf [dreg:s7], $0x6FFFF;
	_ =	strace $0x9000004C  }
0xb3: {  	s29 =	simm.s32 $0x9;
	_ =	strace $0x8000004E  }
0xb4: {  	_ =	swait.ge [sflag:s29], $0x1  }
0xb5: {  	[sflag:s29] =	ssyncadd.s32 $0xFFFFFFFF  }
0xb6: {  	_ =	strace $0x9000004E  }
0xb7: {  	_ =	sfence  }
0xb8: {  	s30 =	sld [smem:$0x0];
	_ =	sdelay $0x2  }
0xb9: {  	s31 =	sshll.u32 s1, $0xD;
	s1 =	sshrl.u32 s1, $0x2  }
0xba: {  	s3 =	sand.u32 $0x4000, s31;
	s1 =	sadd.s32 s1, s30  }
0xbb: {  	s0 =	sor.u32 s3, s0;
	s1 =	sshll.u32 s1, $0x11  }
0xbc: {  	s0 =	sor.u32 s1, s0  }
0xbd: {  	s0 =	sadd.s32 $0x8F2B, s0  }
0xbe: {  	[sflag:s0] =	ssyncadd.remote.s32 $0x1  }
0xbf: {  	_ =	sfence.sel $0xFFFF  }
0xc0: {  	[dreg:$0x0] =	wrdreg $0xFFFFFFFF;
	(pc) =	sbr.abs _section_cstart, $3  }
0xc1: {  	[dreg:$0x1] =	wrdreg $0xFFFFFFFF  }
0xc2: {  	_ =	task.clear_ibuf [dreg:s7], $0x2FFFF;
	_ =	strace $0x9FFFFFFF  }
0xc3: {  	(tm) =	ssettm $0x7FFFFFFF  }
tec
execute0_lowered:
.L_overlay_start_1:
0x0: {  	(tag) =	ssettag $0x1  }
0x1: {  	s1 =	rddreg [dreg:$0x0]  }
0x2: {  	s7 =	rddreg [dreg:$0x1]  }
0x3: {  	s2 =	rddreg [dreg:$0x2];
	s0 =	simm.s32 $0x0;
	s4 =	srdreg.scid  }
0x4: {  	s26 =	stileid.u32;
	[smem:$0x7FF] =	sst s0;
	s5 =	sadd.s32 $0x1BA800, s7  }
0x5: {  	s8 =	sand.u32 $0x1, s4;
	s6 =	sadd.s32 $0x188800, s7;
	s9 =	smul.u32 $0x1A000, s26  }
0x6: {  	s13 =	sadd.s32 $0x1EC800, s7;
	s11 =	smul.u32 $0x320, s26;
	s29 =	sshll.u32 s26, $0x5  }
0x7: {  	v0 =	vlaneseq.u32;
	s7 =	smul.u32 $0x19000, s26;
	s15 =	sshll.u32 s26, $0x7;
	_ =	strace $0x8000004D  }
0x8: {  	v1 =	vmul.u32 $0x8, v0;
	s17 =	smul.u32 $0x3200, s8;
	s8 =	ssub.s32 $0x2, s8;
	s18 =	sor.u32 $0x3200, s29  }
0x9: {  	s28 =	sshrl.u32 s8, $0x1;
	s9 =	sshrl.u32 s9, $0x2;
	s10 =	sshrl.u32 s7, $0x2  }
0xa: {  	v1 =	vor.u32 s15, v1;
	s15 =	simm.s32 $0x12000;
	v2 =	vor.u32 s18, v0;
	s18 =	simm.s32 $0x1000;
	s14 =	ssub.s32 s8, s28  }
0xb: {  	s30 =	sadd.s32 s11, s17;
	s8 =	sadd.s32 s9, s2;
	s9 =	sadd.s32 s10, s2  }
0xc: {  	s19 =	sadd.s32 $0x6400, s17;
	s20 =	sadd.s32 $0xC800, s17;
	s21 =	sadd.s32 $0x12C00, s17  }
0xd: {  	v3 =	vmov s17;
	s17 =	simm.s32 $0x800;
	s12 =	sshll.u32 s30, $0x2;
	s31 =	sadd.s32 s11, s19  }
0xe: {  	s16 =	sadd.s32 s11, s20;
	s11 =	sadd.s32 s11, s21;
	s14 =	smax.u32 s14, $0x1  }
0xf: {  	v4 =	vmov s19;
	s19 =	simm.s32 $0x1800;
	v5 =	vmov s20;
	v6 =	vmov s21;
	s20 =	simm.s32 $0x2000;
	s21 =	simm.s32 $0x1  }
0x10: {  	s10 =	sadd.s32 s13, s12;
	s12 =	sshll.u32 s31, $0x2;
	s16 =	sshll.u32 s16, $0x2  }
0x11: {  	s22 =	sshll.u32 s11, $0x2;
	s11 =	sadd.s32 s13, s12;
	s12 =	sadd.s32 s13, s16  }
0x12: {  	v7 =	vimm.f32 $0.0e+00;
	s13 =	sadd.s32 s13, s22;
	s16 =	simm.s32 $0x2;
	s22 =	simm.s32 $0x0  }
.LBB2_1:
0x13: {  	s23 =	simm.s32 $0x80;
	s24 =	simm.s32 $0x0  }
.LBB2_2:
0x14: {  	p0 =	sne.s32 s23, $0x19F80;
	[tilespmem:s24+$0x12000] =	vst v7;
	s25 =	smov.u32 s23;
	s23 =	sadd.s32 $0x80, s23  }
.Ltmp0:
0x15: {  	[tilespmem:s24+$0x12010] =	vst v7;
	(pc) =	sbr.rel @p0 .LBB2_2-.Ltmp0, $2  }
0x16: {  	_ =	sdelay $0x2  }
0x17: {  	s24 =	sshra.s32 s25, $0x2  }
0x18: {  	[tilespmem:s24+$0x12000] =	vst v7  }
0x19: {  	[tilespmem:s24+$0x12010] =	vst v7  }
0x1a: {  	[spmem:s8] =	stream.linear.scatter [tilespmem:s15], [sflag:$0x2], $0x6800, $0x38;
	[tilespmem:$0x1F000] =	vst v63  }
0x1b: {  	_ =	swait.ge [sflag:s16], $0x6800  }
0x1c: {  	[sflag:s16] =	ssyncset.done $0x0  }
0x1d: {  	s23 =	simm.s32 $0x0;
	[sflag:s16] =	ssyncadd.s32 $0xFFFF9800  }
0x1e: {  	s25 =	simm.s32 $0x0;
	s24 =	simm.s32 $0x0;
	[bflag:$0x0] =	sbarrier.arrive $0xFFFF  }
.LBB2_4:
0x1f: {  	s26 =	sshll.u32 s24, $0xB  }
0x20: {  	s26 =	sadd.s32 s7, s26  }
0x21: {  	s26 =	sshrl.u32 s26, $0x3  }
0x22: {  	s28 =	sadd.s32 s5, s26  }
0x23: {  	[tilespmem:s23], [sflag:$0x2] =	stream.linear.gather [hbm4b:s28+s23], $0x800, $0x38;
	[tilespmem:$0x1F000] =	vst v63  }
0x24: {  	_ =	swait.ge [sflag:s16], $0x800  }
0x25: {  	[sflag:s16] =	ssyncset.done $0x0  }
0x26: {  	s26 =	sadd.s32 s6, s26;
	[sflag:s16] =	ssyncadd.s32 $0xFFFFF800  }
0x27: {  	[tilespmem:s17], [sflag:$0x2] =	stream.linear.gather [hbm4b:s26+s23], $0x800, $0x38;
	[tilespmem:$0x1F000] =	vst v63  }
0x28: {  	_ =	swait.ge [sflag:s16], $0x800  }
0x29: {  	[sflag:s16] =	ssyncset.done $0x0  }
0x2a: {  	s4 =	simm.s32 $0x0;
	[sflag:s16] =	ssyncadd.s32 $0xFFFFF800  }
0x2b: {  	p0 =	slt.s32 s25, $0x7F1;
	v8 =	vld [tilespmem:s4+$0x800]  }
0x2c: {  	v9 =	vlaneseq.u32 @!p0;
	s28 =	ssub.s32 @!p0 $0x800, s25  }
0x2d: {  	v11 =	vadd.s32 @!p0 s25, v9;
	v10 =	vmov @!p0 s28  }
0x2e: {  	vm0 =	vlt.s32 @!p0 v11, $0x7FF;
	vm1 =	vgt.s32 @!p0 v10, v9  }
0x2f: {  	v9 =	vnsel @!p0 vm0, $0x7FF, v11  }
0x30: {  	v8 =	vsub.s32 v8, v3  }
0x31: {  	vm0 =	vlt.u32 v8, $0x3200  }
0x32: {  	v10 =	vmpcnt.ones.xlane vm0  }
0x33: {  	s28 =	simm.s32 @!p0 $0x1000  }
0x34: {  	s29 =	simm.s32 @!p0 $0x1800;
	[tilespmem:v9+s28+$0x0] =	vst.idx.msk @!p0 vm1, v1;
	(v2sf) =	vpush v10, $0x0  }
0x35: {  	s30 =	simm.s32 @!p0 $0x800;
	s31 =	simm.s32 @!p0 $0x2000;
	s0 =	simm.s32 @!p0 $0x1;
	[tilespmem:v9+s29+$0x0] =	vst.idx.msk @!p0 vm1, v2  }
0x36: {  	[tilespmem:s31], [sflag:$0x1] =	stream.indirect.gather @!p0 [hbm4b:s1+s30], $0x20, s28, s30, $0xb8;
	[tilespmem:$0x1F000] =	vst v63  }
0x37: {  	_ =	swait.ge @!p0 [sflag:s0], $0x10000  }
0x38: {  	[sflag:s0] =	ssyncset.done @!p0 $0x0  }
0x39: {  	[sflag:s0] =	ssyncadd.s32 @!p0 $0xFFFF0000;
	s0 =	simm.s32 @!p0 $0x2  }
0x3a: {  	[spmem:s2] =	stream.indirect.scatter.add.f32 @!p0 [tilespmem:s31], [sflag:$0x2], $0x20, s29, s30, $0xb8;
	[tilespmem:$0x1F000] =	vst v63  }
0x3b: {  	_ =	swait.ge @!p0 [sflag:s0], $0x10000  }
0x3c: {  	[sflag:s0] =	ssyncset.done @!p0 $0x0  }
0x3d: {  	[sflag:s0] =	ssyncadd.s32 @!p0 $0xFFFF0000  }
0x3e: {  	v9 =	vld [tilespmem:s4+$0x0];
	_ =	sdelay $0x3  }
0x3f: {  	s25 =	simm.s32 @!p0 $0x0  }
0x40: {  	s26 =	simm.s32 $0x80;
	s28 =	simm.s32 $0x40;
	[tilespmem:s25+$0x1000] =	vst.msk vm0, v9;
	s29 =	spop (v2sf)  }
.LBB2_5:
0x41: {  	s0 =	sshra.s32 s28, $0x2  }
0x42: {  	[tilespmem:s25+$0x1800] =	vst.msk vm0, v8;
	s25 =	sadd.s32 s29, s25;
	s28 =	smov.u32 s26;
	s26 =	sadd.s32 $0x40, s26  }
0x43: {  	p0 =	sne.s32 s26, $0x2000;
	v8 =	vld [tilespmem:s0+$0x800];
	p1 =	slt.s32 s25, $0x7F1  }
0x44: {  	s29 =	ssub.s32 @!p1 $0x800, s25;
	v9 =	vlaneseq.u32 @!p1  }
0x45: {  	v10 =	vmov @!p1 s29;
	v11 =	vadd.s32 @!p1 s25, v9  }
0x46: {  	vm1 =	vgt.s32 @!p1 v10, v9;
	vm0 =	vlt.s32 @!p1 v11, $0x7FF  }
0x47: {  	v9 =	vnsel @!p1 vm0, $0x7FF, v11  }
0x48: {  	v8 =	vsub.s32 v8, v3  }
0x49: {  	vm0 =	vlt.u32 v8, $0x3200  }
0x4a: {  	v10 =	vmpcnt.ones.xlane vm0  }
0x4b: {  	s29 =	simm.s32 @!p1 $0x1000  }
0x4c: {  	s30 =	simm.s32 @!p1 $0x1800;
	[tilespmem:v9+s29+$0x0] =	vst.idx.msk @!p1 vm1, v1;
	(v2sf) =	vpush v10, $0x0  }
0x4d: {  	s31 =	simm.s32 @!p1 $0x800;
	s4 =	simm.s32 @!p1 $0x2000;
	s3 =	simm.s32 @!p1 $0x1;
	[tilespmem:v9+s30+$0x0] =	vst.idx.msk @!p1 vm1, v2  }
0x4e: {  	[tilespmem:s4], [sflag:$0x1] =	stream.indirect.gather @!p1 [hbm4b:s1+s31], $0x20, s29, s31, $0xb8;
	[tilespmem:$0x1F000] =	vst v63  }
0x4f: {  	_ =	swait.ge @!p1 [sflag:s3], $0x10000  }
0x50: {  	[sflag:s3] =	ssyncset.done @!p1 $0x0  }
0x51: {  	[sflag:s3] =	ssyncadd.s32 @!p1 $0xFFFF0000;
	s3 =	simm.s32 @!p1 $0x2  }
0x52: {  	[spmem:s2] =	stream.indirect.scatter.add.f32 @!p1 [tilespmem:s4], [sflag:$0x2], $0x20, s30, s31, $0xb8;
	[tilespmem:$0x1F000] =	vst v63  }
0x53: {  	_ =	swait.ge @!p1 [sflag:s3], $0x10000  }
0x54: {  	[sflag:s3] =	ssyncset.done @!p1 $0x0  }
0x55: {  	[sflag:s3] =	ssyncadd.s32 @!p1 $0xFFFF0000  }
0x56: {  	v9 =	vld [tilespmem:s0+$0x0]  }
.Ltmp1:
0x57: {  	(pc) =	sbr.rel @p0 .LBB2_5-.Ltmp1, $3  }
0x58: {  	_ =	sdelay $0x1  }
0x59: {  	s25 =	simm.s32 @!p1 $0x0  }
0x5a: {  	[tilespmem:s25+$0x1000] =	vst.msk vm0, v9;
	s29 =	spop (v2sf)  }
0x5b: {  	s0 =	sshra.s32 s28, $0x2;
	[tilespmem:s25+$0x1800] =	vst.msk vm0, v8;
	s3 =	sadd.s32 s29, s25  }
0x5c: {  	v8 =	vld [tilespmem:s0+$0x800];
	p0 =	slt.s32 s3, $0x7F1  }
0x5d: {  	s4 =	ssub.s32 @!p0 $0x800, s3;
	v9 =	vlaneseq.u32 @!p0  }
0x5e: {  	v10 =	vmov @!p0 s4;
	v11 =	vadd.s32 @!p0 s3, v9  }
0x5f: {  	vm0 =	vgt.s32 @!p0 v10, v9;
	vm1 =	vlt.s32 @!p0 v11, $0x7FF  }
0x60: {  	v9 =	vnsel @!p0 vm1, $0x7FF, v11  }
0x61: {  	v8 =	vsub.s32 v8, v3  }
0x62: {  	vm15 =	vlt.u32 v8, $0x3200  }
0x63: {  	v62 =	vmpcnt.ones.xlane vm15  }
0x64: {  	s4 =	simm.s32 @!p0 $0x1000  }
0x65: {  	s25 =	simm.s32 @!p0 $0x1800;
	[tilespmem:v9+s4+$0x0] =	vst.idx.msk @!p0 vm0, v1;
	(v2sf) =	vpush v62, $0x0  }
0x66: {  	s26 =	simm.s32 @!p0 $0x800;
	s28 =	simm.s32 @!p0 $0x2000;
	s29 =	simm.s32 @!p0 $0x1;
	[tilespmem:v9+s25+$0x0] =	vst.idx.msk @!p0 vm0, v2  }
0x67: {  	[tilespmem:s28], [sflag:$0x1] =	stream.indirect.gather @!p0 [hbm4b:s1+s26], $0x20, s4, s26, $0xb8;
	[tilespmem:$0x1F000] =	vst v63  }
0x68: {  	_ =	swait.ge @!p0 [sflag:s29], $0x10000  }
0x69: {  	[sflag:s29] =	ssyncset.done @!p0 $0x0  }
0x6a: {  	s4 =	simm.s32 @!p0 $0x2;
	[sflag:s29] =	ssyncadd.s32 @!p0 $0xFFFF0000  }
0x6b: {  	[spmem:s2] =	stream.indirect.scatter.add.f32 @!p0 [tilespmem:s28], [sflag:$0x2], $0x20, s25, s26, $0xb8;
	[tilespmem:$0x1F000] =	vst v63  }
0x6c: {  	_ =	swait.ge @!p0 [sflag:s4], $0x10000  }
0x6d: {  	[sflag:s4] =	ssyncset.done @!p0 $0x0  }
0x6e: {  	[sflag:s4] =	ssyncadd.s32 @!p0 $0xFFFF0000  }
0x6f: {  	s24 =	sadd.s32 $0x1, s24;
	v63 =	vld [tilespmem:s0+$0x0]  }
0x70: {  	s3 =	simm.s32 @!p0 $0x0;
	p0 =	sne.s32 s24, $0x32  }
.Ltmp2:
0x71: {  	_ = 	snop;
	(pc) =	sbr.rel @p0 .LBB2_4-.Ltmp2, $3  }
0x72: {  	_ =	sdelay $0x1  }
0x73: {  	[tilespmem:s3+$0x1000] =	vst.msk vm15, v63;
	s31 =	spop (v2sf)  }
0x74: {  	[tilespmem:s3+$0x1800] =	vst.msk vm15, v8;
	s25 =	sadd.s32 s31, s3  }
0x75: {  	s0 =	ssub.s32 $0x800, s25  }
0x76: {  	v9 =	vadd.s32 s25, v0;
	v8 =	vmov s0  }
0x77: {  	vm0 =	vlt.s32 v9, $0x7FF;
	vm3 =	vgt.s32 v8, v0  }
0x78: {  	s23 =	sadd.s32 $0x10, s25;
	v8 =	vnsel vm0, $0x7FF, v9;
	vm1 =	vmmov vm3  }
0x79: {  	p0 =	slt.s32 s23, $0x800  }
0x7a: {  	s23 =	simm.s32 @!p0 $0x800  }
0x7b: {  	s31 =	ssub.s32 $0x800, s23  }
0x7c: {  	v9 =	vadd.s32 s23, v0;
	v10 =	vmov s31  }
0x7d: {  	s24 =	simm.s32 $0x7E;
	vm2 =	vlt.s32 v9, $0x7FF;
	vm0 =	vgt.s32 v10, v0;
	[tilespmem:v8+s18+$0x0] =	vst.idx.msk vm3, v1  }
.LBB2_8:
0x7e: {  	p0 =	sne.s32 s24, $0x1;
	s24 =	sadd.s32 $0xFFFFFFFF, s24;
	s23 =	sadd.s32 $0x10, s23;
	[tilespmem:v8+s19+$0x0] =	vst.idx.msk vm1, v2;
	v8 =	vnsel vm2, $0x7FF, v9;
	vm1 =	vmmov vm0  }
.Ltmp3:
0x7f: {  	p1 =	slt.s32 s23, $0x800;
	(pc) =	sbr.rel @p0 .LBB2_8-.Ltmp3, $4  }
0x80: {  	s23 =	simm.s32 @!p1 $0x800  }
0x81: {  	s0 =	ssub.s32 $0x800, s23  }
0x82: {  	v9 =	vadd.s32 s23, v0;
	v10 =	vmov s0  }
0x83: {  	vm2 =	vlt.s32 v9, $0x7FF;
	[tilespmem:v8+s18+$0x0] =	vst.idx.msk vm0, v1;
	vm0 =	vgt.s32 v10, v0  }
0x84: {  	_ = 	snop  }
0x85: {  	v9 =	vnsel vm2, $0x7FF, v9;
	_ =	sdelay $0x3  }
0x86: {  	[tilespmem:v8+s19+$0x0] =	vst.idx.msk vm1, v2  }
0x87: {  	[tilespmem:v9+s18+$0x0] =	vst.idx.msk vm0, v1  }
0x88: {  	[tilespmem:v9+s19+$0x0] =	vst.idx.msk vm0, v2  }
0x89: {  	[tilespmem:s20], [sflag:$0x1] =	stream.indirect.gather [hbm4b:s1+s17], $0x20, s18, s17, $0xb8;
	[tilespmem:$0x1F000] =	vst v63  }
0x8a: {  	_ =	swait.ge [sflag:s21], $0x10000  }
0x8b: {  	[sflag:s21] =	ssyncset.done $0x0  }
0x8c: {  	[sflag:s21] =	ssyncadd.s32 $0xFFFF0000  }
0x8d: {  	[spmem:s2] =	stream.indirect.scatter.add.f32 [tilespmem:s20], [sflag:$0x2], $0x20, s19, s17, $0xb8;
	[tilespmem:$0x1F000] =	vst v63  }
0x8e: {  	_ =	swait.ge [sflag:s16], $0x10000  }
0x8f: {  	[sflag:s16] =	ssyncset.done $0x0  }
0x90: {  	[sflag:s16] =	ssyncadd.s32 $0xFFFF0000  }
0x91: {  	[bflag:$0x0] =	sbarrier.arrive $0xFFFF  }
0x92: {  	[tilespmem:s15], [sflag:$0x2] =	stream.linear.gather [spmem:s9], $0x6400, $0x38;
	[tilespmem:$0x1F000] =	vst v63  }
0x93: {  	_ =	swait.ge [sflag:s16], $0x6400  }
0x94: {  	[sflag:s16] =	ssyncset.done $0x0  }
0x95: {  	s0 =	simm.s32 $0x0;
	[sflag:s16] =	ssyncadd.s32 $0xFFFF9C00  }
0x96: {  	[hbm4b:s10+s0] =	stream.linear.scatter [tilespmem:s15], [sflag:$0x2], $0x6400, $0x38;
	[tilespmem:$0x1F000] =	vst v63  }
0x97: {  	_ =	swait.ge [sflag:s16], $0x6400  }
0x98: {  	[sflag:s16] =	ssyncset.done $0x0  }
0x99: {  	[sflag:s16] =	ssyncadd.s32 $0xFFFF9C00  }
0x9a: {  	vm15 =	vmmov vm0;
	s23 =	simm.s32 $0x80;
	s24 =	simm.s32 $0x0;
	[bflag:$0x0] =	sbarrier.arrive $0xFFFF  }
.LBB2_10:
0x9b: {  	p0 =	sne.s32 s23, $0x19F80;
	[tilespmem:s24+$0x12000] =	vst v7;
	s0 =	smov.u32 s23;
	s23 =	sadd.s32 $0x80, s23  }
.Ltmp4:
0x9c: {  	[tilespmem:s24+$0x12010] =	vst v7;
	(pc) =	sbr.rel @p0 .LBB2_10-.Ltmp4, $2  }
0x9d: {  	_ =	sdelay $0x2  }
0x9e: {  	s24 =	sshra.s32 s0, $0x2  }
0x9f: {  	[tilespmem:s24+$0x12000] =	vst v7  }
0xa0: {  	[tilespmem:s24+$0x12010] =	vst v7  }
0xa1: {  	[spmem:s8] =	stream.linear.scatter [tilespmem:s15], [sflag:$0x2], $0x6800, $0x38;
	[tilespmem:$0x1F000] =	vst v63  }
0xa2: {  	_ =	swait.ge [sflag:s16], $0x6800  }
0xa3: {  	[sflag:s16] =	ssyncset.done $0x0  }
0xa4: {  	s23 =	simm.s32 $0x0;
	[sflag:s16] =	ssyncadd.s32 $0xFFFF9800  }
0xa5: {  	s25 =	simm.s32 $0x0;
	s24 =	simm.s32 $0x0;
	[bflag:$0x0] =	sbarrier.arrive $0xFFFF  }
.LBB2_12:
0xa6: {  	s0 =	sshll.u32 s24, $0xB  }
0xa7: {  	s0 =	sadd.s32 s7, s0  }
0xa8: {  	s0 =	sshrl.u32 s0, $0x3  }
0xa9: {  	s3 =	sadd.s32 s5, s0  }
0xaa: {  	[tilespmem:s23], [sflag:$0x2] =	stream.linear.gather [hbm4b:s3+s23], $0x800, $0x38;
	[tilespmem:$0x1F000] =	vst v63  }
0xab: {  	_ =	swait.ge [sflag:s16], $0x800  }
0xac: {  	[sflag:s16] =	ssyncset.done $0x0  }
0xad: {  	s0 =	sadd.s32 s6, s0;
	[sflag:s16] =	ssyncadd.s32 $0xFFFFF800  }
0xae: {  	[tilespmem:s17], [sflag:$0x2] =	stream.linear.gather [hbm4b:s0+s23], $0x800, $0x38;
	[tilespmem:$0x1F000] =	vst v63  }
0xaf: {  	_ =	swait.ge [sflag:s16], $0x800  }
0xb0: {  	[sflag:s16] =	ssyncset.done $0x0  }
0xb1: {  	s31 =	simm.s32 $0x0;
	[sflag:s16] =	ssyncadd.s32 $0xFFFFF800  }
0xb2: {  	p0 =	slt.s32 s25, $0x7F1;
	v8 =	vld [tilespmem:s31+$0x800]  }
0xb3: {  	v9 =	vlaneseq.u32 @!p0;
	s3 =	ssub.s32 @!p0 $0x800, s25  }
0xb4: {  	v11 =	vadd.s32 @!p0 s25, v9;
	v10 =	vmov @!p0 s3  }
0xb5: {  	vm0 =	vlt.s32 @!p0 v11, $0x7FF;
	vm1 =	vgt.s32 @!p0 v10, v9  }
0xb6: {  	v9 =	vnsel @!p0 vm0, $0x7FF, v11  }
0xb7: {  	v8 =	vsub.s32 v8, v4  }
0xb8: {  	vm0 =	vlt.u32 v8, $0x3200  }
0xb9: {  	v10 =	vmpcnt.ones.xlane vm0  }
0xba: {  	s3 =	simm.s32 @!p0 $0x1000  }
0xbb: {  	s4 =	simm.s32 @!p0 $0x1800;
	[tilespmem:v9+s3+$0x0] =	vst.idx.msk @!p0 vm1, v1;
	(v2sf) =	vpush v10, $0x0  }
0xbc: {  	s26 =	simm.s32 @!p0 $0x800;
	s28 =	simm.s32 @!p0 $0x2000;
	s29 =	simm.s32 @!p0 $0x1;
	[tilespmem:v9+s4+$0x0] =	vst.idx.msk @!p0 vm1, v2  }
0xbd: {  	[tilespmem:s28], [sflag:$0x1] =	stream.indirect.gather @!p0 [hbm4b:s1+s26], $0x20, s3, s26, $0xb8;
	[tilespmem:$0x1F000] =	vst v63  }
0xbe: {  	_ =	swait.ge @!p0 [sflag:s29], $0x10000  }
0xbf: {  	[sflag:s29] =	ssyncset.done @!p0 $0x0  }
0xc0: {  	s3 =	simm.s32 @!p0 $0x2;
	[sflag:s29] =	ssyncadd.s32 @!p0 $0xFFFF0000  }
0xc1: {  	[spmem:s2] =	stream.indirect.scatter.add.f32 @!p0 [tilespmem:s28], [sflag:$0x2], $0x20, s4, s26, $0xb8;
	[tilespmem:$0x1F000] =	vst v63  }
0xc2: {  	_ =	swait.ge @!p0 [sflag:s3], $0x10000  }
0xc3: {  	[sflag:s3] =	ssyncset.done @!p0 $0x0  }
0xc4: {  	[sflag:s3] =	ssyncadd.s32 @!p0 $0xFFFF0000  }
0xc5: {  	v9 =	vld [tilespmem:s31+$0x0];
	_ =	sdelay $0x3  }
0xc6: {  	s25 =	simm.s32 @!p0 $0x0  }
0xc7: {  	s28 =	simm.s32 $0x40;
	s26 =	simm.s32 $0x80;
	[tilespmem:s25+$0x1000] =	vst.msk vm0, v9;
	s29 =	spop (v2sf)  }
.LBB2_13:
0xc8: {  	s0 =	sshra.s32 s28, $0x2  }
0xc9: {  	[tilespmem:s25+$0x1800] =	vst.msk vm0, v8;
	s25 =	sadd.s32 s29, s25;
	s28 =	smov.u32 s26;
	s26 =	sadd.s32 $0x40, s26  }
0xca: {  	p0 =	sne.s32 s26, $0x2000;
	v8 =	vld [tilespmem:s0+$0x800];
	p1 =	slt.s32 s25, $0x7F1  }
0xcb: {  	s3 =	ssub.s32 @!p1 $0x800, s25;
	v9 =	vlaneseq.u32 @!p1  }
0xcc: {  	v10 =	vmov @!p1 s3;
	v11 =	vadd.s32 @!p1 s25, v9  }
0xcd: {  	vm1 =	vgt.s32 @!p1 v10, v9;
	vm0 =	vlt.s32 @!p1 v11, $0x7FF  }
0xce: {  	v9 =	vnsel @!p1 vm0, $0x7FF, v11  }
0xcf: {  	v8 =	vsub.s32 v8, v4  }
0xd0: {  	vm0 =	vlt.u32 v8, $0x3200  }
0xd1: {  	v10 =	vmpcnt.ones.xlane vm0  }
0xd2: {  	s3 =	simm.s32 @!p1 $0x1000  }
0xd3: {  	s4 =	simm.s32 @!p1 $0x1800;
	[tilespmem:v9+s3+$0x0] =	vst.idx.msk @!p1 vm1, v1;
	(v2sf) =	vpush v10, $0x0  }
0xd4: {  	s29 =	simm.s32 @!p1 $0x800;
	s30 =	simm.s32 @!p1 $0x2000;
	s31 =	simm.s32 @!p1 $0x1;
	[tilespmem:v9+s4+$0x0] =	vst.idx.msk @!p1 vm1, v2  }
0xd5: {  	[tilespmem:s30], [sflag:$0x1] =	stream.indirect.gather @!p1 [hbm4b:s1+s29], $0x20, s3, s29, $0xb8;
	[tilespmem:$0x1F000] =	vst v63  }
0xd6: {  	_ =	swait.ge @!p1 [sflag:s31], $0x10000  }
0xd7: {  	[sflag:s31] =	ssyncset.done @!p1 $0x0  }
0xd8: {  	s3 =	simm.s32 @!p1 $0x2;
	[sflag:s31] =	ssyncadd.s32 @!p1 $0xFFFF0000  }
0xd9: {  	[spmem:s2] =	stream.indirect.scatter.add.f32 @!p1 [tilespmem:s30], [sflag:$0x2], $0x20, s4, s29, $0xb8;
	[tilespmem:$0x1F000] =	vst v63  }
0xda: {  	_ =	swait.ge @!p1 [sflag:s3], $0x10000  }
0xdb: {  	[sflag:s3] =	ssyncset.done @!p1 $0x0  }
0xdc: {  	[sflag:s3] =	ssyncadd.s32 @!p1 $0xFFFF0000  }
0xdd: {  	v9 =	vld [tilespmem:s0+$0x0]  }
.Ltmp5:
0xde: {  	(pc) =	sbr.rel @p0 .LBB2_13-.Ltmp5, $3  }
0xdf: {  	_ =	sdelay $0x1  }
0xe0: {  	s25 =	simm.s32 @!p1 $0x0  }
0xe1: {  	[tilespmem:s25+$0x1000] =	vst.msk vm0, v9;
	s29 =	spop (v2sf)  }
0xe2: {  	s0 =	sshra.s32 s28, $0x2;
	[tilespmem:s25+$0x1800] =	vst.msk vm0, v8;
	s3 =	sadd.s32 s29, s25  }
0xe3: {  	v8 =	vld [tilespmem:s0+$0x800];
	p0 =	slt.s32 s3, $0x7F1  }
0xe4: {  	s4 =	ssub.s32 @!p0 $0x800, s3;
	v9 =	vlaneseq.u32 @!p0  }
0xe5: {  	v10 =	vmov @!p0 s4;
	v11 =	vadd.s32 @!p0 s3, v9  }
0xe6: {  	vm0 =	vgt.s32 @!p0 v10, v9;
	vm1 =	vlt.s32 @!p0 v11, $0x7FF  }
0xe7: {  	v9 =	vnsel @!p0 vm1, $0x7FF, v11  }
0xe8: {  	v8 =	vsub.s32 v8, v4  }
0xe9: {  	vm15 =	vlt.u32 v8, $0x3200  }
0xea: {  	v62 =	vmpcnt.ones.xlane vm15  }
0xeb: {  	s4 =	simm.s32 @!p0 $0x1000  }
0xec: {  	s25 =	simm.s32 @!p0 $0x1800;
	[tilespmem:v9+s4+$0x0] =	vst.idx.msk @!p0 vm0, v1;
	(v2sf) =	vpush v62, $0x0  }
0xed: {  	s26 =	simm.s32 @!p0 $0x800;
	s28 =	simm.s32 @!p0 $0x2000;
	s29 =	simm.s32 @!p0 $0x1;
	[tilespmem:v9+s25+$0x0] =	vst.idx.msk @!p0 vm0, v2  }
0xee: {  	[tilespmem:s28], [sflag:$0x1] =	stream.indirect.gather @!p0 [hbm4b:s1+s26], $0x20, s4, s26, $0xb8;
	[tilespmem:$0x1F000] =	vst v63  }
0xef: {  	_ =	swait.ge @!p0 [sflag:s29], $0x10000  }
0xf0: {  	[sflag:s29] =	ssyncset.done @!p0 $0x0  }
0xf1: {  	s4 =	simm.s32 @!p0 $0x2;
	[sflag:s29] =	ssyncadd.s32 @!p0 $0xFFFF0000  }
0xf2: {  	[spmem:s2] =	stream.indirect.scatter.add.f32 @!p0 [tilespmem:s28], [sflag:$0x2], $0x20, s25, s26, $0xb8;
	[tilespmem:$0x1F000] =	vst v63  }
0xf3: {  	_ =	swait.ge @!p0 [sflag:s4], $0x10000  }
0xf4: {  	[sflag:s4] =	ssyncset.done @!p0 $0x0  }
0xf5: {  	[sflag:s4] =	ssyncadd.s32 @!p0 $0xFFFF0000  }
0xf6: {  	s24 =	sadd.s32 $0x1, s24;
	v63 =	vld [tilespmem:s0+$0x0]  }
0xf7: {  	s3 =	simm.s32 @!p0 $0x0;
	p0 =	sne.s32 s24, $0x32  }
.Ltmp6:
0xf8: {  	_ = 	snop;
	(pc) =	sbr.rel @p0 .LBB2_12-.Ltmp6, $3  }
0xf9: {  	_ =	sdelay $0x1  }
0xfa: {  	[tilespmem:s3+$0x1000] =	vst.msk vm15, v63;
	s31 =	spop (v2sf)  }
0xfb: {  	[tilespmem:s3+$0x1800] =	vst.msk vm15, v8;
	s25 =	sadd.s32 s31, s3  }
0xfc: {  	s0 =	ssub.s32 $0x800, s25  }
0xfd: {  	v9 =	vadd.s32 s25, v0;
	v8 =	vmov s0  }
0xfe: {  	vm0 =	vlt.s32 v9, $0x7FF;
	vm3 =	vgt.s32 v8, v0  }
0xff: {  	s23 =	sadd.s32 $0x10, s25;
	v8 =	vnsel vm0, $0x7FF, v9;
	vm1 =	vmmov vm3  }
0x100: {  	p0 =	slt.s32 s23, $0x800  }
0x101: {  	s23 =	simm.s32 @!p0 $0x800  }
0x102: {  	s31 =	ssub.s32 $0x800, s23  }
0x103: {  	v9 =	vadd.s32 s23, v0;
	v10 =	vmov s31  }
0x104: {  	s24 =	simm.s32 $0x7E;
	vm2 =	vlt.s32 v9, $0x7FF;
	vm0 =	vgt.s32 v10, v0;
	[tilespmem:v8+s18+$0x0] =	vst.idx.msk vm3, v1  }
.LBB2_16:
0x105: {  	p0 =	sne.s32 s24, $0x1;
	s24 =	sadd.s32 $0xFFFFFFFF, s24;
	s23 =	sadd.s32 $0x10, s23;
	[tilespmem:v8+s19+$0x0] =	vst.idx.msk vm1, v2;
	v8 =	vnsel vm2, $0x7FF, v9;
	vm1 =	vmmov vm0  }
.Ltmp7:
0x106: {  	p1 =	slt.s32 s23, $0x800;
	(pc) =	sbr.rel @p0 .LBB2_16-.Ltmp7, $4  }
0x107: {  	s23 =	simm.s32 @!p1 $0x800  }
0x108: {  	s0 =	ssub.s32 $0x800, s23  }
0x109: {  	v9 =	vadd.s32 s23, v0;
	v10 =	vmov s0  }
0x10a: {  	vm2 =	vlt.s32 v9, $0x7FF;
	[tilespmem:v8+s18+$0x0] =	vst.idx.msk vm0, v1;
	vm0 =	vgt.s32 v10, v0  }
0x10b: {  	_ = 	snop  }
0x10c: {  	v9 =	vnsel vm2, $0x7FF, v9;
	_ =	sdelay $0x3  }
0x10d: {  	[tilespmem:v8+s19+$0x0] =	vst.idx.msk vm1, v2  }
0x10e: {  	[tilespmem:v9+s18+$0x0] =	vst.idx.msk vm0, v1  }
0x10f: {  	[tilespmem:v9+s19+$0x0] =	vst.idx.msk vm0, v2  }
0x110: {  	[tilespmem:s20], [sflag:$0x1] =	stream.indirect.gather [hbm4b:s1+s17], $0x20, s18, s17, $0xb8;
	[tilespmem:$0x1F000] =	vst v63  }
0x111: {  	_ =	swait.ge [sflag:s21], $0x10000  }
0x112: {  	[sflag:s21] =	ssyncset.done $0x0  }
0x113: {  	[sflag:s21] =	ssyncadd.s32 $0xFFFF0000  }
0x114: {  	[spmem:s2] =	stream.indirect.scatter.add.f32 [tilespmem:s20], [sflag:$0x2], $0x20, s19, s17, $0xb8;
	[tilespmem:$0x1F000] =	vst v63  }
0x115: {  	_ =	swait.ge [sflag:s16], $0x10000  }
0x116: {  	[sflag:s16] =	ssyncset.done $0x0  }
0x117: {  	[sflag:s16] =	ssyncadd.s32 $0xFFFF0000  }
0x118: {  	[bflag:$0x0] =	sbarrier.arrive $0xFFFF  }
0x119: {  	[tilespmem:s15], [sflag:$0x2] =	stream.linear.gather [spmem:s9], $0x6400, $0x38;
	[tilespmem:$0x1F000] =	vst v63  }
0x11a: {  	_ =	swait.ge [sflag:s16], $0x6400  }
0x11b: {  	[sflag:s16] =	ssyncset.done $0x0  }
0x11c: {  	s0 =	simm.s32 $0x0;
	[sflag:s16] =	ssyncadd.s32 $0xFFFF9C00  }
0x11d: {  	[hbm4b:s11+s0] =	stream.linear.scatter [tilespmem:s15], [sflag:$0x2], $0x6400, $0x38;
	[tilespmem:$0x1F000] =	vst v63  }
0x11e: {  	_ =	swait.ge [sflag:s16], $0x6400  }
0x11f: {  	[sflag:s16] =	ssyncset.done $0x0  }
0x120: {  	[sflag:s16] =	ssyncadd.s32 $0xFFFF9C00  }
0x121: {  	vm15 =	vmmov vm0;
	s23 =	simm.s32 $0x80;
	s24 =	simm.s32 $0x0;
	[bflag:$0x0] =	sbarrier.arrive $0xFFFF  }
.LBB2_18:
0x122: {  	p0 =	sne.s32 s23, $0x19F80;
	[tilespmem:s24+$0x12000] =	vst v7;
	s0 =	smov.u32 s23;
	s23 =	sadd.s32 $0x80, s23  }
.Ltmp8:
0x123: {  	[tilespmem:s24+$0x12010] =	vst v7;
	(pc) =	sbr.rel @p0 .LBB2_18-.Ltmp8, $2  }
0x124: {  	_ =	sdelay $0x2  }
0x125: {  	s24 =	sshra.s32 s0, $0x2  }
0x126: {  	[tilespmem:s24+$0x12000] =	vst v7  }
0x127: {  	[tilespmem:s24+$0x12010] =	vst v7  }
0x128: {  	[spmem:s8] =	stream.linear.scatter [tilespmem:s15], [sflag:$0x2], $0x6800, $0x38;
	[tilespmem:$0x1F000] =	vst v63  }
0x129: {  	_ =	swait.ge [sflag:s16], $0x6800  }
0x12a: {  	[sflag:s16] =	ssyncset.done $0x0  }
0x12b: {  	s23 =	simm.s32 $0x0;
	[sflag:s16] =	ssyncadd.s32 $0xFFFF9800  }
0x12c: {  	s25 =	simm.s32 $0x0;
	s24 =	simm.s32 $0x0;
	[bflag:$0x0] =	sbarrier.arrive $0xFFFF  }
.LBB2_20:
0x12d: {  	s0 =	sshll.u32 s24, $0xB  }
0x12e: {  	s0 =	sadd.s32 s7, s0  }
0x12f: {  	s0 =	sshrl.u32 s0, $0x3  }
0x130: {  	s3 =	sadd.s32 s5, s0  }
0x131: {  	[tilespmem:s23], [sflag:$0x2] =	stream.linear.gather [hbm4b:s3+s23], $0x800, $0x38;
	[tilespmem:$0x1F000] =	vst v63  }
0x132: {  	_ =	swait.ge [sflag:s16], $0x800  }
0x133: {  	[sflag:s16] =	ssyncset.done $0x0  }
0x134: {  	s0 =	sadd.s32 s6, s0;
	[sflag:s16] =	ssyncadd.s32 $0xFFFFF800  }
0x135: {  	[tilespmem:s17], [sflag:$0x2] =	stream.linear.gather [hbm4b:s0+s23], $0x800, $0x38;
	[tilespmem:$0x1F000] =	vst v63  }
0x136: {  	_ =	swait.ge [sflag:s16], $0x800  }
0x137: {  	[sflag:s16] =	ssyncset.done $0x0  }
0x138: {  	s31 =	simm.s32 $0x0;
	[sflag:s16] =	ssyncadd.s32 $0xFFFFF800  }
0x139: {  	p0 =	slt.s32 s25, $0x7F1;
	v8 =	vld [tilespmem:s31+$0x800]  }
0x13a: {  	v9 =	vlaneseq.u32 @!p0;
	s3 =	ssub.s32 @!p0 $0x800, s25  }
0x13b: {  	v11 =	vadd.s32 @!p0 s25, v9;
	v10 =	vmov @!p0 s3  }
0x13c: {  	vm0 =	vlt.s32 @!p0 v11, $0x7FF;
	vm1 =	vgt.s32 @!p0 v10, v9  }
0x13d: {  	v9 =	vnsel @!p0 vm0, $0x7FF, v11  }
0x13e: {  	v8 =	vsub.s32 v8, v5  }
0x13f: {  	vm0 =	vlt.u32 v8, $0x3200  }
0x140: {  	v10 =	vmpcnt.ones.xlane vm0  }
0x141: {  	s3 =	simm.s32 @!p0 $0x1000  }
0x142: {  	s4 =	simm.s32 @!p0 $0x1800;
	[tilespmem:v9+s3+$0x0] =	vst.idx.msk @!p0 vm1, v1;
	(v2sf) =	vpush v10, $0x0  }
0x143: {  	s26 =	simm.s32 @!p0 $0x800;
	s28 =	simm.s32 @!p0 $0x2000;
	s29 =	simm.s32 @!p0 $0x1;
	[tilespmem:v9+s4+$0x0] =	vst.idx.msk @!p0 vm1, v2  }
0x144: {  	[tilespmem:s28], [sflag:$0x1] =	stream.indirect.gather @!p0 [hbm4b:s1+s26], $0x20, s3, s26, $0xb8;
	[tilespmem:$0x1F000] =	vst v63  }
0x145: {  	_ =	swait.ge @!p0 [sflag:s29], $0x10000  }
0x146: {  	[sflag:s29] =	ssyncset.done @!p0 $0x0  }
0x147: {  	s3 =	simm.s32 @!p0 $0x2;
	[sflag:s29] =	ssyncadd.s32 @!p0 $0xFFFF0000  }
0x148: {  	[spmem:s2] =	stream.indirect.scatter.add.f32 @!p0 [tilespmem:s28], [sflag:$0x2], $0x20, s4, s26, $0xb8;
	[tilespmem:$0x1F000] =	vst v63  }
0x149: {  	_ =	swait.ge @!p0 [sflag:s3], $0x10000  }
0x14a: {  	[sflag:s3] =	ssyncset.done @!p0 $0x0  }
0x14b: {  	[sflag:s3] =	ssyncadd.s32 @!p0 $0xFFFF0000  }
0x14c: {  	v9 =	vld [tilespmem:s31+$0x0];
	_ =	sdelay $0x3  }
0x14d: {  	s25 =	simm.s32 @!p0 $0x0  }
0x14e: {  	s28 =	simm.s32 $0x40;
	s26 =	simm.s32 $0x80;
	[tilespmem:s25+$0x1000] =	vst.msk vm0, v9;
	s29 =	spop (v2sf)  }
.LBB2_21:
0x14f: {  	s0 =	sshra.s32 s28, $0x2  }
0x150: {  	[tilespmem:s25+$0x1800] =	vst.msk vm0, v8;
	s25 =	sadd.s32 s29, s25;
	s28 =	smov.u32 s26;
	s26 =	sadd.s32 $0x40, s26  }
0x151: {  	p0 =	sne.s32 s26, $0x2000;
	v8 =	vld [tilespmem:s0+$0x800];
	p1 =	slt.s32 s25, $0x7F1  }
0x152: {  	s3 =	ssub.s32 @!p1 $0x800, s25;
	v9 =	vlaneseq.u32 @!p1  }
0x153: {  	v10 =	vmov @!p1 s3;
	v11 =	vadd.s32 @!p1 s25, v9  }
0x154: {  	vm1 =	vgt.s32 @!p1 v10, v9;
	vm0 =	vlt.s32 @!p1 v11, $0x7FF  }
0x155: {  	v9 =	vnsel @!p1 vm0, $0x7FF, v11  }
0x156: {  	v8 =	vsub.s32 v8, v5  }
0x157: {  	vm0 =	vlt.u32 v8, $0x3200  }
0x158: {  	v10 =	vmpcnt.ones.xlane vm0  }
0x159: {  	s3 =	simm.s32 @!p1 $0x1000  }
0x15a: {  	s4 =	simm.s32 @!p1 $0x1800;
	[tilespmem:v9+s3+$0x0] =	vst.idx.msk @!p1 vm1, v1;
	(v2sf) =	vpush v10, $0x0  }
0x15b: {  	s29 =	simm.s32 @!p1 $0x800;
	s30 =	simm.s32 @!p1 $0x2000;
	s31 =	simm.s32 @!p1 $0x1;
	[tilespmem:v9+s4+$0x0] =	vst.idx.msk @!p1 vm1, v2  }
0x15c: {  	[tilespmem:s30], [sflag:$0x1] =	stream.indirect.gather @!p1 [hbm4b:s1+s29], $0x20, s3, s29, $0xb8;
	[tilespmem:$0x1F000] =	vst v63  }
0x15d: {  	_ =	swait.ge @!p1 [sflag:s31], $0x10000  }
0x15e: {  	[sflag:s31] =	ssyncset.done @!p1 $0x0  }
0x15f: {  	s3 =	simm.s32 @!p1 $0x2;
	[sflag:s31] =	ssyncadd.s32 @!p1 $0xFFFF0000  }
0x160: {  	[spmem:s2] =	stream.indirect.scatter.add.f32 @!p1 [tilespmem:s30], [sflag:$0x2], $0x20, s4, s29, $0xb8;
	[tilespmem:$0x1F000] =	vst v63  }
0x161: {  	_ =	swait.ge @!p1 [sflag:s3], $0x10000  }
0x162: {  	[sflag:s3] =	ssyncset.done @!p1 $0x0  }
0x163: {  	[sflag:s3] =	ssyncadd.s32 @!p1 $0xFFFF0000  }
0x164: {  	v9 =	vld [tilespmem:s0+$0x0]  }
.Ltmp9:
0x165: {  	(pc) =	sbr.rel @p0 .LBB2_21-.Ltmp9, $3  }
0x166: {  	_ =	sdelay $0x1  }
0x167: {  	s25 =	simm.s32 @!p1 $0x0  }
0x168: {  	[tilespmem:s25+$0x1000] =	vst.msk vm0, v9;
	s29 =	spop (v2sf)  }
0x169: {  	s0 =	sshra.s32 s28, $0x2;
	[tilespmem:s25+$0x1800] =	vst.msk vm0, v8;
	s3 =	sadd.s32 s29, s25  }
0x16a: {  	v8 =	vld [tilespmem:s0+$0x800];
	p0 =	slt.s32 s3, $0x7F1  }
0x16b: {  	s4 =	ssub.s32 @!p0 $0x800, s3;
	v9 =	vlaneseq.u32 @!p0  }
0x16c: {  	v10 =	vmov @!p0 s4;
	v11 =	vadd.s32 @!p0 s3, v9  }
0x16d: {  	vm0 =	vgt.s32 @!p0 v10, v9;
	vm1 =	vlt.s32 @!p0 v11, $0x7FF  }
0x16e: {  	v9 =	vnsel @!p0 vm1, $0x7FF, v11  }
0x16f: {  	v8 =	vsub.s32 v8, v5  }
0x170: {  	vm15 =	vlt.u32 v8, $0x3200  }
0x171: {  	v62 =	vmpcnt.ones.xlane vm15  }
0x172: {  	s4 =	simm.s32 @!p0 $0x1000  }
0x173: {  	s25 =	simm.s32 @!p0 $0x1800;
	[tilespmem:v9+s4+$0x0] =	vst.idx.msk @!p0 vm0, v1;
	(v2sf) =	vpush v62, $0x0  }
0x174: {  	s26 =	simm.s32 @!p0 $0x800;
	s28 =	simm.s32 @!p0 $0x2000;
	s29 =	simm.s32 @!p0 $0x1;
	[tilespmem:v9+s25+$0x0] =	vst.idx.msk @!p0 vm0, v2  }
0x175: {  	[tilespmem:s28], [sflag:$0x1] =	stream.indirect.gather @!p0 [hbm4b:s1+s26], $0x20, s4, s26, $0xb8;
	[tilespmem:$0x1F000] =	vst v63  }
0x176: {  	_ =	swait.ge @!p0 [sflag:s29], $0x10000  }
0x177: {  	[sflag:s29] =	ssyncset.done @!p0 $0x0  }
0x178: {  	s4 =	simm.s32 @!p0 $0x2;
	[sflag:s29] =	ssyncadd.s32 @!p0 $0xFFFF0000  }
0x179: {  	[spmem:s2] =	stream.indirect.scatter.add.f32 @!p0 [tilespmem:s28], [sflag:$0x2], $0x20, s25, s26, $0xb8;
	[tilespmem:$0x1F000] =	vst v63  }
0x17a: {  	_ =	swait.ge @!p0 [sflag:s4], $0x10000  }
0x17b: {  	[sflag:s4] =	ssyncset.done @!p0 $0x0  }
0x17c: {  	[sflag:s4] =	ssyncadd.s32 @!p0 $0xFFFF0000  }
0x17d: {  	s24 =	sadd.s32 $0x1, s24;
	v63 =	vld [tilespmem:s0+$0x0]  }
0x17e: {  	s3 =	simm.s32 @!p0 $0x0;
	p0 =	sne.s32 s24, $0x32  }
.Ltmp10:
0x17f: {  	_ = 	snop;
	(pc) =	sbr.rel @p0 .LBB2_20-.Ltmp10, $3  }
0x180: {  	_ =	sdelay $0x1  }
0x181: {  	[tilespmem:s3+$0x1000] =	vst.msk vm15, v63;
	s31 =	spop (v2sf)  }
0x182: {  	[tilespmem:s3+$0x1800] =	vst.msk vm15, v8;
	s25 =	sadd.s32 s31, s3  }
0x183: {  	s0 =	ssub.s32 $0x800, s25  }
0x184: {  	v9 =	vadd.s32 s25, v0;
	v8 =	vmov s0  }
0x185: {  	vm0 =	vlt.s32 v9, $0x7FF;
	vm3 =	vgt.s32 v8, v0  }
0x186: {  	s23 =	sadd.s32 $0x10, s25;
	v8 =	vnsel vm0, $0x7FF, v9;
	vm1 =	vmmov vm3  }
0x187: {  	p0 =	slt.s32 s23, $0x800  }
0x188: {  	s23 =	simm.s32 @!p0 $0x800  }
0x189: {  	s31 =	ssub.s32 $0x800, s23  }
0x18a: {  	v9 =	vadd.s32 s23, v0;
	v10 =	vmov s31  }
0x18b: {  	s24 =	simm.s32 $0x7E;
	vm2 =	vlt.s32 v9, $0x7FF;
	vm0 =	vgt.s32 v10, v0;
	[tilespmem:v8+s18+$0x0] =	vst.idx.msk vm3, v1  }
.LBB2_24:
0x18c: {  	p0 =	sne.s32 s24, $0x1;
	s24 =	sadd.s32 $0xFFFFFFFF, s24;
	s23 =	sadd.s32 $0x10, s23;
	[tilespmem:v8+s19+$0x0] =	vst.idx.msk vm1, v2;
	v8 =	vnsel vm2, $0x7FF, v9;
	vm1 =	vmmov vm0  }
.Ltmp11:
0x18d: {  	p1 =	slt.s32 s23, $0x800;
	(pc) =	sbr.rel @p0 .LBB2_24-.Ltmp11, $4  }
0x18e: {  	s23 =	simm.s32 @!p1 $0x800  }
0x18f: {  	s0 =	ssub.s32 $0x800, s23  }
0x190: {  	v9 =	vadd.s32 s23, v0;
	v10 =	vmov s0  }
0x191: {  	vm2 =	vlt.s32 v9, $0x7FF;
	[tilespmem:v8+s18+$0x0] =	vst.idx.msk vm0, v1;
	vm0 =	vgt.s32 v10, v0  }
0x192: {  	_ = 	snop  }
0x193: {  	v9 =	vnsel vm2, $0x7FF, v9;
	_ =	sdelay $0x3  }
0x194: {  	[tilespmem:v8+s19+$0x0] =	vst.idx.msk vm1, v2  }
0x195: {  	[tilespmem:v9+s18+$0x0] =	vst.idx.msk vm0, v1  }
0x196: {  	[tilespmem:v9+s19+$0x0] =	vst.idx.msk vm0, v2  }
0x197: {  	[tilespmem:s20], [sflag:$0x1] =	stream.indirect.gather [hbm4b:s1+s17], $0x20, s18, s17, $0xb8;
	[tilespmem:$0x1F000] =	vst v63  }
0x198: {  	_ =	swait.ge [sflag:s21], $0x10000  }
0x199: {  	[sflag:s21] =	ssyncset.done $0x0  }
0x19a: {  	[sflag:s21] =	ssyncadd.s32 $0xFFFF0000  }
0x19b: {  	[spmem:s2] =	stream.indirect.scatter.add.f32 [tilespmem:s20], [sflag:$0x2], $0x20, s19, s17, $0xb8;
	[tilespmem:$0x1F000] =	vst v63  }
0x19c: {  	_ =	swait.ge [sflag:s16], $0x10000  }
0x19d: {  	[sflag:s16] =	ssyncset.done $0x0  }
0x19e: {  	[sflag:s16] =	ssyncadd.s32 $0xFFFF0000  }
0x19f: {  	[bflag:$0x0] =	sbarrier.arrive $0xFFFF  }
0x1a0: {  	[tilespmem:s15], [sflag:$0x2] =	stream.linear.gather [spmem:s9], $0x6400, $0x38;
	[tilespmem:$0x1F000] =	vst v63  }
0x1a1: {  	_ =	swait.ge [sflag:s16], $0x6400  }
0x1a2: {  	[sflag:s16] =	ssyncset.done $0x0  }
0x1a3: {  	s0 =	simm.s32 $0x0;
	[sflag:s16] =	ssyncadd.s32 $0xFFFF9C00  }
0x1a4: {  	[hbm4b:s12+s0] =	stream.linear.scatter [tilespmem:s15], [sflag:$0x2], $0x6400, $0x38;
	[tilespmem:$0x1F000] =	vst v63  }
0x1a5: {  	_ =	swait.ge [sflag:s16], $0x6400  }
0x1a6: {  	[sflag:s16] =	ssyncset.done $0x0  }
0x1a7: {  	[sflag:s16] =	ssyncadd.s32 $0xFFFF9C00  }
0x1a8: {  	vm15 =	vmmov vm0;
	s23 =	simm.s32 $0x80;
	s24 =	simm.s32 $0x0;
	[bflag:$0x0] =	sbarrier.arrive $0xFFFF  }
.LBB2_26:
0x1a9: {  	p0 =	sne.s32 s23, $0x19F80;
	[tilespmem:s24+$0x12000] =	vst v7;
	s0 =	smov.u32 s23;
	s23 =	sadd.s32 $0x80, s23  }
.Ltmp12:
0x1aa: {  	[tilespmem:s24+$0x12010] =	vst v7;
	(pc) =	sbr.rel @p0 .LBB2_26-.Ltmp12, $2  }
0x1ab: {  	_ =	sdelay $0x2  }
0x1ac: {  	s24 =	sshra.s32 s0, $0x2  }
0x1ad: {  	[tilespmem:s24+$0x12000] =	vst v7  }
0x1ae: {  	[tilespmem:s24+$0x12010] =	vst v7  }
0x1af: {  	[spmem:s8] =	stream.linear.scatter [tilespmem:s15], [sflag:$0x2], $0x6800, $0x38;
	[tilespmem:$0x1F000] =	vst v63  }
0x1b0: {  	_ =	swait.ge [sflag:s16], $0x6800  }
0x1b1: {  	[sflag:s16] =	ssyncset.done $0x0  }
0x1b2: {  	s23 =	simm.s32 $0x0;
	[sflag:s16] =	ssyncadd.s32 $0xFFFF9800  }
0x1b3: {  	s25 =	simm.s32 $0x0;
	s24 =	simm.s32 $0x0;
	[bflag:$0x0] =	sbarrier.arrive $0xFFFF  }
.LBB2_28:
0x1b4: {  	s0 =	sshll.u32 s24, $0xB  }
0x1b5: {  	s0 =	sadd.s32 s7, s0  }
0x1b6: {  	s0 =	sshrl.u32 s0, $0x3  }
0x1b7: {  	s3 =	sadd.s32 s5, s0  }
0x1b8: {  	[tilespmem:s23], [sflag:$0x2] =	stream.linear.gather [hbm4b:s3+s23], $0x800, $0x38;
	[tilespmem:$0x1F000] =	vst v63  }
0x1b9: {  	_ =	swait.ge [sflag:s16], $0x800  }
0x1ba: {  	[sflag:s16] =	ssyncset.done $0x0  }
0x1bb: {  	s0 =	sadd.s32 s6, s0;
	[sflag:s16] =	ssyncadd.s32 $0xFFFFF800  }
0x1bc: {  	[tilespmem:s17], [sflag:$0x2] =	stream.linear.gather [hbm4b:s0+s23], $0x800, $0x38;
	[tilespmem:$0x1F000] =	vst v63  }
0x1bd: {  	_ =	swait.ge [sflag:s16], $0x800  }
0x1be: {  	[sflag:s16] =	ssyncset.done $0x0  }
0x1bf: {  	s31 =	simm.s32 $0x0;
	[sflag:s16] =	ssyncadd.s32 $0xFFFFF800  }
0x1c0: {  	p0 =	slt.s32 s25, $0x7F1;
	v8 =	vld [tilespmem:s31+$0x800]  }
0x1c1: {  	v9 =	vlaneseq.u32 @!p0;
	s3 =	ssub.s32 @!p0 $0x800, s25  }
0x1c2: {  	v11 =	vadd.s32 @!p0 s25, v9;
	v10 =	vmov @!p0 s3  }
0x1c3: {  	vm0 =	vlt.s32 @!p0 v11, $0x7FF;
	vm1 =	vgt.s32 @!p0 v10, v9  }
0x1c4: {  	v9 =	vnsel @!p0 vm0, $0x7FF, v11  }
0x1c5: {  	v8 =	vsub.s32 v8, v6  }
0x1c6: {  	vm0 =	vlt.u32 v8, $0x3200  }
0x1c7: {  	v10 =	vmpcnt.ones.xlane vm0  }
0x1c8: {  	s3 =	simm.s32 @!p0 $0x1000  }
0x1c9: {  	s4 =	simm.s32 @!p0 $0x1800;
	[tilespmem:v9+s3+$0x0] =	vst.idx.msk @!p0 vm1, v1;
	(v2sf) =	vpush v10, $0x0  }
0x1ca: {  	s26 =	simm.s32 @!p0 $0x800;
	s28 =	simm.s32 @!p0 $0x2000;
	s29 =	simm.s32 @!p0 $0x1;
	[tilespmem:v9+s4+$0x0] =	vst.idx.msk @!p0 vm1, v2  }
0x1cb: {  	[tilespmem:s28], [sflag:$0x1] =	stream.indirect.gather @!p0 [hbm4b:s1+s26], $0x20, s3, s26, $0xb8;
	[tilespmem:$0x1F000] =	vst v63  }
0x1cc: {  	_ =	swait.ge @!p0 [sflag:s29], $0x10000  }
0x1cd: {  	[sflag:s29] =	ssyncset.done @!p0 $0x0  }
0x1ce: {  	s3 =	simm.s32 @!p0 $0x2;
	[sflag:s29] =	ssyncadd.s32 @!p0 $0xFFFF0000  }
0x1cf: {  	[spmem:s2] =	stream.indirect.scatter.add.f32 @!p0 [tilespmem:s28], [sflag:$0x2], $0x20, s4, s26, $0xb8;
	[tilespmem:$0x1F000] =	vst v63  }
0x1d0: {  	_ =	swait.ge @!p0 [sflag:s3], $0x10000  }
0x1d1: {  	[sflag:s3] =	ssyncset.done @!p0 $0x0  }
0x1d2: {  	[sflag:s3] =	ssyncadd.s32 @!p0 $0xFFFF0000  }
0x1d3: {  	v9 =	vld [tilespmem:s31+$0x0];
	_ =	sdelay $0x3  }
0x1d4: {  	s25 =	simm.s32 @!p0 $0x0  }
0x1d5: {  	s28 =	simm.s32 $0x40;
	s26 =	simm.s32 $0x80;
	[tilespmem:s25+$0x1000] =	vst.msk vm0, v9;
	s29 =	spop (v2sf)  }
.LBB2_29:
0x1d6: {  	s0 =	sshra.s32 s28, $0x2  }
0x1d7: {  	[tilespmem:s25+$0x1800] =	vst.msk vm0, v8;
	s25 =	sadd.s32 s29, s25;
	s28 =	smov.u32 s26;
	s26 =	sadd.s32 $0x40, s26  }
0x1d8: {  	p0 =	sne.s32 s26, $0x2000;
	v8 =	vld [tilespmem:s0+$0x800];
	p1 =	slt.s32 s25, $0x7F1  }
0x1d9: {  	s3 =	ssub.s32 @!p1 $0x800, s25;
	v9 =	vlaneseq.u32 @!p1  }
0x1da: {  	v10 =	vmov @!p1 s3;
	v11 =	vadd.s32 @!p1 s25, v9  }
0x1db: {  	vm1 =	vgt.s32 @!p1 v10, v9;
	vm0 =	vlt.s32 @!p1 v11, $0x7FF  }
0x1dc: {  	v9 =	vnsel @!p1 vm0, $0x7FF, v11  }
0x1dd: {  	v8 =	vsub.s32 v8, v6  }
0x1de: {  	vm0 =	vlt.u32 v8, $0x3200  }
0x1df: {  	v10 =	vmpcnt.ones.xlane vm0  }
0x1e0: {  	s3 =	simm.s32 @!p1 $0x1000  }
0x1e1: {  	s4 =	simm.s32 @!p1 $0x1800;
	[tilespmem:v9+s3+$0x0] =	vst.idx.msk @!p1 vm1, v1;
	(v2sf) =	vpush v10, $0x0  }
0x1e2: {  	s29 =	simm.s32 @!p1 $0x800;
	s30 =	simm.s32 @!p1 $0x2000;
	s31 =	simm.s32 @!p1 $0x1;
	[tilespmem:v9+s4+$0x0] =	vst.idx.msk @!p1 vm1, v2  }
0x1e3: {  	[tilespmem:s30], [sflag:$0x1] =	stream.indirect.gather @!p1 [hbm4b:s1+s29], $0x20, s3, s29, $0xb8;
	[tilespmem:$0x1F000] =	vst v63  }
0x1e4: {  	_ =	swait.ge @!p1 [sflag:s31], $0x10000  }
0x1e5: {  	[sflag:s31] =	ssyncset.done @!p1 $0x0  }
0x1e6: {  	s3 =	simm.s32 @!p1 $0x2;
	[sflag:s31] =	ssyncadd.s32 @!p1 $0xFFFF0000  }
0x1e7: {  	[spmem:s2] =	stream.indirect.scatter.add.f32 @!p1 [tilespmem:s30], [sflag:$0x2], $0x20, s4, s29, $0xb8;
	[tilespmem:$0x1F000] =	vst v63  }
0x1e8: {  	_ =	swait.ge @!p1 [sflag:s3], $0x10000  }
0x1e9: {  	[sflag:s3] =	ssyncset.done @!p1 $0x0  }
0x1ea: {  	[sflag:s3] =	ssyncadd.s32 @!p1 $0xFFFF0000  }
0x1eb: {  	v9 =	vld [tilespmem:s0+$0x0]  }
.Ltmp13:
0x1ec: {  	(pc) =	sbr.rel @p0 .LBB2_29-.Ltmp13, $3  }
0x1ed: {  	_ =	sdelay $0x1  }
0x1ee: {  	s25 =	simm.s32 @!p1 $0x0  }
0x1ef: {  	[tilespmem:s25+$0x1000] =	vst.msk vm0, v9;
	s29 =	spop (v2sf)  }
0x1f0: {  	s0 =	sshra.s32 s28, $0x2;
	[tilespmem:s25+$0x1800] =	vst.msk vm0, v8;
	s3 =	sadd.s32 s29, s25  }
0x1f1: {  	v8 =	vld [tilespmem:s0+$0x800];
	p0 =	slt.s32 s3, $0x7F1  }
0x1f2: {  	s4 =	ssub.s32 @!p0 $0x800, s3;
	v9 =	vlaneseq.u32 @!p0  }
0x1f3: {  	v10 =	vmov @!p0 s4;
	v11 =	vadd.s32 @!p0 s3, v9  }
0x1f4: {  	vm0 =	vgt.s32 @!p0 v10, v9;
	vm1 =	vlt.s32 @!p0 v11, $0x7FF  }
0x1f5: {  	v9 =	vnsel @!p0 vm1, $0x7FF, v11  }
0x1f6: {  	v8 =	vsub.s32 v8, v6  }
0x1f7: {  	vm15 =	vlt.u32 v8, $0x3200  }
0x1f8: {  	v62 =	vmpcnt.ones.xlane vm15  }
0x1f9: {  	s4 =	simm.s32 @!p0 $0x1000  }
0x1fa: {  	s25 =	simm.s32 @!p0 $0x1800;
	[tilespmem:v9+s4+$0x0] =	vst.idx.msk @!p0 vm0, v1;
	(v2sf) =	vpush v62, $0x0  }
0x1fb: {  	s26 =	simm.s32 @!p0 $0x800;
	s28 =	simm.s32 @!p0 $0x2000;
	s29 =	simm.s32 @!p0 $0x1;
	[tilespmem:v9+s25+$0x0] =	vst.idx.msk @!p0 vm0, v2  }
0x1fc: {  	[tilespmem:s28], [sflag:$0x1] =	stream.indirect.gather @!p0 [hbm4b:s1+s26], $0x20, s4, s26, $0xb8;
	[tilespmem:$0x1F000] =	vst v63  }
0x1fd: {  	_ =	swait.ge @!p0 [sflag:s29], $0x10000  }
0x1fe: {  	[sflag:s29] =	ssyncset.done @!p0 $0x0  }
0x1ff: {  	s4 =	simm.s32 @!p0 $0x2;
	[sflag:s29] =	ssyncadd.s32 @!p0 $0xFFFF0000  }
0x200: {  	[spmem:s2] =	stream.indirect.scatter.add.f32 @!p0 [tilespmem:s28], [sflag:$0x2], $0x20, s25, s26, $0xb8;
	[tilespmem:$0x1F000] =	vst v63  }
0x201: {  	_ =	swait.ge @!p0 [sflag:s4], $0x10000  }
0x202: {  	[sflag:s4] =	ssyncset.done @!p0 $0x0  }
0x203: {  	[sflag:s4] =	ssyncadd.s32 @!p0 $0xFFFF0000  }
0x204: {  	s24 =	sadd.s32 $0x1, s24;
	v63 =	vld [tilespmem:s0+$0x0]  }
0x205: {  	s3 =	simm.s32 @!p0 $0x0;
	p0 =	sne.s32 s24, $0x32  }
.Ltmp14:
0x206: {  	_ = 	snop;
	(pc) =	sbr.rel @p0 .LBB2_28-.Ltmp14, $3  }
0x207: {  	_ =	sdelay $0x1  }
0x208: {  	[tilespmem:s3+$0x1000] =	vst.msk vm15, v63;
	s31 =	spop (v2sf)  }
0x209: {  	[tilespmem:s3+$0x1800] =	vst.msk vm15, v8;
	s25 =	sadd.s32 s31, s3  }
0x20a: {  	s0 =	ssub.s32 $0x800, s25  }
0x20b: {  	v9 =	vadd.s32 s25, v0;
	v8 =	vmov s0  }
0x20c: {  	vm0 =	vlt.s32 v9, $0x7FF;
	vm3 =	vgt.s32 v8, v0  }
0x20d: {  	s23 =	sadd.s32 $0x10, s25;
	v8 =	vnsel vm0, $0x7FF, v9;
	vm1 =	vmmov vm3  }
0x20e: {  	p0 =	slt.s32 s23, $0x800  }
0x20f: {  	s23 =	simm.s32 @!p0 $0x800  }
0x210: {  	s31 =	ssub.s32 $0x800, s23  }
0x211: {  	v9 =	vadd.s32 s23, v0;
	v10 =	vmov s31  }
0x212: {  	s24 =	simm.s32 $0x7E;
	vm2 =	vlt.s32 v9, $0x7FF;
	vm0 =	vgt.s32 v10, v0;
	[tilespmem:v8+s18+$0x0] =	vst.idx.msk vm3, v1  }
.LBB2_32:
0x213: {  	p0 =	sne.s32 s24, $0x1;
	s24 =	sadd.s32 $0xFFFFFFFF, s24;
	s23 =	sadd.s32 $0x10, s23;
	[tilespmem:v8+s19+$0x0] =	vst.idx.msk vm1, v2;
	v8 =	vnsel vm2, $0x7FF, v9;
	vm1 =	vmmov vm0  }
.Ltmp15:
0x214: {  	p1 =	slt.s32 s23, $0x800;
	(pc) =	sbr.rel @p0 .LBB2_32-.Ltmp15, $4  }
0x215: {  	s23 =	simm.s32 @!p1 $0x800  }
0x216: {  	s0 =	ssub.s32 $0x800, s23  }
0x217: {  	v9 =	vadd.s32 s23, v0;
	v10 =	vmov s0  }
0x218: {  	vm2 =	vlt.s32 v9, $0x7FF;
	[tilespmem:v8+s18+$0x0] =	vst.idx.msk vm0, v1;
	vm0 =	vgt.s32 v10, v0  }
0x219: {  	_ = 	snop  }
0x21a: {  	v9 =	vnsel vm2, $0x7FF, v9;
	_ =	sdelay $0x3  }
0x21b: {  	[tilespmem:v8+s19+$0x0] =	vst.idx.msk vm1, v2  }
0x21c: {  	[tilespmem:v9+s18+$0x0] =	vst.idx.msk vm0, v1  }
0x21d: {  	[tilespmem:v9+s19+$0x0] =	vst.idx.msk vm0, v2  }
0x21e: {  	[tilespmem:s20], [sflag:$0x1] =	stream.indirect.gather [hbm4b:s1+s17], $0x20, s18, s17, $0xb8;
	[tilespmem:$0x1F000] =	vst v63  }
0x21f: {  	_ =	swait.ge [sflag:s21], $0x10000  }
0x220: {  	[sflag:s21] =	ssyncset.done $0x0  }
0x221: {  	[sflag:s21] =	ssyncadd.s32 $0xFFFF0000  }
0x222: {  	[spmem:s2] =	stream.indirect.scatter.add.f32 [tilespmem:s20], [sflag:$0x2], $0x20, s19, s17, $0xb8;
	[tilespmem:$0x1F000] =	vst v63  }
0x223: {  	_ =	swait.ge [sflag:s16], $0x10000  }
0x224: {  	[sflag:s16] =	ssyncset.done $0x0  }
0x225: {  	[sflag:s16] =	ssyncadd.s32 $0xFFFF0000  }
0x226: {  	[bflag:$0x0] =	sbarrier.arrive $0xFFFF  }
0x227: {  	[tilespmem:s15], [sflag:$0x2] =	stream.linear.gather [spmem:s9], $0x6400, $0x38;
	[tilespmem:$0x1F000] =	vst v63  }
0x228: {  	_ =	swait.ge [sflag:s16], $0x6400  }
0x229: {  	s22 =	sadd.s32 $0x1, s22;
	[sflag:s16] =	ssyncset.done $0x0  }
0x22a: {  	s0 =	simm.s32 $0x0;
	p0 =	sne.s32 s22, s14;
	[sflag:s16] =	ssyncadd.s32 $0xFFFF9C00  }
0x22b: {  	[hbm4b:s13+s0] =	stream.linear.scatter [tilespmem:s15], [sflag:$0x2], $0x6400, $0x38;
	[tilespmem:$0x1F000] =	vst v63  }
.Ltmp16:
0x22c: {  	_ =	swait.ge [sflag:s16], $0x6400;
	(pc) =	sbr.rel @p0 .LBB2_1-.Ltmp16, $4  }
0x22d: {  	[sflag:s16] =	ssyncset.done $0x0  }
0x22e: {  	[sflag:s16] =	ssyncadd.s32 $0xFFFF9C00  }
0x22f: {  	[bflag:$0x0] =	sbarrier.arrive $0xFFFF  }
0x230: {  	vm15 =	vmmov vm0  }
0x231: {  	_ =	sfence.sel $0x180000  }
0x232: {  	[bflag:$0x0] =	sbarrier.arrive $0xFFFF  }
0x233: {  	_ =	strace $0x9000004D  }
0x234: {  	s0 =	stileid.u32;
	[bflag:$0x2] =	sbarrier.arrive $0xFFFF  }
0x235: {  	p0 =	sne.s32 s0, $0x0;
	s0 =	rddreg [dreg:$0x3]  }
0x236: {  	s0 =	sadd.s32 @!p0 $0x100000, s0  }
0x237: {  	[sflag:s0] =	ssyncadd.tile.s32 @!p0 $0x1;
	_ =	shalt  }
.Lfunc_end2:
_tile_overlayer_lowered:
.L_overlay_start_2:
0x238: {  	(tag) =	ssettag $0x2  }
0x239: {  	s0 =	rddreg [dreg:$0x0];
	s2 =	stileid.u32  }
0x23a: {  	s1 =	rddreg [dreg:$0x1];
	p0 =	sne.s32 s2, $0x0  }
0x23b: {  	s3 =	rddreg [dreg:$0x2];
	[bflag:$0x3] =	sbarrier.arrive $0xFFFF;
	s2 =	simm.s32 @!p0 $0x1C02  }
0x23c: {  	[timem:s3], [sflag:s2] =	dma.local @!p0 [hbm:s0], s1  }
0x23d: {  	s0 =	simm.s32 @!p0 $0x2  }
0x23e: {  	_ =	swait.ge @!p0 [sflag:s0], s1  }
0x23f: {  	s1 =	ssub.s32 @!p0 $0x0, s1;
	[sflag:s0] =	ssyncset.done @!p0 $0x0  }
0x240: {  	[sflag:s0] =	ssyncadd.s32 @!p0 s1  }
0x241: {  	[bflag:$0x3] =	sbarrier.arrive $0xFFFF  }
0x242: {  	_ =	shalt  }

// kernel: kernel.8.cloned.1.call-start
scs
__scs_entry_jumppad:
0x0: {  	(pc) =	sbr.rel $0x88, $3  }
0x1: {  	(tag) =	ssettag $0x0;
	lr =	simm.s32 $0x1  }
0x2: {  	[smem:$0x3F95] =	sst lr;
	_ =	strace $0xD0000000  }
0x3: {  	_ = 	snop  }
0x4: {  	_ = 	snop  }
0x5: {  	_ = 	snop  }
0x6: {  	_ = 	snop  }
0x7: {  	_ = 	snop  }
__scs_overlays_trampoline_lowered:
0x8: {  	[smem:$0x3FA4] =	sst s0  }
0x9: {  	[smem:$0x3FA5] =	sst s1  }
0xa: {  	[smem:$0x3FA6] =	sst s2  }
0xb: {  	[smem:$0x3FA7] =	sst s3  }
0xc: {  	[smem:$0x3FA8] =	sst s4  }
0xd: {  	[smem:$0x3FA9] =	sst s5  }
0xe: {  	[smem:$0x3FAA] =	sst s6  }
0xf: {  	[smem:$0x3FAB] =	sst s7  }
0x10: {  	[smem:$0x3FAC] =	sst s8  }
0x11: {  	[smem:$0x3FAD] =	sst s9;
	s0 =	simm.s32 @!p0 $0x0  }
0x12: {  	s1 =	sld [smem:$0x3F93];
	s0 =	simm.s32 @p0 $0x1  }
0x13: {  	[smem:$0x3FAE] =	sst s0;
	s0 =	simm.s32 @!p1 $0x0  }
0x14: {  	s2 =	sld [smem:$0x3F92];
	s0 =	simm.s32 @p1 $0x1  }
0x15: {  	[smem:$0x3FAF] =	sst s0;
	s0 =	simm.s32 @!p2 $0x0  }
0x16: {  	s3 =	sld [smem:$0x3FDB];
	s0 =	simm.s32 @p2 $0x1  }
0x17: {  	s4 =	simm.s32 $0x1BF5;
	[smem:$0x3FB1] =	sst s0  }
0x18: {  	s0 =	sld [smem:$0x3F94];
	_ =	swait.ge [sflag:s4], $0x0  }
0x19: {  	s7 =	sld [smem:$0x3F95]  }
0x1a: {  	s8 =	sadd.s32 $0xFFFFE003, lr  }
0x1b: {  	s9 =	sadd.s32 $0xFFFFFEF7, lr;
	s5 =	simm.s32 $0xFFFFFFFF;
	p2 =	slt.u32 s8, $0xFFFFF086  }
0x1c: {  	p1 =	slt.u32 s9, $0xF7A;
	s5 =	simm.s32 @!p2 $0x0  }
0x1d: {  	s5 =	simm.s32 @p1 $0x1;
	p0 =	seq.s32 s7, s2  }
0x1e: {  	s7 =	smul.u32 @!p0 $0xF7A, s2;
	p2 =	seq.s32 @!p0 s5, $0x0  }
0x1f: {  	s9 =	smul.u32 $0xF7A, s1;
	s8 =	simm.s32 @!p0 $0x1BF5;
	p2 =	por !p2, p0  }
0x20: {  	[sflag:s8] =	ssyncset.s32 @!p0 $0xFFFFF086;
	s6 =	sadd.s32 @!p0 s3, s7;
	s7 =	simm.s32 @!p0 $0x108  }
0x21: {  	s3 =	sadd.s32 s3, s9;
	s6 =	sadd.s32 @!p0 $0x88, s6;
	s7 =	simm.s32 @p2 $0x1082  }
0x22: {  	[simem:s7], [sflag:s8] =	dma.local @!p0 [hbm:s6], $0xF7A  }
0x23: {  	s9 =	sor.u32 $0xD0000000, s2;
	s6 =	simm.s32 $0x108;
	_ =	swait.ge @!p0 [sflag:s8], $0x0  }
0x24: {  	s3 =	sadd.s32 $0x88, s3;
	s6 =	simm.s32 @!p1 $0x1082;
	[sflag:s4] =	ssyncset.s32 $0xFFFFF086  }
0x25: {  	[simem:s6], [sflag:s4] =	dma.local [hbm:s3], $0xF7A  }
0x26: {  	[smem:$0x3F95] =	sst s1;
	(tag) =	ssettag s2;
	_ =	strace s9  }
0x27: {  	s1 =	sld [smem:$0x3FA5]  }
0x28: {  	s2 =	sld [smem:$0x3FA6]  }
0x29: {  	s4 =	sld [smem:$0x3FA8]  }
0x2a: {  	p0 =	seq.s32 s5, $0x0;
	s5 =	sld [smem:$0x3FA9]  }
0x2b: {  	s6 =	sld [smem:$0x3FAA]  }
0x2c: {  	s7 =	sld [smem:$0x3FAB]  }
0x2d: {  	s3 =	simm.s32 $0x108;
	s8 =	sld [smem:$0x3FAC]  }
0x2e: {  	s3 =	simm.s32 @!p0 $0x1082;
	s9 =	sld [smem:$0x3FAD]  }
0x2f: {  	lr =	sadd.s32 s0, s3;
	s0 =	sld [smem:$0x3FA4]  }
0x30: {  	s3 =	sld [smem:$0x3FA7]  }
0x31: {  	[smem:$0x3FB0] =	sst s10  }
0x32: {  	s10 =	sld [smem:$0x3FAE];
	_ =	sdelay $0x3  }
0x33: {  	p0 =	seq.s32 s10, $0x1;
	s10 =	sld [smem:$0x3FB0];
	_ =	sdelay $0x3  }
0x34: {  	[smem:$0x3FB0] =	sst s10  }
0x35: {  	s10 =	sld [smem:$0x3FAF];
	_ =	sdelay $0x3  }
0x36: {  	p1 =	seq.s32 s10, $0x1;
	s10 =	sld [smem:$0x3FB0];
	_ =	sdelay $0x3  }
0x37: {  	[smem:$0x3FB0] =	sst s10  }
0x38: {  	s10 =	sld [smem:$0x3FB1]  }
0x39: {  	_ = 	snop;
	(pc) =	sbr.ind lr, $3  }
0x3a: {  	_ = 	snop  }
0x3b: {  	_ = 	snop  }
0x3c: {  	p2 =	seq.s32 s10, $0x1;
	s10 =	sld [smem:$0x3FB0]  }
0x3d: {  	_ =	shalt  }
0x3e: {  	_ =	shalt  }
0x3f: {  	_ =	shalt  }
0x40: {  	_ =	shalt  }
0x41: {  	_ =	shalt  }
0x42: {  	_ =	shalt  }
0x43: {  	_ =	shalt  }
0x44: {  	_ =	shalt  }
0x45: {  	_ =	shalt  }
0x46: {  	_ =	shalt  }
0x47: {  	_ =	shalt  }
0x48: {  	_ =	shalt  }
0x49: {  	_ =	shalt  }
0x4a: {  	_ =	shalt  }
0x4b: {  	_ =	shalt  }
0x4c: {  	_ =	shalt  }
0x4d: {  	_ =	shalt  }
0x4e: {  	_ =	shalt  }
0x4f: {  	_ =	shalt  }
0x50: {  	_ =	shalt  }
0x51: {  	_ =	shalt  }
0x52: {  	_ =	shalt  }
0x53: {  	_ =	shalt  }
0x54: {  	_ =	shalt  }
0x55: {  	_ =	shalt  }
0x56: {  	_ =	shalt  }
0x57: {  	_ =	shalt  }
0x58: {  	_ =	shalt  }
0x59: {  	_ =	shalt  }
0x5a: {  	_ =	shalt  }
0x5b: {  	_ =	shalt  }
0x5c: {  	_ =	shalt  }
0x5d: {  	_ =	shalt  }
0x5e: {  	_ =	shalt  }
0x5f: {  	_ =	shalt  }
0x60: {  	_ =	shalt  }
0x61: {  	_ =	shalt  }
0x62: {  	_ =	shalt  }
0x63: {  	_ =	shalt  }
0x64: {  	_ =	shalt  }
0x65: {  	_ =	shalt  }
0x66: {  	_ =	shalt  }
0x67: {  	_ =	shalt  }
0x68: {  	_ =	shalt  }
0x69: {  	_ =	shalt  }
0x6a: {  	_ =	shalt  }
0x6b: {  	_ =	shalt  }
0x6c: {  	_ =	shalt  }
0x6d: {  	_ =	shalt  }
0x6e: {  	_ =	shalt  }
0x6f: {  	_ =	shalt  }
0x70: {  	_ =	shalt  }
0x71: {  	_ =	shalt  }
0x72: {  	_ =	shalt  }
0x73: {  	_ =	shalt  }
0x74: {  	_ =	shalt  }
0x75: {  	_ =	shalt  }
0x76: {  	_ =	shalt  }
0x77: {  	_ =	shalt  }
0x78: {  	_ =	shalt  }
0x79: {  	_ =	shalt  }
0x7a: {  	_ =	shalt  }
0x7b: {  	_ =	shalt  }
0x7c: {  	_ =	shalt  }
0x7d: {  	_ =	shalt  }
0x7e: {  	_ =	shalt  }
0x7f: {  	_ =	shalt  }
0x80: {  	_ =	shalt  }
0x81: {  	_ =	shalt  }
0x82: {  	_ =	shalt  }
0x83: {  	_ =	shalt  }
0x84: {  	_ =	shalt  }
0x85: {  	_ =	shalt  }
0x86: {  	_ =	shalt  }
0x87: {  	_ =	shalt  }
.Lfunc_end0:
.L_simem_size_0:
called_computation_lowered:
.L_overlay_start_0:
0x88: {  	s2 =	sld [smem:$0x3FD9]  }
0x89: {  	s3 =	sld [smem:$0x3FFE];
	_ =	sdelay $0x1  }
0x8a: {  	s1 =	srdreg.scid  }
0x8b: {  	s0 =	sand.u32 $0x1, s1  }
0x8c: {  	s17 =	sshll.u32 s0, $0xA;
	s2 =	sadd.s32 s3, s2  }
0x8d: {  	s2 =	sadd.s32 s2, s17  }
0x8e: {  	[smem:$0x3FBC] =	sst s2  }
0x8f: {  	_ = 	snop  }
0x90: {  	(tm) =	ssettm $0x1  }
0x91: {  	s18 =	sld [smem:$0x3FFB];
	_ =	sdelay $0x3  }
0x92: {  	_ =	strace s18  }
0x93: {  	s2 =	sld [smem:$0x3FFC];
	_ =	sdelay $0x3  }
0x94: {  	_ =	strace s2  }
0x95: {  	s2 =	sld [smem:$0x3FFD];
	_ =	sdelay $0x3  }
0x96: {  	_ =	strace s2  }
0x97: {  	_ =	strace $0x8FFFFFFF  }
0x98: {  	s19 =	sld [smem:$0x3FDB];
	_ =	sdelay $0x1  }
0x99: {  	s20 =	simm.s32 $_scs_section_size  }
0x9a: {  	s4 =	simm.s32 $_size__tile_overlayer_lowered;
	s5 =	simm.s32 $_tile_overlayer_lowered  }
0x9b: {  	s6 =	simm.s32 $0x1BFF;
	s21 =	sshll.u32 s5, $0x1;
	s3 =	sadd.s32 s20, s19  }
0x9c: {  	s22 =	simm.s32 $0x0;
	s4 =	sshll.u32 s4, $0x1;
	s5 =	sadd.s32 s21, s3  }
0x9d: {  	[timem:s22], [sflag:s6] =	dma.local [hbm:s5], s4  }
0x9e: {  	_ =	swait.ge [sflag:s6], s4  }
0x9f: {  	s4 =	ssub.s32 $0x0, s4;
	[sflag:s6] =	ssyncset.done $0x0  }
0xa0: {  	[sflag:s6] =	ssyncadd.s32 s4;
	_ =	sdelay $0x1  }
0xa1: {  	s23 =	simm.s32 $0x1B8B  }
0xa2: {  	_ =	swait.ge [sflag:s23], $0x1  }
0xa3: {  	[sflag:s23] =	ssyncset.done $0x0  }
0xa4: {  	[sflag:s23] =	ssyncadd.s32 $0xFFFFFFFF  }
0xa5: {  	s4 =	sld [smem:$0x0]  }
0xa6: {  	s5 =	sand.u32 $0xFFFFFFFE, s1  }
0xa7: {  	p0 =	sne.s32 s1, s5  }
0xa8: {  	s5 =	sshll.u32 @p0 s5, $0xE  }
0xa9: {  	s5 =	sadd.s32 @p0 $0x11B8D, s5;
	s6 =	sshll.u32 @p0 s4, $0x11  }
0xaa: {  	s5 =	sor.u32 @p0 s6, s5  }
0xab: {  	[sflag:s5] =	ssyncadd.remote.s32 @p0 $0x1;
	_ =	sdelay $0x1  }
0xac: {  	s5 =	simm.s32 @p0 $0x1B8D  }
0xad: {  	_ =	swait.eq @p0 [sflag:s5], $0x1  }
0xae: {  	[sflag:s5] =	ssyncadd.s32 @p0 $0xFFFFFFFF  }
0xaf: {  	s6 =	sshll.u32 @!p0 s1, $0xE  }
0xb0: {  	s6 =	sor.u32 @!p0 $0x4000, s6;
	s5 =	simm.s32 @!p0 $0x1B8D  }
0xb1: {  	s4 =	sshll.u32 @!p0 s4, $0x11;
	s6 =	sadd.s32 @!p0 $0x11B8D, s6;
	_ =	swait.eq @!p0 [sflag:s5], $0x1  }
0xb2: {  	s4 =	sor.u32 @!p0 s4, s6;
	[sflag:s5] =	ssyncadd.s32 @!p0 $0xFFFFFFFF  }
0xb3: {  	s25 =	simm.s32 $0x1B8E;
	s24 =	sld [smem:$0x3FFE];
	[sflag:s4] =	ssyncadd.remote.s32 @!p0 $0x1  }
0xb4: {  	s26 =	simm.s32 $execute0_lowered;
	[smem:$0x3FD2] =	sst s25  }
0xb5: {  	s5 =	sshll.u32 s26, $0x1;
	_ =	strace $0x80000049;
	[dreg:$0x1] =	wrdreg $0xFFFFFFFF  }
0xb6: {  	s28 =	simm.s32 $_size_execute0_lowered;
	s3 =	sadd.s32 s3, s5;
	[dreg:$0x0] =	wrdreg $0x0  }
0xb7: {  	s5 =	sshll.u32 s28, $0x1;
	[dreg:$0x2] =	wrdreg s3  }
0xb8: {  	[dreg:$0x3] =	wrdreg s5  }
0xb9: {  	[dreg:$0x4] =	wrdreg $0xC0  }
0xba: {  	_ =	task [dreg:s22], $0x5FFFF  }
0xbb: {  	[dreg:$0x1] =	wrdreg $0xFFFFFFFF  }
0xbc: {  	[dreg:$0x0] =	wrdreg $0x60  }
0xbd: {  	[dreg:$0x2] =	wrdreg s24  }
0xbe: {  	[dreg:$0x3] =	wrdreg $0x29200  }
0xbf: {  	[dreg:$0x4] =	wrdreg $0x9  }
0xc0: {  	_ =	task.clear_ibuf [dreg:s22], $0x5FFFF;
	_ =	strace $0x90000049  }
0xc1: {  	s29 =	simm.s32 $0x9;
	_ =	strace $0x8000004B  }
0xc2: {  	_ =	swait.ge [sflag:s29], $0x1  }
0xc3: {  	[sflag:s29] =	ssyncadd.s32 $0xFFFFFFFF  }
0xc4: {  	_ =	strace $0x9000004B  }
0xc5: {  	_ =	sfence  }
0xc6: {  	s30 =	sld [smem:$0x0];
	_ =	sdelay $0x2  }
0xc7: {  	s31 =	sshll.u32 s1, $0xD;
	s1 =	sshrl.u32 s1, $0x2  }
0xc8: {  	s4 =	sand.u32 $0x4000, s31;
	s1 =	sadd.s32 s1, s30  }
0xc9: {  	s0 =	sor.u32 s4, s0;
	s1 =	sshll.u32 s1, $0x11  }
0xca: {  	s0 =	sor.u32 s1, s0  }
0xcb: {  	s0 =	sadd.s32 $0x8F2B, s0  }
0xcc: {  	[sflag:s0] =	ssyncadd.remote.s32 $0x1  }
0xcd: {  	_ =	sfence.sel $0xFFFF  }
0xce: {  	[dreg:$0x0] =	wrdreg $0xFFFFFFFF;
	(pc) =	sbr.abs _section_cstart, $3  }
0xcf: {  	[dreg:$0x1] =	wrdreg $0xFFFFFFFF  }
0xd0: {  	_ =	task.clear_ibuf [dreg:s22], $0x2FFFF;
	_ =	strace $0x9FFFFFFF  }
0xd1: {  	(tm) =	ssettm $0x7FFFFFFF  }
tec
execute0_lowered:
.L_overlay_start_1:
0x0: {  	(tag) =	ssettag $0x1  }
0x1: {  	s6 =	rddreg [dreg:$0x0]  }
0x2: {  	s2 =	rddreg [dreg:$0x1]  }
0x3: {  	s0 =	srdreg.scid;
	s1 =	rddreg [dreg:$0x2]  }
0x4: {  	s3 =	simm.s32 $0x0;
	s4 =	sand.u32 $0x1, s0;
	s0 =	stileid.u32  }
0x5: {  	s10 =	simm.s32 $0x253C00;
	[smem:$0x7FF] =	sst s3;
	s5 =	smul.u32 $0xC8000, s4  }
0x6: {  	s11 =	simm.s32 $0x0;
	s7 =	smul.u32 $0xC800, s0;
	_ =	strace $0x8000004A  }
0x7: {  	s31 =	ssub.s32 $0x2, s4;
	s8 =	smul.u32 $0x1920, s0;
	p0 =	seq.s32 s4, $0x1  }
0x8: {  	s9 =	sshrl.u32 s31, $0x1;
	s10 =	simm.s32 @!p0 $0x250800;
	s5 =	sadd.s32 s7, s5  }
0x9: {  	s4 =	sadd.s32 s8, s2;
	s8 =	sshrl.u32 s8, $0x3;
	s5 =	sshrl.u32 s5, $0x3  }
0xa: {  	s30 =	sadd.s32 s5, s6;
	s5 =	ssub.s32 s31, s9;
	s6 =	sadd.s32 s10, s6  }
0xb: {  	s9 =	simm.s32 $0x1;
	s10 =	simm.s32 $0x800;
	s5 =	smax.u32 s5, $0x1  }
0xc: {  	v0 =	vimm.f32 $1.000000000e+00;
	v1 =	vimm.f32 $0.0e+00;
	s6 =	sadd.s32 s6, s8;
	s7 =	sadd.s32 $0x188800, s30;
	s8 =	simm.s32 $0x1000  }
.LBB2_1:
0xd: {  	s12 =	simm.s32 $0x0  }
.LBB2_2:
0xe: {  	p0 =	sne.s32 s12, $0x1FC0  }
.Ltmp0:
0xf: {  	_ = 	snop;
	(pc) =	sbr.rel @p0 .LBB2_2-.Ltmp0, $3  }
0x10: {  	_ =	sdelay $0x1  }
0x11: {  	s13 =	sshra.s32 s12, $0x2  }
0x12: {  	s12 =	sadd.s32 $0x40, s12;
	[tilespmem:s13+$0x800] =	vst v0  }
0x13: {  	s12 =	simm.s32 $0x40;
	s13 =	simm.s32 $0x0  }
.LBB2_4:
0x14: {  	p0 =	sne.s32 s12, $0x6440;
	[tilespmem:s13+$0x1000] =	vst v1;
	s13 =	smov.u32 s12;
	s12 =	sadd.s32 $0x40, s12  }
.Ltmp1:
0x15: {  	(pc) =	sbr.rel @p0 .LBB2_4-.Ltmp1, $2  }
0x16: {  	_ =	sdelay $0x2  }
0x17: {  	s13 =	sshra.s32 s13, $0x2  }
0x18: {  	[tilespmem:s13+$0x1000] =	vst v1  }
0x19: {  	[spmem:s4] =	stream.linear.scatter [tilespmem:s8], [sflag:$0x1], $0x1920, $0x38;
	[tilespmem:$0x4240] =	vst v63  }
0x1a: {  	_ =	swait.ge [sflag:s9], $0x1920  }
0x1b: {  	[sflag:s9] =	ssyncset.done $0x0  }
0x1c: {  	[sflag:s9] =	ssyncadd.s32 $0xFFFFE6E0  }
0x1d: {  	s12 =	sadd.s32 $0x0, s7;
	[bflag:$0x0] =	sbarrier.arrive $0xFFFF  }
0x1e: {  	[tilespmem:s3], [sflag:$0x1] =	stream.linear.gather [hbm4b:s12+s3], $0x800, $0x38;
	[tilespmem:$0x4240] =	vst v63  }
0x1f: {  	_ =	swait.ge [sflag:s9], $0x800  }
0x20: {  	[sflag:s9] =	ssyncset.done $0x0  }
0x21: {  	[sflag:s9] =	ssyncadd.s32 $0xFFFFF800  }
0x22: {  	[spmem:s2] =	stream.indirect.scatter.add.f32 [tilespmem:s10], [sflag:$0x1], $0x1, s3, s10, $0xb8;
	[tilespmem:$0x4240] =	vst v63  }
0x23: {  	_ =	swait.ge [sflag:s9], $0x800  }
0x24: {  	s13 =	simm.s32 $0x200;
	s12 =	simm.s32 $0x100;
	[sflag:s9] =	ssyncset.done $0x0  }
.LBB2_6:
0x25: {  	s14 =	sadd.s32 s12, s7  }
0x26: {  	[sflag:s9] =	ssyncadd.s32 $0xFFFFF800;
	s12 =	smov.u32 s13;
	s15 =	sadd.s32 $0x100, s13  }
0x27: {  	[tilespmem:s3], [sflag:$0x1] =	stream.linear.gather [hbm4b:s14+s3], $0x800, $0x38;
	[tilespmem:$0x4240] =	vst v63  }
0x28: {  	p0 =	sne.s32 s13, $0x1800;
	_ =	swait.ge [sflag:s9], $0x800  }
.Ltmp2:
0x29: {  	[sflag:s9] =	ssyncset.done $0x0;
	(pc) =	sbr.rel @p0 .LBB2_6-.Ltmp2, $4  }
0x2a: {  	[sflag:s9] =	ssyncadd.s32 $0xFFFFF800  }
0x2b: {  	[spmem:s2] =	stream.indirect.scatter.add.f32 [tilespmem:s10], [sflag:$0x1], $0x1, s3, s10, $0xb8;
	[tilespmem:$0x4240] =	vst v63  }
0x2c: {  	_ =	swait.ge [sflag:s9], $0x800  }
0x2d: {  	s13 =	smov.u32 s15;
	[sflag:s9] =	ssyncset.done $0x0  }
0x2e: {  	s12 =	sadd.s32 s12, s7;
	[sflag:s9] =	ssyncadd.s32 $0xFFFFF800  }
0x2f: {  	[tilespmem:s3], [sflag:$0x1] =	stream.linear.gather [hbm4b:s12+s3], $0x800, $0x38;
	[tilespmem:$0x4240] =	vst v63  }
0x30: {  	_ =	swait.ge [sflag:s9], $0x800  }
0x31: {  	[sflag:s9] =	ssyncset.done $0x0  }
0x32: {  	[sflag:s9] =	ssyncadd.s32 $0xFFFFF800  }
0x33: {  	[spmem:s2] =	stream.indirect.scatter.add.f32 [tilespmem:s10], [sflag:$0x1], $0x1, s3, s10, $0xb8;
	[tilespmem:$0x4240] =	vst v63  }
0x34: {  	_ =	swait.ge [sflag:s9], $0x800  }
0x35: {  	[sflag:s9] =	ssyncset.done $0x0  }
0x36: {  	[sflag:s9] =	ssyncadd.s32 $0xFFFFF800  }
0x37: {  	[bflag:$0x0] =	sbarrier.arrive $0xFFFF  }
0x38: {  	[tilespmem:s8], [sflag:$0x1] =	stream.linear.gather [spmem:s4], $0x1920, $0x38;
	[tilespmem:$0x4240] =	vst v63  }
0x39: {  	s11 =	sadd.s32 $0x1, s11;
	_ =	swait.ge [sflag:s9], $0x1920  }
0x3a: {  	p0 =	sne.s32 s11, s5;
	[sflag:s9] =	ssyncset.done $0x0  }
.Ltmp3:
0x3b: {  	[sflag:s9] =	ssyncadd.s32 $0xFFFFE6E0;
	(pc) =	sbr.rel @p0 .LBB2_1-.Ltmp3, $4  }
0x3c: {  	[hbm4b:s6+s3] =	stream.linear.scatter [tilespmem:s8], [sflag:$0x1], $0x1920, $0x38;
	[tilespmem:$0x4240] =	vst v63  }
0x3d: {  	_ =	swait.ge [sflag:s9], $0x1920  }
0x3e: {  	[sflag:s9] =	ssyncset.done $0x0  }
0x3f: {  	[sflag:s9] =	ssyncadd.s32 $0xFFFFE6E0  }
0x40: {  	_ =	sfence.sel $0x180000  }
0x41: {  	[bflag:$0x0] =	sbarrier.arrive $0xFFFF  }
0x42: {  	p0 =	sne.s32 s0, $0x0;
	_ =	strace $0x9000004A  }
0x43: {  	s0 =	sadd.s32 @!p0 $0x100000, s1;
	[bflag:$0x2] =	sbarrier.arrive $0xFFFF  }
0x44: {  	[sflag:s0] =	ssyncadd.tile.s32 @!p0 $0x1;
	_ =	shalt  }
.Lfunc_end2:
_tile_overlayer_lowered:
.L_overlay_start_2:
0x45: {  	(tag) =	ssettag $0x2  }
0x46: {  	s0 =	rddreg [dreg:$0x0];
	s2 =	stileid.u32  }
0x47: {  	s1 =	rddreg [dreg:$0x1];
	p0 =	sne.s32 s2, $0x0  }
0x48: {  	s3 =	rddreg [dreg:$0x2];
	[bflag:$0x3] =	sbarrier.arrive $0xFFFF;
	s2 =	simm.s32 @!p0 $0x1C01  }
0x49: {  	[timem:s3], [sflag:s2] =	dma.local @!p0 [hbm:s0], s1  }
0x4a: {  	s0 =	simm.s32 @!p0 $0x1  }
0x4b: {  	_ =	swait.ge @!p0 [sflag:s0], s1  }
0x4c: {  	s1 =	ssub.s32 @!p0 $0x0, s1;
	[sflag:s0] =	ssyncset.done @!p0 $0x0  }
0x4d: {  	[sflag:s0] =	ssyncadd.s32 @!p0 s1  }
0x4e: {  	[bflag:$0x3] =	sbarrier.arrive $0xFFFF  }
0x4f: {  	_ =	shalt  }

</sc_bundles>
